<compile_context>
chip_gen: v7x
topology: tpu7x:2x2x1
jax: 0.10.2.dev20260603
libtpu: 0.0.44.dev20260713+nightly
codegen_flags: <defaults>
</compile_context>

<pallas_src>
import functools

import jax
import jax.numpy as jnp
from jax import lax
from jax.experimental import pallas as pl
from jax.experimental.pallas import tpu as pltpu
from jax.experimental.pallas import tpu_sc as plsc

L = 16
NC = 2
NS = 16
NW = NC * NS
RG = 8
CHUNK_C = 2048
UNROLL = 8


@functools.cache
def _build_lookup(nrows: int, ncols: int, num_ops: int):
    n_row_groups = nrows // RG
    n_col_parts = NW // n_row_groups
    cols_per_tile = ncols // n_col_parts
    n_chunks = cols_per_tile // CHUNK_C
    n_pat_vregs = num_ops // L

    mesh = plsc.VectorSubcoreMesh(core_axis_name="c", subcore_axis_name="s")

    @functools.partial(
        pl.kernel,
        mesh=mesh,
        compiler_params=pltpu.CompilerParams(
            needs_layout_passes=False,
            disable_bounds_checks=True,
            skip_device_barrier=True,
        ),
        out_type=jax.ShapeDtypeStruct((nrows, ncols), jnp.int32),
        scratch_types=[
            pltpu.VMEM((max(num_ops, 128),), jnp.int32),
            pltpu.VMEM((num_ops * L,), jnp.int32),
            pltpu.VMEM((RG, CHUNK_C), jnp.int32),
            pltpu.VMEM((RG, CHUNK_C), jnp.int32),
            pltpu.VMEM((RG, CHUNK_C), jnp.int32),
            pltpu.VMEM((RG, CHUNK_C), jnp.int32),
            pltpu.SemaphoreType.DMA,
            pltpu.SemaphoreType.DMA,
            pltpu.SemaphoreType.DMA,
            pltpu.SemaphoreType.DMA,
        ],
    )
    def lookup(t_hbm, pat_hbm, out_hbm, pat_v, lut_v,
               in0_v, in1_v, out0_v, out1_v, isem0, isem1, osem0, osem1):
        wid = lax.axis_index("s") * NC + lax.axis_index("c")
        row0 = pl.multiple_of((wid // n_col_parts) * RG, RG)
        col_base = pl.multiple_of((wid % n_col_parts) * cols_per_tile, CHUNK_C)
        in_bufs, out_bufs = (in0_v, in1_v), (out0_v, out1_v)
        in_sems, out_sems = (isem0, isem1), (osem0, osem1)

        def in_copy(ci):
            c0 = pl.multiple_of(col_base + ci * CHUNK_C, CHUNK_C)
            b = ci & 1
            return pltpu.make_async_copy(
                t_hbm.at[pl.ds(row0, RG), pl.ds(c0, CHUNK_C)],
                in_bufs[b], in_sems[b])

        def out_copy(ci):
            c0 = pl.multiple_of(col_base + ci * CHUNK_C, CHUNK_C)
            b = ci & 1
            return pltpu.make_async_copy(
                out_bufs[b],
                out_hbm.at[pl.ds(row0, RG), pl.ds(c0, CHUNK_C)], out_sems[b])

        in_copy(0).start()
        if n_chunks > 1:
            in_copy(1).start()

        pltpu.sync_copy(pat_hbm, pat_v.at[pl.ds(0, num_ops)])
        zeros = jnp.zeros((L,), jnp.int32)
        lane = lax.iota(jnp.int32, L)
        for v in range(num_ops):
            lut_v[pl.ds(v * L, L)] = zeros
        for j in reversed(range(n_pat_vregs)):
            pats = pat_v[pl.ds(j * L, L)]
            vals = lax.iota(jnp.int32, L) + (j * L)
            scaled = jnp.left_shift(pats, 4)
            for l in range(L):
                plsc.store_scatter(lut_v, [scaled + l], vals)

        for ci in range(n_chunks):
            b = ci & 1
            in_copy(ci).wait()
            if ci >= 2:
                out_copy(ci - 2).wait()

            for r in range(RG):
                @plsc.parallel_loop(0, CHUNK_C, step=L, unroll=UNROLL)
                def vec_body(o, b=b, r=r):
                    o = pl.multiple_of(o, L)
                    idx = in_bufs[b][r, pl.ds(o, L)]
                    addr = jnp.bitwise_or(jnp.left_shift(idx, 4), lane)
                    out_bufs[b][r, pl.ds(o, L)] = plsc.load_gather(
                        lut_v, [addr])

            out_copy(ci).start()
            if ci + 2 < n_chunks:
                in_copy(ci + 2).start()

        for ci in range(max(0, n_chunks - 2), n_chunks):
            out_copy(ci).wait()

    return lookup


def kernel(tensor, op_patterns):
    nrows, ncols = tensor.shape
    lookup = _build_lookup(nrows, ncols, op_patterns.shape[0])
    return lookup(tensor, op_patterns)

# --- scband reference (transcript-rebuilt; emitter-appended) ---
"""Pipeline reference for scband-intake-machine-56075093016683 (READ-ONLY COPY).

The authoritative reference and input builder live on the scoring server;
editing this copy changes nothing except your own understanding.
"""

import jax, jax.numpy as jnp
import numpy as np

NUM_OPERATORS = 64
BATCH = 64
SEQ = 32768


def setup_inputs(seed: int = 0) -> dict:
    key = jax.random.key(seed)
    # FSM state tensor: integer state per element, values in [0, NUM_OPERATORS)
    tensor = jax.random.randint(jax.random.fold_in(key, 0), (BATCH, SEQ), 0, NUM_OPERATORS, dtype=jnp.int32)
    # Compiled trigger patterns: operator i fires when the state channel equals pattern[i].
    # Identity patterns guarantee the FSM invariant 'exactly one operator fires per element'.
    op_patterns = jnp.arange(NUM_OPERATORS, dtype=jnp.int32)
    return {"tensor": tensor, "op_patterns": op_patterns}


def reference(tensor, op_patterns):
    num_operators = op_patterns.shape[0]
    # index_mask = torch.full([*tensor.shape, num_operators], True)
    index_mask = jnp.full(tuple(tensor.shape) + (num_operators,), True)
    # Single registered IntStateTrigger: per-element match of the state value
    # against each operator's compiled trigger pattern.
    trigger_mask = tensor[..., None] == op_patterns.reshape((1,) * tensor.ndim + (num_operators,))
    index_mask = jnp.logical_and(trigger_mask, index_mask)
    # Validity check from the torch module (torch.any(sum != 1) -> raise) computed
    # but not raised (jit-incompatible); construction guarantees exactly one hit.
    _valid = jnp.all(index_mask.sum(axis=-1) == 1)
    # masked_select of arange under an exactly-one-true mask == argmax over last dim,
    # reshaped back to tensor.shape.
    operator_indexes = jnp.argmax(index_mask.astype(jnp.int32), axis=-1)
    operator_indexes = operator_indexes.reshape(tensor.shape)
    return operator_indexes

if __name__ == "__main__":
    import jax
    _d = setup_inputs()
    print(jax.jit(kernel)(*tuple(_d.values())))

</pallas_src>

<mosaic_0001>
#map = affine_map<(d0, d1) -> (0, 0)>
#map1 = affine_map<(d0, d1) -> (0)>
module attributes {stable_mosaic.version = 14 : i64} {
  func.func @lookup(%arg0: i32, %arg1: i32, %arg2: memref<64x32768xi32, #tpu.memory_space<hbm>>, %arg3: memref<64xi32, #tpu.memory_space<hbm>>, %arg4: memref<64x32768xi32, #tpu.memory_space<hbm>>, %arg5: memref<128xi32, #tpu.memory_space<vmem>>, %arg6: memref<1024xi32, #tpu.memory_space<vmem>>, %arg7: memref<8x2048xi32, #tpu.memory_space<vmem>>, %arg8: memref<8x2048xi32, #tpu.memory_space<vmem>>, %arg9: memref<8x2048xi32, #tpu.memory_space<vmem>>, %arg10: memref<8x2048xi32, #tpu.memory_space<vmem>>, %arg11: memref<!tpu.dma_semaphore, #tpu.memory_space<semaphore_mem>>, %arg12: memref<!tpu.dma_semaphore, #tpu.memory_space<semaphore_mem>>, %arg13: memref<!tpu.dma_semaphore, #tpu.memory_space<semaphore_mem>>, %arg14: memref<!tpu.dma_semaphore, #tpu.memory_space<semaphore_mem>>) attributes {dimension_semantics = [#tpu.dimension_semantics<core_parallel>, #tpu.dimension_semantics<subcore_parallel>], iteration_bounds = array<i64: 2, 16>, scalar_prefetch = 0 : i64, scratch_operands = 10 : i64, tpu.core_type = #tpu.core_type<sc_vector_subcore>, window_params = [{transform_indices = #map}, {transform_indices = #map1}, {transform_indices = #map}]} {
    %mul3A = arith.constant 2 : i32
    %mul3A_0 = arith.muli %arg1, %mul3A : i32
    %add3A = arith.addi %mul3A_0, %arg0 : i32
    %jit3A = arith.constant 4 : i32
    %div3A = arith.divsi %add3A, %jit3A : i32
    %sign3A = arith.constant 0 : i32
    %sign3A_1 = arith.cmpi sgt, %add3A, %sign3A : i32
    %sign3A_2 = arith.extui %sign3A_1 : i1 to i32
    %sign3A_3 = arith.constant 0 : i32
    %sign3A_4 = arith.cmpi slt, %add3A, %sign3A_3 : i32
    %sign3A_5 = arith.extui %sign3A_4 : i1 to i32
    %sign3A_6 = arith.subi %sign3A_2, %sign3A_5 : i32
    %sign3A_7 = arith.constant 0 : i32
    %sign3A_8 = arith.cmpi sgt, %jit3A, %sign3A_7 : i32
    %sign3A_9 = arith.extui %sign3A_8 : i1 to i32
    %sign3A_10 = arith.constant 0 : i32
    %sign3A_11 = arith.cmpi slt, %jit3A, %sign3A_10 : i32
    %sign3A_12 = arith.extui %sign3A_11 : i1 to i32
    %sign3A_13 = arith.subi %sign3A_9, %sign3A_12 : i32
    %ne3A = arith.cmpi ne, %sign3A_6, %sign3A_13 : i32
    %rem3A = arith.remsi %add3A, %jit3A : i32
    %ne3A_14 = arith.constant 0 : i32
    %ne3A_15 = arith.cmpi ne, %rem3A, %ne3A_14 : i32
    %and3A = arith.andi %ne3A, %ne3A_15 : i1
    %sub3A = arith.constant 1 : i32
    %sub3A_16 = arith.subi %div3A, %sub3A : i32
    %select_n3A = arith.select %and3A, %sub3A_16, %div3A : i32
    %mul3A_17 = arith.constant 8 : i32
    %mul3A_18 = arith.muli %select_n3A, %mul3A_17 : i32
    %multiple_of3A = tpu.assume_multiple %mul3A_18, 8 : i32
    %jit3A_19 = arith.constant 4 : i32
    %eq3A = arith.constant 0 : i32
    %eq3A_20 = arith.cmpi eq, %jit3A_19, %eq3A : i32
    %jit3A_21 = arith.constant 1 : i32
    %select_n3A_22 = arith.select %eq3A_20, %jit3A_21, %jit3A_19 : i32
    %rem3A_23 = arith.remsi %add3A, %select_n3A_22 : i32
    %ne3A_24 = arith.constant 0 : i32
    %ne3A_25 = arith.cmpi ne, %rem3A_23, %ne3A_24 : i32
    %lt3A = arith.constant 0 : i32
    %lt3A_26 = arith.cmpi slt, %rem3A_23, %lt3A : i32
    %lt3A_27 = arith.constant 0 : i32
    %lt3A_28 = arith.cmpi slt, %select_n3A_22, %lt3A_27 : i32
    %ne3A_29 = arith.xori %lt3A_26, %lt3A_28 : i1
    %and3A_30 = arith.andi %ne3A_29, %ne3A_25 : i1
    %add3A_31 = arith.addi %rem3A_23, %select_n3A_22 : i32
    %select_n3A_32 = arith.select %and3A_30, %add3A_31, %rem3A_23 : i32
    %mul3A_33 = arith.constant 8192 : i32
    %mul3A_34 = arith.muli %select_n3A_32, %mul3A_33 : i32
    %multiple_of3A_35 = tpu.assume_multiple %mul3A_34, 2048 : i32
    %add3A_36 = arith.constant 0 : i32
    %add3A_37 = arith.addi %multiple_of3A_35, %add3A_36 : i32
    %multiple_of3A_38 = tpu.assume_multiple %add3A_37, 2048 : i32
    %dma_start3A = tpu.memref_slice %arg2[%multiple_of3A, %multiple_of3A_38] : memref<64x32768xi32, #tpu.memory_space<hbm>> -> memref<8x2048xi32, #tpu.memory_space<hbm>>
    %dma_start3A_39 = tpu.memref_slice %arg2[%multiple_of3A, %multiple_of3A_38] : memref<64x32768xi32, #tpu.memory_space<hbm>> -> memref<8x2048xi32, #tpu.memory_space<hbm>>
    tpu.enqueue_dma source(%dma_start3A_39 : memref<8x2048xi32, #tpu.memory_space<hbm>>) target(%arg7 : memref<8x2048xi32, #tpu.memory_space<vmem>>) target_semaphore(%arg11 : memref<!tpu.dma_semaphore, #tpu.memory_space<semaphore_mem>>)
    %add3A_40 = arith.constant 2048 : i32
    %add3A_41 = arith.addi %multiple_of3A_35, %add3A_40 : i32
    %multiple_of3A_42 = tpu.assume_multiple %add3A_41, 2048 : i32
    %dma_start3A_43 = tpu.memref_slice %arg2[%multiple_of3A, %multiple_of3A_42] : memref<64x32768xi32, #tpu.memory_space<hbm>> -> memref<8x2048xi32, #tpu.memory_space<hbm>>
    %dma_start3A_44 = tpu.memref_slice %arg2[%multiple_of3A, %multiple_of3A_42] : memref<64x32768xi32, #tpu.memory_space<hbm>> -> memref<8x2048xi32, #tpu.memory_space<hbm>>
    tpu.enqueue_dma source(%dma_start3A_44 : memref<8x2048xi32, #tpu.memory_space<hbm>>) target(%arg8 : memref<8x2048xi32, #tpu.memory_space<vmem>>) target_semaphore(%arg12 : memref<!tpu.dma_semaphore, #tpu.memory_space<semaphore_mem>>)
    "tpu.region"() ({
      %run_scoped3A = tpu.sem_alloc : memref<!tpu.dma_semaphore, #tpu.memory_space<semaphore_mem>>
      %dma_start3A_563 = arith.constant 0 : i32
      %dma_start3A_564 = tpu.memref_slice %arg5[%dma_start3A_563] : memref<128xi32, #tpu.memory_space<vmem>> -> memref<64xi32, #tpu.memory_space<vmem>>
      %dma_start3A_565 = arith.constant 0 : i32
      %dma_start3A_566 = tpu.memref_slice %arg5[%dma_start3A_565] : memref<128xi32, #tpu.memory_space<vmem>> -> memref<64xi32, #tpu.memory_space<vmem>>
      tpu.enqueue_dma source(%arg3 : memref<64xi32, #tpu.memory_space<hbm>>) target(%dma_start3A_566 : memref<64xi32, #tpu.memory_space<vmem>>) target_semaphore(%run_scoped3A : memref<!tpu.dma_semaphore, #tpu.memory_space<semaphore_mem>>)
      %dma_wait3A_567 = arith.constant 0 : i32
      %dma_wait3A_568 = tpu.memref_slice %arg5[%dma_wait3A_567] : memref<128xi32, #tpu.memory_space<vmem>> -> memref<64xi32, #tpu.memory_space<vmem>>
      %dma_wait3A_569 = arith.constant 0 : i32
      %dma_wait3A_570 = tpu.memref_slice %arg5[%dma_wait3A_569] : memref<128xi32, #tpu.memory_space<vmem>> -> memref<64xi32, #tpu.memory_space<vmem>>
      tpu.wait_dma2 semaphore(%run_scoped3A : memref<!tpu.dma_semaphore, #tpu.memory_space<semaphore_mem>>) src(%arg3 : memref<64xi32, #tpu.memory_space<hbm>>) dst(%dma_wait3A_570 : memref<64xi32, #tpu.memory_space<vmem>>)
      tpu.yield
    }) : () -> ()
    %broadcast_in_dim3A = arith.constant 0 : i32
    %broadcast_in_dim3A_45 = vector.broadcast %broadcast_in_dim3A : i32 to vector<16xi32>
    %iota3A = tpu.iota {dimensions = array<i32: 0>} : vector<16xi32>
    %swap3A = arith.constant 0 : index
    %swap3A_46 = tpu.vector_load %arg6[%swap3A] {strides = array<i32>} : memref<1024xi32, #tpu.memory_space<vmem>>, vector<16xi32>,
    tpu.vector_store %arg6[%swap3A], %broadcast_in_dim3A_45 {strides = array<i32>} : memref<1024xi32, #tpu.memory_space<vmem>>, vector<16xi32>,
    %swap3A_47 = arith.constant 16 : index
    %swap3A_48 = tpu.vector_load %arg6[%swap3A_47] {strides = array<i32>} : memref<1024xi32, #tpu.memory_space<vmem>>, vector<16xi32>,
    tpu.vector_store %arg6[%swap3A_47], %broadcast_in_dim3A_45 {strides = array<i32>} : memref<1024xi32, #tpu.memory_space<vmem>>, vector<16xi32>,
    %swap3A_49 = arith.constant 32 : index
    %swap3A_50 = tpu.vector_load %arg6[%swap3A_49] {strides = array<i32>} : memref<1024xi32, #tpu.memory_space<vmem>>, vector<16xi32>,
    tpu.vector_store %arg6[%swap3A_49], %broadcast_in_dim3A_45 {strides = array<i32>} : memref<1024xi32, #tpu.memory_space<vmem>>, vector<16xi32>,
    %swap3A_51 = arith.constant 48 : index
    %swap3A_52 = tpu.vector_load %arg6[%swap3A_51] {strides = array<i32>} : memref<1024xi32, #tpu.memory_space<vmem>>, vector<16xi32>,
    tpu.vector_store %arg6[%swap3A_51], %broadcast_in_dim3A_45 {strides = array<i32>} : memref<1024xi32, #tpu.memory_space<vmem>>, vector<16xi32>,
    %swap3A_53 = arith.constant 64 : index
    %swap3A_54 = tpu.vector_load %arg6[%swap3A_53] {strides = array<i32>} : memref<1024xi32, #tpu.memory_space<vmem>>, vector<16xi32>,
    tpu.vector_store %arg6[%swap3A_53], %broadcast_in_dim3A_45 {strides = array<i32>} : memref<1024xi32, #tpu.memory_space<vmem>>, vector<16xi32>,
    %swap3A_55 = arith.constant 80 : index
    %swap3A_56 = tpu.vector_load %arg6[%swap3A_55] {strides = array<i32>} : memref<1024xi32, #tpu.memory_space<vmem>>, vector<16xi32>,
    tpu.vector_store %arg6[%swap3A_55], %broadcast_in_dim3A_45 {strides = array<i32>} : memref<1024xi32, #tpu.memory_space<vmem>>, vector<16xi32>,
    %swap3A_57 = arith.constant 96 : index
    %swap3A_58 = tpu.vector_load %arg6[%swap3A_57] {strides = array<i32>} : memref<1024xi32, #tpu.memory_space<vmem>>, vector<16xi32>,
    tpu.vector_store %arg6[%swap3A_57], %broadcast_in_dim3A_45 {strides = array<i32>} : memref<1024xi32, #tpu.memory_space<vmem>>, vector<16xi32>,
    %swap3A_59 = arith.constant 112 : index
    %swap3A_60 = tpu.vector_load %arg6[%swap3A_59] {strides = array<i32>} : memref<1024xi32, #tpu.memory_space<vmem>>, vector<16xi32>,
    tpu.vector_store %arg6[%swap3A_59], %broadcast_in_dim3A_45 {strides = array<i32>} : memref<1024xi32, #tpu.memory_space<vmem>>, vector<16xi32>,
    %swap3A_61 = arith.constant 128 : index
    %swap3A_62 = tpu.vector_load %arg6[%swap3A_61] {strides = array<i32>} : memref<1024xi32, #tpu.memory_space<vmem>>, vector<16xi32>,
    tpu.vector_store %arg6[%swap3A_61], %broadcast_in_dim3A_45 {strides = array<i32>} : memref<1024xi32, #tpu.memory_space<vmem>>, vector<16xi32>,
    %swap3A_63 = arith.constant 144 : index
    %swap3A_64 = tpu.vector_load %arg6[%swap3A_63] {strides = array<i32>} : memref<1024xi32, #tpu.memory_space<vmem>>, vector<16xi32>,
    tpu.vector_store %arg6[%swap3A_63], %broadcast_in_dim3A_45 {strides = array<i32>} : memref<1024xi32, #tpu.memory_space<vmem>>, vector<16xi32>,
    %swap3A_65 = arith.constant 160 : index
    %swap3A_66 = tpu.vector_load %arg6[%swap3A_65] {strides = array<i32>} : memref<1024xi32, #tpu.memory_space<vmem>>, vector<16xi32>,
    tpu.vector_store %arg6[%swap3A_65], %broadcast_in_dim3A_45 {strides = array<i32>} : memref<1024xi32, #tpu.memory_space<vmem>>, vector<16xi32>,
    %swap3A_67 = arith.constant 176 : index
    %swap3A_68 = tpu.vector_load %arg6[%swap3A_67] {strides = array<i32>} : memref<1024xi32, #tpu.memory_space<vmem>>, vector<16xi32>,
    tpu.vector_store %arg6[%swap3A_67], %broadcast_in_dim3A_45 {strides = array<i32>} : memref<1024xi32, #tpu.memory_space<vmem>>, vector<16xi32>,
    %swap3A_69 = arith.constant 192 : index
    %swap3A_70 = tpu.vector_load %arg6[%swap3A_69] {strides = array<i32>} : memref<1024xi32, #tpu.memory_space<vmem>>, vector<16xi32>,
    tpu.vector_store %arg6[%swap3A_69], %broadcast_in_dim3A_45 {strides = array<i32>} : memref<1024xi32, #tpu.memory_space<vmem>>, vector<16xi32>,
    %swap3A_71 = arith.constant 208 : index
    %swap3A_72 = tpu.vector_load %arg6[%swap3A_71] {strides = array<i32>} : memref<1024xi32, #tpu.memory_space<vmem>>, vector<16xi32>,
    tpu.vector_store %arg6[%swap3A_71], %broadcast_in_dim3A_45 {strides = array<i32>} : memref<1024xi32, #tpu.memory_space<vmem>>, vector<16xi32>,
    %swap3A_73 = arith.constant 224 : index
    %swap3A_74 = tpu.vector_load %arg6[%swap3A_73] {strides = array<i32>} : memref<1024xi32, #tpu.memory_space<vmem>>, vector<16xi32>,
    tpu.vector_store %arg6[%swap3A_73], %broadcast_in_dim3A_45 {strides = array<i32>} : memref<1024xi32, #tpu.memory_space<vmem>>, vector<16xi32>,
    %swap3A_75 = arith.constant 240 : index
    %swap3A_76 = tpu.vector_load %arg6[%swap3A_75] {strides = array<i32>} : memref<1024xi32, #tpu.memory_space<vmem>>, vector<16xi32>,
    tpu.vector_store %arg6[%swap3A_75], %broadcast_in_dim3A_45 {strides = array<i32>} : memref<1024xi32, #tpu.memory_space<vmem>>, vector<16xi32>,
    %swap3A_77 = arith.constant 256 : index
    %swap3A_78 = tpu.vector_load %arg6[%swap3A_77] {strides = array<i32>} : memref<1024xi32, #tpu.memory_space<vmem>>, vector<16xi32>,
    tpu.vector_store %arg6[%swap3A_77], %broadcast_in_dim3A_45 {strides = array<i32>} : memref<1024xi32, #tpu.memory_space<vmem>>, vector<16xi32>,
    %swap3A_79 = arith.constant 272 : index
    %swap3A_80 = tpu.vector_load %arg6[%swap3A_79] {strides = array<i32>} : memref<1024xi32, #tpu.memory_space<vmem>>, vector<16xi32>,
    tpu.vector_store %arg6[%swap3A_79], %broadcast_in_dim3A_45 {strides = array<i32>} : memref<1024xi32, #tpu.memory_space<vmem>>, vector<16xi32>,
    %swap3A_81 = arith.constant 288 : index
    %swap3A_82 = tpu.vector_load %arg6[%swap3A_81] {strides = array<i32>} : memref<1024xi32, #tpu.memory_space<vmem>>, vector<16xi32>,
    tpu.vector_store %arg6[%swap3A_81], %broadcast_in_dim3A_45 {strides = array<i32>} : memref<1024xi32, #tpu.memory_space<vmem>>, vector<16xi32>,
    %swap3A_83 = arith.constant 304 : index
    %swap3A_84 = tpu.vector_load %arg6[%swap3A_83] {strides = array<i32>} : memref<1024xi32, #tpu.memory_space<vmem>>, vector<16xi32>,
    tpu.vector_store %arg6[%swap3A_83], %broadcast_in_dim3A_45 {strides = array<i32>} : memref<1024xi32, #tpu.memory_space<vmem>>, vector<16xi32>,
    %swap3A_85 = arith.constant 320 : index
    %swap3A_86 = tpu.vector_load %arg6[%swap3A_85] {strides = array<i32>} : memref<1024xi32, #tpu.memory_space<vmem>>, vector<16xi32>,
    tpu.vector_store %arg6[%swap3A_85], %broadcast_in_dim3A_45 {strides = array<i32>} : memref<1024xi32, #tpu.memory_space<vmem>>, vector<16xi32>,
    %swap3A_87 = arith.constant 336 : index
    %swap3A_88 = tpu.vector_load %arg6[%swap3A_87] {strides = array<i32>} : memref<1024xi32, #tpu.memory_space<vmem>>, vector<16xi32>,
    tpu.vector_store %arg6[%swap3A_87], %broadcast_in_dim3A_45 {strides = array<i32>} : memref<1024xi32, #tpu.memory_space<vmem>>, vector<16xi32>,
    %swap3A_89 = arith.constant 352 : index
    %swap3A_90 = tpu.vector_load %arg6[%swap3A_89] {strides = array<i32>} : memref<1024xi32, #tpu.memory_space<vmem>>, vector<16xi32>,
    tpu.vector_store %arg6[%swap3A_89], %broadcast_in_dim3A_45 {strides = array<i32>} : memref<1024xi32, #tpu.memory_space<vmem>>, vector<16xi32>,
    %swap3A_91 = arith.constant 368 : index
    %swap3A_92 = tpu.vector_load %arg6[%swap3A_91] {strides = array<i32>} : memref<1024xi32, #tpu.memory_space<vmem>>, vector<16xi32>,
    tpu.vector_store %arg6[%swap3A_91], %broadcast_in_dim3A_45 {strides = array<i32>} : memref<1024xi32, #tpu.memory_space<vmem>>, vector<16xi32>,
    %swap3A_93 = arith.constant 384 : index
    %swap3A_94 = tpu.vector_load %arg6[%swap3A_93] {strides = array<i32>} : memref<1024xi32, #tpu.memory_space<vmem>>, vector<16xi32>,
    tpu.vector_store %arg6[%swap3A_93], %broadcast_in_dim3A_45 {strides = array<i32>} : memref<1024xi32, #tpu.memory_space<vmem>>, vector<16xi32>,
    %swap3A_95 = arith.constant 400 : index
    %swap3A_96 = tpu.vector_load %arg6[%swap3A_95] {strides = array<i32>} : memref<1024xi32, #tpu.memory_space<vmem>>, vector<16xi32>,
    tpu.vector_store %arg6[%swap3A_95], %broadcast_in_dim3A_45 {strides = array<i32>} : memref<1024xi32, #tpu.memory_space<vmem>>, vector<16xi32>,
    %swap3A_97 = arith.constant 416 : index
    %swap3A_98 = tpu.vector_load %arg6[%swap3A_97] {strides = array<i32>} : memref<1024xi32, #tpu.memory_space<vmem>>, vector<16xi32>,
    tpu.vector_store %arg6[%swap3A_97], %broadcast_in_dim3A_45 {strides = array<i32>} : memref<1024xi32, #tpu.memory_space<vmem>>, vector<16xi32>,
    %swap3A_99 = arith.constant 432 : index
    %swap3A_100 = tpu.vector_load %arg6[%swap3A_99] {strides = array<i32>} : memref<1024xi32, #tpu.memory_space<vmem>>, vector<16xi32>,
    tpu.vector_store %arg6[%swap3A_99], %broadcast_in_dim3A_45 {strides = array<i32>} : memref<1024xi32, #tpu.memory_space<vmem>>, vector<16xi32>,
    %swap3A_101 = arith.constant 448 : index
    %swap3A_102 = tpu.vector_load %arg6[%swap3A_101] {strides = array<i32>} : memref<1024xi32, #tpu.memory_space<vmem>>, vector<16xi32>,
    tpu.vector_store %arg6[%swap3A_101], %broadcast_in_dim3A_45 {strides = array<i32>} : memref<1024xi32, #tpu.memory_space<vmem>>, vector<16xi32>,
    %swap3A_103 = arith.constant 464 : index
    %swap3A_104 = tpu.vector_load %arg6[%swap3A_103] {strides = array<i32>} : memref<1024xi32, #tpu.memory_space<vmem>>, vector<16xi32>,
    tpu.vector_store %arg6[%swap3A_103], %broadcast_in_dim3A_45 {strides = array<i32>} : memref<1024xi32, #tpu.memory_space<vmem>>, vector<16xi32>,
    %swap3A_105 = arith.constant 480 : index
    %swap3A_106 = tpu.vector_load %arg6[%swap3A_105] {strides = array<i32>} : memref<1024xi32, #tpu.memory_space<vmem>>, vector<16xi32>,
    tpu.vector_store %arg6[%swap3A_105], %broadcast_in_dim3A_45 {strides = array<i32>} : memref<1024xi32, #tpu.memory_space<vmem>>, vector<16xi32>,
    %swap3A_107 = arith.constant 496 : index
    %swap3A_108 = tpu.vector_load %arg6[%swap3A_107] {strides = array<i32>} : memref<1024xi32, #tpu.memory_space<vmem>>, vector<16xi32>,
    tpu.vector_store %arg6[%swap3A_107], %broadcast_in_dim3A_45 {strides = array<i32>} : memref<1024xi32, #tpu.memory_space<vmem>>, vector<16xi32>,
    %swap3A_109 = arith.constant 512 : index
    %swap3A_110 = tpu.vector_load %arg6[%swap3A_109] {strides = array<i32>} : memref<1024xi32, #tpu.memory_space<vmem>>, vector<16xi32>,
    tpu.vector_store %arg6[%swap3A_109], %broadcast_in_dim3A_45 {strides = array<i32>} : memref<1024xi32, #tpu.memory_space<vmem>>, vector<16xi32>,
    %swap3A_111 = arith.constant 528 : index
    %swap3A_112 = tpu.vector_load %arg6[%swap3A_111] {strides = array<i32>} : memref<1024xi32, #tpu.memory_space<vmem>>, vector<16xi32>,
    tpu.vector_store %arg6[%swap3A_111], %broadcast_in_dim3A_45 {strides = array<i32>} : memref<1024xi32, #tpu.memory_space<vmem>>, vector<16xi32>,
    %swap3A_113 = arith.constant 544 : index
    %swap3A_114 = tpu.vector_load %arg6[%swap3A_113] {strides = array<i32>} : memref<1024xi32, #tpu.memory_space<vmem>>, vector<16xi32>,
    tpu.vector_store %arg6[%swap3A_113], %broadcast_in_dim3A_45 {strides = array<i32>} : memref<1024xi32, #tpu.memory_space<vmem>>, vector<16xi32>,
    %swap3A_115 = arith.constant 560 : index
    %swap3A_116 = tpu.vector_load %arg6[%swap3A_115] {strides = array<i32>} : memref<1024xi32, #tpu.memory_space<vmem>>, vector<16xi32>,
    tpu.vector_store %arg6[%swap3A_115], %broadcast_in_dim3A_45 {strides = array<i32>} : memref<1024xi32, #tpu.memory_space<vmem>>, vector<16xi32>,
    %swap3A_117 = arith.constant 576 : index
    %swap3A_118 = tpu.vector_load %arg6[%swap3A_117] {strides = array<i32>} : memref<1024xi32, #tpu.memory_space<vmem>>, vector<16xi32>,
    tpu.vector_store %arg6[%swap3A_117], %broadcast_in_dim3A_45 {strides = array<i32>} : memref<1024xi32, #tpu.memory_space<vmem>>, vector<16xi32>,
    %swap3A_119 = arith.constant 592 : index
    %swap3A_120 = tpu.vector_load %arg6[%swap3A_119] {strides = array<i32>} : memref<1024xi32, #tpu.memory_space<vmem>>, vector<16xi32>,
    tpu.vector_store %arg6[%swap3A_119], %broadcast_in_dim3A_45 {strides = array<i32>} : memref<1024xi32, #tpu.memory_space<vmem>>, vector<16xi32>,
    %swap3A_121 = arith.constant 608 : index
    %swap3A_122 = tpu.vector_load %arg6[%swap3A_121] {strides = array<i32>} : memref<1024xi32, #tpu.memory_space<vmem>>, vector<16xi32>,
    tpu.vector_store %arg6[%swap3A_121], %broadcast_in_dim3A_45 {strides = array<i32>} : memref<1024xi32, #tpu.memory_space<vmem>>, vector<16xi32>,
    %swap3A_123 = arith.constant 624 : index
    %swap3A_124 = tpu.vector_load %arg6[%swap3A_123] {strides = array<i32>} : memref<1024xi32, #tpu.memory_space<vmem>>, vector<16xi32>,
    tpu.vector_store %arg6[%swap3A_123], %broadcast_in_dim3A_45 {strides = array<i32>} : memref<1024xi32, #tpu.memory_space<vmem>>, vector<16xi32>,
    %swap3A_125 = arith.constant 640 : index
    %swap3A_126 = tpu.vector_load %arg6[%swap3A_125] {strides = array<i32>} : memref<1024xi32, #tpu.memory_space<vmem>>, vector<16xi32>,
    tpu.vector_store %arg6[%swap3A_125], %broadcast_in_dim3A_45 {strides = array<i32>} : memref<1024xi32, #tpu.memory_space<vmem>>, vector<16xi32>,
    %swap3A_127 = arith.constant 656 : index
    %swap3A_128 = tpu.vector_load %arg6[%swap3A_127] {strides = array<i32>} : memref<1024xi32, #tpu.memory_space<vmem>>, vector<16xi32>,
    tpu.vector_store %arg6[%swap3A_127], %broadcast_in_dim3A_45 {strides = array<i32>} : memref<1024xi32, #tpu.memory_space<vmem>>, vector<16xi32>,
    %swap3A_129 = arith.constant 672 : index
    %swap3A_130 = tpu.vector_load %arg6[%swap3A_129] {strides = array<i32>} : memref<1024xi32, #tpu.memory_space<vmem>>, vector<16xi32>,
    tpu.vector_store %arg6[%swap3A_129], %broadcast_in_dim3A_45 {strides = array<i32>} : memref<1024xi32, #tpu.memory_space<vmem>>, vector<16xi32>,
    %swap3A_131 = arith.constant 688 : index
    %swap3A_132 = tpu.vector_load %arg6[%swap3A_131] {strides = array<i32>} : memref<1024xi32, #tpu.memory_space<vmem>>, vector<16xi32>,
    tpu.vector_store %arg6[%swap3A_131], %broadcast_in_dim3A_45 {strides = array<i32>} : memref<1024xi32, #tpu.memory_space<vmem>>, vector<16xi32>,
    %swap3A_133 = arith.constant 704 : index
    %swap3A_134 = tpu.vector_load %arg6[%swap3A_133] {strides = array<i32>} : memref<1024xi32, #tpu.memory_space<vmem>>, vector<16xi32>,
    tpu.vector_store %arg6[%swap3A_133], %broadcast_in_dim3A_45 {strides = array<i32>} : memref<1024xi32, #tpu.memory_space<vmem>>, vector<16xi32>,
    %swap3A_135 = arith.constant 720 : index
    %swap3A_136 = tpu.vector_load %arg6[%swap3A_135] {strides = array<i32>} : memref<1024xi32, #tpu.memory_space<vmem>>, vector<16xi32>,
    tpu.vector_store %arg6[%swap3A_135], %broadcast_in_dim3A_45 {strides = array<i32>} : memref<1024xi32, #tpu.memory_space<vmem>>, vector<16xi32>,
    %swap3A_137 = arith.constant 736 : index
    %swap3A_138 = tpu.vector_load %arg6[%swap3A_137] {strides = array<i32>} : memref<1024xi32, #tpu.memory_space<vmem>>, vector<16xi32>,
    tpu.vector_store %arg6[%swap3A_137], %broadcast_in_dim3A_45 {strides = array<i32>} : memref<1024xi32, #tpu.memory_space<vmem>>, vector<16xi32>,
    %swap3A_139 = arith.constant 752 : index
    %swap3A_140 = tpu.vector_load %arg6[%swap3A_139] {strides = array<i32>} : memref<1024xi32, #tpu.memory_space<vmem>>, vector<16xi32>,
    tpu.vector_store %arg6[%swap3A_139], %broadcast_in_dim3A_45 {strides = array<i32>} : memref<1024xi32, #tpu.memory_space<vmem>>, vector<16xi32>,
    %swap3A_141 = arith.constant 768 : index
    %swap3A_142 = tpu.vector_load %arg6[%swap3A_141] {strides = array<i32>} : memref<1024xi32, #tpu.memory_space<vmem>>, vector<16xi32>,
    tpu.vector_store %arg6[%swap3A_141], %broadcast_in_dim3A_45 {strides = array<i32>} : memref<1024xi32, #tpu.memory_space<vmem>>, vector<16xi32>,
    %swap3A_143 = arith.constant 784 : index
    %swap3A_144 = tpu.vector_load %arg6[%swap3A_143] {strides = array<i32>} : memref<1024xi32, #tpu.memory_space<vmem>>, vector<16xi32>,
    tpu.vector_store %arg6[%swap3A_143], %broadcast_in_dim3A_45 {strides = array<i32>} : memref<1024xi32, #tpu.memory_space<vmem>>, vector<16xi32>,
    %swap3A_145 = arith.constant 800 : index
    %swap3A_146 = tpu.vector_load %arg6[%swap3A_145] {strides = array<i32>} : memref<1024xi32, #tpu.memory_space<vmem>>, vector<16xi32>,
    tpu.vector_store %arg6[%swap3A_145], %broadcast_in_dim3A_45 {strides = array<i32>} : memref<1024xi32, #tpu.memory_space<vmem>>, vector<16xi32>,
    %swap3A_147 = arith.constant 816 : index
    %swap3A_148 = tpu.vector_load %arg6[%swap3A_147] {strides = array<i32>} : memref<1024xi32, #tpu.memory_space<vmem>>, vector<16xi32>,
    tpu.vector_store %arg6[%swap3A_147], %broadcast_in_dim3A_45 {strides = array<i32>} : memref<1024xi32, #tpu.memory_space<vmem>>, vector<16xi32>,
    %swap3A_149 = arith.constant 832 : index
    %swap3A_150 = tpu.vector_load %arg6[%swap3A_149] {strides = array<i32>} : memref<1024xi32, #tpu.memory_space<vmem>>, vector<16xi32>,
    tpu.vector_store %arg6[%swap3A_149], %broadcast_in_dim3A_45 {strides = array<i32>} : memref<1024xi32, #tpu.memory_space<vmem>>, vector<16xi32>,
    %swap3A_151 = arith.constant 848 : index
    %swap3A_152 = tpu.vector_load %arg6[%swap3A_151] {strides = array<i32>} : memref<1024xi32, #tpu.memory_space<vmem>>, vector<16xi32>,
    tpu.vector_store %arg6[%swap3A_151], %broadcast_in_dim3A_45 {strides = array<i32>} : memref<1024xi32, #tpu.memory_space<vmem>>, vector<16xi32>,
    %swap3A_153 = arith.constant 864 : index
    %swap3A_154 = tpu.vector_load %arg6[%swap3A_153] {strides = array<i32>} : memref<1024xi32, #tpu.memory_space<vmem>>, vector<16xi32>,
    tpu.vector_store %arg6[%swap3A_153], %broadcast_in_dim3A_45 {strides = array<i32>} : memref<1024xi32, #tpu.memory_space<vmem>>, vector<16xi32>,
    %swap3A_155 = arith.constant 880 : index
    %swap3A_156 = tpu.vector_load %arg6[%swap3A_155] {strides = array<i32>} : memref<1024xi32, #tpu.memory_space<vmem>>, vector<16xi32>,
    tpu.vector_store %arg6[%swap3A_155], %broadcast_in_dim3A_45 {strides = array<i32>} : memref<1024xi32, #tpu.memory_space<vmem>>, vector<16xi32>,
    %swap3A_157 = arith.constant 896 : index
    %swap3A_158 = tpu.vector_load %arg6[%swap3A_157] {strides = array<i32>} : memref<1024xi32, #tpu.memory_space<vmem>>, vector<16xi32>,
    tpu.vector_store %arg6[%swap3A_157], %broadcast_in_dim3A_45 {strides = array<i32>} : memref<1024xi32, #tpu.memory_space<vmem>>, vector<16xi32>,
    %swap3A_159 = arith.constant 912 : index
    %swap3A_160 = tpu.vector_load %arg6[%swap3A_159] {strides = array<i32>} : memref<1024xi32, #tpu.memory_space<vmem>>, vector<16xi32>,
    tpu.vector_store %arg6[%swap3A_159], %broadcast_in_dim3A_45 {strides = array<i32>} : memref<1024xi32, #tpu.memory_space<vmem>>, vector<16xi32>,
    %swap3A_161 = arith.constant 928 : index
    %swap3A_162 = tpu.vector_load %arg6[%swap3A_161] {strides = array<i32>} : memref<1024xi32, #tpu.memory_space<vmem>>, vector<16xi32>,
    tpu.vector_store %arg6[%swap3A_161], %broadcast_in_dim3A_45 {strides = array<i32>} : memref<1024xi32, #tpu.memory_space<vmem>>, vector<16xi32>,
    %swap3A_163 = arith.constant 944 : index
    %swap3A_164 = tpu.vector_load %arg6[%swap3A_163] {strides = array<i32>} : memref<1024xi32, #tpu.memory_space<vmem>>, vector<16xi32>,
    tpu.vector_store %arg6[%swap3A_163], %broadcast_in_dim3A_45 {strides = array<i32>} : memref<1024xi32, #tpu.memory_space<vmem>>, vector<16xi32>,
    %swap3A_165 = arith.constant 960 : index
    %swap3A_166 = tpu.vector_load %arg6[%swap3A_165] {strides = array<i32>} : memref<1024xi32, #tpu.memory_space<vmem>>, vector<16xi32>,
    tpu.vector_store %arg6[%swap3A_165], %broadcast_in_dim3A_45 {strides = array<i32>} : memref<1024xi32, #tpu.memory_space<vmem>>, vector<16xi32>,
    %swap3A_167 = arith.constant 976 : index
    %swap3A_168 = tpu.vector_load %arg6[%swap3A_167] {strides = array<i32>} : memref<1024xi32, #tpu.memory_space<vmem>>, vector<16xi32>,
    tpu.vector_store %arg6[%swap3A_167], %broadcast_in_dim3A_45 {strides = array<i32>} : memref<1024xi32, #tpu.memory_space<vmem>>, vector<16xi32>,
    %swap3A_169 = arith.constant 992 : index
    %swap3A_170 = tpu.vector_load %arg6[%swap3A_169] {strides = array<i32>} : memref<1024xi32, #tpu.memory_space<vmem>>, vector<16xi32>,
    tpu.vector_store %arg6[%swap3A_169], %broadcast_in_dim3A_45 {strides = array<i32>} : memref<1024xi32, #tpu.memory_space<vmem>>, vector<16xi32>,
    %swap3A_171 = arith.constant 1008 : index
    %swap3A_172 = tpu.vector_load %arg6[%swap3A_171] {strides = array<i32>} : memref<1024xi32, #tpu.memory_space<vmem>>, vector<16xi32>,
    tpu.vector_store %arg6[%swap3A_171], %broadcast_in_dim3A_45 {strides = array<i32>} : memref<1024xi32, #tpu.memory_space<vmem>>, vector<16xi32>,
    %get3A = arith.constant 48 : index
    %get3A_173 = tpu.vector_load %arg5[%get3A] {strides = array<i32>} : memref<128xi32, #tpu.memory_space<vmem>>, vector<16xi32>,
    %iota3A_174 = tpu.iota {dimensions = array<i32: 0>} : vector<16xi32>
    %add3A_175 = arith.constant 48 : i32
    %add3A_176 = vector.broadcast %add3A_175 : i32 to vector<16xi32>
    %add3A_177 = arith.addi %iota3A_174, %add3A_176 : vector<16xi32>
    %shift_left3A = arith.constant 4 : i32
    %shift_left3A_178 = vector.broadcast %shift_left3A : i32 to vector<16xi32>
    %shift_left3A_179 = arith.shli %get3A_173, %shift_left3A_178 : vector<16xi32>
    %add3A_180 = arith.constant 0 : i32
    %add3A_181 = vector.broadcast %add3A_180 : i32 to vector<16xi32>
    %add3A_182 = arith.addi %shift_left3A_179, %add3A_181 : vector<16xi32>
    tpu.vector_store_idx %arg6[%add3A_182], %add3A_177 : memref<1024xi32, #tpu.memory_space<vmem>>[vector<16xi32>], vector<16xi32>,
    %add3A_183 = arith.constant 1 : i32
    %add3A_184 = vector.broadcast %add3A_183 : i32 to vector<16xi32>
    %add3A_185 = arith.addi %shift_left3A_179, %add3A_184 : vector<16xi32>
    tpu.vector_store_idx %arg6[%add3A_185], %add3A_177 : memref<1024xi32, #tpu.memory_space<vmem>>[vector<16xi32>], vector<16xi32>,
    %add3A_186 = arith.constant 2 : i32
    %add3A_187 = vector.broadcast %add3A_186 : i32 to vector<16xi32>
    %add3A_188 = arith.addi %shift_left3A_179, %add3A_187 : vector<16xi32>
    tpu.vector_store_idx %arg6[%add3A_188], %add3A_177 : memref<1024xi32, #tpu.memory_space<vmem>>[vector<16xi32>], vector<16xi32>,
    %add3A_189 = arith.constant 3 : i32
    %add3A_190 = vector.broadcast %add3A_189 : i32 to vector<16xi32>
    %add3A_191 = arith.addi %shift_left3A_179, %add3A_190 : vector<16xi32>
    tpu.vector_store_idx %arg6[%add3A_191], %add3A_177 : memref<1024xi32, #tpu.memory_space<vmem>>[vector<16xi32>], vector<16xi32>,
    %add3A_192 = arith.constant 4 : i32
    %add3A_193 = vector.broadcast %add3A_192 : i32 to vector<16xi32>
    %add3A_194 = arith.addi %shift_left3A_179, %add3A_193 : vector<16xi32>
    tpu.vector_store_idx %arg6[%add3A_194], %add3A_177 : memref<1024xi32, #tpu.memory_space<vmem>>[vector<16xi32>], vector<16xi32>,
    %add3A_195 = arith.constant 5 : i32
    %add3A_196 = vector.broadcast %add3A_195 : i32 to vector<16xi32>
    %add3A_197 = arith.addi %shift_left3A_179, %add3A_196 : vector<16xi32>
    tpu.vector_store_idx %arg6[%add3A_197], %add3A_177 : memref<1024xi32, #tpu.memory_space<vmem>>[vector<16xi32>], vector<16xi32>,
    %add3A_198 = arith.constant 6 : i32
    %add3A_199 = vector.broadcast %add3A_198 : i32 to vector<16xi32>
    %add3A_200 = arith.addi %shift_left3A_179, %add3A_199 : vector<16xi32>
    tpu.vector_store_idx %arg6[%add3A_200], %add3A_177 : memref<1024xi32, #tpu.memory_space<vmem>>[vector<16xi32>], vector<16xi32>,
    %add3A_201 = arith.constant 7 : i32
    %add3A_202 = vector.broadcast %add3A_201 : i32 to vector<16xi32>
    %add3A_203 = arith.addi %shift_left3A_179, %add3A_202 : vector<16xi32>
    tpu.vector_store_idx %arg6[%add3A_203], %add3A_177 : memref<1024xi32, #tpu.memory_space<vmem>>[vector<16xi32>], vector<16xi32>,
    %add3A_204 = arith.constant 8 : i32
    %add3A_205 = vector.broadcast %add3A_204 : i32 to vector<16xi32>
    %add3A_206 = arith.addi %shift_left3A_179, %add3A_205 : vector<16xi32>
    tpu.vector_store_idx %arg6[%add3A_206], %add3A_177 : memref<1024xi32, #tpu.memory_space<vmem>>[vector<16xi32>], vector<16xi32>,
    %add3A_207 = arith.constant 9 : i32
    %add3A_208 = vector.broadcast %add3A_207 : i32 to vector<16xi32>
    %add3A_209 = arith.addi %shift_left3A_179, %add3A_208 : vector<16xi32>
    tpu.vector_store_idx %arg6[%add3A_209], %add3A_177 : memref<1024xi32, #tpu.memory_space<vmem>>[vector<16xi32>], vector<16xi32>,
    %add3A_210 = arith.constant 10 : i32
    %add3A_211 = vector.broadcast %add3A_210 : i32 to vector<16xi32>
    %add3A_212 = arith.addi %shift_left3A_179, %add3A_211 : vector<16xi32>
    tpu.vector_store_idx %arg6[%add3A_212], %add3A_177 : memref<1024xi32, #tpu.memory_space<vmem>>[vector<16xi32>], vector<16xi32>,
    %add3A_213 = arith.constant 11 : i32
    %add3A_214 = vector.broadcast %add3A_213 : i32 to vector<16xi32>
    %add3A_215 = arith.addi %shift_left3A_179, %add3A_214 : vector<16xi32>
    tpu.vector_store_idx %arg6[%add3A_215], %add3A_177 : memref<1024xi32, #tpu.memory_space<vmem>>[vector<16xi32>], vector<16xi32>,
    %add3A_216 = arith.constant 12 : i32
    %add3A_217 = vector.broadcast %add3A_216 : i32 to vector<16xi32>
    %add3A_218 = arith.addi %shift_left3A_179, %add3A_217 : vector<16xi32>
    tpu.vector_store_idx %arg6[%add3A_218], %add3A_177 : memref<1024xi32, #tpu.memory_space<vmem>>[vector<16xi32>], vector<16xi32>,
    %add3A_219 = arith.constant 13 : i32
    %add3A_220 = vector.broadcast %add3A_219 : i32 to vector<16xi32>
    %add3A_221 = arith.addi %shift_left3A_179, %add3A_220 : vector<16xi32>
    tpu.vector_store_idx %arg6[%add3A_221], %add3A_177 : memref<1024xi32, #tpu.memory_space<vmem>>[vector<16xi32>], vector<16xi32>,
    %add3A_222 = arith.constant 14 : i32
    %add3A_223 = vector.broadcast %add3A_222 : i32 to vector<16xi32>
    %add3A_224 = arith.addi %shift_left3A_179, %add3A_223 : vector<16xi32>
    tpu.vector_store_idx %arg6[%add3A_224], %add3A_177 : memref<1024xi32, #tpu.memory_space<vmem>>[vector<16xi32>], vector<16xi32>,
    %add3A_225 = arith.constant 15 : i32
    %add3A_226 = vector.broadcast %add3A_225 : i32 to vector<16xi32>
    %add3A_227 = arith.addi %shift_left3A_179, %add3A_226 : vector<16xi32>
    tpu.vector_store_idx %arg6[%add3A_227], %add3A_177 : memref<1024xi32, #tpu.memory_space<vmem>>[vector<16xi32>], vector<16xi32>,
    %get3A_228 = arith.constant 32 : index
    %get3A_229 = tpu.vector_load %arg5[%get3A_228] {strides = array<i32>} : memref<128xi32, #tpu.memory_space<vmem>>, vector<16xi32>,
    %iota3A_230 = tpu.iota {dimensions = array<i32: 0>} : vector<16xi32>
    %add3A_231 = arith.constant 32 : i32
    %add3A_232 = vector.broadcast %add3A_231 : i32 to vector<16xi32>
    %add3A_233 = arith.addi %iota3A_230, %add3A_232 : vector<16xi32>
    %shift_left3A_234 = arith.constant 4 : i32
    %shift_left3A_235 = vector.broadcast %shift_left3A_234 : i32 to vector<16xi32>
    %shift_left3A_236 = arith.shli %get3A_229, %shift_left3A_235 : vector<16xi32>
    %add3A_237 = arith.constant 0 : i32
    %add3A_238 = vector.broadcast %add3A_237 : i32 to vector<16xi32>
    %add3A_239 = arith.addi %shift_left3A_236, %add3A_238 : vector<16xi32>
    tpu.vector_store_idx %arg6[%add3A_239], %add3A_233 : memref<1024xi32, #tpu.memory_space<vmem>>[vector<16xi32>], vector<16xi32>,
    %add3A_240 = arith.constant 1 : i32
    %add3A_241 = vector.broadcast %add3A_240 : i32 to vector<16xi32>
    %add3A_242 = arith.addi %shift_left3A_236, %add3A_241 : vector<16xi32>
    tpu.vector_store_idx %arg6[%add3A_242], %add3A_233 : memref<1024xi32, #tpu.memory_space<vmem>>[vector<16xi32>], vector<16xi32>,
    %add3A_243 = arith.constant 2 : i32
    %add3A_244 = vector.broadcast %add3A_243 : i32 to vector<16xi32>
    %add3A_245 = arith.addi %shift_left3A_236, %add3A_244 : vector<16xi32>
    tpu.vector_store_idx %arg6[%add3A_245], %add3A_233 : memref<1024xi32, #tpu.memory_space<vmem>>[vector<16xi32>], vector<16xi32>,
    %add3A_246 = arith.constant 3 : i32
    %add3A_247 = vector.broadcast %add3A_246 : i32 to vector<16xi32>
    %add3A_248 = arith.addi %shift_left3A_236, %add3A_247 : vector<16xi32>
    tpu.vector_store_idx %arg6[%add3A_248], %add3A_233 : memref<1024xi32, #tpu.memory_space<vmem>>[vector<16xi32>], vector<16xi32>,
    %add3A_249 = arith.constant 4 : i32
    %add3A_250 = vector.broadcast %add3A_249 : i32 to vector<16xi32>
    %add3A_251 = arith.addi %shift_left3A_236, %add3A_250 : vector<16xi32>
    tpu.vector_store_idx %arg6[%add3A_251], %add3A_233 : memref<1024xi32, #tpu.memory_space<vmem>>[vector<16xi32>], vector<16xi32>,
    %add3A_252 = arith.constant 5 : i32
    %add3A_253 = vector.broadcast %add3A_252 : i32 to vector<16xi32>
    %add3A_254 = arith.addi %shift_left3A_236, %add3A_253 : vector<16xi32>
    tpu.vector_store_idx %arg6[%add3A_254], %add3A_233 : memref<1024xi32, #tpu.memory_space<vmem>>[vector<16xi32>], vector<16xi32>,
    %add3A_255 = arith.constant 6 : i32
    %add3A_256 = vector.broadcast %add3A_255 : i32 to vector<16xi32>
    %add3A_257 = arith.addi %shift_left3A_236, %add3A_256 : vector<16xi32>
    tpu.vector_store_idx %arg6[%add3A_257], %add3A_233 : memref<1024xi32, #tpu.memory_space<vmem>>[vector<16xi32>], vector<16xi32>,
    %add3A_258 = arith.constant 7 : i32
    %add3A_259 = vector.broadcast %add3A_258 : i32 to vector<16xi32>
    %add3A_260 = arith.addi %shift_left3A_236, %add3A_259 : vector<16xi32>
    tpu.vector_store_idx %arg6[%add3A_260], %add3A_233 : memref<1024xi32, #tpu.memory_space<vmem>>[vector<16xi32>], vector<16xi32>,
    %add3A_261 = arith.constant 8 : i32
    %add3A_262 = vector.broadcast %add3A_261 : i32 to vector<16xi32>
    %add3A_263 = arith.addi %shift_left3A_236, %add3A_262 : vector<16xi32>
    tpu.vector_store_idx %arg6[%add3A_263], %add3A_233 : memref<1024xi32, #tpu.memory_space<vmem>>[vector<16xi32>], vector<16xi32>,
    %add3A_264 = arith.constant 9 : i32
    %add3A_265 = vector.broadcast %add3A_264 : i32 to vector<16xi32>
    %add3A_266 = arith.addi %shift_left3A_236, %add3A_265 : vector<16xi32>
    tpu.vector_store_idx %arg6[%add3A_266], %add3A_233 : memref<1024xi32, #tpu.memory_space<vmem>>[vector<16xi32>], vector<16xi32>,
    %add3A_267 = arith.constant 10 : i32
    %add3A_268 = vector.broadcast %add3A_267 : i32 to vector<16xi32>
    %add3A_269 = arith.addi %shift_left3A_236, %add3A_268 : vector<16xi32>
    tpu.vector_store_idx %arg6[%add3A_269], %add3A_233 : memref<1024xi32, #tpu.memory_space<vmem>>[vector<16xi32>], vector<16xi32>,
    %add3A_270 = arith.constant 11 : i32
    %add3A_271 = vector.broadcast %add3A_270 : i32 to vector<16xi32>
    %add3A_272 = arith.addi %shift_left3A_236, %add3A_271 : vector<16xi32>
    tpu.vector_store_idx %arg6[%add3A_272], %add3A_233 : memref<1024xi32, #tpu.memory_space<vmem>>[vector<16xi32>], vector<16xi32>,
    %add3A_273 = arith.constant 12 : i32
    %add3A_274 = vector.broadcast %add3A_273 : i32 to vector<16xi32>
    %add3A_275 = arith.addi %shift_left3A_236, %add3A_274 : vector<16xi32>
    tpu.vector_store_idx %arg6[%add3A_275], %add3A_233 : memref<1024xi32, #tpu.memory_space<vmem>>[vector<16xi32>], vector<16xi32>,
    %add3A_276 = arith.constant 13 : i32
    %add3A_277 = vector.broadcast %add3A_276 : i32 to vector<16xi32>
    %add3A_278 = arith.addi %shift_left3A_236, %add3A_277 : vector<16xi32>
    tpu.vector_store_idx %arg6[%add3A_278], %add3A_233 : memref<1024xi32, #tpu.memory_space<vmem>>[vector<16xi32>], vector<16xi32>,
    %add3A_279 = arith.constant 14 : i32
    %add3A_280 = vector.broadcast %add3A_279 : i32 to vector<16xi32>
    %add3A_281 = arith.addi %shift_left3A_236, %add3A_280 : vector<16xi32>
    tpu.vector_store_idx %arg6[%add3A_281], %add3A_233 : memref<1024xi32, #tpu.memory_space<vmem>>[vector<16xi32>], vector<16xi32>,
    %add3A_282 = arith.constant 15 : i32
    %add3A_283 = vector.broadcast %add3A_282 : i32 to vector<16xi32>
    %add3A_284 = arith.addi %shift_left3A_236, %add3A_283 : vector<16xi32>
    tpu.vector_store_idx %arg6[%add3A_284], %add3A_233 : memref<1024xi32, #tpu.memory_space<vmem>>[vector<16xi32>], vector<16xi32>,
    %get3A_285 = arith.constant 16 : index
    %get3A_286 = tpu.vector_load %arg5[%get3A_285] {strides = array<i32>} : memref<128xi32, #tpu.memory_space<vmem>>, vector<16xi32>,
    %iota3A_287 = tpu.iota {dimensions = array<i32: 0>} : vector<16xi32>
    %add3A_288 = arith.constant 16 : i32
    %add3A_289 = vector.broadcast %add3A_288 : i32 to vector<16xi32>
    %add3A_290 = arith.addi %iota3A_287, %add3A_289 : vector<16xi32>
    %shift_left3A_291 = arith.constant 4 : i32
    %shift_left3A_292 = vector.broadcast %shift_left3A_291 : i32 to vector<16xi32>
    %shift_left3A_293 = arith.shli %get3A_286, %shift_left3A_292 : vector<16xi32>
    %add3A_294 = arith.constant 0 : i32
    %add3A_295 = vector.broadcast %add3A_294 : i32 to vector<16xi32>
    %add3A_296 = arith.addi %shift_left3A_293, %add3A_295 : vector<16xi32>
    tpu.vector_store_idx %arg6[%add3A_296], %add3A_290 : memref<1024xi32, #tpu.memory_space<vmem>>[vector<16xi32>], vector<16xi32>,
    %add3A_297 = arith.constant 1 : i32
    %add3A_298 = vector.broadcast %add3A_297 : i32 to vector<16xi32>
    %add3A_299 = arith.addi %shift_left3A_293, %add3A_298 : vector<16xi32>
    tpu.vector_store_idx %arg6[%add3A_299], %add3A_290 : memref<1024xi32, #tpu.memory_space<vmem>>[vector<16xi32>], vector<16xi32>,
    %add3A_300 = arith.constant 2 : i32
    %add3A_301 = vector.broadcast %add3A_300 : i32 to vector<16xi32>
    %add3A_302 = arith.addi %shift_left3A_293, %add3A_301 : vector<16xi32>
    tpu.vector_store_idx %arg6[%add3A_302], %add3A_290 : memref<1024xi32, #tpu.memory_space<vmem>>[vector<16xi32>], vector<16xi32>,
    %add3A_303 = arith.constant 3 : i32
    %add3A_304 = vector.broadcast %add3A_303 : i32 to vector<16xi32>
    %add3A_305 = arith.addi %shift_left3A_293, %add3A_304 : vector<16xi32>
    tpu.vector_store_idx %arg6[%add3A_305], %add3A_290 : memref<1024xi32, #tpu.memory_space<vmem>>[vector<16xi32>], vector<16xi32>,
    %add3A_306 = arith.constant 4 : i32
    %add3A_307 = vector.broadcast %add3A_306 : i32 to vector<16xi32>
    %add3A_308 = arith.addi %shift_left3A_293, %add3A_307 : vector<16xi32>
    tpu.vector_store_idx %arg6[%add3A_308], %add3A_290 : memref<1024xi32, #tpu.memory_space<vmem>>[vector<16xi32>], vector<16xi32>,
    %add3A_309 = arith.constant 5 : i32
    %add3A_310 = vector.broadcast %add3A_309 : i32 to vector<16xi32>
    %add3A_311 = arith.addi %shift_left3A_293, %add3A_310 : vector<16xi32>
    tpu.vector_store_idx %arg6[%add3A_311], %add3A_290 : memref<1024xi32, #tpu.memory_space<vmem>>[vector<16xi32>], vector<16xi32>,
    %add3A_312 = arith.constant 6 : i32
    %add3A_313 = vector.broadcast %add3A_312 : i32 to vector<16xi32>
    %add3A_314 = arith.addi %shift_left3A_293, %add3A_313 : vector<16xi32>
    tpu.vector_store_idx %arg6[%add3A_314], %add3A_290 : memref<1024xi32, #tpu.memory_space<vmem>>[vector<16xi32>], vector<16xi32>,
    %add3A_315 = arith.constant 7 : i32
    %add3A_316 = vector.broadcast %add3A_315 : i32 to vector<16xi32>
    %add3A_317 = arith.addi %shift_left3A_293, %add3A_316 : vector<16xi32>
    tpu.vector_store_idx %arg6[%add3A_317], %add3A_290 : memref<1024xi32, #tpu.memory_space<vmem>>[vector<16xi32>], vector<16xi32>,
    %add3A_318 = arith.constant 8 : i32
    %add3A_319 = vector.broadcast %add3A_318 : i32 to vector<16xi32>
    %add3A_320 = arith.addi %shift_left3A_293, %add3A_319 : vector<16xi32>
    tpu.vector_store_idx %arg6[%add3A_320], %add3A_290 : memref<1024xi32, #tpu.memory_space<vmem>>[vector<16xi32>], vector<16xi32>,
    %add3A_321 = arith.constant 9 : i32
    %add3A_322 = vector.broadcast %add3A_321 : i32 to vector<16xi32>
    %add3A_323 = arith.addi %shift_left3A_293, %add3A_322 : vector<16xi32>
    tpu.vector_store_idx %arg6[%add3A_323], %add3A_290 : memref<1024xi32, #tpu.memory_space<vmem>>[vector<16xi32>], vector<16xi32>,
    %add3A_324 = arith.constant 10 : i32
    %add3A_325 = vector.broadcast %add3A_324 : i32 to vector<16xi32>
    %add3A_326 = arith.addi %shift_left3A_293, %add3A_325 : vector<16xi32>
    tpu.vector_store_idx %arg6[%add3A_326], %add3A_290 : memref<1024xi32, #tpu.memory_space<vmem>>[vector<16xi32>], vector<16xi32>,
    %add3A_327 = arith.constant 11 : i32
    %add3A_328 = vector.broadcast %add3A_327 : i32 to vector<16xi32>
    %add3A_329 = arith.addi %shift_left3A_293, %add3A_328 : vector<16xi32>
    tpu.vector_store_idx %arg6[%add3A_329], %add3A_290 : memref<1024xi32, #tpu.memory_space<vmem>>[vector<16xi32>], vector<16xi32>,
    %add3A_330 = arith.constant 12 : i32
    %add3A_331 = vector.broadcast %add3A_330 : i32 to vector<16xi32>
    %add3A_332 = arith.addi %shift_left3A_293, %add3A_331 : vector<16xi32>
    tpu.vector_store_idx %arg6[%add3A_332], %add3A_290 : memref<1024xi32, #tpu.memory_space<vmem>>[vector<16xi32>], vector<16xi32>,
    %add3A_333 = arith.constant 13 : i32
    %add3A_334 = vector.broadcast %add3A_333 : i32 to vector<16xi32>
    %add3A_335 = arith.addi %shift_left3A_293, %add3A_334 : vector<16xi32>
    tpu.vector_store_idx %arg6[%add3A_335], %add3A_290 : memref<1024xi32, #tpu.memory_space<vmem>>[vector<16xi32>], vector<16xi32>,
    %add3A_336 = arith.constant 14 : i32
    %add3A_337 = vector.broadcast %add3A_336 : i32 to vector<16xi32>
    %add3A_338 = arith.addi %shift_left3A_293, %add3A_337 : vector<16xi32>
    tpu.vector_store_idx %arg6[%add3A_338], %add3A_290 : memref<1024xi32, #tpu.memory_space<vmem>>[vector<16xi32>], vector<16xi32>,
    %add3A_339 = arith.constant 15 : i32
    %add3A_340 = vector.broadcast %add3A_339 : i32 to vector<16xi32>
    %add3A_341 = arith.addi %shift_left3A_293, %add3A_340 : vector<16xi32>
    tpu.vector_store_idx %arg6[%add3A_341], %add3A_290 : memref<1024xi32, #tpu.memory_space<vmem>>[vector<16xi32>], vector<16xi32>,
    %get3A_342 = arith.constant 0 : index
    %get3A_343 = tpu.vector_load %arg5[%get3A_342] {strides = array<i32>} : memref<128xi32, #tpu.memory_space<vmem>>, vector<16xi32>,
    %iota3A_344 = tpu.iota {dimensions = array<i32: 0>} : vector<16xi32>
    %add3A_345 = arith.constant 0 : i32
    %add3A_346 = vector.broadcast %add3A_345 : i32 to vector<16xi32>
    %add3A_347 = arith.addi %iota3A_344, %add3A_346 : vector<16xi32>
    %shift_left3A_348 = arith.constant 4 : i32
    %shift_left3A_349 = vector.broadcast %shift_left3A_348 : i32 to vector<16xi32>
    %shift_left3A_350 = arith.shli %get3A_343, %shift_left3A_349 : vector<16xi32>
    %add3A_351 = arith.constant 0 : i32
    %add3A_352 = vector.broadcast %add3A_351 : i32 to vector<16xi32>
    %add3A_353 = arith.addi %shift_left3A_350, %add3A_352 : vector<16xi32>
    tpu.vector_store_idx %arg6[%add3A_353], %add3A_347 : memref<1024xi32, #tpu.memory_space<vmem>>[vector<16xi32>], vector<16xi32>,
    %add3A_354 = arith.constant 1 : i32
    %add3A_355 = vector.broadcast %add3A_354 : i32 to vector<16xi32>
    %add3A_356 = arith.addi %shift_left3A_350, %add3A_355 : vector<16xi32>
    tpu.vector_store_idx %arg6[%add3A_356], %add3A_347 : memref<1024xi32, #tpu.memory_space<vmem>>[vector<16xi32>], vector<16xi32>,
    %add3A_357 = arith.constant 2 : i32
    %add3A_358 = vector.broadcast %add3A_357 : i32 to vector<16xi32>
    %add3A_359 = arith.addi %shift_left3A_350, %add3A_358 : vector<16xi32>
    tpu.vector_store_idx %arg6[%add3A_359], %add3A_347 : memref<1024xi32, #tpu.memory_space<vmem>>[vector<16xi32>], vector<16xi32>,
    %add3A_360 = arith.constant 3 : i32
    %add3A_361 = vector.broadcast %add3A_360 : i32 to vector<16xi32>
    %add3A_362 = arith.addi %shift_left3A_350, %add3A_361 : vector<16xi32>
    tpu.vector_store_idx %arg6[%add3A_362], %add3A_347 : memref<1024xi32, #tpu.memory_space<vmem>>[vector<16xi32>], vector<16xi32>,
    %add3A_363 = arith.constant 4 : i32
    %add3A_364 = vector.broadcast %add3A_363 : i32 to vector<16xi32>
    %add3A_365 = arith.addi %shift_left3A_350, %add3A_364 : vector<16xi32>
    tpu.vector_store_idx %arg6[%add3A_365], %add3A_347 : memref<1024xi32, #tpu.memory_space<vmem>>[vector<16xi32>], vector<16xi32>,
    %add3A_366 = arith.constant 5 : i32
    %add3A_367 = vector.broadcast %add3A_366 : i32 to vector<16xi32>
    %add3A_368 = arith.addi %shift_left3A_350, %add3A_367 : vector<16xi32>
    tpu.vector_store_idx %arg6[%add3A_368], %add3A_347 : memref<1024xi32, #tpu.memory_space<vmem>>[vector<16xi32>], vector<16xi32>,
    %add3A_369 = arith.constant 6 : i32
    %add3A_370 = vector.broadcast %add3A_369 : i32 to vector<16xi32>
    %add3A_371 = arith.addi %shift_left3A_350, %add3A_370 : vector<16xi32>
    tpu.vector_store_idx %arg6[%add3A_371], %add3A_347 : memref<1024xi32, #tpu.memory_space<vmem>>[vector<16xi32>], vector<16xi32>,
    %add3A_372 = arith.constant 7 : i32
    %add3A_373 = vector.broadcast %add3A_372 : i32 to vector<16xi32>
    %add3A_374 = arith.addi %shift_left3A_350, %add3A_373 : vector<16xi32>
    tpu.vector_store_idx %arg6[%add3A_374], %add3A_347 : memref<1024xi32, #tpu.memory_space<vmem>>[vector<16xi32>], vector<16xi32>,
    %add3A_375 = arith.constant 8 : i32
    %add3A_376 = vector.broadcast %add3A_375 : i32 to vector<16xi32>
    %add3A_377 = arith.addi %shift_left3A_350, %add3A_376 : vector<16xi32>
    tpu.vector_store_idx %arg6[%add3A_377], %add3A_347 : memref<1024xi32, #tpu.memory_space<vmem>>[vector<16xi32>], vector<16xi32>,
    %add3A_378 = arith.constant 9 : i32
    %add3A_379 = vector.broadcast %add3A_378 : i32 to vector<16xi32>
    %add3A_380 = arith.addi %shift_left3A_350, %add3A_379 : vector<16xi32>
    tpu.vector_store_idx %arg6[%add3A_380], %add3A_347 : memref<1024xi32, #tpu.memory_space<vmem>>[vector<16xi32>], vector<16xi32>,
    %add3A_381 = arith.constant 10 : i32
    %add3A_382 = vector.broadcast %add3A_381 : i32 to vector<16xi32>
    %add3A_383 = arith.addi %shift_left3A_350, %add3A_382 : vector<16xi32>
    tpu.vector_store_idx %arg6[%add3A_383], %add3A_347 : memref<1024xi32, #tpu.memory_space<vmem>>[vector<16xi32>], vector<16xi32>,
    %add3A_384 = arith.constant 11 : i32
    %add3A_385 = vector.broadcast %add3A_384 : i32 to vector<16xi32>
    %add3A_386 = arith.addi %shift_left3A_350, %add3A_385 : vector<16xi32>
    tpu.vector_store_idx %arg6[%add3A_386], %add3A_347 : memref<1024xi32, #tpu.memory_space<vmem>>[vector<16xi32>], vector<16xi32>,
    %add3A_387 = arith.constant 12 : i32
    %add3A_388 = vector.broadcast %add3A_387 : i32 to vector<16xi32>
    %add3A_389 = arith.addi %shift_left3A_350, %add3A_388 : vector<16xi32>
    tpu.vector_store_idx %arg6[%add3A_389], %add3A_347 : memref<1024xi32, #tpu.memory_space<vmem>>[vector<16xi32>], vector<16xi32>,
    %add3A_390 = arith.constant 13 : i32
    %add3A_391 = vector.broadcast %add3A_390 : i32 to vector<16xi32>
    %add3A_392 = arith.addi %shift_left3A_350, %add3A_391 : vector<16xi32>
    tpu.vector_store_idx %arg6[%add3A_392], %add3A_347 : memref<1024xi32, #tpu.memory_space<vmem>>[vector<16xi32>], vector<16xi32>,
    %add3A_393 = arith.constant 14 : i32
    %add3A_394 = vector.broadcast %add3A_393 : i32 to vector<16xi32>
    %add3A_395 = arith.addi %shift_left3A_350, %add3A_394 : vector<16xi32>
    tpu.vector_store_idx %arg6[%add3A_395], %add3A_347 : memref<1024xi32, #tpu.memory_space<vmem>>[vector<16xi32>], vector<16xi32>,
    %add3A_396 = arith.constant 15 : i32
    %add3A_397 = vector.broadcast %add3A_396 : i32 to vector<16xi32>
    %add3A_398 = arith.addi %shift_left3A_350, %add3A_397 : vector<16xi32>
    tpu.vector_store_idx %arg6[%add3A_398], %add3A_347 : memref<1024xi32, #tpu.memory_space<vmem>>[vector<16xi32>], vector<16xi32>,
    %add3A_399 = arith.constant 0 : i32
    %add3A_400 = arith.addi %multiple_of3A_35, %add3A_399 : i32
    %multiple_of3A_401 = tpu.assume_multiple %add3A_400, 2048 : i32
    %dma_wait3A = tpu.memref_slice %arg2[%multiple_of3A, %multiple_of3A_401] : memref<64x32768xi32, #tpu.memory_space<hbm>> -> memref<8x2048xi32, #tpu.memory_space<hbm>>
    %dma_wait3A_402 = tpu.memref_slice %arg2[%multiple_of3A, %multiple_of3A_401] : memref<64x32768xi32, #tpu.memory_space<hbm>> -> memref<8x2048xi32, #tpu.memory_space<hbm>>
    tpu.wait_dma2 semaphore(%arg11 : memref<!tpu.dma_semaphore, #tpu.memory_space<semaphore_mem>>) src(%dma_wait3A_402 : memref<8x2048xi32, #tpu.memory_space<hbm>>) dst(%arg7 : memref<8x2048xi32, #tpu.memory_space<vmem>>)
    %parallel_loop3A = arith.constant 0 : i32
    %parallel_loop3A_403 = arith.constant 2048 : i32
    %parallel_loop3A_404 = arith.constant 16 : i32
    scf.for %parallel_loop3A_563 = %parallel_loop3A to %parallel_loop3A_403 step %parallel_loop3A_404  : i32 {
      %parallel_loop3A_564 = tpu.assume_multiple %parallel_loop3A_563, 16 : i32
      %parallel_loop3A_565 = arith.constant 0 : i32
      %parallel_loop3A_566 = arith.index_cast %parallel_loop3A_565 : i32 to index
      %parallel_loop3A_567 = arith.index_cast %parallel_loop3A_564 : i32 to index
      %parallel_loop3A_568 = tpu.vector_load %arg7[%parallel_loop3A_566, %parallel_loop3A_567] {strides = array<i32>} : memref<8x2048xi32, #tpu.memory_space<vmem>>, vector<16xi32>,
      %parallel_loop3A_569 = arith.constant 4 : i32
      %parallel_loop3A_570 = vector.broadcast %parallel_loop3A_569 : i32 to vector<16xi32>
      %parallel_loop3A_571 = arith.shli %parallel_loop3A_568, %parallel_loop3A_570 : vector<16xi32>
      %parallel_loop3A_572 = arith.ori %parallel_loop3A_571, %iota3A : vector<16xi32>
      %parallel_loop3A_573 = tpu.vector_load_idx %arg6[%parallel_loop3A_572] : memref<1024xi32, #tpu.memory_space<vmem>>[vector<16xi32>], vector<16xi32>,
      %parallel_loop3A_574 = arith.constant 0 : i32
      %parallel_loop3A_575 = arith.index_cast %parallel_loop3A_574 : i32 to index
      %parallel_loop3A_576 = arith.index_cast %parallel_loop3A_564 : i32 to index
      %parallel_loop3A_577 = tpu.vector_load %arg9[%parallel_loop3A_575, %parallel_loop3A_576] {strides = array<i32>} : memref<8x2048xi32, #tpu.memory_space<vmem>>, vector<16xi32>,
      tpu.vector_store %arg9[%parallel_loop3A_575, %parallel_loop3A_576], %parallel_loop3A_573 {strides = array<i32>} : memref<8x2048xi32, #tpu.memory_space<vmem>>, vector<16xi32>,
    } {sc.loop_unroll_factor = 8 : i64, sc.parallel_access}
    %parallel_loop3A_405 = arith.constant 0 : i32
    %parallel_loop3A_406 = arith.constant 2048 : i32
    %parallel_loop3A_407 = arith.constant 16 : i32
    scf.for %parallel_loop3A_563 = %parallel_loop3A_405 to %parallel_loop3A_406 step %parallel_loop3A_407  : i32 {
      %parallel_loop3A_564 = tpu.assume_multiple %parallel_loop3A_563, 16 : i32
      %parallel_loop3A_565 = arith.constant 1 : i32
      %parallel_loop3A_566 = arith.index_cast %parallel_loop3A_565 : i32 to index
      %parallel_loop3A_567 = arith.index_cast %parallel_loop3A_564 : i32 to index
      %parallel_loop3A_568 = tpu.vector_load %arg7[%parallel_loop3A_566, %parallel_loop3A_567] {strides = array<i32>} : memref<8x2048xi32, #tpu.memory_space<vmem>>, vector<16xi32>,
      %parallel_loop3A_569 = arith.constant 4 : i32
      %parallel_loop3A_570 = vector.broadcast %parallel_loop3A_569 : i32 to vector<16xi32>
      %parallel_loop3A_571 = arith.shli %parallel_loop3A_568, %parallel_loop3A_570 : vector<16xi32>
      %parallel_loop3A_572 = arith.ori %parallel_loop3A_571, %iota3A : vector<16xi32>
      %parallel_loop3A_573 = tpu.vector_load_idx %arg6[%parallel_loop3A_572] : memref<1024xi32, #tpu.memory_space<vmem>>[vector<16xi32>], vector<16xi32>,
      %parallel_loop3A_574 = arith.constant 1 : i32
      %parallel_loop3A_575 = arith.index_cast %parallel_loop3A_574 : i32 to index
      %parallel_loop3A_576 = arith.index_cast %parallel_loop3A_564 : i32 to index
      %parallel_loop3A_577 = tpu.vector_load %arg9[%parallel_loop3A_575, %parallel_loop3A_576] {strides = array<i32>} : memref<8x2048xi32, #tpu.memory_space<vmem>>, vector<16xi32>,
      tpu.vector_store %arg9[%parallel_loop3A_575, %parallel_loop3A_576], %parallel_loop3A_573 {strides = array<i32>} : memref<8x2048xi32, #tpu.memory_space<vmem>>, vector<16xi32>,
    } {sc.loop_unroll_factor = 8 : i64, sc.parallel_access}
    %parallel_loop3A_408 = arith.constant 0 : i32
    %parallel_loop3A_409 = arith.constant 2048 : i32
    %parallel_loop3A_410 = arith.constant 16 : i32
    scf.for %parallel_loop3A_563 = %parallel_loop3A_408 to %parallel_loop3A_409 step %parallel_loop3A_410  : i32 {
      %parallel_loop3A_564 = tpu.assume_multiple %parallel_loop3A_563, 16 : i32
      %parallel_loop3A_565 = arith.constant 2 : i32
      %parallel_loop3A_566 = arith.index_cast %parallel_loop3A_565 : i32 to index
      %parallel_loop3A_567 = arith.index_cast %parallel_loop3A_564 : i32 to index
      %parallel_loop3A_568 = tpu.vector_load %arg7[%parallel_loop3A_566, %parallel_loop3A_567] {strides = array<i32>} : memref<8x2048xi32, #tpu.memory_space<vmem>>, vector<16xi32>,
      %parallel_loop3A_569 = arith.constant 4 : i32
      %parallel_loop3A_570 = vector.broadcast %parallel_loop3A_569 : i32 to vector<16xi32>
      %parallel_loop3A_571 = arith.shli %parallel_loop3A_568, %parallel_loop3A_570 : vector<16xi32>
      %parallel_loop3A_572 = arith.ori %parallel_loop3A_571, %iota3A : vector<16xi32>
      %parallel_loop3A_573 = tpu.vector_load_idx %arg6[%parallel_loop3A_572] : memref<1024xi32, #tpu.memory_space<vmem>>[vector<16xi32>], vector<16xi32>,
      %parallel_loop3A_574 = arith.constant 2 : i32
      %parallel_loop3A_575 = arith.index_cast %parallel_loop3A_574 : i32 to index
      %parallel_loop3A_576 = arith.index_cast %parallel_loop3A_564 : i32 to index
      %parallel_loop3A_577 = tpu.vector_load %arg9[%parallel_loop3A_575, %parallel_loop3A_576] {strides = array<i32>} : memref<8x2048xi32, #tpu.memory_space<vmem>>, vector<16xi32>,
      tpu.vector_store %arg9[%parallel_loop3A_575, %parallel_loop3A_576], %parallel_loop3A_573 {strides = array<i32>} : memref<8x2048xi32, #tpu.memory_space<vmem>>, vector<16xi32>,
    } {sc.loop_unroll_factor = 8 : i64, sc.parallel_access}
    %parallel_loop3A_411 = arith.constant 0 : i32
    %parallel_loop3A_412 = arith.constant 2048 : i32
    %parallel_loop3A_413 = arith.constant 16 : i32
    scf.for %parallel_loop3A_563 = %parallel_loop3A_411 to %parallel_loop3A_412 step %parallel_loop3A_413  : i32 {
      %parallel_loop3A_564 = tpu.assume_multiple %parallel_loop3A_563, 16 : i32
      %parallel_loop3A_565 = arith.constant 3 : i32
      %parallel_loop3A_566 = arith.index_cast %parallel_loop3A_565 : i32 to index
      %parallel_loop3A_567 = arith.index_cast %parallel_loop3A_564 : i32 to index
      %parallel_loop3A_568 = tpu.vector_load %arg7[%parallel_loop3A_566, %parallel_loop3A_567] {strides = array<i32>} : memref<8x2048xi32, #tpu.memory_space<vmem>>, vector<16xi32>,
      %parallel_loop3A_569 = arith.constant 4 : i32
      %parallel_loop3A_570 = vector.broadcast %parallel_loop3A_569 : i32 to vector<16xi32>
      %parallel_loop3A_571 = arith.shli %parallel_loop3A_568, %parallel_loop3A_570 : vector<16xi32>
      %parallel_loop3A_572 = arith.ori %parallel_loop3A_571, %iota3A : vector<16xi32>
      %parallel_loop3A_573 = tpu.vector_load_idx %arg6[%parallel_loop3A_572] : memref<1024xi32, #tpu.memory_space<vmem>>[vector<16xi32>], vector<16xi32>,
      %parallel_loop3A_574 = arith.constant 3 : i32
      %parallel_loop3A_575 = arith.index_cast %parallel_loop3A_574 : i32 to index
      %parallel_loop3A_576 = arith.index_cast %parallel_loop3A_564 : i32 to index
      %parallel_loop3A_577 = tpu.vector_load %arg9[%parallel_loop3A_575, %parallel_loop3A_576] {strides = array<i32>} : memref<8x2048xi32, #tpu.memory_space<vmem>>, vector<16xi32>,
      tpu.vector_store %arg9[%parallel_loop3A_575, %parallel_loop3A_576], %parallel_loop3A_573 {strides = array<i32>} : memref<8x2048xi32, #tpu.memory_space<vmem>>, vector<16xi32>,
    } {sc.loop_unroll_factor = 8 : i64, sc.parallel_access}
    %parallel_loop3A_414 = arith.constant 0 : i32
    %parallel_loop3A_415 = arith.constant 2048 : i32
    %parallel_loop3A_416 = arith.constant 16 : i32
    scf.for %parallel_loop3A_563 = %parallel_loop3A_414 to %parallel_loop3A_415 step %parallel_loop3A_416  : i32 {
      %parallel_loop3A_564 = tpu.assume_multiple %parallel_loop3A_563, 16 : i32
      %parallel_loop3A_565 = arith.constant 4 : i32
      %parallel_loop3A_566 = arith.index_cast %parallel_loop3A_565 : i32 to index
      %parallel_loop3A_567 = arith.index_cast %parallel_loop3A_564 : i32 to index
      %parallel_loop3A_568 = tpu.vector_load %arg7[%parallel_loop3A_566, %parallel_loop3A_567] {strides = array<i32>} : memref<8x2048xi32, #tpu.memory_space<vmem>>, vector<16xi32>,
      %parallel_loop3A_569 = arith.constant 4 : i32
      %parallel_loop3A_570 = vector.broadcast %parallel_loop3A_569 : i32 to vector<16xi32>
      %parallel_loop3A_571 = arith.shli %parallel_loop3A_568, %parallel_loop3A_570 : vector<16xi32>
      %parallel_loop3A_572 = arith.ori %parallel_loop3A_571, %iota3A : vector<16xi32>
      %parallel_loop3A_573 = tpu.vector_load_idx %arg6[%parallel_loop3A_572] : memref<1024xi32, #tpu.memory_space<vmem>>[vector<16xi32>], vector<16xi32>,
      %parallel_loop3A_574 = arith.constant 4 : i32
      %parallel_loop3A_575 = arith.index_cast %parallel_loop3A_574 : i32 to index
      %parallel_loop3A_576 = arith.index_cast %parallel_loop3A_564 : i32 to index
      %parallel_loop3A_577 = tpu.vector_load %arg9[%parallel_loop3A_575, %parallel_loop3A_576] {strides = array<i32>} : memref<8x2048xi32, #tpu.memory_space<vmem>>, vector<16xi32>,
      tpu.vector_store %arg9[%parallel_loop3A_575, %parallel_loop3A_576], %parallel_loop3A_573 {strides = array<i32>} : memref<8x2048xi32, #tpu.memory_space<vmem>>, vector<16xi32>,
    } {sc.loop_unroll_factor = 8 : i64, sc.parallel_access}
    %parallel_loop3A_417 = arith.constant 0 : i32
    %parallel_loop3A_418 = arith.constant 2048 : i32
    %parallel_loop3A_419 = arith.constant 16 : i32
    scf.for %parallel_loop3A_563 = %parallel_loop3A_417 to %parallel_loop3A_418 step %parallel_loop3A_419  : i32 {
      %parallel_loop3A_564 = tpu.assume_multiple %parallel_loop3A_563, 16 : i32
      %parallel_loop3A_565 = arith.constant 5 : i32
      %parallel_loop3A_566 = arith.index_cast %parallel_loop3A_565 : i32 to index
      %parallel_loop3A_567 = arith.index_cast %parallel_loop3A_564 : i32 to index
      %parallel_loop3A_568 = tpu.vector_load %arg7[%parallel_loop3A_566, %parallel_loop3A_567] {strides = array<i32>} : memref<8x2048xi32, #tpu.memory_space<vmem>>, vector<16xi32>,
      %parallel_loop3A_569 = arith.constant 4 : i32
      %parallel_loop3A_570 = vector.broadcast %parallel_loop3A_569 : i32 to vector<16xi32>
      %parallel_loop3A_571 = arith.shli %parallel_loop3A_568, %parallel_loop3A_570 : vector<16xi32>
      %parallel_loop3A_572 = arith.ori %parallel_loop3A_571, %iota3A : vector<16xi32>
      %parallel_loop3A_573 = tpu.vector_load_idx %arg6[%parallel_loop3A_572] : memref<1024xi32, #tpu.memory_space<vmem>>[vector<16xi32>], vector<16xi32>,
      %parallel_loop3A_574 = arith.constant 5 : i32
      %parallel_loop3A_575 = arith.index_cast %parallel_loop3A_574 : i32 to index
      %parallel_loop3A_576 = arith.index_cast %parallel_loop3A_564 : i32 to index
      %parallel_loop3A_577 = tpu.vector_load %arg9[%parallel_loop3A_575, %parallel_loop3A_576] {strides = array<i32>} : memref<8x2048xi32, #tpu.memory_space<vmem>>, vector<16xi32>,
      tpu.vector_store %arg9[%parallel_loop3A_575, %parallel_loop3A_576], %parallel_loop3A_573 {strides = array<i32>} : memref<8x2048xi32, #tpu.memory_space<vmem>>, vector<16xi32>,
    } {sc.loop_unroll_factor = 8 : i64, sc.parallel_access}
    %parallel_loop3A_420 = arith.constant 0 : i32
    %parallel_loop3A_421 = arith.constant 2048 : i32
    %parallel_loop3A_422 = arith.constant 16 : i32
    scf.for %parallel_loop3A_563 = %parallel_loop3A_420 to %parallel_loop3A_421 step %parallel_loop3A_422  : i32 {
      %parallel_loop3A_564 = tpu.assume_multiple %parallel_loop3A_563, 16 : i32
      %parallel_loop3A_565 = arith.constant 6 : i32
      %parallel_loop3A_566 = arith.index_cast %parallel_loop3A_565 : i32 to index
      %parallel_loop3A_567 = arith.index_cast %parallel_loop3A_564 : i32 to index
      %parallel_loop3A_568 = tpu.vector_load %arg7[%parallel_loop3A_566, %parallel_loop3A_567] {strides = array<i32>} : memref<8x2048xi32, #tpu.memory_space<vmem>>, vector<16xi32>,
      %parallel_loop3A_569 = arith.constant 4 : i32
      %parallel_loop3A_570 = vector.broadcast %parallel_loop3A_569 : i32 to vector<16xi32>
      %parallel_loop3A_571 = arith.shli %parallel_loop3A_568, %parallel_loop3A_570 : vector<16xi32>
      %parallel_loop3A_572 = arith.ori %parallel_loop3A_571, %iota3A : vector<16xi32>
      %parallel_loop3A_573 = tpu.vector_load_idx %arg6[%parallel_loop3A_572] : memref<1024xi32, #tpu.memory_space<vmem>>[vector<16xi32>], vector<16xi32>,
      %parallel_loop3A_574 = arith.constant 6 : i32
      %parallel_loop3A_575 = arith.index_cast %parallel_loop3A_574 : i32 to index
      %parallel_loop3A_576 = arith.index_cast %parallel_loop3A_564 : i32 to index
      %parallel_loop3A_577 = tpu.vector_load %arg9[%parallel_loop3A_575, %parallel_loop3A_576] {strides = array<i32>} : memref<8x2048xi32, #tpu.memory_space<vmem>>, vector<16xi32>,
      tpu.vector_store %arg9[%parallel_loop3A_575, %parallel_loop3A_576], %parallel_loop3A_573 {strides = array<i32>} : memref<8x2048xi32, #tpu.memory_space<vmem>>, vector<16xi32>,
    } {sc.loop_unroll_factor = 8 : i64, sc.parallel_access}
    %parallel_loop3A_423 = arith.constant 0 : i32
    %parallel_loop3A_424 = arith.constant 2048 : i32
    %parallel_loop3A_425 = arith.constant 16 : i32
    scf.for %parallel_loop3A_563 = %parallel_loop3A_423 to %parallel_loop3A_424 step %parallel_loop3A_425  : i32 {
      %parallel_loop3A_564 = tpu.assume_multiple %parallel_loop3A_563, 16 : i32
      %parallel_loop3A_565 = arith.constant 7 : i32
      %parallel_loop3A_566 = arith.index_cast %parallel_loop3A_565 : i32 to index
      %parallel_loop3A_567 = arith.index_cast %parallel_loop3A_564 : i32 to index
      %parallel_loop3A_568 = tpu.vector_load %arg7[%parallel_loop3A_566, %parallel_loop3A_567] {strides = array<i32>} : memref<8x2048xi32, #tpu.memory_space<vmem>>, vector<16xi32>,
      %parallel_loop3A_569 = arith.constant 4 : i32
      %parallel_loop3A_570 = vector.broadcast %parallel_loop3A_569 : i32 to vector<16xi32>
      %parallel_loop3A_571 = arith.shli %parallel_loop3A_568, %parallel_loop3A_570 : vector<16xi32>
      %parallel_loop3A_572 = arith.ori %parallel_loop3A_571, %iota3A : vector<16xi32>
      %parallel_loop3A_573 = tpu.vector_load_idx %arg6[%parallel_loop3A_572] : memref<1024xi32, #tpu.memory_space<vmem>>[vector<16xi32>], vector<16xi32>,
      %parallel_loop3A_574 = arith.constant 7 : i32
      %parallel_loop3A_575 = arith.index_cast %parallel_loop3A_574 : i32 to index
      %parallel_loop3A_576 = arith.index_cast %parallel_loop3A_564 : i32 to index
      %parallel_loop3A_577 = tpu.vector_load %arg9[%parallel_loop3A_575, %parallel_loop3A_576] {strides = array<i32>} : memref<8x2048xi32, #tpu.memory_space<vmem>>, vector<16xi32>,
      tpu.vector_store %arg9[%parallel_loop3A_575, %parallel_loop3A_576], %parallel_loop3A_573 {strides = array<i32>} : memref<8x2048xi32, #tpu.memory_space<vmem>>, vector<16xi32>,
    } {sc.loop_unroll_factor = 8 : i64, sc.parallel_access}
    %add3A_426 = arith.constant 0 : i32
    %add3A_427 = arith.addi %multiple_of3A_35, %add3A_426 : i32
    %multiple_of3A_428 = tpu.assume_multiple %add3A_427, 2048 : i32
    %dma_start3A_429 = tpu.memref_slice %arg4[%multiple_of3A, %multiple_of3A_428] : memref<64x32768xi32, #tpu.memory_space<hbm>> -> memref<8x2048xi32, #tpu.memory_space<hbm>>
    %dma_start3A_430 = tpu.memref_slice %arg4[%multiple_of3A, %multiple_of3A_428] : memref<64x32768xi32, #tpu.memory_space<hbm>> -> memref<8x2048xi32, #tpu.memory_space<hbm>>
    tpu.enqueue_dma source(%arg9 : memref<8x2048xi32, #tpu.memory_space<vmem>>) target(%dma_start3A_430 : memref<8x2048xi32, #tpu.memory_space<hbm>>) target_semaphore(%arg13 : memref<!tpu.dma_semaphore, #tpu.memory_space<semaphore_mem>>)
    %add3A_431 = arith.constant 4096 : i32
    %add3A_432 = arith.addi %multiple_of3A_35, %add3A_431 : i32
    %multiple_of3A_433 = tpu.assume_multiple %add3A_432, 2048 : i32
    %dma_start3A_434 = tpu.memref_slice %arg2[%multiple_of3A, %multiple_of3A_433] : memref<64x32768xi32, #tpu.memory_space<hbm>> -> memref<8x2048xi32, #tpu.memory_space<hbm>>
    %dma_start3A_435 = tpu.memref_slice %arg2[%multiple_of3A, %multiple_of3A_433] : memref<64x32768xi32, #tpu.memory_space<hbm>> -> memref<8x2048xi32, #tpu.memory_space<hbm>>
    tpu.enqueue_dma source(%dma_start3A_435 : memref<8x2048xi32, #tpu.memory_space<hbm>>) target(%arg7 : memref<8x2048xi32, #tpu.memory_space<vmem>>) target_semaphore(%arg11 : memref<!tpu.dma_semaphore, #tpu.memory_space<semaphore_mem>>)
    %add3A_436 = arith.constant 2048 : i32
    %add3A_437 = arith.addi %multiple_of3A_35, %add3A_436 : i32
    %multiple_of3A_438 = tpu.assume_multiple %add3A_437, 2048 : i32
    %dma_wait3A_439 = tpu.memref_slice %arg2[%multiple_of3A, %multiple_of3A_438] : memref<64x32768xi32, #tpu.memory_space<hbm>> -> memref<8x2048xi32, #tpu.memory_space<hbm>>
    %dma_wait3A_440 = tpu.memref_slice %arg2[%multiple_of3A, %multiple_of3A_438] : memref<64x32768xi32, #tpu.memory_space<hbm>> -> memref<8x2048xi32, #tpu.memory_space<hbm>>
    tpu.wait_dma2 semaphore(%arg12 : memref<!tpu.dma_semaphore, #tpu.memory_space<semaphore_mem>>) src(%dma_wait3A_440 : memref<8x2048xi32, #tpu.memory_space<hbm>>) dst(%arg8 : memref<8x2048xi32, #tpu.memory_space<vmem>>)
    %parallel_loop3A_441 = arith.constant 0 : i32
    %parallel_loop3A_442 = arith.constant 2048 : i32
    %parallel_loop3A_443 = arith.constant 16 : i32
    scf.for %parallel_loop3A_563 = %parallel_loop3A_441 to %parallel_loop3A_442 step %parallel_loop3A_443  : i32 {
      %parallel_loop3A_564 = tpu.assume_multiple %parallel_loop3A_563, 16 : i32
      %parallel_loop3A_565 = arith.constant 0 : i32
      %parallel_loop3A_566 = arith.index_cast %parallel_loop3A_565 : i32 to index
      %parallel_loop3A_567 = arith.index_cast %parallel_loop3A_564 : i32 to index
      %parallel_loop3A_568 = tpu.vector_load %arg8[%parallel_loop3A_566, %parallel_loop3A_567] {strides = array<i32>} : memref<8x2048xi32, #tpu.memory_space<vmem>>, vector<16xi32>,
      %parallel_loop3A_569 = arith.constant 4 : i32
      %parallel_loop3A_570 = vector.broadcast %parallel_loop3A_569 : i32 to vector<16xi32>
      %parallel_loop3A_571 = arith.shli %parallel_loop3A_568, %parallel_loop3A_570 : vector<16xi32>
      %parallel_loop3A_572 = arith.ori %parallel_loop3A_571, %iota3A : vector<16xi32>
      %parallel_loop3A_573 = tpu.vector_load_idx %arg6[%parallel_loop3A_572] : memref<1024xi32, #tpu.memory_space<vmem>>[vector<16xi32>], vector<16xi32>,
      %parallel_loop3A_574 = arith.constant 0 : i32
      %parallel_loop3A_575 = arith.index_cast %parallel_loop3A_574 : i32 to index
      %parallel_loop3A_576 = arith.index_cast %parallel_loop3A_564 : i32 to index
      %parallel_loop3A_577 = tpu.vector_load %arg10[%parallel_loop3A_575, %parallel_loop3A_576] {strides = array<i32>} : memref<8x2048xi32, #tpu.memory_space<vmem>>, vector<16xi32>,
      tpu.vector_store %arg10[%parallel_loop3A_575, %parallel_loop3A_576], %parallel_loop3A_573 {strides = array<i32>} : memref<8x2048xi32, #tpu.memory_space<vmem>>, vector<16xi32>,
    } {sc.loop_unroll_factor = 8 : i64, sc.parallel_access}
    %parallel_loop3A_444 = arith.constant 0 : i32
    %parallel_loop3A_445 = arith.constant 2048 : i32
    %parallel_loop3A_446 = arith.constant 16 : i32
    scf.for %parallel_loop3A_563 = %parallel_loop3A_444 to %parallel_loop3A_445 step %parallel_loop3A_446  : i32 {
      %parallel_loop3A_564 = tpu.assume_multiple %parallel_loop3A_563, 16 : i32
      %parallel_loop3A_565 = arith.constant 1 : i32
      %parallel_loop3A_566 = arith.index_cast %parallel_loop3A_565 : i32 to index
      %parallel_loop3A_567 = arith.index_cast %parallel_loop3A_564 : i32 to index
      %parallel_loop3A_568 = tpu.vector_load %arg8[%parallel_loop3A_566, %parallel_loop3A_567] {strides = array<i32>} : memref<8x2048xi32, #tpu.memory_space<vmem>>, vector<16xi32>,
      %parallel_loop3A_569 = arith.constant 4 : i32
      %parallel_loop3A_570 = vector.broadcast %parallel_loop3A_569 : i32 to vector<16xi32>
      %parallel_loop3A_571 = arith.shli %parallel_loop3A_568, %parallel_loop3A_570 : vector<16xi32>
      %parallel_loop3A_572 = arith.ori %parallel_loop3A_571, %iota3A : vector<16xi32>
      %parallel_loop3A_573 = tpu.vector_load_idx %arg6[%parallel_loop3A_572] : memref<1024xi32, #tpu.memory_space<vmem>>[vector<16xi32>], vector<16xi32>,
      %parallel_loop3A_574 = arith.constant 1 : i32
      %parallel_loop3A_575 = arith.index_cast %parallel_loop3A_574 : i32 to index
      %parallel_loop3A_576 = arith.index_cast %parallel_loop3A_564 : i32 to index
      %parallel_loop3A_577 = tpu.vector_load %arg10[%parallel_loop3A_575, %parallel_loop3A_576] {strides = array<i32>} : memref<8x2048xi32, #tpu.memory_space<vmem>>, vector<16xi32>,
      tpu.vector_store %arg10[%parallel_loop3A_575, %parallel_loop3A_576], %parallel_loop3A_573 {strides = array<i32>} : memref<8x2048xi32, #tpu.memory_space<vmem>>, vector<16xi32>,
    } {sc.loop_unroll_factor = 8 : i64, sc.parallel_access}
    %parallel_loop3A_447 = arith.constant 0 : i32
    %parallel_loop3A_448 = arith.constant 2048 : i32
    %parallel_loop3A_449 = arith.constant 16 : i32
    scf.for %parallel_loop3A_563 = %parallel_loop3A_447 to %parallel_loop3A_448 step %parallel_loop3A_449  : i32 {
      %parallel_loop3A_564 = tpu.assume_multiple %parallel_loop3A_563, 16 : i32
      %parallel_loop3A_565 = arith.constant 2 : i32
      %parallel_loop3A_566 = arith.index_cast %parallel_loop3A_565 : i32 to index
      %parallel_loop3A_567 = arith.index_cast %parallel_loop3A_564 : i32 to index
      %parallel_loop3A_568 = tpu.vector_load %arg8[%parallel_loop3A_566, %parallel_loop3A_567] {strides = array<i32>} : memref<8x2048xi32, #tpu.memory_space<vmem>>, vector<16xi32>,
      %parallel_loop3A_569 = arith.constant 4 : i32
      %parallel_loop3A_570 = vector.broadcast %parallel_loop3A_569 : i32 to vector<16xi32>
      %parallel_loop3A_571 = arith.shli %parallel_loop3A_568, %parallel_loop3A_570 : vector<16xi32>
      %parallel_loop3A_572 = arith.ori %parallel_loop3A_571, %iota3A : vector<16xi32>
      %parallel_loop3A_573 = tpu.vector_load_idx %arg6[%parallel_loop3A_572] : memref<1024xi32, #tpu.memory_space<vmem>>[vector<16xi32>], vector<16xi32>,
      %parallel_loop3A_574 = arith.constant 2 : i32
      %parallel_loop3A_575 = arith.index_cast %parallel_loop3A_574 : i32 to index
      %parallel_loop3A_576 = arith.index_cast %parallel_loop3A_564 : i32 to index
      %parallel_loop3A_577 = tpu.vector_load %arg10[%parallel_loop3A_575, %parallel_loop3A_576] {strides = array<i32>} : memref<8x2048xi32, #tpu.memory_space<vmem>>, vector<16xi32>,
      tpu.vector_store %arg10[%parallel_loop3A_575, %parallel_loop3A_576], %parallel_loop3A_573 {strides = array<i32>} : memref<8x2048xi32, #tpu.memory_space<vmem>>, vector<16xi32>,
    } {sc.loop_unroll_factor = 8 : i64, sc.parallel_access}
    %parallel_loop3A_450 = arith.constant 0 : i32
    %parallel_loop3A_451 = arith.constant 2048 : i32
    %parallel_loop3A_452 = arith.constant 16 : i32
    scf.for %parallel_loop3A_563 = %parallel_loop3A_450 to %parallel_loop3A_451 step %parallel_loop3A_452  : i32 {
      %parallel_loop3A_564 = tpu.assume_multiple %parallel_loop3A_563, 16 : i32
      %parallel_loop3A_565 = arith.constant 3 : i32
      %parallel_loop3A_566 = arith.index_cast %parallel_loop3A_565 : i32 to index
      %parallel_loop3A_567 = arith.index_cast %parallel_loop3A_564 : i32 to index
      %parallel_loop3A_568 = tpu.vector_load %arg8[%parallel_loop3A_566, %parallel_loop3A_567] {strides = array<i32>} : memref<8x2048xi32, #tpu.memory_space<vmem>>, vector<16xi32>,
      %parallel_loop3A_569 = arith.constant 4 : i32
      %parallel_loop3A_570 = vector.broadcast %parallel_loop3A_569 : i32 to vector<16xi32>
      %parallel_loop3A_571 = arith.shli %parallel_loop3A_568, %parallel_loop3A_570 : vector<16xi32>
      %parallel_loop3A_572 = arith.ori %parallel_loop3A_571, %iota3A : vector<16xi32>
      %parallel_loop3A_573 = tpu.vector_load_idx %arg6[%parallel_loop3A_572] : memref<1024xi32, #tpu.memory_space<vmem>>[vector<16xi32>], vector<16xi32>,
      %parallel_loop3A_574 = arith.constant 3 : i32
      %parallel_loop3A_575 = arith.index_cast %parallel_loop3A_574 : i32 to index
      %parallel_loop3A_576 = arith.index_cast %parallel_loop3A_564 : i32 to index
      %parallel_loop3A_577 = tpu.vector_load %arg10[%parallel_loop3A_575, %parallel_loop3A_576] {strides = array<i32>} : memref<8x2048xi32, #tpu.memory_space<vmem>>, vector<16xi32>,
      tpu.vector_store %arg10[%parallel_loop3A_575, %parallel_loop3A_576], %parallel_loop3A_573 {strides = array<i32>} : memref<8x2048xi32, #tpu.memory_space<vmem>>, vector<16xi32>,
    } {sc.loop_unroll_factor = 8 : i64, sc.parallel_access}
    %parallel_loop3A_453 = arith.constant 0 : i32
    %parallel_loop3A_454 = arith.constant 2048 : i32
    %parallel_loop3A_455 = arith.constant 16 : i32
    scf.for %parallel_loop3A_563 = %parallel_loop3A_453 to %parallel_loop3A_454 step %parallel_loop3A_455  : i32 {
      %parallel_loop3A_564 = tpu.assume_multiple %parallel_loop3A_563, 16 : i32
      %parallel_loop3A_565 = arith.constant 4 : i32
      %parallel_loop3A_566 = arith.index_cast %parallel_loop3A_565 : i32 to index
      %parallel_loop3A_567 = arith.index_cast %parallel_loop3A_564 : i32 to index
      %parallel_loop3A_568 = tpu.vector_load %arg8[%parallel_loop3A_566, %parallel_loop3A_567] {strides = array<i32>} : memref<8x2048xi32, #tpu.memory_space<vmem>>, vector<16xi32>,
      %parallel_loop3A_569 = arith.constant 4 : i32
      %parallel_loop3A_570 = vector.broadcast %parallel_loop3A_569 : i32 to vector<16xi32>
      %parallel_loop3A_571 = arith.shli %parallel_loop3A_568, %parallel_loop3A_570 : vector<16xi32>
      %parallel_loop3A_572 = arith.ori %parallel_loop3A_571, %iota3A : vector<16xi32>
      %parallel_loop3A_573 = tpu.vector_load_idx %arg6[%parallel_loop3A_572] : memref<1024xi32, #tpu.memory_space<vmem>>[vector<16xi32>], vector<16xi32>,
      %parallel_loop3A_574 = arith.constant 4 : i32
      %parallel_loop3A_575 = arith.index_cast %parallel_loop3A_574 : i32 to index
      %parallel_loop3A_576 = arith.index_cast %parallel_loop3A_564 : i32 to index
      %parallel_loop3A_577 = tpu.vector_load %arg10[%parallel_loop3A_575, %parallel_loop3A_576] {strides = array<i32>} : memref<8x2048xi32, #tpu.memory_space<vmem>>, vector<16xi32>,
      tpu.vector_store %arg10[%parallel_loop3A_575, %parallel_loop3A_576], %parallel_loop3A_573 {strides = array<i32>} : memref<8x2048xi32, #tpu.memory_space<vmem>>, vector<16xi32>,
    } {sc.loop_unroll_factor = 8 : i64, sc.parallel_access}
    %parallel_loop3A_456 = arith.constant 0 : i32
    %parallel_loop3A_457 = arith.constant 2048 : i32
    %parallel_loop3A_458 = arith.constant 16 : i32
    scf.for %parallel_loop3A_563 = %parallel_loop3A_456 to %parallel_loop3A_457 step %parallel_loop3A_458  : i32 {
      %parallel_loop3A_564 = tpu.assume_multiple %parallel_loop3A_563, 16 : i32
      %parallel_loop3A_565 = arith.constant 5 : i32
      %parallel_loop3A_566 = arith.index_cast %parallel_loop3A_565 : i32 to index
      %parallel_loop3A_567 = arith.index_cast %parallel_loop3A_564 : i32 to index
      %parallel_loop3A_568 = tpu.vector_load %arg8[%parallel_loop3A_566, %parallel_loop3A_567] {strides = array<i32>} : memref<8x2048xi32, #tpu.memory_space<vmem>>, vector<16xi32>,
      %parallel_loop3A_569 = arith.constant 4 : i32
      %parallel_loop3A_570 = vector.broadcast %parallel_loop3A_569 : i32 to vector<16xi32>
      %parallel_loop3A_571 = arith.shli %parallel_loop3A_568, %parallel_loop3A_570 : vector<16xi32>
      %parallel_loop3A_572 = arith.ori %parallel_loop3A_571, %iota3A : vector<16xi32>
      %parallel_loop3A_573 = tpu.vector_load_idx %arg6[%parallel_loop3A_572] : memref<1024xi32, #tpu.memory_space<vmem>>[vector<16xi32>], vector<16xi32>,
      %parallel_loop3A_574 = arith.constant 5 : i32
      %parallel_loop3A_575 = arith.index_cast %parallel_loop3A_574 : i32 to index
      %parallel_loop3A_576 = arith.index_cast %parallel_loop3A_564 : i32 to index
      %parallel_loop3A_577 = tpu.vector_load %arg10[%parallel_loop3A_575, %parallel_loop3A_576] {strides = array<i32>} : memref<8x2048xi32, #tpu.memory_space<vmem>>, vector<16xi32>,
      tpu.vector_store %arg10[%parallel_loop3A_575, %parallel_loop3A_576], %parallel_loop3A_573 {strides = array<i32>} : memref<8x2048xi32, #tpu.memory_space<vmem>>, vector<16xi32>,
    } {sc.loop_unroll_factor = 8 : i64, sc.parallel_access}
    %parallel_loop3A_459 = arith.constant 0 : i32
    %parallel_loop3A_460 = arith.constant 2048 : i32
    %parallel_loop3A_461 = arith.constant 16 : i32
    scf.for %parallel_loop3A_563 = %parallel_loop3A_459 to %parallel_loop3A_460 step %parallel_loop3A_461  : i32 {
      %parallel_loop3A_564 = tpu.assume_multiple %parallel_loop3A_563, 16 : i32
      %parallel_loop3A_565 = arith.constant 6 : i32
      %parallel_loop3A_566 = arith.index_cast %parallel_loop3A_565 : i32 to index
      %parallel_loop3A_567 = arith.index_cast %parallel_loop3A_564 : i32 to index
      %parallel_loop3A_568 = tpu.vector_load %arg8[%parallel_loop3A_566, %parallel_loop3A_567] {strides = array<i32>} : memref<8x2048xi32, #tpu.memory_space<vmem>>, vector<16xi32>,
      %parallel_loop3A_569 = arith.constant 4 : i32
      %parallel_loop3A_570 = vector.broadcast %parallel_loop3A_569 : i32 to vector<16xi32>
      %parallel_loop3A_571 = arith.shli %parallel_loop3A_568, %parallel_loop3A_570 : vector<16xi32>
      %parallel_loop3A_572 = arith.ori %parallel_loop3A_571, %iota3A : vector<16xi32>
      %parallel_loop3A_573 = tpu.vector_load_idx %arg6[%parallel_loop3A_572] : memref<1024xi32, #tpu.memory_space<vmem>>[vector<16xi32>], vector<16xi32>,
      %parallel_loop3A_574 = arith.constant 6 : i32
      %parallel_loop3A_575 = arith.index_cast %parallel_loop3A_574 : i32 to index
      %parallel_loop3A_576 = arith.index_cast %parallel_loop3A_564 : i32 to index
      %parallel_loop3A_577 = tpu.vector_load %arg10[%parallel_loop3A_575, %parallel_loop3A_576] {strides = array<i32>} : memref<8x2048xi32, #tpu.memory_space<vmem>>, vector<16xi32>,
      tpu.vector_store %arg10[%parallel_loop3A_575, %parallel_loop3A_576], %parallel_loop3A_573 {strides = array<i32>} : memref<8x2048xi32, #tpu.memory_space<vmem>>, vector<16xi32>,
    } {sc.loop_unroll_factor = 8 : i64, sc.parallel_access}
    %parallel_loop3A_462 = arith.constant 0 : i32
    %parallel_loop3A_463 = arith.constant 2048 : i32
    %parallel_loop3A_464 = arith.constant 16 : i32
    scf.for %parallel_loop3A_563 = %parallel_loop3A_462 to %parallel_loop3A_463 step %parallel_loop3A_464  : i32 {
      %parallel_loop3A_564 = tpu.assume_multiple %parallel_loop3A_563, 16 : i32
      %parallel_loop3A_565 = arith.constant 7 : i32
      %parallel_loop3A_566 = arith.index_cast %parallel_loop3A_565 : i32 to index
      %parallel_loop3A_567 = arith.index_cast %parallel_loop3A_564 : i32 to index
      %parallel_loop3A_568 = tpu.vector_load %arg8[%parallel_loop3A_566, %parallel_loop3A_567] {strides = array<i32>} : memref<8x2048xi32, #tpu.memory_space<vmem>>, vector<16xi32>,
      %parallel_loop3A_569 = arith.constant 4 : i32
      %parallel_loop3A_570 = vector.broadcast %parallel_loop3A_569 : i32 to vector<16xi32>
      %parallel_loop3A_571 = arith.shli %parallel_loop3A_568, %parallel_loop3A_570 : vector<16xi32>
      %parallel_loop3A_572 = arith.ori %parallel_loop3A_571, %iota3A : vector<16xi32>
      %parallel_loop3A_573 = tpu.vector_load_idx %arg6[%parallel_loop3A_572] : memref<1024xi32, #tpu.memory_space<vmem>>[vector<16xi32>], vector<16xi32>,
      %parallel_loop3A_574 = arith.constant 7 : i32
      %parallel_loop3A_575 = arith.index_cast %parallel_loop3A_574 : i32 to index
      %parallel_loop3A_576 = arith.index_cast %parallel_loop3A_564 : i32 to index
      %parallel_loop3A_577 = tpu.vector_load %arg10[%parallel_loop3A_575, %parallel_loop3A_576] {strides = array<i32>} : memref<8x2048xi32, #tpu.memory_space<vmem>>, vector<16xi32>,
      tpu.vector_store %arg10[%parallel_loop3A_575, %parallel_loop3A_576], %parallel_loop3A_573 {strides = array<i32>} : memref<8x2048xi32, #tpu.memory_space<vmem>>, vector<16xi32>,
    } {sc.loop_unroll_factor = 8 : i64, sc.parallel_access}
    %add3A_465 = arith.constant 2048 : i32
    %add3A_466 = arith.addi %multiple_of3A_35, %add3A_465 : i32
    %multiple_of3A_467 = tpu.assume_multiple %add3A_466, 2048 : i32
    %dma_start3A_468 = tpu.memref_slice %arg4[%multiple_of3A, %multiple_of3A_467] : memref<64x32768xi32, #tpu.memory_space<hbm>> -> memref<8x2048xi32, #tpu.memory_space<hbm>>
    %dma_start3A_469 = tpu.memref_slice %arg4[%multiple_of3A, %multiple_of3A_467] : memref<64x32768xi32, #tpu.memory_space<hbm>> -> memref<8x2048xi32, #tpu.memory_space<hbm>>
    tpu.enqueue_dma source(%arg10 : memref<8x2048xi32, #tpu.memory_space<vmem>>) target(%dma_start3A_469 : memref<8x2048xi32, #tpu.memory_space<hbm>>) target_semaphore(%arg14 : memref<!tpu.dma_semaphore, #tpu.memory_space<semaphore_mem>>)
    %add3A_470 = arith.constant 6144 : i32
    %add3A_471 = arith.addi %multiple_of3A_35, %add3A_470 : i32
    %multiple_of3A_472 = tpu.assume_multiple %add3A_471, 2048 : i32
    %dma_start3A_473 = tpu.memref_slice %arg2[%multiple_of3A, %multiple_of3A_472] : memref<64x32768xi32, #tpu.memory_space<hbm>> -> memref<8x2048xi32, #tpu.memory_space<hbm>>
    %dma_start3A_474 = tpu.memref_slice %arg2[%multiple_of3A, %multiple_of3A_472] : memref<64x32768xi32, #tpu.memory_space<hbm>> -> memref<8x2048xi32, #tpu.memory_space<hbm>>
    tpu.enqueue_dma source(%dma_start3A_474 : memref<8x2048xi32, #tpu.memory_space<hbm>>) target(%arg8 : memref<8x2048xi32, #tpu.memory_space<vmem>>) target_semaphore(%arg12 : memref<!tpu.dma_semaphore, #tpu.memory_space<semaphore_mem>>)
    %add3A_475 = arith.constant 4096 : i32
    %add3A_476 = arith.addi %multiple_of3A_35, %add3A_475 : i32
    %multiple_of3A_477 = tpu.assume_multiple %add3A_476, 2048 : i32
    %dma_wait3A_478 = tpu.memref_slice %arg2[%multiple_of3A, %multiple_of3A_477] : memref<64x32768xi32, #tpu.memory_space<hbm>> -> memref<8x2048xi32, #tpu.memory_space<hbm>>
    %dma_wait3A_479 = tpu.memref_slice %arg2[%multiple_of3A, %multiple_of3A_477] : memref<64x32768xi32, #tpu.memory_space<hbm>> -> memref<8x2048xi32, #tpu.memory_space<hbm>>
    tpu.wait_dma2 semaphore(%arg11 : memref<!tpu.dma_semaphore, #tpu.memory_space<semaphore_mem>>) src(%dma_wait3A_479 : memref<8x2048xi32, #tpu.memory_space<hbm>>) dst(%arg7 : memref<8x2048xi32, #tpu.memory_space<vmem>>)
    %add3A_480 = arith.constant 0 : i32
    %add3A_481 = arith.addi %multiple_of3A_35, %add3A_480 : i32
    %multiple_of3A_482 = tpu.assume_multiple %add3A_481, 2048 : i32
    %dma_wait3A_483 = tpu.memref_slice %arg4[%multiple_of3A, %multiple_of3A_482] : memref<64x32768xi32, #tpu.memory_space<hbm>> -> memref<8x2048xi32, #tpu.memory_space<hbm>>
    %dma_wait3A_484 = tpu.memref_slice %arg4[%multiple_of3A, %multiple_of3A_482] : memref<64x32768xi32, #tpu.memory_space<hbm>> -> memref<8x2048xi32, #tpu.memory_space<hbm>>
    tpu.wait_dma2 semaphore(%arg13 : memref<!tpu.dma_semaphore, #tpu.memory_space<semaphore_mem>>) src(%arg9 : memref<8x2048xi32, #tpu.memory_space<vmem>>) dst(%dma_wait3A_484 : memref<8x2048xi32, #tpu.memory_space<hbm>>)
    %parallel_loop3A_485 = arith.constant 0 : i32
    %parallel_loop3A_486 = arith.constant 2048 : i32
    %parallel_loop3A_487 = arith.constant 16 : i32
    scf.for %parallel_loop3A_563 = %parallel_loop3A_485 to %parallel_loop3A_486 step %parallel_loop3A_487  : i32 {
      %parallel_loop3A_564 = tpu.assume_multiple %parallel_loop3A_563, 16 : i32
      %parallel_loop3A_565 = arith.constant 0 : i32
      %parallel_loop3A_566 = arith.index_cast %parallel_loop3A_565 : i32 to index
      %parallel_loop3A_567 = arith.index_cast %parallel_loop3A_564 : i32 to index
      %parallel_loop3A_568 = tpu.vector_load %arg7[%parallel_loop3A_566, %parallel_loop3A_567] {strides = array<i32>} : memref<8x2048xi32, #tpu.memory_space<vmem>>, vector<16xi32>,
      %parallel_loop3A_569 = arith.constant 4 : i32
      %parallel_loop3A_570 = vector.broadcast %parallel_loop3A_569 : i32 to vector<16xi32>
      %parallel_loop3A_571 = arith.shli %parallel_loop3A_568, %parallel_loop3A_570 : vector<16xi32>
      %parallel_loop3A_572 = arith.ori %parallel_loop3A_571, %iota3A : vector<16xi32>
      %parallel_loop3A_573 = tpu.vector_load_idx %arg6[%parallel_loop3A_572] : memref<1024xi32, #tpu.memory_space<vmem>>[vector<16xi32>], vector<16xi32>,
      %parallel_loop3A_574 = arith.constant 0 : i32
      %parallel_loop3A_575 = arith.index_cast %parallel_loop3A_574 : i32 to index
      %parallel_loop3A_576 = arith.index_cast %parallel_loop3A_564 : i32 to index
      %parallel_loop3A_577 = tpu.vector_load %arg9[%parallel_loop3A_575, %parallel_loop3A_576] {strides = array<i32>} : memref<8x2048xi32, #tpu.memory_space<vmem>>, vector<16xi32>,
      tpu.vector_store %arg9[%parallel_loop3A_575, %parallel_loop3A_576], %parallel_loop3A_573 {strides = array<i32>} : memref<8x2048xi32, #tpu.memory_space<vmem>>, vector<16xi32>,
    } {sc.loop_unroll_factor = 8 : i64, sc.parallel_access}
    %parallel_loop3A_488 = arith.constant 0 : i32
    %parallel_loop3A_489 = arith.constant 2048 : i32
    %parallel_loop3A_490 = arith.constant 16 : i32
    scf.for %parallel_loop3A_563 = %parallel_loop3A_488 to %parallel_loop3A_489 step %parallel_loop3A_490  : i32 {
      %parallel_loop3A_564 = tpu.assume_multiple %parallel_loop3A_563, 16 : i32
      %parallel_loop3A_565 = arith.constant 1 : i32
      %parallel_loop3A_566 = arith.index_cast %parallel_loop3A_565 : i32 to index
      %parallel_loop3A_567 = arith.index_cast %parallel_loop3A_564 : i32 to index
      %parallel_loop3A_568 = tpu.vector_load %arg7[%parallel_loop3A_566, %parallel_loop3A_567] {strides = array<i32>} : memref<8x2048xi32, #tpu.memory_space<vmem>>, vector<16xi32>,
      %parallel_loop3A_569 = arith.constant 4 : i32
      %parallel_loop3A_570 = vector.broadcast %parallel_loop3A_569 : i32 to vector<16xi32>
      %parallel_loop3A_571 = arith.shli %parallel_loop3A_568, %parallel_loop3A_570 : vector<16xi32>
      %parallel_loop3A_572 = arith.ori %parallel_loop3A_571, %iota3A : vector<16xi32>
      %parallel_loop3A_573 = tpu.vector_load_idx %arg6[%parallel_loop3A_572] : memref<1024xi32, #tpu.memory_space<vmem>>[vector<16xi32>], vector<16xi32>,
      %parallel_loop3A_574 = arith.constant 1 : i32
      %parallel_loop3A_575 = arith.index_cast %parallel_loop3A_574 : i32 to index
      %parallel_loop3A_576 = arith.index_cast %parallel_loop3A_564 : i32 to index
      %parallel_loop3A_577 = tpu.vector_load %arg9[%parallel_loop3A_575, %parallel_loop3A_576] {strides = array<i32>} : memref<8x2048xi32, #tpu.memory_space<vmem>>, vector<16xi32>,
      tpu.vector_store %arg9[%parallel_loop3A_575, %parallel_loop3A_576], %parallel_loop3A_573 {strides = array<i32>} : memref<8x2048xi32, #tpu.memory_space<vmem>>, vector<16xi32>,
    } {sc.loop_unroll_factor = 8 : i64, sc.parallel_access}
    %parallel_loop3A_491 = arith.constant 0 : i32
    %parallel_loop3A_492 = arith.constant 2048 : i32
    %parallel_loop3A_493 = arith.constant 16 : i32
    scf.for %parallel_loop3A_563 = %parallel_loop3A_491 to %parallel_loop3A_492 step %parallel_loop3A_493  : i32 {
      %parallel_loop3A_564 = tpu.assume_multiple %parallel_loop3A_563, 16 : i32
      %parallel_loop3A_565 = arith.constant 2 : i32
      %parallel_loop3A_566 = arith.index_cast %parallel_loop3A_565 : i32 to index
      %parallel_loop3A_567 = arith.index_cast %parallel_loop3A_564 : i32 to index
      %parallel_loop3A_568 = tpu.vector_load %arg7[%parallel_loop3A_566, %parallel_loop3A_567] {strides = array<i32>} : memref<8x2048xi32, #tpu.memory_space<vmem>>, vector<16xi32>,
      %parallel_loop3A_569 = arith.constant 4 : i32
      %parallel_loop3A_570 = vector.broadcast %parallel_loop3A_569 : i32 to vector<16xi32>
      %parallel_loop3A_571 = arith.shli %parallel_loop3A_568, %parallel_loop3A_570 : vector<16xi32>
      %parallel_loop3A_572 = arith.ori %parallel_loop3A_571, %iota3A : vector<16xi32>
      %parallel_loop3A_573 = tpu.vector_load_idx %arg6[%parallel_loop3A_572] : memref<1024xi32, #tpu.memory_space<vmem>>[vector<16xi32>], vector<16xi32>,
      %parallel_loop3A_574 = arith.constant 2 : i32
      %parallel_loop3A_575 = arith.index_cast %parallel_loop3A_574 : i32 to index
      %parallel_loop3A_576 = arith.index_cast %parallel_loop3A_564 : i32 to index
      %parallel_loop3A_577 = tpu.vector_load %arg9[%parallel_loop3A_575, %parallel_loop3A_576] {strides = array<i32>} : memref<8x2048xi32, #tpu.memory_space<vmem>>, vector<16xi32>,
      tpu.vector_store %arg9[%parallel_loop3A_575, %parallel_loop3A_576], %parallel_loop3A_573 {strides = array<i32>} : memref<8x2048xi32, #tpu.memory_space<vmem>>, vector<16xi32>,
    } {sc.loop_unroll_factor = 8 : i64, sc.parallel_access}
    %parallel_loop3A_494 = arith.constant 0 : i32
    %parallel_loop3A_495 = arith.constant 2048 : i32
    %parallel_loop3A_496 = arith.constant 16 : i32
    scf.for %parallel_loop3A_563 = %parallel_loop3A_494 to %parallel_loop3A_495 step %parallel_loop3A_496  : i32 {
      %parallel_loop3A_564 = tpu.assume_multiple %parallel_loop3A_563, 16 : i32
      %parallel_loop3A_565 = arith.constant 3 : i32
      %parallel_loop3A_566 = arith.index_cast %parallel_loop3A_565 : i32 to index
      %parallel_loop3A_567 = arith.index_cast %parallel_loop3A_564 : i32 to index
      %parallel_loop3A_568 = tpu.vector_load %arg7[%parallel_loop3A_566, %parallel_loop3A_567] {strides = array<i32>} : memref<8x2048xi32, #tpu.memory_space<vmem>>, vector<16xi32>,
      %parallel_loop3A_569 = arith.constant 4 : i32
      %parallel_loop3A_570 = vector.broadcast %parallel_loop3A_569 : i32 to vector<16xi32>
      %parallel_loop3A_571 = arith.shli %parallel_loop3A_568, %parallel_loop3A_570 : vector<16xi32>
      %parallel_loop3A_572 = arith.ori %parallel_loop3A_571, %iota3A : vector<16xi32>
      %parallel_loop3A_573 = tpu.vector_load_idx %arg6[%parallel_loop3A_572] : memref<1024xi32, #tpu.memory_space<vmem>>[vector<16xi32>], vector<16xi32>,
      %parallel_loop3A_574 = arith.constant 3 : i32
      %parallel_loop3A_575 = arith.index_cast %parallel_loop3A_574 : i32 to index
      %parallel_loop3A_576 = arith.index_cast %parallel_loop3A_564 : i32 to index
      %parallel_loop3A_577 = tpu.vector_load %arg9[%parallel_loop3A_575, %parallel_loop3A_576] {strides = array<i32>} : memref<8x2048xi32, #tpu.memory_space<vmem>>, vector<16xi32>,
      tpu.vector_store %arg9[%parallel_loop3A_575, %parallel_loop3A_576], %parallel_loop3A_573 {strides = array<i32>} : memref<8x2048xi32, #tpu.memory_space<vmem>>, vector<16xi32>,
    } {sc.loop_unroll_factor = 8 : i64, sc.parallel_access}
    %parallel_loop3A_497 = arith.constant 0 : i32
    %parallel_loop3A_498 = arith.constant 2048 : i32
    %parallel_loop3A_499 = arith.constant 16 : i32
    scf.for %parallel_loop3A_563 = %parallel_loop3A_497 to %parallel_loop3A_498 step %parallel_loop3A_499  : i32 {
      %parallel_loop3A_564 = tpu.assume_multiple %parallel_loop3A_563, 16 : i32
      %parallel_loop3A_565 = arith.constant 4 : i32
      %parallel_loop3A_566 = arith.index_cast %parallel_loop3A_565 : i32 to index
      %parallel_loop3A_567 = arith.index_cast %parallel_loop3A_564 : i32 to index
      %parallel_loop3A_568 = tpu.vector_load %arg7[%parallel_loop3A_566, %parallel_loop3A_567] {strides = array<i32>} : memref<8x2048xi32, #tpu.memory_space<vmem>>, vector<16xi32>,
      %parallel_loop3A_569 = arith.constant 4 : i32
      %parallel_loop3A_570 = vector.broadcast %parallel_loop3A_569 : i32 to vector<16xi32>
      %parallel_loop3A_571 = arith.shli %parallel_loop3A_568, %parallel_loop3A_570 : vector<16xi32>
      %parallel_loop3A_572 = arith.ori %parallel_loop3A_571, %iota3A : vector<16xi32>
      %parallel_loop3A_573 = tpu.vector_load_idx %arg6[%parallel_loop3A_572] : memref<1024xi32, #tpu.memory_space<vmem>>[vector<16xi32>], vector<16xi32>,
      %parallel_loop3A_574 = arith.constant 4 : i32
      %parallel_loop3A_575 = arith.index_cast %parallel_loop3A_574 : i32 to index
      %parallel_loop3A_576 = arith.index_cast %parallel_loop3A_564 : i32 to index
      %parallel_loop3A_577 = tpu.vector_load %arg9[%parallel_loop3A_575, %parallel_loop3A_576] {strides = array<i32>} : memref<8x2048xi32, #tpu.memory_space<vmem>>, vector<16xi32>,
      tpu.vector_store %arg9[%parallel_loop3A_575, %parallel_loop3A_576], %parallel_loop3A_573 {strides = array<i32>} : memref<8x2048xi32, #tpu.memory_space<vmem>>, vector<16xi32>,
    } {sc.loop_unroll_factor = 8 : i64, sc.parallel_access}
    %parallel_loop3A_500 = arith.constant 0 : i32
    %parallel_loop3A_501 = arith.constant 2048 : i32
    %parallel_loop3A_502 = arith.constant 16 : i32
    scf.for %parallel_loop3A_563 = %parallel_loop3A_500 to %parallel_loop3A_501 step %parallel_loop3A_502  : i32 {
      %parallel_loop3A_564 = tpu.assume_multiple %parallel_loop3A_563, 16 : i32
      %parallel_loop3A_565 = arith.constant 5 : i32
      %parallel_loop3A_566 = arith.index_cast %parallel_loop3A_565 : i32 to index
      %parallel_loop3A_567 = arith.index_cast %parallel_loop3A_564 : i32 to index
      %parallel_loop3A_568 = tpu.vector_load %arg7[%parallel_loop3A_566, %parallel_loop3A_567] {strides = array<i32>} : memref<8x2048xi32, #tpu.memory_space<vmem>>, vector<16xi32>,
      %parallel_loop3A_569 = arith.constant 4 : i32
      %parallel_loop3A_570 = vector.broadcast %parallel_loop3A_569 : i32 to vector<16xi32>
      %parallel_loop3A_571 = arith.shli %parallel_loop3A_568, %parallel_loop3A_570 : vector<16xi32>
      %parallel_loop3A_572 = arith.ori %parallel_loop3A_571, %iota3A : vector<16xi32>
      %parallel_loop3A_573 = tpu.vector_load_idx %arg6[%parallel_loop3A_572] : memref<1024xi32, #tpu.memory_space<vmem>>[vector<16xi32>], vector<16xi32>,
      %parallel_loop3A_574 = arith.constant 5 : i32
      %parallel_loop3A_575 = arith.index_cast %parallel_loop3A_574 : i32 to index
      %parallel_loop3A_576 = arith.index_cast %parallel_loop3A_564 : i32 to index
      %parallel_loop3A_577 = tpu.vector_load %arg9[%parallel_loop3A_575, %parallel_loop3A_576] {strides = array<i32>} : memref<8x2048xi32, #tpu.memory_space<vmem>>, vector<16xi32>,
      tpu.vector_store %arg9[%parallel_loop3A_575, %parallel_loop3A_576], %parallel_loop3A_573 {strides = array<i32>} : memref<8x2048xi32, #tpu.memory_space<vmem>>, vector<16xi32>,
    } {sc.loop_unroll_factor = 8 : i64, sc.parallel_access}
    %parallel_loop3A_503 = arith.constant 0 : i32
    %parallel_loop3A_504 = arith.constant 2048 : i32
    %parallel_loop3A_505 = arith.constant 16 : i32
    scf.for %parallel_loop3A_563 = %parallel_loop3A_503 to %parallel_loop3A_504 step %parallel_loop3A_505  : i32 {
      %parallel_loop3A_564 = tpu.assume_multiple %parallel_loop3A_563, 16 : i32
      %parallel_loop3A_565 = arith.constant 6 : i32
      %parallel_loop3A_566 = arith.index_cast %parallel_loop3A_565 : i32 to index
      %parallel_loop3A_567 = arith.index_cast %parallel_loop3A_564 : i32 to index
      %parallel_loop3A_568 = tpu.vector_load %arg7[%parallel_loop3A_566, %parallel_loop3A_567] {strides = array<i32>} : memref<8x2048xi32, #tpu.memory_space<vmem>>, vector<16xi32>,
      %parallel_loop3A_569 = arith.constant 4 : i32
      %parallel_loop3A_570 = vector.broadcast %parallel_loop3A_569 : i32 to vector<16xi32>
      %parallel_loop3A_571 = arith.shli %parallel_loop3A_568, %parallel_loop3A_570 : vector<16xi32>
      %parallel_loop3A_572 = arith.ori %parallel_loop3A_571, %iota3A : vector<16xi32>
      %parallel_loop3A_573 = tpu.vector_load_idx %arg6[%parallel_loop3A_572] : memref<1024xi32, #tpu.memory_space<vmem>>[vector<16xi32>], vector<16xi32>,
      %parallel_loop3A_574 = arith.constant 6 : i32
      %parallel_loop3A_575 = arith.index_cast %parallel_loop3A_574 : i32 to index
      %parallel_loop3A_576 = arith.index_cast %parallel_loop3A_564 : i32 to index
      %parallel_loop3A_577 = tpu.vector_load %arg9[%parallel_loop3A_575, %parallel_loop3A_576] {strides = array<i32>} : memref<8x2048xi32, #tpu.memory_space<vmem>>, vector<16xi32>,
      tpu.vector_store %arg9[%parallel_loop3A_575, %parallel_loop3A_576], %parallel_loop3A_573 {strides = array<i32>} : memref<8x2048xi32, #tpu.memory_space<vmem>>, vector<16xi32>,
    } {sc.loop_unroll_factor = 8 : i64, sc.parallel_access}
    %parallel_loop3A_506 = arith.constant 0 : i32
    %parallel_loop3A_507 = arith.constant 2048 : i32
    %parallel_loop3A_508 = arith.constant 16 : i32
    scf.for %parallel_loop3A_563 = %parallel_loop3A_506 to %parallel_loop3A_507 step %parallel_loop3A_508  : i32 {
      %parallel_loop3A_564 = tpu.assume_multiple %parallel_loop3A_563, 16 : i32
      %parallel_loop3A_565 = arith.constant 7 : i32
      %parallel_loop3A_566 = arith.index_cast %parallel_loop3A_565 : i32 to index
      %parallel_loop3A_567 = arith.index_cast %parallel_loop3A_564 : i32 to index
      %parallel_loop3A_568 = tpu.vector_load %arg7[%parallel_loop3A_566, %parallel_loop3A_567] {strides = array<i32>} : memref<8x2048xi32, #tpu.memory_space<vmem>>, vector<16xi32>,
      %parallel_loop3A_569 = arith.constant 4 : i32
      %parallel_loop3A_570 = vector.broadcast %parallel_loop3A_569 : i32 to vector<16xi32>
      %parallel_loop3A_571 = arith.shli %parallel_loop3A_568, %parallel_loop3A_570 : vector<16xi32>
      %parallel_loop3A_572 = arith.ori %parallel_loop3A_571, %iota3A : vector<16xi32>
      %parallel_loop3A_573 = tpu.vector_load_idx %arg6[%parallel_loop3A_572] : memref<1024xi32, #tpu.memory_space<vmem>>[vector<16xi32>], vector<16xi32>,
      %parallel_loop3A_574 = arith.constant 7 : i32
      %parallel_loop3A_575 = arith.index_cast %parallel_loop3A_574 : i32 to index
      %parallel_loop3A_576 = arith.index_cast %parallel_loop3A_564 : i32 to index
      %parallel_loop3A_577 = tpu.vector_load %arg9[%parallel_loop3A_575, %parallel_loop3A_576] {strides = array<i32>} : memref<8x2048xi32, #tpu.memory_space<vmem>>, vector<16xi32>,
      tpu.vector_store %arg9[%parallel_loop3A_575, %parallel_loop3A_576], %parallel_loop3A_573 {strides = array<i32>} : memref<8x2048xi32, #tpu.memory_space<vmem>>, vector<16xi32>,
    } {sc.loop_unroll_factor = 8 : i64, sc.parallel_access}
    %add3A_509 = arith.constant 4096 : i32
    %add3A_510 = arith.addi %multiple_of3A_35, %add3A_509 : i32
    %multiple_of3A_511 = tpu.assume_multiple %add3A_510, 2048 : i32
    %dma_start3A_512 = tpu.memref_slice %arg4[%multiple_of3A, %multiple_of3A_511] : memref<64x32768xi32, #tpu.memory_space<hbm>> -> memref<8x2048xi32, #tpu.memory_space<hbm>>
    %dma_start3A_513 = tpu.memref_slice %arg4[%multiple_of3A, %multiple_of3A_511] : memref<64x32768xi32, #tpu.memory_space<hbm>> -> memref<8x2048xi32, #tpu.memory_space<hbm>>
    tpu.enqueue_dma source(%arg9 : memref<8x2048xi32, #tpu.memory_space<vmem>>) target(%dma_start3A_513 : memref<8x2048xi32, #tpu.memory_space<hbm>>) target_semaphore(%arg13 : memref<!tpu.dma_semaphore, #tpu.memory_space<semaphore_mem>>)
    %add3A_514 = arith.constant 6144 : i32
    %add3A_515 = arith.addi %multiple_of3A_35, %add3A_514 : i32
    %multiple_of3A_516 = tpu.assume_multiple %add3A_515, 2048 : i32
    %dma_wait3A_517 = tpu.memref_slice %arg2[%multiple_of3A, %multiple_of3A_516] : memref<64x32768xi32, #tpu.memory_space<hbm>> -> memref<8x2048xi32, #tpu.memory_space<hbm>>
    %dma_wait3A_518 = tpu.memref_slice %arg2[%multiple_of3A, %multiple_of3A_516] : memref<64x32768xi32, #tpu.memory_space<hbm>> -> memref<8x2048xi32, #tpu.memory_space<hbm>>
    tpu.wait_dma2 semaphore(%arg12 : memref<!tpu.dma_semaphore, #tpu.memory_space<semaphore_mem>>) src(%dma_wait3A_518 : memref<8x2048xi32, #tpu.memory_space<hbm>>) dst(%arg8 : memref<8x2048xi32, #tpu.memory_space<vmem>>)
    %add3A_519 = arith.constant 2048 : i32
    %add3A_520 = arith.addi %multiple_of3A_35, %add3A_519 : i32
    %multiple_of3A_521 = tpu.assume_multiple %add3A_520, 2048 : i32
    %dma_wait3A_522 = tpu.memref_slice %arg4[%multiple_of3A, %multiple_of3A_521] : memref<64x32768xi32, #tpu.memory_space<hbm>> -> memref<8x2048xi32, #tpu.memory_space<hbm>>
    %dma_wait3A_523 = tpu.memref_slice %arg4[%multiple_of3A, %multiple_of3A_521] : memref<64x32768xi32, #tpu.memory_space<hbm>> -> memref<8x2048xi32, #tpu.memory_space<hbm>>
    tpu.wait_dma2 semaphore(%arg14 : memref<!tpu.dma_semaphore, #tpu.memory_space<semaphore_mem>>) src(%arg10 : memref<8x2048xi32, #tpu.memory_space<vmem>>) dst(%dma_wait3A_523 : memref<8x2048xi32, #tpu.memory_space<hbm>>)
    %parallel_loop3A_524 = arith.constant 0 : i32
    %parallel_loop3A_525 = arith.constant 2048 : i32
    %parallel_loop3A_526 = arith.constant 16 : i32
    scf.for %parallel_loop3A_563 = %parallel_loop3A_524 to %parallel_loop3A_525 step %parallel_loop3A_526  : i32 {
      %parallel_loop3A_564 = tpu.assume_multiple %parallel_loop3A_563, 16 : i32
      %parallel_loop3A_565 = arith.constant 0 : i32
      %parallel_loop3A_566 = arith.index_cast %parallel_loop3A_565 : i32 to index
      %parallel_loop3A_567 = arith.index_cast %parallel_loop3A_564 : i32 to index
      %parallel_loop3A_568 = tpu.vector_load %arg8[%parallel_loop3A_566, %parallel_loop3A_567] {strides = array<i32>} : memref<8x2048xi32, #tpu.memory_space<vmem>>, vector<16xi32>,
      %parallel_loop3A_569 = arith.constant 4 : i32
      %parallel_loop3A_570 = vector.broadcast %parallel_loop3A_569 : i32 to vector<16xi32>
      %parallel_loop3A_571 = arith.shli %parallel_loop3A_568, %parallel_loop3A_570 : vector<16xi32>
      %parallel_loop3A_572 = arith.ori %parallel_loop3A_571, %iota3A : vector<16xi32>
      %parallel_loop3A_573 = tpu.vector_load_idx %arg6[%parallel_loop3A_572] : memref<1024xi32, #tpu.memory_space<vmem>>[vector<16xi32>], vector<16xi32>,
      %parallel_loop3A_574 = arith.constant 0 : i32
      %parallel_loop3A_575 = arith.index_cast %parallel_loop3A_574 : i32 to index
      %parallel_loop3A_576 = arith.index_cast %parallel_loop3A_564 : i32 to index
      %parallel_loop3A_577 = tpu.vector_load %arg10[%parallel_loop3A_575, %parallel_loop3A_576] {strides = array<i32>} : memref<8x2048xi32, #tpu.memory_space<vmem>>, vector<16xi32>,
      tpu.vector_store %arg10[%parallel_loop3A_575, %parallel_loop3A_576], %parallel_loop3A_573 {strides = array<i32>} : memref<8x2048xi32, #tpu.memory_space<vmem>>, vector<16xi32>,
    } {sc.loop_unroll_factor = 8 : i64, sc.parallel_access}
    %parallel_loop3A_527 = arith.constant 0 : i32
    %parallel_loop3A_528 = arith.constant 2048 : i32
    %parallel_loop3A_529 = arith.constant 16 : i32
    scf.for %parallel_loop3A_563 = %parallel_loop3A_527 to %parallel_loop3A_528 step %parallel_loop3A_529  : i32 {
      %parallel_loop3A_564 = tpu.assume_multiple %parallel_loop3A_563, 16 : i32
      %parallel_loop3A_565 = arith.constant 1 : i32
      %parallel_loop3A_566 = arith.index_cast %parallel_loop3A_565 : i32 to index
      %parallel_loop3A_567 = arith.index_cast %parallel_loop3A_564 : i32 to index
      %parallel_loop3A_568 = tpu.vector_load %arg8[%parallel_loop3A_566, %parallel_loop3A_567] {strides = array<i32>} : memref<8x2048xi32, #tpu.memory_space<vmem>>, vector<16xi32>,
      %parallel_loop3A_569 = arith.constant 4 : i32
      %parallel_loop3A_570 = vector.broadcast %parallel_loop3A_569 : i32 to vector<16xi32>
      %parallel_loop3A_571 = arith.shli %parallel_loop3A_568, %parallel_loop3A_570 : vector<16xi32>
      %parallel_loop3A_572 = arith.ori %parallel_loop3A_571, %iota3A : vector<16xi32>
      %parallel_loop3A_573 = tpu.vector_load_idx %arg6[%parallel_loop3A_572] : memref<1024xi32, #tpu.memory_space<vmem>>[vector<16xi32>], vector<16xi32>,
      %parallel_loop3A_574 = arith.constant 1 : i32
      %parallel_loop3A_575 = arith.index_cast %parallel_loop3A_574 : i32 to index
      %parallel_loop3A_576 = arith.index_cast %parallel_loop3A_564 : i32 to index
      %parallel_loop3A_577 = tpu.vector_load %arg10[%parallel_loop3A_575, %parallel_loop3A_576] {strides = array<i32>} : memref<8x2048xi32, #tpu.memory_space<vmem>>, vector<16xi32>,
      tpu.vector_store %arg10[%parallel_loop3A_575, %parallel_loop3A_576], %parallel_loop3A_573 {strides = array<i32>} : memref<8x2048xi32, #tpu.memory_space<vmem>>, vector<16xi32>,
    } {sc.loop_unroll_factor = 8 : i64, sc.parallel_access}
    %parallel_loop3A_530 = arith.constant 0 : i32
    %parallel_loop3A_531 = arith.constant 2048 : i32
    %parallel_loop3A_532 = arith.constant 16 : i32
    scf.for %parallel_loop3A_563 = %parallel_loop3A_530 to %parallel_loop3A_531 step %parallel_loop3A_532  : i32 {
      %parallel_loop3A_564 = tpu.assume_multiple %parallel_loop3A_563, 16 : i32
      %parallel_loop3A_565 = arith.constant 2 : i32
      %parallel_loop3A_566 = arith.index_cast %parallel_loop3A_565 : i32 to index
      %parallel_loop3A_567 = arith.index_cast %parallel_loop3A_564 : i32 to index
      %parallel_loop3A_568 = tpu.vector_load %arg8[%parallel_loop3A_566, %parallel_loop3A_567] {strides = array<i32>} : memref<8x2048xi32, #tpu.memory_space<vmem>>, vector<16xi32>,
      %parallel_loop3A_569 = arith.constant 4 : i32
      %parallel_loop3A_570 = vector.broadcast %parallel_loop3A_569 : i32 to vector<16xi32>
      %parallel_loop3A_571 = arith.shli %parallel_loop3A_568, %parallel_loop3A_570 : vector<16xi32>
      %parallel_loop3A_572 = arith.ori %parallel_loop3A_571, %iota3A : vector<16xi32>
      %parallel_loop3A_573 = tpu.vector_load_idx %arg6[%parallel_loop3A_572] : memref<1024xi32, #tpu.memory_space<vmem>>[vector<16xi32>], vector<16xi32>,
      %parallel_loop3A_574 = arith.constant 2 : i32
      %parallel_loop3A_575 = arith.index_cast %parallel_loop3A_574 : i32 to index
      %parallel_loop3A_576 = arith.index_cast %parallel_loop3A_564 : i32 to index
      %parallel_loop3A_577 = tpu.vector_load %arg10[%parallel_loop3A_575, %parallel_loop3A_576] {strides = array<i32>} : memref<8x2048xi32, #tpu.memory_space<vmem>>, vector<16xi32>,
      tpu.vector_store %arg10[%parallel_loop3A_575, %parallel_loop3A_576], %parallel_loop3A_573 {strides = array<i32>} : memref<8x2048xi32, #tpu.memory_space<vmem>>, vector<16xi32>,
    } {sc.loop_unroll_factor = 8 : i64, sc.parallel_access}
    %parallel_loop3A_533 = arith.constant 0 : i32
    %parallel_loop3A_534 = arith.constant 2048 : i32
    %parallel_loop3A_535 = arith.constant 16 : i32
    scf.for %parallel_loop3A_563 = %parallel_loop3A_533 to %parallel_loop3A_534 step %parallel_loop3A_535  : i32 {
      %parallel_loop3A_564 = tpu.assume_multiple %parallel_loop3A_563, 16 : i32
      %parallel_loop3A_565 = arith.constant 3 : i32
      %parallel_loop3A_566 = arith.index_cast %parallel_loop3A_565 : i32 to index
      %parallel_loop3A_567 = arith.index_cast %parallel_loop3A_564 : i32 to index
      %parallel_loop3A_568 = tpu.vector_load %arg8[%parallel_loop3A_566, %parallel_loop3A_567] {strides = array<i32>} : memref<8x2048xi32, #tpu.memory_space<vmem>>, vector<16xi32>,
      %parallel_loop3A_569 = arith.constant 4 : i32
      %parallel_loop3A_570 = vector.broadcast %parallel_loop3A_569 : i32 to vector<16xi32>
      %parallel_loop3A_571 = arith.shli %parallel_loop3A_568, %parallel_loop3A_570 : vector<16xi32>
      %parallel_loop3A_572 = arith.ori %parallel_loop3A_571, %iota3A : vector<16xi32>
      %parallel_loop3A_573 = tpu.vector_load_idx %arg6[%parallel_loop3A_572] : memref<1024xi32, #tpu.memory_space<vmem>>[vector<16xi32>], vector<16xi32>,
      %parallel_loop3A_574 = arith.constant 3 : i32
      %parallel_loop3A_575 = arith.index_cast %parallel_loop3A_574 : i32 to index
      %parallel_loop3A_576 = arith.index_cast %parallel_loop3A_564 : i32 to index
      %parallel_loop3A_577 = tpu.vector_load %arg10[%parallel_loop3A_575, %parallel_loop3A_576] {strides = array<i32>} : memref<8x2048xi32, #tpu.memory_space<vmem>>, vector<16xi32>,
      tpu.vector_store %arg10[%parallel_loop3A_575, %parallel_loop3A_576], %parallel_loop3A_573 {strides = array<i32>} : memref<8x2048xi32, #tpu.memory_space<vmem>>, vector<16xi32>,
    } {sc.loop_unroll_factor = 8 : i64, sc.parallel_access}
    %parallel_loop3A_536 = arith.constant 0 : i32
    %parallel_loop3A_537 = arith.constant 2048 : i32
    %parallel_loop3A_538 = arith.constant 16 : i32
    scf.for %parallel_loop3A_563 = %parallel_loop3A_536 to %parallel_loop3A_537 step %parallel_loop3A_538  : i32 {
      %parallel_loop3A_564 = tpu.assume_multiple %parallel_loop3A_563, 16 : i32
      %parallel_loop3A_565 = arith.constant 4 : i32
      %parallel_loop3A_566 = arith.index_cast %parallel_loop3A_565 : i32 to index
      %parallel_loop3A_567 = arith.index_cast %parallel_loop3A_564 : i32 to index
      %parallel_loop3A_568 = tpu.vector_load %arg8[%parallel_loop3A_566, %parallel_loop3A_567] {strides = array<i32>} : memref<8x2048xi32, #tpu.memory_space<vmem>>, vector<16xi32>,
      %parallel_loop3A_569 = arith.constant 4 : i32
      %parallel_loop3A_570 = vector.broadcast %parallel_loop3A_569 : i32 to vector<16xi32>
      %parallel_loop3A_571 = arith.shli %parallel_loop3A_568, %parallel_loop3A_570 : vector<16xi32>
      %parallel_loop3A_572 = arith.ori %parallel_loop3A_571, %iota3A : vector<16xi32>
      %parallel_loop3A_573 = tpu.vector_load_idx %arg6[%parallel_loop3A_572] : memref<1024xi32, #tpu.memory_space<vmem>>[vector<16xi32>], vector<16xi32>,
      %parallel_loop3A_574 = arith.constant 4 : i32
      %parallel_loop3A_575 = arith.index_cast %parallel_loop3A_574 : i32 to index
      %parallel_loop3A_576 = arith.index_cast %parallel_loop3A_564 : i32 to index
      %parallel_loop3A_577 = tpu.vector_load %arg10[%parallel_loop3A_575, %parallel_loop3A_576] {strides = array<i32>} : memref<8x2048xi32, #tpu.memory_space<vmem>>, vector<16xi32>,
      tpu.vector_store %arg10[%parallel_loop3A_575, %parallel_loop3A_576], %parallel_loop3A_573 {strides = array<i32>} : memref<8x2048xi32, #tpu.memory_space<vmem>>, vector<16xi32>,
    } {sc.loop_unroll_factor = 8 : i64, sc.parallel_access}
    %parallel_loop3A_539 = arith.constant 0 : i32
    %parallel_loop3A_540 = arith.constant 2048 : i32
    %parallel_loop3A_541 = arith.constant 16 : i32
    scf.for %parallel_loop3A_563 = %parallel_loop3A_539 to %parallel_loop3A_540 step %parallel_loop3A_541  : i32 {
      %parallel_loop3A_564 = tpu.assume_multiple %parallel_loop3A_563, 16 : i32
      %parallel_loop3A_565 = arith.constant 5 : i32
      %parallel_loop3A_566 = arith.index_cast %parallel_loop3A_565 : i32 to index
      %parallel_loop3A_567 = arith.index_cast %parallel_loop3A_564 : i32 to index
      %parallel_loop3A_568 = tpu.vector_load %arg8[%parallel_loop3A_566, %parallel_loop3A_567] {strides = array<i32>} : memref<8x2048xi32, #tpu.memory_space<vmem>>, vector<16xi32>,
      %parallel_loop3A_569 = arith.constant 4 : i32
      %parallel_loop3A_570 = vector.broadcast %parallel_loop3A_569 : i32 to vector<16xi32>
      %parallel_loop3A_571 = arith.shli %parallel_loop3A_568, %parallel_loop3A_570 : vector<16xi32>
      %parallel_loop3A_572 = arith.ori %parallel_loop3A_571, %iota3A : vector<16xi32>
      %parallel_loop3A_573 = tpu.vector_load_idx %arg6[%parallel_loop3A_572] : memref<1024xi32, #tpu.memory_space<vmem>>[vector<16xi32>], vector<16xi32>,
      %parallel_loop3A_574 = arith.constant 5 : i32
      %parallel_loop3A_575 = arith.index_cast %parallel_loop3A_574 : i32 to index
      %parallel_loop3A_576 = arith.index_cast %parallel_loop3A_564 : i32 to index
      %parallel_loop3A_577 = tpu.vector_load %arg10[%parallel_loop3A_575, %parallel_loop3A_576] {strides = array<i32>} : memref<8x2048xi32, #tpu.memory_space<vmem>>, vector<16xi32>,
      tpu.vector_store %arg10[%parallel_loop3A_575, %parallel_loop3A_576], %parallel_loop3A_573 {strides = array<i32>} : memref<8x2048xi32, #tpu.memory_space<vmem>>, vector<16xi32>,
    } {sc.loop_unroll_factor = 8 : i64, sc.parallel_access}
    %parallel_loop3A_542 = arith.constant 0 : i32
    %parallel_loop3A_543 = arith.constant 2048 : i32
    %parallel_loop3A_544 = arith.constant 16 : i32
    scf.for %parallel_loop3A_563 = %parallel_loop3A_542 to %parallel_loop3A_543 step %parallel_loop3A_544  : i32 {
      %parallel_loop3A_564 = tpu.assume_multiple %parallel_loop3A_563, 16 : i32
      %parallel_loop3A_565 = arith.constant 6 : i32
      %parallel_loop3A_566 = arith.index_cast %parallel_loop3A_565 : i32 to index
      %parallel_loop3A_567 = arith.index_cast %parallel_loop3A_564 : i32 to index
      %parallel_loop3A_568 = tpu.vector_load %arg8[%parallel_loop3A_566, %parallel_loop3A_567] {strides = array<i32>} : memref<8x2048xi32, #tpu.memory_space<vmem>>, vector<16xi32>,
      %parallel_loop3A_569 = arith.constant 4 : i32
      %parallel_loop3A_570 = vector.broadcast %parallel_loop3A_569 : i32 to vector<16xi32>
      %parallel_loop3A_571 = arith.shli %parallel_loop3A_568, %parallel_loop3A_570 : vector<16xi32>
      %parallel_loop3A_572 = arith.ori %parallel_loop3A_571, %iota3A : vector<16xi32>
      %parallel_loop3A_573 = tpu.vector_load_idx %arg6[%parallel_loop3A_572] : memref<1024xi32, #tpu.memory_space<vmem>>[vector<16xi32>], vector<16xi32>,
      %parallel_loop3A_574 = arith.constant 6 : i32
      %parallel_loop3A_575 = arith.index_cast %parallel_loop3A_574 : i32 to index
      %parallel_loop3A_576 = arith.index_cast %parallel_loop3A_564 : i32 to index
      %parallel_loop3A_577 = tpu.vector_load %arg10[%parallel_loop3A_575, %parallel_loop3A_576] {strides = array<i32>} : memref<8x2048xi32, #tpu.memory_space<vmem>>, vector<16xi32>,
      tpu.vector_store %arg10[%parallel_loop3A_575, %parallel_loop3A_576], %parallel_loop3A_573 {strides = array<i32>} : memref<8x2048xi32, #tpu.memory_space<vmem>>, vector<16xi32>,
    } {sc.loop_unroll_factor = 8 : i64, sc.parallel_access}
    %parallel_loop3A_545 = arith.constant 0 : i32
    %parallel_loop3A_546 = arith.constant 2048 : i32
    %parallel_loop3A_547 = arith.constant 16 : i32
    scf.for %parallel_loop3A_563 = %parallel_loop3A_545 to %parallel_loop3A_546 step %parallel_loop3A_547  : i32 {
      %parallel_loop3A_564 = tpu.assume_multiple %parallel_loop3A_563, 16 : i32
      %parallel_loop3A_565 = arith.constant 7 : i32
      %parallel_loop3A_566 = arith.index_cast %parallel_loop3A_565 : i32 to index
      %parallel_loop3A_567 = arith.index_cast %parallel_loop3A_564 : i32 to index
      %parallel_loop3A_568 = tpu.vector_load %arg8[%parallel_loop3A_566, %parallel_loop3A_567] {strides = array<i32>} : memref<8x2048xi32, #tpu.memory_space<vmem>>, vector<16xi32>,
      %parallel_loop3A_569 = arith.constant 4 : i32
      %parallel_loop3A_570 = vector.broadcast %parallel_loop3A_569 : i32 to vector<16xi32>
      %parallel_loop3A_571 = arith.shli %parallel_loop3A_568, %parallel_loop3A_570 : vector<16xi32>
      %parallel_loop3A_572 = arith.ori %parallel_loop3A_571, %iota3A : vector<16xi32>
      %parallel_loop3A_573 = tpu.vector_load_idx %arg6[%parallel_loop3A_572] : memref<1024xi32, #tpu.memory_space<vmem>>[vector<16xi32>], vector<16xi32>,
      %parallel_loop3A_574 = arith.constant 7 : i32
      %parallel_loop3A_575 = arith.index_cast %parallel_loop3A_574 : i32 to index
      %parallel_loop3A_576 = arith.index_cast %parallel_loop3A_564 : i32 to index
      %parallel_loop3A_577 = tpu.vector_load %arg10[%parallel_loop3A_575, %parallel_loop3A_576] {strides = array<i32>} : memref<8x2048xi32, #tpu.memory_space<vmem>>, vector<16xi32>,
      tpu.vector_store %arg10[%parallel_loop3A_575, %parallel_loop3A_576], %parallel_loop3A_573 {strides = array<i32>} : memref<8x2048xi32, #tpu.memory_space<vmem>>, vector<16xi32>,
    } {sc.loop_unroll_factor = 8 : i64, sc.parallel_access}
    %add3A_548 = arith.constant 6144 : i32
    %add3A_549 = arith.addi %multiple_of3A_35, %add3A_548 : i32
    %multiple_of3A_550 = tpu.assume_multiple %add3A_549, 2048 : i32
    %dma_start3A_551 = tpu.memref_slice %arg4[%multiple_of3A, %multiple_of3A_550] : memref<64x32768xi32, #tpu.memory_space<hbm>> -> memref<8x2048xi32, #tpu.memory_space<hbm>>
    %dma_start3A_552 = tpu.memref_slice %arg4[%multiple_of3A, %multiple_of3A_550] : memref<64x32768xi32, #tpu.memory_space<hbm>> -> memref<8x2048xi32, #tpu.memory_space<hbm>>
    tpu.enqueue_dma source(%arg10 : memref<8x2048xi32, #tpu.memory_space<vmem>>) target(%dma_start3A_552 : memref<8x2048xi32, #tpu.memory_space<hbm>>) target_semaphore(%arg14 : memref<!tpu.dma_semaphore, #tpu.memory_space<semaphore_mem>>)
    %add3A_553 = arith.constant 4096 : i32
    %add3A_554 = arith.addi %multiple_of3A_35, %add3A_553 : i32
    %multiple_of3A_555 = tpu.assume_multiple %add3A_554, 2048 : i32
    %dma_wait3A_556 = tpu.memref_slice %arg4[%multiple_of3A, %multiple_of3A_555] : memref<64x32768xi32, #tpu.memory_space<hbm>> -> memref<8x2048xi32, #tpu.memory_space<hbm>>
    %dma_wait3A_557 = tpu.memref_slice %arg4[%multiple_of3A, %multiple_of3A_555] : memref<64x32768xi32, #tpu.memory_space<hbm>> -> memref<8x2048xi32, #tpu.memory_space<hbm>>
    tpu.wait_dma2 semaphore(%arg13 : memref<!tpu.dma_semaphore, #tpu.memory_space<semaphore_mem>>) src(%arg9 : memref<8x2048xi32, #tpu.memory_space<vmem>>) dst(%dma_wait3A_557 : memref<8x2048xi32, #tpu.memory_space<hbm>>)
    %add3A_558 = arith.constant 6144 : i32
    %add3A_559 = arith.addi %multiple_of3A_35, %add3A_558 : i32
    %multiple_of3A_560 = tpu.assume_multiple %add3A_559, 2048 : i32
    %dma_wait3A_561 = tpu.memref_slice %arg4[%multiple_of3A, %multiple_of3A_560] : memref<64x32768xi32, #tpu.memory_space<hbm>> -> memref<8x2048xi32, #tpu.memory_space<hbm>>
    %dma_wait3A_562 = tpu.memref_slice %arg4[%multiple_of3A, %multiple_of3A_560] : memref<64x32768xi32, #tpu.memory_space<hbm>> -> memref<8x2048xi32, #tpu.memory_space<hbm>>
    tpu.wait_dma2 semaphore(%arg14 : memref<!tpu.dma_semaphore, #tpu.memory_space<semaphore_mem>>) src(%arg10 : memref<8x2048xi32, #tpu.memory_space<vmem>>) dst(%dma_wait3A_562 : memref<8x2048xi32, #tpu.memory_space<hbm>>)
    return
  }
}

</mosaic_0001>

<sc_bundles>
// kernel: kernel.3.cloned.1.call-start
scs
__scs_entry_jumppad:
0x0: {  	(pc) =	sbr.rel $0x88, $3  }
0x1: {  	(tag) =	ssettag $0x0;
	lr =	simm.s32 $0x1  }
0x2: {  	[smem:$0x3F9F] =	sst lr;
	_ =	strace $0xD0000000  }
0x3: {  	_ = 	snop  }
0x4: {  	_ = 	snop  }
0x5: {  	_ = 	snop  }
0x6: {  	_ = 	snop  }
0x7: {  	_ = 	snop  }
__scs_overlays_trampoline_lowered:
0x8: {  	[smem:$0x3FAE] =	sst s0  }
0x9: {  	[smem:$0x3FAF] =	sst s1  }
0xa: {  	[smem:$0x3FB0] =	sst s2  }
0xb: {  	[smem:$0x3FB1] =	sst s3  }
0xc: {  	[smem:$0x3FB2] =	sst s4  }
0xd: {  	[smem:$0x3FB3] =	sst s5  }
0xe: {  	[smem:$0x3FB4] =	sst s6  }
0xf: {  	[smem:$0x3FB5] =	sst s7  }
0x10: {  	[smem:$0x3FB6] =	sst s8  }
0x11: {  	[smem:$0x3FB7] =	sst s9;
	s0 =	simm.s32 @!p0 $0x0  }
0x12: {  	s1 =	sld [smem:$0x3F9D];
	s0 =	simm.s32 @p0 $0x1  }
0x13: {  	[smem:$0x3FB8] =	sst s0;
	s0 =	simm.s32 @!p1 $0x0  }
0x14: {  	s2 =	sld [smem:$0x3F9C];
	s0 =	simm.s32 @p1 $0x1  }
0x15: {  	[smem:$0x3FB9] =	sst s0;
	s0 =	simm.s32 @!p2 $0x0  }
0x16: {  	s3 =	sld [smem:$0x3FDB];
	s0 =	simm.s32 @p2 $0x1  }
0x17: {  	s4 =	simm.s32 $0x1BF5;
	[smem:$0x3FBB] =	sst s0  }
0x18: {  	s0 =	sld [smem:$0x3F9E];
	_ =	swait.ge [sflag:s4], $0x0  }
0x19: {  	s7 =	sld [smem:$0x3F9F]  }
0x1a: {  	s8 =	sadd.s32 $0xFFFFE003, lr  }
0x1b: {  	s9 =	sadd.s32 $0xFFFFFEF7, lr;
	s5 =	simm.s32 $0xFFFFFFFF;
	p2 =	slt.u32 s8, $0xFFFFF086  }
0x1c: {  	p1 =	slt.u32 s9, $0xF7A;
	s5 =	simm.s32 @!p2 $0x0  }
0x1d: {  	s5 =	simm.s32 @p1 $0x1;
	p0 =	seq.s32 s7, s2  }
0x1e: {  	s7 =	smul.u32 @!p0 $0xF7A, s2;
	p2 =	seq.s32 @!p0 s5, $0x0  }
0x1f: {  	s9 =	smul.u32 $0xF7A, s1;
	s8 =	simm.s32 @!p0 $0x1BF5;
	p2 =	por !p2, p0  }
0x20: {  	[sflag:s8] =	ssyncset.s32 @!p0 $0xFFFFF086;
	s6 =	sadd.s32 @!p0 s3, s7;
	s7 =	simm.s32 @!p0 $0x108  }
0x21: {  	s3 =	sadd.s32 s3, s9;
	s6 =	sadd.s32 @!p0 $0x88, s6;
	s7 =	simm.s32 @p2 $0x1082  }
0x22: {  	[simem:s7], [sflag:s8] =	dma.local @!p0 [hbm:s6], $0xF7A  }
0x23: {  	s9 =	sor.u32 $0xD0000000, s2;
	s6 =	simm.s32 $0x108;
	_ =	swait.ge @!p0 [sflag:s8], $0x0  }
0x24: {  	s3 =	sadd.s32 $0x88, s3;
	s6 =	simm.s32 @!p1 $0x1082;
	[sflag:s4] =	ssyncset.s32 $0xFFFFF086  }
0x25: {  	[simem:s6], [sflag:s4] =	dma.local [hbm:s3], $0xF7A  }
0x26: {  	[smem:$0x3F9F] =	sst s1;
	(tag) =	ssettag s2;
	_ =	strace s9  }
0x27: {  	s1 =	sld [smem:$0x3FAF]  }
0x28: {  	s2 =	sld [smem:$0x3FB0]  }
0x29: {  	s4 =	sld [smem:$0x3FB2]  }
0x2a: {  	p0 =	seq.s32 s5, $0x0;
	s5 =	sld [smem:$0x3FB3]  }
0x2b: {  	s6 =	sld [smem:$0x3FB4]  }
0x2c: {  	s7 =	sld [smem:$0x3FB5]  }
0x2d: {  	s3 =	simm.s32 $0x108;
	s8 =	sld [smem:$0x3FB6]  }
0x2e: {  	s3 =	simm.s32 @!p0 $0x1082;
	s9 =	sld [smem:$0x3FB7]  }
0x2f: {  	lr =	sadd.s32 s0, s3;
	s0 =	sld [smem:$0x3FAE]  }
0x30: {  	s3 =	sld [smem:$0x3FB1]  }
0x31: {  	[smem:$0x3FBA] =	sst s10  }
0x32: {  	s10 =	sld [smem:$0x3FB8];
	_ =	sdelay $0x3  }
0x33: {  	p0 =	seq.s32 s10, $0x1;
	s10 =	sld [smem:$0x3FBA];
	_ =	sdelay $0x3  }
0x34: {  	[smem:$0x3FBA] =	sst s10  }
0x35: {  	s10 =	sld [smem:$0x3FB9];
	_ =	sdelay $0x3  }
0x36: {  	p1 =	seq.s32 s10, $0x1;
	s10 =	sld [smem:$0x3FBA];
	_ =	sdelay $0x3  }
0x37: {  	[smem:$0x3FBA] =	sst s10  }
0x38: {  	s10 =	sld [smem:$0x3FBB]  }
0x39: {  	_ = 	snop;
	(pc) =	sbr.ind lr, $3  }
0x3a: {  	_ = 	snop  }
0x3b: {  	_ = 	snop  }
0x3c: {  	p2 =	seq.s32 s10, $0x1;
	s10 =	sld [smem:$0x3FBA]  }
0x3d: {  	_ =	shalt  }
0x3e: {  	_ =	shalt  }
0x3f: {  	_ =	shalt  }
0x40: {  	_ =	shalt  }
0x41: {  	_ =	shalt  }
0x42: {  	_ =	shalt  }
0x43: {  	_ =	shalt  }
0x44: {  	_ =	shalt  }
0x45: {  	_ =	shalt  }
0x46: {  	_ =	shalt  }
0x47: {  	_ =	shalt  }
0x48: {  	_ =	shalt  }
0x49: {  	_ =	shalt  }
0x4a: {  	_ =	shalt  }
0x4b: {  	_ =	shalt  }
0x4c: {  	_ =	shalt  }
0x4d: {  	_ =	shalt  }
0x4e: {  	_ =	shalt  }
0x4f: {  	_ =	shalt  }
0x50: {  	_ =	shalt  }
0x51: {  	_ =	shalt  }
0x52: {  	_ =	shalt  }
0x53: {  	_ =	shalt  }
0x54: {  	_ =	shalt  }
0x55: {  	_ =	shalt  }
0x56: {  	_ =	shalt  }
0x57: {  	_ =	shalt  }
0x58: {  	_ =	shalt  }
0x59: {  	_ =	shalt  }
0x5a: {  	_ =	shalt  }
0x5b: {  	_ =	shalt  }
0x5c: {  	_ =	shalt  }
0x5d: {  	_ =	shalt  }
0x5e: {  	_ =	shalt  }
0x5f: {  	_ =	shalt  }
0x60: {  	_ =	shalt  }
0x61: {  	_ =	shalt  }
0x62: {  	_ =	shalt  }
0x63: {  	_ =	shalt  }
0x64: {  	_ =	shalt  }
0x65: {  	_ =	shalt  }
0x66: {  	_ =	shalt  }
0x67: {  	_ =	shalt  }
0x68: {  	_ =	shalt  }
0x69: {  	_ =	shalt  }
0x6a: {  	_ =	shalt  }
0x6b: {  	_ =	shalt  }
0x6c: {  	_ =	shalt  }
0x6d: {  	_ =	shalt  }
0x6e: {  	_ =	shalt  }
0x6f: {  	_ =	shalt  }
0x70: {  	_ =	shalt  }
0x71: {  	_ =	shalt  }
0x72: {  	_ =	shalt  }
0x73: {  	_ =	shalt  }
0x74: {  	_ =	shalt  }
0x75: {  	_ =	shalt  }
0x76: {  	_ =	shalt  }
0x77: {  	_ =	shalt  }
0x78: {  	_ =	shalt  }
0x79: {  	_ =	shalt  }
0x7a: {  	_ =	shalt  }
0x7b: {  	_ =	shalt  }
0x7c: {  	_ =	shalt  }
0x7d: {  	_ =	shalt  }
0x7e: {  	_ =	shalt  }
0x7f: {  	_ =	shalt  }
0x80: {  	_ =	shalt  }
0x81: {  	_ =	shalt  }
0x82: {  	_ =	shalt  }
0x83: {  	_ =	shalt  }
0x84: {  	_ =	shalt  }
0x85: {  	_ =	shalt  }
0x86: {  	_ =	shalt  }
0x87: {  	_ =	shalt  }
.Lfunc_end0:
.L_simem_size_0:
called_computation_lowered:
.L_overlay_start_0:
0x88: {  	s2 =	sld [smem:$0x3FD9]  }
0x89: {  	s3 =	sld [smem:$0x3FFE];
	_ =	sdelay $0x1  }
0x8a: {  	s1 =	srdreg.scid  }
0x8b: {  	s0 =	sand.u32 $0x1, s1  }
0x8c: {  	s18 =	sshll.u32 s0, $0xA;
	s2 =	sadd.s32 s3, s2  }
0x8d: {  	s2 =	sadd.s32 s2, s18  }
0x8e: {  	[smem:$0x3FC6] =	sst s2  }
0x8f: {  	_ = 	snop  }
0x90: {  	s2 =	sld [smem:$0x3FC9]  }
0x91: {  	s19 =	sld [smem:$0x3FC8]  }
0x92: {  	s4 =	sld [smem:$0x3FD0];
	(tm) =	ssettm $0x1  }
0x93: {  	s5 =	sld [smem:$0x3FFB];
	_ =	sdelay $0x3  }
0x94: {  	_ =	strace s5  }
0x95: {  	s5 =	sld [smem:$0x3FFC];
	_ =	sdelay $0x3  }
0x96: {  	_ =	strace s5  }
0x97: {  	s5 =	sld [smem:$0x3FFD];
	_ =	sdelay $0x3  }
0x98: {  	_ =	strace s5  }
0x99: {  	_ =	strace $0x8FFFFFFF  }
0x9a: {  	s20 =	sld [smem:$0x3FDB];
	_ =	sdelay $0x1  }
0x9b: {  	s6 =	simm.s32 $_scs_section_size  }
0x9c: {  	s7 =	simm.s32 $_size__tile_overlayer_lowered;
	s8 =	simm.s32 $_tile_overlayer_lowered  }
0x9d: {  	s23 =	simm.s32 $0x1BFF;
	s22 =	sshll.u32 s8, $0x1;
	s5 =	sadd.s32 s6, s20  }
0x9e: {  	s9 =	simm.s32 $0x0;
	s21 =	sshll.u32 s7, $0x1;
	s7 =	sadd.s32 s22, s5  }
0x9f: {  	[timem:s9], [sflag:s23] =	dma.local [hbm:s7], s21  }
0xa0: {  	_ =	swait.ge [sflag:s23], s21  }
0xa1: {  	s6 =	ssub.s32 $0x0, s21;
	[sflag:s23] =	ssyncset.done $0x0  }
0xa2: {  	[sflag:s23] =	ssyncadd.s32 s6;
	_ =	sdelay $0x1  }
0xa3: {  	s24 =	simm.s32 $0x1B8B  }
0xa4: {  	_ =	swait.ge [sflag:s24], $0x1  }
0xa5: {  	[sflag:s24] =	ssyncset.done $0x0  }
0xa6: {  	s25 =	simm.s32 $0x1B8E;
	[sflag:s24] =	ssyncadd.s32 $0xFFFFFFFF  }
0xa7: {  	s26 =	simm.s32 $execute0_lowered;
	[smem:$0x3FD2] =	sst s25  }
0xa8: {  	s6 =	sshll.u32 s26, $0x1;
	_ =	strace $0x80000046;
	[dreg:$0x1] =	wrdreg $0xFFFFFFFF  }
0xa9: {  	s28 =	simm.s32 $_size_execute0_lowered;
	s5 =	sadd.s32 s5, s6;
	[dreg:$0x0] =	wrdreg $0x0  }
0xaa: {  	s6 =	sshll.u32 s28, $0x1;
	[dreg:$0x2] =	wrdreg s5  }
0xab: {  	[dreg:$0x3] =	wrdreg s6  }
0xac: {  	[dreg:$0x4] =	wrdreg $0xC0  }
0xad: {  	_ =	task [dreg:s9], $0x5FFFF  }
0xae: {  	[dreg:$0x1] =	wrdreg $0xFFFFFFFF  }
0xaf: {  	[dreg:$0x0] =	wrdreg $0x60  }
0xb0: {  	[dreg:$0x2] =	wrdreg s2  }
0xb1: {  	[dreg:$0x3] =	wrdreg s19  }
0xb2: {  	[dreg:$0x4] =	wrdreg s4  }
0xb3: {  	[dreg:$0x5] =	wrdreg $0x9  }
0xb4: {  	_ =	task.clear_ibuf [dreg:s9], $0x6FFFF;
	_ =	strace $0x90000046  }
0xb5: {  	s29 =	simm.s32 $0x9;
	_ =	strace $0x80000048  }
0xb6: {  	_ =	swait.ge [sflag:s29], $0x1  }
0xb7: {  	[sflag:s29] =	ssyncadd.s32 $0xFFFFFFFF  }
0xb8: {  	_ =	strace $0x90000048  }
0xb9: {  	_ =	sfence  }
0xba: {  	s30 =	sld [smem:$0x0];
	_ =	sdelay $0x2  }
0xbb: {  	s31 =	sshll.u32 s1, $0xD;
	s1 =	sshrl.u32 s1, $0x2  }
0xbc: {  	s3 =	sand.u32 $0x4000, s31;
	s1 =	sadd.s32 s1, s30  }
0xbd: {  	s0 =	sor.u32 s3, s0;
	s1 =	sshll.u32 s1, $0x11  }
0xbe: {  	s0 =	sor.u32 s1, s0  }
0xbf: {  	s0 =	sadd.s32 $0x8F2B, s0  }
0xc0: {  	[sflag:s0] =	ssyncadd.remote.s32 $0x1  }
0xc1: {  	_ =	sfence.sel $0xFFFF  }
0xc2: {  	[dreg:$0x0] =	wrdreg $0xFFFFFFFF;
	(pc) =	sbr.abs _section_cstart, $3  }
0xc3: {  	[dreg:$0x1] =	wrdreg $0xFFFFFFFF  }
0xc4: {  	_ =	task.clear_ibuf [dreg:s9], $0x2FFFF;
	_ =	strace $0x9FFFFFFF  }
0xc5: {  	(tm) =	ssettm $0x7FFFFFFF  }
tec
execute0_lowered:
.L_overlay_start_1:
0x0: {  	(tag) =	ssettag $0x1  }
0x1: {  	s9 =	rddreg [dreg:$0x0]  }
0x2: {  	s2 =	rddreg [dreg:$0x1]  }
0x3: {  	s11 =	rddreg [dreg:$0x2]  }
0x4: {  	s0 =	rddreg [dreg:$0x3];
	s1 =	stileid.u32  }
0x5: {  	s3 =	simm.s32 $0x0;
	s4 =	srdreg.scid;
	s15 =	simm.s32 $0x5  }
0x6: {  	s16 =	simm.s32 $0x80;
	s17 =	simm.s32 $0x1;
	s18 =	simm.s32 $0x8480  }
0x7: {  	s19 =	simm.s32 $0x2;
	s20 =	simm.s32 $0xC480;
	s21 =	simm.s32 $0x3  }
0x8: {  	s22 =	simm.s32 $0x4;
	s23 =	simm.s32 $0x0;
	s5 =	sshll.u32 s1, $0x1  }
0x9: {  	[smem:$0x7FF] =	sst s3;
	s4 =	sand.u32 $0x1, s4;
	s6 =	sshll.u32 s1, $0x11  }
0xa: {  	s5 =	sand.u32 $0x2, s5;
	_ =	strace $0x80000047;
	s6 =	sand.u32 $0x1C0000, s6  }
0xb: {  	s5 =	sor.u32 s4, s5;
	s4 =	ssub.s32 $0x2, s4;
	s8 =	sshrl.u32 s6, $0x3  }
0xc: {  	s7 =	sshll.u32 s5, $0x10;
	s5 =	sshll.u32 s5, $0xD;
	s30 =	sshrl.u32 s4, $0x1  }
0xd: {  	s6 =	sor.u32 s6, s7;
	s8 =	sor.u32 s8, s5;
	s12 =	ssub.s32 s4, s30  }
0xe: {  	s10 =	sshrl.u32 s6, $0x3;
	s4 =	sadd.s32 s9, s8;
	s6 =	sadd.s32 s11, s8  }
0xf: {  	s12 =	smax.u32 s12, $0x1;
	s13 =	sor.u32 $0x800, s10;
	s14 =	sor.u32 $0x1000, s10  }
0x10: {  	s31 =	sor.u32 $0x1800, s10;
	s5 =	sadd.s32 s9, s13;
	s7 =	sadd.s32 s9, s14  }
0x11: {  	v0 =	vimm.s32 $0x0;
	v1 =	vlaneseq.u32;
	s8 =	sadd.s32 s11, s13;
	s9 =	sadd.s32 s9, s31;
	s10 =	sadd.s32 s11, s14  }
0x12: {  	v2 =	vor.u32 $0x30, v1;
	v3 =	vor.u32 $0x20, v1;
	v4 =	vor.u32 $0x10, v1;
	s11 =	sadd.s32 s11, s31;
	s13 =	simm.s32 $0x480;
	s14 =	simm.s32 $0x4480  }
.LBB2_1:
0x13: {  	[tilespmem:s13], [sflag:$0x1] =	stream.linear.gather [hbm4b:s4+s3], $0x4000, $0x38;
	[tilespmem:$0x10480] =	vst v63  }
0x14: {  	_ = 	snop  }
0x15: {  	[tilespmem:s14], [sflag:$0x2] =	stream.linear.gather [hbm4b:s5+s3], $0x4000, $0x38;
	[tilespmem:$0x10480] =	vst v63  }
0x16: {  	_ = 	snop  }
0x17: {  	[tilespmem:s3], [sflag:$0x5] =	stream.linear.gather [hbm4b:s2+s3], $0x40, $0x38;
	[tilespmem:$0x10480] =	vst v63  }
0x18: {  	_ =	swait.ge [sflag:s15], $0x40  }
0x19: {  	[sflag:s15] =	ssyncset.done $0x0  }
0x1a: {  	[sflag:s15] =	ssyncadd.s32 $0xFFFFFFC0  }
0x1b: {  	[tilespmem:$0x80] =	vst v0  }
0x1c: {  	[tilespmem:$0x90] =	vst v0  }
0x1d: {  	[tilespmem:$0xA0] =	vst v0  }
0x1e: {  	[tilespmem:$0xB0] =	vst v0  }
0x1f: {  	[tilespmem:$0xC0] =	vst v0  }
0x20: {  	[tilespmem:$0xD0] =	vst v0  }
0x21: {  	[tilespmem:$0xE0] =	vst v0  }
0x22: {  	[tilespmem:$0xF0] =	vst v0  }
0x23: {  	[tilespmem:$0x100] =	vst v0  }
0x24: {  	[tilespmem:$0x110] =	vst v0  }
0x25: {  	[tilespmem:$0x120] =	vst v0  }
0x26: {  	[tilespmem:$0x130] =	vst v0  }
0x27: {  	[tilespmem:$0x140] =	vst v0  }
0x28: {  	[tilespmem:$0x150] =	vst v0  }
0x29: {  	[tilespmem:$0x160] =	vst v0  }
0x2a: {  	[tilespmem:$0x170] =	vst v0  }
0x2b: {  	[tilespmem:$0x180] =	vst v0  }
0x2c: {  	[tilespmem:$0x190] =	vst v0  }
0x2d: {  	[tilespmem:$0x1A0] =	vst v0  }
0x2e: {  	[tilespmem:$0x1B0] =	vst v0  }
0x2f: {  	[tilespmem:$0x1C0] =	vst v0  }
0x30: {  	[tilespmem:$0x1D0] =	vst v0  }
0x31: {  	[tilespmem:$0x1E0] =	vst v0  }
0x32: {  	[tilespmem:$0x1F0] =	vst v0  }
0x33: {  	[tilespmem:$0x200] =	vst v0  }
0x34: {  	[tilespmem:$0x210] =	vst v0  }
0x35: {  	[tilespmem:$0x220] =	vst v0  }
0x36: {  	[tilespmem:$0x230] =	vst v0  }
0x37: {  	[tilespmem:$0x240] =	vst v0  }
0x38: {  	[tilespmem:$0x250] =	vst v0  }
0x39: {  	[tilespmem:$0x260] =	vst v0  }
0x3a: {  	[tilespmem:$0x270] =	vst v0  }
0x3b: {  	[tilespmem:$0x280] =	vst v0  }
0x3c: {  	[tilespmem:$0x290] =	vst v0  }
0x3d: {  	[tilespmem:$0x2A0] =	vst v0  }
0x3e: {  	[tilespmem:$0x2B0] =	vst v0  }
0x3f: {  	[tilespmem:$0x2C0] =	vst v0  }
0x40: {  	[tilespmem:$0x2D0] =	vst v0  }
0x41: {  	[tilespmem:$0x2E0] =	vst v0  }
0x42: {  	[tilespmem:$0x2F0] =	vst v0  }
0x43: {  	[tilespmem:$0x300] =	vst v0  }
0x44: {  	[tilespmem:$0x310] =	vst v0  }
0x45: {  	[tilespmem:$0x320] =	vst v0  }
0x46: {  	[tilespmem:$0x330] =	vst v0  }
0x47: {  	[tilespmem:$0x340] =	vst v0  }
0x48: {  	[tilespmem:$0x350] =	vst v0  }
0x49: {  	[tilespmem:$0x360] =	vst v0  }
0x4a: {  	[tilespmem:$0x370] =	vst v0  }
0x4b: {  	[tilespmem:$0x380] =	vst v0  }
0x4c: {  	[tilespmem:$0x390] =	vst v0  }
0x4d: {  	[tilespmem:$0x3A0] =	vst v0  }
0x4e: {  	[tilespmem:$0x3B0] =	vst v0  }
0x4f: {  	[tilespmem:$0x3C0] =	vst v0  }
0x50: {  	[tilespmem:$0x3D0] =	vst v0  }
0x51: {  	[tilespmem:$0x3E0] =	vst v0;
	v5 =	vld [tilespmem:$0x30]  }
0x52: {  	[tilespmem:$0x3F0] =	vst v0  }
0x53: {  	[tilespmem:$0x400] =	vst v0  }
0x54: {  	[tilespmem:$0x410] =	vst v0  }
0x55: {  	[tilespmem:$0x420] =	vst v0  }
0x56: {  	[tilespmem:$0x430] =	vst v0;
	v5 =	vshll.u32 v5, $0x4  }
0x57: {  	[tilespmem:$0x440] =	vst v0;
	v6 =	vor.u32 $0x1, v5  }
0x58: {  	[tilespmem:$0x450] =	vst v0;
	v7 =	vor.u32 $0x2, v5  }
0x59: {  	[tilespmem:$0x460] =	vst v0;
	v8 =	vor.u32 $0x3, v5  }
0x5a: {  	[tilespmem:$0x470] =	vst v0;
	v9 =	vor.u32 $0x4, v5  }
0x5b: {  	v10 =	vor.u32 $0x5, v5;
	[tilespmem:v5+s16+$0x0] =	vst.idx.msk $0xffff, v2  }
0x5c: {  	[tilespmem:v6+s16+$0x0] =	vst.idx.msk $0xffff, v2;
	v6 =	vor.u32 $0x6, v5  }
0x5d: {  	[tilespmem:v7+s16+$0x0] =	vst.idx.msk $0xffff, v2;
	v7 =	vor.u32 $0x7, v5  }
0x5e: {  	[tilespmem:v8+s16+$0x0] =	vst.idx.msk $0xffff, v2;
	v8 =	vor.u32 $0x8, v5  }
0x5f: {  	[tilespmem:v9+s16+$0x0] =	vst.idx.msk $0xffff, v2;
	v9 =	vor.u32 $0x9, v5  }
0x60: {  	[tilespmem:v10+s16+$0x0] =	vst.idx.msk $0xffff, v2;
	v10 =	vor.u32 $0xA, v5  }
0x61: {  	[tilespmem:v6+s16+$0x0] =	vst.idx.msk $0xffff, v2;
	v6 =	vor.u32 $0xB, v5  }
0x62: {  	[tilespmem:v7+s16+$0x0] =	vst.idx.msk $0xffff, v2;
	v7 =	vor.u32 $0xC, v5  }
0x63: {  	[tilespmem:v8+s16+$0x0] =	vst.idx.msk $0xffff, v2;
	v8 =	vor.u32 $0xD, v5  }
0x64: {  	[tilespmem:v9+s16+$0x0] =	vst.idx.msk $0xffff, v2;
	v9 =	vor.u32 $0xE, v5  }
0x65: {  	v5 =	vor.u32 $0xF, v5;
	[tilespmem:v10+s16+$0x0] =	vst.idx.msk $0xffff, v2  }
0x66: {  	[tilespmem:v6+s16+$0x0] =	vst.idx.msk $0xffff, v2  }
0x67: {  	[tilespmem:v7+s16+$0x0] =	vst.idx.msk $0xffff, v2  }
0x68: {  	[tilespmem:v8+s16+$0x0] =	vst.idx.msk $0xffff, v2  }
0x69: {  	[tilespmem:v9+s16+$0x0] =	vst.idx.msk $0xffff, v2  }
0x6a: {  	[tilespmem:v5+s16+$0x0] =	vst.idx.msk $0xffff, v2  }
0x6b: {  	v5 =	vld [tilespmem:$0x20];
	_ =	sdelay $0x4  }
0x6c: {  	v5 =	vshll.u32 v5, $0x4  }
0x6d: {  	v6 =	vor.u32 $0x1, v5  }
0x6e: {  	v7 =	vor.u32 $0x2, v5  }
0x6f: {  	v8 =	vor.u32 $0x3, v5  }
0x70: {  	v9 =	vor.u32 $0x4, v5  }
0x71: {  	v10 =	vor.u32 $0x5, v5;
	[tilespmem:v5+s16+$0x0] =	vst.idx.msk $0xffff, v3  }
0x72: {  	[tilespmem:v6+s16+$0x0] =	vst.idx.msk $0xffff, v3;
	v6 =	vor.u32 $0x6, v5  }
0x73: {  	[tilespmem:v7+s16+$0x0] =	vst.idx.msk $0xffff, v3;
	v7 =	vor.u32 $0x7, v5  }
0x74: {  	[tilespmem:v8+s16+$0x0] =	vst.idx.msk $0xffff, v3;
	v8 =	vor.u32 $0x8, v5  }
0x75: {  	[tilespmem:v9+s16+$0x0] =	vst.idx.msk $0xffff, v3;
	v9 =	vor.u32 $0x9, v5  }
0x76: {  	[tilespmem:v10+s16+$0x0] =	vst.idx.msk $0xffff, v3;
	v10 =	vor.u32 $0xA, v5  }
0x77: {  	[tilespmem:v6+s16+$0x0] =	vst.idx.msk $0xffff, v3;
	v6 =	vor.u32 $0xB, v5  }
0x78: {  	[tilespmem:v7+s16+$0x0] =	vst.idx.msk $0xffff, v3;
	v7 =	vor.u32 $0xC, v5  }
0x79: {  	[tilespmem:v8+s16+$0x0] =	vst.idx.msk $0xffff, v3;
	v8 =	vor.u32 $0xD, v5  }
0x7a: {  	[tilespmem:v9+s16+$0x0] =	vst.idx.msk $0xffff, v3;
	v9 =	vor.u32 $0xE, v5  }
0x7b: {  	v5 =	vor.u32 $0xF, v5;
	[tilespmem:v10+s16+$0x0] =	vst.idx.msk $0xffff, v3  }
0x7c: {  	[tilespmem:v6+s16+$0x0] =	vst.idx.msk $0xffff, v3  }
0x7d: {  	[tilespmem:v7+s16+$0x0] =	vst.idx.msk $0xffff, v3  }
0x7e: {  	[tilespmem:v8+s16+$0x0] =	vst.idx.msk $0xffff, v3  }
0x7f: {  	[tilespmem:v9+s16+$0x0] =	vst.idx.msk $0xffff, v3  }
0x80: {  	[tilespmem:v5+s16+$0x0] =	vst.idx.msk $0xffff, v3  }
0x81: {  	v5 =	vld [tilespmem:$0x10];
	_ =	sdelay $0x4  }
0x82: {  	v5 =	vshll.u32 v5, $0x4  }
0x83: {  	v6 =	vor.u32 $0x1, v5  }
0x84: {  	v7 =	vor.u32 $0x2, v5  }
0x85: {  	v8 =	vor.u32 $0x3, v5  }
0x86: {  	v9 =	vor.u32 $0x4, v5  }
0x87: {  	v10 =	vor.u32 $0x5, v5;
	[tilespmem:v5+s16+$0x0] =	vst.idx.msk $0xffff, v4  }
0x88: {  	[tilespmem:v6+s16+$0x0] =	vst.idx.msk $0xffff, v4;
	v6 =	vor.u32 $0x6, v5  }
0x89: {  	[tilespmem:v7+s16+$0x0] =	vst.idx.msk $0xffff, v4;
	v7 =	vor.u32 $0x7, v5  }
0x8a: {  	[tilespmem:v8+s16+$0x0] =	vst.idx.msk $0xffff, v4;
	v8 =	vor.u32 $0x8, v5  }
0x8b: {  	[tilespmem:v9+s16+$0x0] =	vst.idx.msk $0xffff, v4;
	v9 =	vor.u32 $0x9, v5  }
0x8c: {  	[tilespmem:v10+s16+$0x0] =	vst.idx.msk $0xffff, v4;
	v10 =	vor.u32 $0xA, v5  }
0x8d: {  	[tilespmem:v6+s16+$0x0] =	vst.idx.msk $0xffff, v4;
	v6 =	vor.u32 $0xB, v5  }
0x8e: {  	[tilespmem:v7+s16+$0x0] =	vst.idx.msk $0xffff, v4;
	v7 =	vor.u32 $0xC, v5  }
0x8f: {  	[tilespmem:v8+s16+$0x0] =	vst.idx.msk $0xffff, v4;
	v8 =	vor.u32 $0xD, v5  }
0x90: {  	[tilespmem:v9+s16+$0x0] =	vst.idx.msk $0xffff, v4;
	v9 =	vor.u32 $0xE, v5  }
0x91: {  	v5 =	vor.u32 $0xF, v5;
	[tilespmem:v10+s16+$0x0] =	vst.idx.msk $0xffff, v4  }
0x92: {  	[tilespmem:v6+s16+$0x0] =	vst.idx.msk $0xffff, v4  }
0x93: {  	[tilespmem:v7+s16+$0x0] =	vst.idx.msk $0xffff, v4  }
0x94: {  	[tilespmem:v8+s16+$0x0] =	vst.idx.msk $0xffff, v4  }
0x95: {  	[tilespmem:v9+s16+$0x0] =	vst.idx.msk $0xffff, v4  }
0x96: {  	[tilespmem:v5+s16+$0x0] =	vst.idx.msk $0xffff, v4  }
0x97: {  	v5 =	vld [tilespmem:$0x0];
	_ =	sdelay $0x4  }
0x98: {  	v5 =	vshll.u32 v5, $0x4  }
0x99: {  	v6 =	vor.u32 $0x1, v5  }
0x9a: {  	v7 =	vor.u32 $0x2, v5  }
0x9b: {  	v8 =	vor.u32 $0x3, v5  }
0x9c: {  	v9 =	vor.u32 $0x4, v5  }
0x9d: {  	v10 =	vor.u32 $0x5, v5;
	[tilespmem:v5+s16+$0x0] =	vst.idx.msk $0xffff, v1  }
0x9e: {  	[tilespmem:v6+s16+$0x0] =	vst.idx.msk $0xffff, v1;
	v6 =	vor.u32 $0x6, v5  }
0x9f: {  	[tilespmem:v7+s16+$0x0] =	vst.idx.msk $0xffff, v1;
	v7 =	vor.u32 $0x7, v5  }
0xa0: {  	[tilespmem:v8+s16+$0x0] =	vst.idx.msk $0xffff, v1;
	v8 =	vor.u32 $0x8, v5  }
0xa1: {  	[tilespmem:v9+s16+$0x0] =	vst.idx.msk $0xffff, v1;
	v9 =	vor.u32 $0x9, v5  }
0xa2: {  	[tilespmem:v10+s16+$0x0] =	vst.idx.msk $0xffff, v1;
	v10 =	vor.u32 $0xA, v5  }
0xa3: {  	[tilespmem:v6+s16+$0x0] =	vst.idx.msk $0xffff, v1;
	v6 =	vor.u32 $0xB, v5  }
0xa4: {  	[tilespmem:v7+s16+$0x0] =	vst.idx.msk $0xffff, v1;
	v7 =	vor.u32 $0xC, v5  }
0xa5: {  	[tilespmem:v8+s16+$0x0] =	vst.idx.msk $0xffff, v1;
	v8 =	vor.u32 $0xD, v5  }
0xa6: {  	[tilespmem:v9+s16+$0x0] =	vst.idx.msk $0xffff, v1;
	v9 =	vor.u32 $0xE, v5  }
0xa7: {  	v5 =	vor.u32 $0xF, v5;
	[tilespmem:v10+s16+$0x0] =	vst.idx.msk $0xffff, v1  }
0xa8: {  	[tilespmem:v6+s16+$0x0] =	vst.idx.msk $0xffff, v1  }
0xa9: {  	[tilespmem:v7+s16+$0x0] =	vst.idx.msk $0xffff, v1  }
0xaa: {  	[tilespmem:v8+s16+$0x0] =	vst.idx.msk $0xffff, v1  }
0xab: {  	[tilespmem:v9+s16+$0x0] =	vst.idx.msk $0xffff, v1  }
0xac: {  	[tilespmem:v5+s16+$0x0] =	vst.idx.msk $0xffff, v1  }
0xad: {  	_ =	swait.ge [sflag:s17], $0x4000  }
0xae: {  	[sflag:s17] =	ssyncset.done $0x0  }
0xaf: {  	s24 =	simm.s32 $0x4C0;
	[sflag:s17] =	ssyncadd.s32 $0xFFFFC000  }
0xb0: {  	v5 =	vld [tilespmem:s24+$0x30]  }
0xb1: {  	v8 =	vld [tilespmem:s24+$0xFFFFFFF0]  }
0xb2: {  	v9 =	vld [tilespmem:s24+$0x0]  }
0xb3: {  	v6 =	vld [tilespmem:s24+$0xFFFFFFD0]  }
0xb4: {  	v7 =	vld [tilespmem:s24+$0xFFFFFFE0]  }
0xb5: {  	v10 =	vld [tilespmem:s24+$0x10]  }
0xb6: {  	v11 =	vld [tilespmem:s24+$0x20];
	v8 =	vshll.u32 v8, $0x4  }
0xb7: {  	s31 =	simm.s32 $0x8C0;
	v12 =	vld [tilespmem:s24+$0xFFFFFFC0];
	v9 =	vshll.u32 v9, $0x4;
	v8 =	vor.u32 v1, v8  }
0xb8: {  	v15 =	vld [tilespmem:s31+$0xFFFFFFE0];
	v9 =	vor.u32 v1, v9  }
0xb9: {  	v16 =	vld [tilespmem:s31+$0xFFFFFFF0]  }
0xba: {  	v17 =	vld [tilespmem:s31+$0x0];
	v5 =	vshll.u32 v5, $0x4  }
0xbb: {  	v18 =	vld [tilespmem:s31+$0x10];
	v6 =	vshll.u32 v6, $0x4;
	v5 =	vor.u32 v1, v5  }
0xbc: {  	v7 =	vshll.u32 v7, $0x4;
	v6 =	vor.u32 v1, v6;
	v13 =	vld.idx.msk [tilespmem:v8+s16+$0x0], $0xffff  }
0xbd: {  	v7 =	vor.u32 v1, v7;
	v14 =	vld.idx.msk [tilespmem:v9+s16+$0x0], $0xffff  }
0xbe: {  	v8 =	vld [tilespmem:s31+$0x30]  }
0xbf: {  	v12 =	vshll.u32 v12, $0x4;
	v9 =	vld [tilespmem:s31+$0xFFFFFFD0]  }
0xc0: {  	v10 =	vshll.u32 v10, $0x4;
	v12 =	vor.u32 v1, v12;
	v5 =	vld.idx.msk [tilespmem:v5+s16+$0x0], $0xffff  }
0xc1: {  	v11 =	vshll.u32 v11, $0x4;
	v10 =	vor.u32 v1, v10;
	v6 =	vld.idx.msk [tilespmem:v6+s16+$0x0], $0xffff  }
0xc2: {  	v15 =	vshll.u32 v15, $0x4;
	v11 =	vor.u32 v1, v11;
	v7 =	vld.idx.msk [tilespmem:v7+s16+$0x0], $0xffff  }
0xc3: {  	v19 =	vld [tilespmem:s31+$0x20];
	v15 =	vor.u32 v1, v15;
	v8 =	vshll.u32 v8, $0x4  }
0xc4: {  	v20 =	vld [tilespmem:s31+$0xFFFFFFC0];
	s24 =	simm.s32 $0x84C0;
	v9 =	vshll.u32 v9, $0x4;
	v8 =	vor.u32 v1, v8  }
0xc5: {  	v16 =	vshll.u32 v16, $0x4;
	v21 =	vld.idx.msk [tilespmem:v12+s16+$0x0], $0xffff;
	[tilespmem:s24+$0x30] =	vst v5;
	v9 =	vor.u32 v1, v9  }
0xc6: {  	v12 =	vor.u32 v1, v16;
	v63 =	vld.idx.msk [tilespmem:v10+s16+$0x0], $0xffff;
	v5 =	vshll.u32 v17, $0x4;
	[tilespmem:s24+$0xFFFFFFD0] =	vst v6  }
0xc7: {  	v10 =	vld.idx.msk [tilespmem:v11+s16+$0x0], $0xffff;
	[tilespmem:s24+$0xFFFFFFE0] =	vst v7;
	v17 =	vor.u32 v1, v5  }
0xc8: {  	v11 =	vld.idx.msk [tilespmem:v15+s16+$0x0], $0xffff;
	[tilespmem:s24+$0xFFFFFFF0] =	vst v13  }
0xc9: {  	[tilespmem:s24+$0x0] =	vst v14;
	v8 =	vld.idx.msk [tilespmem:v8+s16+$0x0], $0xffff  }
0xca: {  	[tilespmem:s24+$0xFFFFFFC0] =	vst v21;
	v9 =	vld.idx.msk [tilespmem:v9+s16+$0x0], $0xffff  }
0xcb: {  	v6 =	vshll.u32 v19, $0x4;
	v7 =	vshll.u32 v20, $0x4;
	v12 =	vld.idx.msk [tilespmem:v12+s16+$0x0], $0xffff;
	[tilespmem:s24+$0x10] =	vst v63;
	v5 =	vshll.u32 v18, $0x4  }
0xcc: {  	s25 =	simm.s32 $0x80;
	s26 =	simm.s32 $0xCC0;
	v6 =	vor.u32 v1, v6;
	v7 =	vor.u32 v1, v7;
	v5 =	vor.u32 v1, v5;
	v13 =	vld.idx.msk [tilespmem:v17+s16+$0x0], $0xffff  }
.LBB2_2:
0xcd: {  	v14 =	vld [tilespmem:s26+$0x30];
	s25 =	sadd.s32 $0x80, s25;
	[tilespmem:s24+$0x20] =	vst v10;
	s24 =	sadd.s32 $0x400, s24  }
0xce: {  	v10 =	vld [tilespmem:s26+$0xFFFFFFD0];
	p0 =	slt.u32 s25, $0x780;
	[tilespmem:s24+$0x30] =	vst v8  }
0xcf: {  	v8 =	vld [tilespmem:s26+$0xFFFFFFE0];
	[tilespmem:s24+$0xFFFFFFD0] =	vst v9  }
0xd0: {  	v9 =	vld [tilespmem:s26+$0xFFFFFFF0];
	[tilespmem:s24+$0xFFFFFFE0] =	vst v11  }
0xd1: {  	v11 =	vld [tilespmem:s26+$0x0];
	[tilespmem:s24+$0xFFFFFFF0] =	vst v12  }
0xd2: {  	v12 =	vld [tilespmem:s26+$0x10];
	v14 =	vshll.u32 v14, $0x4;
	[tilespmem:s24+$0x0] =	vst v13  }
0xd3: {  	v10 =	vshll.u32 v10, $0x4;
	v13 =	vld [tilespmem:s26+$0x20];
	v14 =	vor.u32 v1, v14  }
0xd4: {  	v15 =	vld [tilespmem:s26+$0xFFFFFFC0];
	v16 =	vor.u32 v1, v10;
	v8 =	vshll.u32 v8, $0x4  }
0xd5: {  	v17 =	vor.u32 v1, v8;
	v8 =	vshll.u32 v9, $0x4;
	v18 =	vld.idx.msk [tilespmem:v7+s16+$0x0], $0xffff  }
0xd6: {  	v19 =	vor.u32 v1, v8;
	v7 =	vshll.u32 v11, $0x4;
	v20 =	vld.idx.msk [tilespmem:v5+s16+$0x0], $0xffff  }
0xd7: {  	v21 =	vor.u32 v1, v7;
	v5 =	vshll.u32 v12, $0x4;
	v10 =	vld.idx.msk [tilespmem:v6+s16+$0x0], $0xffff  }
.Ltmp0:
0xd8: {  	v5 =	vor.u32 v1, v5;
	v6 =	vshll.u32 v13, $0x4;
	v8 =	vld.idx.msk [tilespmem:v14+s16+$0x0], $0xffff;
	(pc) =	sbr.rel @p0 .LBB2_2-.Ltmp0, $4  }
0xd9: {  	v7 =	vshll.u32 v15, $0x4;
	v9 =	vld.idx.msk [tilespmem:v16+s16+$0x0], $0xffff;
	v6 =	vor.u32 v1, v6  }
0xda: {  	v7 =	vor.u32 v1, v7;
	v11 =	vld.idx.msk [tilespmem:v17+s16+$0x0], $0xffff  }
0xdb: {  	v12 =	vld.idx.msk [tilespmem:v19+s16+$0x0], $0xffff;
	[tilespmem:s24+$0xFFFFFFC0] =	vst v18  }
0xdc: {  	s26 =	sadd.s32 $0x400, s26;
	v13 =	vld.idx.msk [tilespmem:v21+s16+$0x0], $0xffff;
	[tilespmem:s24+$0x10] =	vst v20  }
0xdd: {  	_ =	sdelay $0x2  }
0xde: {  	[tilespmem:s24+$0x20] =	vst v10;
	s30 =	sadd.s32 $0x400, s24  }
0xdf: {  	v7 =	vld.idx.msk [tilespmem:v7+s16+$0x0], $0xffff;
	[tilespmem:s30+$0x30] =	vst v8  }
0xe0: {  	v5 =	vld.idx.msk [tilespmem:v5+s16+$0x0], $0xffff;
	[tilespmem:s30+$0xFFFFFFD0] =	vst v9  }
0xe1: {  	v6 =	vld.idx.msk [tilespmem:v6+s16+$0x0], $0xffff;
	[tilespmem:s30+$0xFFFFFFE0] =	vst v11  }
0xe2: {  	[tilespmem:s30+$0xFFFFFFF0] =	vst v12  }
0xe3: {  	[tilespmem:s30+$0x0] =	vst v13  }
0xe4: {  	[tilespmem:s30+$0xFFFFFFC0] =	vst v7  }
0xe5: {  	[tilespmem:s30+$0x10] =	vst v5  }
0xe6: {  	s25 =	simm.s32 $0x570;
	[tilespmem:s30+$0x20] =	vst v6  }
0xe7: {  	v5 =	vld [tilespmem:s25+$0x0]  }
0xe8: {  	v8 =	vld [tilespmem:s25+$0xFFFFFFC0]  }
0xe9: {  	v9 =	vld [tilespmem:s25+$0xFFFFFFD0]  }
0xea: {  	v6 =	vld [tilespmem:s25+$0xFFFFFFA0]  }
0xeb: {  	v7 =	vld [tilespmem:s25+$0xFFFFFFB0]  }
0xec: {  	v10 =	vld [tilespmem:s25+$0xFFFFFFE0]  }
0xed: {  	v11 =	vld [tilespmem:s25+$0xFFFFFFF0];
	v8 =	vshll.u32 v8, $0x4  }
0xee: {  	s31 =	simm.s32 $0x970;
	v12 =	vld [tilespmem:s25+$0xFFFFFF90];
	v9 =	vshll.u32 v9, $0x4;
	v8 =	vor.u32 v1, v8  }
0xef: {  	v15 =	vld [tilespmem:s31+$0xFFFFFFB0];
	v9 =	vor.u32 v1, v9  }
0xf0: {  	v16 =	vld [tilespmem:s31+$0xFFFFFFC0]  }
0xf1: {  	v17 =	vld [tilespmem:s31+$0xFFFFFFD0];
	v5 =	vshll.u32 v5, $0x4  }
0xf2: {  	v18 =	vld [tilespmem:s31+$0xFFFFFFE0];
	v6 =	vshll.u32 v6, $0x4;
	v5 =	vor.u32 v1, v5  }
0xf3: {  	v7 =	vshll.u32 v7, $0x4;
	v6 =	vor.u32 v1, v6;
	v13 =	vld.idx.msk [tilespmem:v8+s16+$0x0], $0xffff  }
0xf4: {  	v7 =	vor.u32 v1, v7;
	v14 =	vld.idx.msk [tilespmem:v9+s16+$0x0], $0xffff  }
0xf5: {  	v8 =	vld [tilespmem:s31+$0x0]  }
0xf6: {  	v12 =	vshll.u32 v12, $0x4;
	v9 =	vld [tilespmem:s31+$0xFFFFFFA0]  }
0xf7: {  	v10 =	vshll.u32 v10, $0x4;
	v12 =	vor.u32 v1, v12;
	v5 =	vld.idx.msk [tilespmem:v5+s16+$0x0], $0xffff  }
0xf8: {  	v11 =	vshll.u32 v11, $0x4;
	v10 =	vor.u32 v1, v10;
	v6 =	vld.idx.msk [tilespmem:v6+s16+$0x0], $0xffff  }
0xf9: {  	v15 =	vshll.u32 v15, $0x4;
	v11 =	vor.u32 v1, v11;
	v7 =	vld.idx.msk [tilespmem:v7+s16+$0x0], $0xffff  }
0xfa: {  	v19 =	vld [tilespmem:s31+$0xFFFFFFF0];
	v15 =	vor.u32 v1, v15;
	v8 =	vshll.u32 v8, $0x4  }
0xfb: {  	s24 =	simm.s32 $0x8570;
	v20 =	vld [tilespmem:s31+$0xFFFFFF90];
	v9 =	vshll.u32 v9, $0x4;
	v8 =	vor.u32 v1, v8  }
0xfc: {  	v16 =	vshll.u32 v16, $0x4;
	v21 =	vld.idx.msk [tilespmem:v12+s16+$0x0], $0xffff;
	[tilespmem:s24+$0x0] =	vst v5;
	v9 =	vor.u32 v1, v9  }
0xfd: {  	v12 =	vor.u32 v1, v16;
	v63 =	vld.idx.msk [tilespmem:v10+s16+$0x0], $0xffff;
	v5 =	vshll.u32 v17, $0x4;
	[tilespmem:s24+$0xFFFFFFA0] =	vst v6  }
0xfe: {  	v10 =	vld.idx.msk [tilespmem:v11+s16+$0x0], $0xffff;
	[tilespmem:s24+$0xFFFFFFB0] =	vst v7;
	v17 =	vor.u32 v1, v5  }
0xff: {  	v11 =	vld.idx.msk [tilespmem:v15+s16+$0x0], $0xffff;
	[tilespmem:s24+$0xFFFFFFC0] =	vst v13  }
0x100: {  	[tilespmem:s24+$0xFFFFFFD0] =	vst v14;
	v8 =	vld.idx.msk [tilespmem:v8+s16+$0x0], $0xffff  }
0x101: {  	[tilespmem:s24+$0xFFFFFF90] =	vst v21;
	v9 =	vld.idx.msk [tilespmem:v9+s16+$0x0], $0xffff  }
0x102: {  	v6 =	vshll.u32 v19, $0x4;
	v7 =	vshll.u32 v20, $0x4;
	v12 =	vld.idx.msk [tilespmem:v12+s16+$0x0], $0xffff;
	[tilespmem:s24+$0xFFFFFFE0] =	vst v63;
	v5 =	vshll.u32 v18, $0x4  }
0x103: {  	s26 =	simm.s32 $0xD70;
	s25 =	simm.s32 $0x80;
	v6 =	vor.u32 v1, v6;
	v7 =	vor.u32 v1, v7;
	v5 =	vor.u32 v1, v5;
	v13 =	vld.idx.msk [tilespmem:v17+s16+$0x0], $0xffff  }
.LBB2_4:
0x104: {  	v14 =	vld [tilespmem:s26+$0x0];
	s25 =	sadd.s32 $0x80, s25;
	[tilespmem:s24+$0xFFFFFFF0] =	vst v10;
	s24 =	sadd.s32 $0x400, s24  }
0x105: {  	v10 =	vld [tilespmem:s26+$0xFFFFFFA0];
	p0 =	slt.u32 s25, $0x780;
	[tilespmem:s24+$0x0] =	vst v8  }
0x106: {  	v8 =	vld [tilespmem:s26+$0xFFFFFFB0];
	[tilespmem:s24+$0xFFFFFFA0] =	vst v9  }
0x107: {  	v9 =	vld [tilespmem:s26+$0xFFFFFFC0];
	[tilespmem:s24+$0xFFFFFFB0] =	vst v11  }
0x108: {  	v11 =	vld [tilespmem:s26+$0xFFFFFFD0];
	[tilespmem:s24+$0xFFFFFFC0] =	vst v12  }
0x109: {  	v12 =	vld [tilespmem:s26+$0xFFFFFFE0];
	v14 =	vshll.u32 v14, $0x4;
	[tilespmem:s24+$0xFFFFFFD0] =	vst v13  }
0x10a: {  	v10 =	vshll.u32 v10, $0x4;
	v13 =	vld [tilespmem:s26+$0xFFFFFFF0];
	v14 =	vor.u32 v1, v14  }
0x10b: {  	v15 =	vld [tilespmem:s26+$0xFFFFFF90];
	v16 =	vor.u32 v1, v10;
	v8 =	vshll.u32 v8, $0x4  }
0x10c: {  	v17 =	vor.u32 v1, v8;
	v8 =	vshll.u32 v9, $0x4;
	v18 =	vld.idx.msk [tilespmem:v7+s16+$0x0], $0xffff  }
0x10d: {  	v19 =	vor.u32 v1, v8;
	v7 =	vshll.u32 v11, $0x4;
	v20 =	vld.idx.msk [tilespmem:v5+s16+$0x0], $0xffff  }
0x10e: {  	v21 =	vor.u32 v1, v7;
	v5 =	vshll.u32 v12, $0x4;
	v10 =	vld.idx.msk [tilespmem:v6+s16+$0x0], $0xffff  }
.Ltmp1:
0x10f: {  	v5 =	vor.u32 v1, v5;
	v6 =	vshll.u32 v13, $0x4;
	v8 =	vld.idx.msk [tilespmem:v14+s16+$0x0], $0xffff;
	(pc) =	sbr.rel @p0 .LBB2_4-.Ltmp1, $4  }
0x110: {  	v7 =	vshll.u32 v15, $0x4;
	v9 =	vld.idx.msk [tilespmem:v16+s16+$0x0], $0xffff;
	v6 =	vor.u32 v1, v6  }
0x111: {  	v7 =	vor.u32 v1, v7;
	v11 =	vld.idx.msk [tilespmem:v17+s16+$0x0], $0xffff  }
0x112: {  	v12 =	vld.idx.msk [tilespmem:v19+s16+$0x0], $0xffff;
	[tilespmem:s24+$0xFFFFFF90] =	vst v18  }
0x113: {  	s26 =	sadd.s32 $0x400, s26;
	v13 =	vld.idx.msk [tilespmem:v21+s16+$0x0], $0xffff;
	[tilespmem:s24+$0xFFFFFFE0] =	vst v20  }
0x114: {  	_ =	sdelay $0x2  }
0x115: {  	[tilespmem:s24+$0xFFFFFFF0] =	vst v10;
	s31 =	sadd.s32 $0x400, s24  }
0x116: {  	v7 =	vld.idx.msk [tilespmem:v7+s16+$0x0], $0xffff;
	[tilespmem:s31+$0x0] =	vst v8  }
0x117: {  	v5 =	vld.idx.msk [tilespmem:v5+s16+$0x0], $0xffff;
	[tilespmem:s31+$0xFFFFFFA0] =	vst v9  }
0x118: {  	v6 =	vld.idx.msk [tilespmem:v6+s16+$0x0], $0xffff;
	[tilespmem:s31+$0xFFFFFFB0] =	vst v11  }
0x119: {  	[tilespmem:s31+$0xFFFFFFC0] =	vst v12  }
0x11a: {  	[tilespmem:s31+$0xFFFFFFD0] =	vst v13  }
0x11b: {  	[tilespmem:s31+$0xFFFFFF90] =	vst v7  }
0x11c: {  	[tilespmem:s31+$0xFFFFFFE0] =	vst v5  }
0x11d: {  	s25 =	simm.s32 $0x5F0;
	[tilespmem:s31+$0xFFFFFFF0] =	vst v6  }
0x11e: {  	v5 =	vld [tilespmem:s25+$0x0]  }
0x11f: {  	v6 =	vld [tilespmem:s25+$0xFFFFFFA0]  }
0x120: {  	v7 =	vld [tilespmem:s25+$0xFFFFFFB0]  }
0x121: {  	v8 =	vld [tilespmem:s25+$0xFFFFFFC0]  }
0x122: {  	v9 =	vld [tilespmem:s25+$0xFFFFFFD0]  }
0x123: {  	v5 =	vshll.u32 v5, $0x4  }
0x124: {  	v6 =	vshll.u32 v6, $0x4;
	v5 =	vor.u32 v1, v5  }
0x125: {  	v10 =	vld [tilespmem:s25+$0xFFFFFFE0];
	v7 =	vshll.u32 v7, $0x4;
	v6 =	vor.u32 v1, v6  }
0x126: {  	v11 =	vld [tilespmem:s25+$0xFFFFFFF0];
	v12 =	vor.u32 v1, v7;
	v7 =	vshll.u32 v8, $0x4  }
0x127: {  	v13 =	vld [tilespmem:s25+$0xFFFFFF90];
	v14 =	vor.u32 v1, v7;
	v7 =	vshll.u32 v9, $0x4  }
0x128: {  	p1 =	por $0x1, $0x1;
	v15 =	vor.u32 v1, v7  }
.Ltmp2:
0x129: {  	v9 =	vld.idx.msk [tilespmem:v5+s16+$0x0], $0xffff;
	(pc) =	sbr.rel @!p1 .LBB2_6-.Ltmp2, $4  }
0x12a: {  	v7 =	vld.idx.msk [tilespmem:v6+s16+$0x0], $0xffff  }
0x12b: {  	v8 =	vld.idx.msk [tilespmem:v12+s16+$0x0], $0xffff  }
0x12c: {  	v5 =	vshll.u32 v10, $0x4;
	v6 =	vshll.u32 v11, $0x4;
	v11 =	vshll.u32 v13, $0x4;
	v10 =	vld.idx.msk [tilespmem:v14+s16+$0x0], $0xffff  }
0x12d: {  	s24 =	simm.s32 $0x85F0;
	p0 =	por $0x0, $0x0;
	s25 =	simm.s32 $0x9F0;
	v5 =	vor.u32 v1, v5;
	v6 =	vor.u32 v1, v6;
	v11 =	vor.u32 v1, v11;
	v12 =	vld.idx.msk [tilespmem:v15+s16+$0x0], $0xffff  }
0x12e: {  	v13 =	vld [tilespmem:s25+$0x0]  }
0x12f: {  	v14 =	vld [tilespmem:s25+$0xFFFFFFA0]  }
0x130: {  	v17 =	vld [tilespmem:s25+$0xFFFFFFD0]  }
0x131: {  	v15 =	vld [tilespmem:s25+$0xFFFFFFB0]  }
0x132: {  	v16 =	vld [tilespmem:s25+$0xFFFFFFC0]  }
0x133: {  	v18 =	vld [tilespmem:s25+$0xFFFFFFE0];
	v13 =	vshll.u32 v13, $0x4  }
0x134: {  	v19 =	vld [tilespmem:s25+$0xFFFFFFF0];
	v14 =	vshll.u32 v14, $0x4;
	v20 =	vor.u32 v1, v13  }
0x135: {  	v21 =	vld [tilespmem:s25+$0xFFFFFF90];
	[tilespmem:s24+$0x0] =	vst v9;
	v9 =	vshll.u32 v17, $0x4;
	v14 =	vor.u32 v1, v14  }
0x136: {  	v11 =	vld.idx.msk [tilespmem:v11+s16+$0x0], $0xffff;
	v13 =	vshll.u32 v15, $0x4;
	v22 =	vor.u32 v1, v9  }
0x137: {  	v63 =	vld.idx.msk [tilespmem:v5+s16+$0x0], $0xffff;
	v15 =	vor.u32 v1, v13;
	v13 =	vshll.u32 v16, $0x4  }
0x138: {  	p3 =	por $0x1, $0x1;
	[tilespmem:s24+$0xFFFFFFA0] =	vst v7;
	v16 =	vor.u32 v1, v13;
	v13 =	vld.idx.msk [tilespmem:v6+s16+$0x0], $0xffff  }
.Ltmp3:
0x139: {  	[tilespmem:s24+$0xFFFFFFB0] =	vst v8;
	v9 =	vld.idx.msk [tilespmem:v20+s16+$0x0], $0xffff;
	(pc) =	sbr.rel @!p3 .LBB2_8-.Ltmp3, $4  }
0x13a: {  	[tilespmem:s24+$0xFFFFFFD0] =	vst v12;
	v12 =	vshll.u32 v21, $0x4;
	v7 =	vld.idx.msk [tilespmem:v14+s16+$0x0], $0xffff  }
0x13b: {  	[tilespmem:s24+$0xFFFFFF90] =	vst v11;
	v11 =	vor.u32 v1, v12;
	v12 =	vld.idx.msk [tilespmem:v22+s16+$0x0], $0xffff  }
0x13c: {  	s25 =	simm.s32 $0x80;
	[tilespmem:s24+$0xFFFFFFC0] =	vst v10;
	v5 =	vshll.u32 v18, $0x4;
	v6 =	vshll.u32 v19, $0x4;
	v8 =	vld.idx.msk [tilespmem:v15+s16+$0x0], $0xffff  }
0x13d: {  	s28 =	simm.s32 $0xDF0;
	p2 =	por $0x1, $0x1;
	s26 =	simm.s32 $0x85F0;
	[tilespmem:s24+$0xFFFFFFE0] =	vst v63;
	v5 =	vor.u32 v1, v5;
	v6 =	vor.u32 v1, v6;
	v10 =	vld.idx.msk [tilespmem:v16+s16+$0x0], $0xffff  }
.LBB2_9:
0x13e: {  	v14 =	vld [tilespmem:s28+$0x0];
	s25 =	sadd.s32 $0x80, s25;
	[tilespmem:s26+$0xFFFFFFF0] =	vst v13;
	s26 =	sadd.s32 $0x400, s26  }
0x13f: {  	v13 =	vld [tilespmem:s28+$0xFFFFFFA0];
	p3 =	slt.u32 s25, $0x780;
	[tilespmem:s26+$0x0] =	vst v9  }
0x140: {  	v9 =	vld [tilespmem:s28+$0xFFFFFFB0];
	[tilespmem:s26+$0xFFFFFFA0] =	vst v7  }
0x141: {  	v7 =	vld [tilespmem:s28+$0xFFFFFFC0];
	[tilespmem:s26+$0xFFFFFFB0] =	vst v8  }
0x142: {  	v8 =	vld [tilespmem:s28+$0xFFFFFFD0];
	[tilespmem:s26+$0xFFFFFFC0] =	vst v10  }
0x143: {  	v10 =	vld [tilespmem:s28+$0xFFFFFFE0];
	v14 =	vshll.u32 v14, $0x4;
	[tilespmem:s26+$0xFFFFFFD0] =	vst v12  }
0x144: {  	v12 =	vshll.u32 v13, $0x4;
	v15 =	vld [tilespmem:s28+$0xFFFFFFF0];
	v14 =	vor.u32 v1, v14  }
0x145: {  	v16 =	vld [tilespmem:s28+$0xFFFFFF90];
	v12 =	vor.u32 v1, v12;
	v9 =	vshll.u32 v9, $0x4  }
0x146: {  	v17 =	vor.u32 v1, v9;
	v7 =	vshll.u32 v7, $0x4;
	v18 =	vld.idx.msk [tilespmem:v11+s16+$0x0], $0xffff  }
0x147: {  	v19 =	vor.u32 v1, v7;
	v7 =	vshll.u32 v8, $0x4;
	v20 =	vld.idx.msk [tilespmem:v5+s16+$0x0], $0xffff  }
0x148: {  	v21 =	vor.u32 v1, v7;
	v5 =	vshll.u32 v10, $0x4;
	v13 =	vld.idx.msk [tilespmem:v6+s16+$0x0], $0xffff  }
.Ltmp4:
0x149: {  	v5 =	vor.u32 v1, v5;
	v6 =	vshll.u32 v15, $0x4;
	v9 =	vld.idx.msk [tilespmem:v14+s16+$0x0], $0xffff;
	(pc) =	sbr.rel @p3 .LBB2_9-.Ltmp4, $4  }
0x14a: {  	v8 =	vshll.u32 v16, $0x4;
	v7 =	vld.idx.msk [tilespmem:v12+s16+$0x0], $0xffff;
	v6 =	vor.u32 v1, v6  }
0x14b: {  	v11 =	vor.u32 v1, v8;
	v8 =	vld.idx.msk [tilespmem:v17+s16+$0x0], $0xffff  }
0x14c: {  	v10 =	vld.idx.msk [tilespmem:v19+s16+$0x0], $0xffff;
	[tilespmem:s26+$0xFFFFFF90] =	vst v18  }
0x14d: {  	s28 =	sadd.s32 $0x400, s28;
	v12 =	vld.idx.msk [tilespmem:v21+s16+$0x0], $0xffff;
	[tilespmem:s26+$0xFFFFFFE0] =	vst v20  }
.LBB2_10:
0x14e: {  	_ =	sdelay $0x1  }
0x14f: {  	s25 =	sadd.s32 @p2 $0x400, s26  }
0x150: {  	[tilespmem:s26+$0xFFFFFFF0] =	vst @p2 v13;
	s24 =	smov.u32 @p2 s25  }
0x151: {  	v5 =	vld.idx.msk [tilespmem:v5+s16+$0x0], $0xffff;
	[tilespmem:s24+$0x0] =	vst v9  }
0x152: {  	v6 =	vld.idx.msk [tilespmem:v6+s16+$0x0], $0xffff;
	[tilespmem:s24+$0xFFFFFFA0] =	vst v7  }
0x153: {  	v9 =	vld.idx.msk [tilespmem:v11+s16+$0x0], $0xffff;
	[tilespmem:s24+$0xFFFFFFB0] =	vst v8  }
0x154: {  	[tilespmem:s24+$0xFFFFFFC0] =	vst v10  }
0x155: {  	[tilespmem:s24+$0xFFFFFFD0] =	vst v12  }
0x156: {  	[tilespmem:s24+$0xFFFFFFE0] =	vst v5  }
0x157: {  	[tilespmem:s24+$0xFFFFFFF0] =	vst v6  }
0x158: {  	s31 =	simm.s32 $0x670;
	[tilespmem:s24+$0xFFFFFF90] =	vst v9  }
0x159: {  	v5 =	vld [tilespmem:s31+$0x0]  }
0x15a: {  	v6 =	vld [tilespmem:s31+$0xFFFFFFA0]  }
0x15b: {  	v7 =	vld [tilespmem:s31+$0xFFFFFFB0]  }
0x15c: {  	v8 =	vld [tilespmem:s31+$0xFFFFFFC0]  }
0x15d: {  	v9 =	vld [tilespmem:s31+$0xFFFFFFD0]  }
0x15e: {  	v5 =	vshll.u32 v5, $0x4  }
0x15f: {  	v6 =	vshll.u32 v6, $0x4;
	v5 =	vor.u32 v1, v5  }
0x160: {  	v10 =	vld [tilespmem:s31+$0xFFFFFFE0];
	v7 =	vshll.u32 v7, $0x4;
	v6 =	vor.u32 v1, v6  }
0x161: {  	v11 =	vld [tilespmem:s31+$0xFFFFFFF0];
	v12 =	vor.u32 v1, v7;
	v7 =	vshll.u32 v8, $0x4  }
0x162: {  	v13 =	vld [tilespmem:s31+$0xFFFFFF90];
	v14 =	vor.u32 v1, v7;
	v7 =	vshll.u32 v9, $0x4  }
0x163: {  	v15 =	vor.u32 v1, v7  }
.Ltmp5:
0x164: {  	v9 =	vld.idx.msk [tilespmem:v5+s16+$0x0], $0xffff;
	(pc) =	sbr.rel @!p1 .LBB2_11-.Ltmp5, $4  }
0x165: {  	v7 =	vld.idx.msk [tilespmem:v6+s16+$0x0], $0xffff  }
0x166: {  	v8 =	vld.idx.msk [tilespmem:v12+s16+$0x0], $0xffff  }
0x167: {  	v5 =	vshll.u32 v10, $0x4;
	v6 =	vshll.u32 v11, $0x4;
	v11 =	vshll.u32 v13, $0x4;
	v10 =	vld.idx.msk [tilespmem:v14+s16+$0x0], $0xffff  }
0x168: {  	s25 =	simm.s32 $0xA70;
	s24 =	simm.s32 $0x8670;
	v5 =	vor.u32 v1, v5;
	v6 =	vor.u32 v1, v6;
	v11 =	vor.u32 v1, v11;
	v12 =	vld.idx.msk [tilespmem:v15+s16+$0x0], $0xffff  }
0x169: {  	v13 =	vld [tilespmem:s25+$0x0]  }
0x16a: {  	v14 =	vld [tilespmem:s25+$0xFFFFFFA0]  }
0x16b: {  	v17 =	vld [tilespmem:s25+$0xFFFFFFD0]  }
0x16c: {  	v15 =	vld [tilespmem:s25+$0xFFFFFFB0]  }
0x16d: {  	v16 =	vld [tilespmem:s25+$0xFFFFFFC0]  }
0x16e: {  	v18 =	vld [tilespmem:s25+$0xFFFFFFE0];
	v13 =	vshll.u32 v13, $0x4  }
0x16f: {  	v19 =	vld [tilespmem:s25+$0xFFFFFFF0];
	v14 =	vshll.u32 v14, $0x4;
	v20 =	vor.u32 v1, v13  }
0x170: {  	v21 =	vld [tilespmem:s25+$0xFFFFFF90];
	[tilespmem:s24+$0x0] =	vst v9;
	v9 =	vshll.u32 v17, $0x4;
	v14 =	vor.u32 v1, v14  }
0x171: {  	v11 =	vld.idx.msk [tilespmem:v11+s16+$0x0], $0xffff;
	v13 =	vshll.u32 v15, $0x4;
	v22 =	vor.u32 v1, v9  }
0x172: {  	v63 =	vld.idx.msk [tilespmem:v5+s16+$0x0], $0xffff;
	v15 =	vor.u32 v1, v13;
	v13 =	vshll.u32 v16, $0x4  }
0x173: {  	p1 =	por $0x1, $0x1;
	[tilespmem:s24+$0xFFFFFFA0] =	vst v7;
	v16 =	vor.u32 v1, v13;
	v13 =	vld.idx.msk [tilespmem:v6+s16+$0x0], $0xffff  }
.Ltmp6:
0x174: {  	[tilespmem:s24+$0xFFFFFFB0] =	vst v8;
	v9 =	vld.idx.msk [tilespmem:v20+s16+$0x0], $0xffff;
	(pc) =	sbr.rel @!p1 .LBB2_13-.Ltmp6, $4  }
0x175: {  	[tilespmem:s24+$0xFFFFFFD0] =	vst v12;
	v12 =	vshll.u32 v21, $0x4;
	v7 =	vld.idx.msk [tilespmem:v14+s16+$0x0], $0xffff  }
0x176: {  	[tilespmem:s24+$0xFFFFFF90] =	vst v11;
	v11 =	vor.u32 v1, v12;
	v12 =	vld.idx.msk [tilespmem:v22+s16+$0x0], $0xffff  }
0x177: {  	s25 =	simm.s32 $0x80;
	[tilespmem:s24+$0xFFFFFFC0] =	vst v10;
	v5 =	vshll.u32 v18, $0x4;
	v6 =	vshll.u32 v19, $0x4;
	v8 =	vld.idx.msk [tilespmem:v15+s16+$0x0], $0xffff  }
0x178: {  	s28 =	simm.s32 $0xE70;
	p0 =	por $0x1, $0x1;
	s26 =	simm.s32 $0x8670;
	[tilespmem:s24+$0xFFFFFFE0] =	vst v63;
	v5 =	vor.u32 v1, v5;
	v6 =	vor.u32 v1, v6;
	v10 =	vld.idx.msk [tilespmem:v16+s16+$0x0], $0xffff  }
.LBB2_14:
0x179: {  	v14 =	vld [tilespmem:s28+$0x0];
	s25 =	sadd.s32 $0x80, s25;
	[tilespmem:s26+$0xFFFFFFF0] =	vst v13;
	s26 =	sadd.s32 $0x400, s26  }
0x17a: {  	v13 =	vld [tilespmem:s28+$0xFFFFFFA0];
	p1 =	slt.u32 s25, $0x780;
	[tilespmem:s26+$0x0] =	vst v9  }
0x17b: {  	v9 =	vld [tilespmem:s28+$0xFFFFFFB0];
	[tilespmem:s26+$0xFFFFFFA0] =	vst v7  }
0x17c: {  	v7 =	vld [tilespmem:s28+$0xFFFFFFC0];
	[tilespmem:s26+$0xFFFFFFB0] =	vst v8  }
0x17d: {  	v8 =	vld [tilespmem:s28+$0xFFFFFFD0];
	[tilespmem:s26+$0xFFFFFFC0] =	vst v10  }
0x17e: {  	v10 =	vld [tilespmem:s28+$0xFFFFFFE0];
	v14 =	vshll.u32 v14, $0x4;
	[tilespmem:s26+$0xFFFFFFD0] =	vst v12  }
0x17f: {  	v12 =	vshll.u32 v13, $0x4;
	v15 =	vld [tilespmem:s28+$0xFFFFFFF0];
	v14 =	vor.u32 v1, v14  }
0x180: {  	v16 =	vld [tilespmem:s28+$0xFFFFFF90];
	v12 =	vor.u32 v1, v12;
	v9 =	vshll.u32 v9, $0x4  }
0x181: {  	v17 =	vor.u32 v1, v9;
	v7 =	vshll.u32 v7, $0x4;
	v18 =	vld.idx.msk [tilespmem:v11+s16+$0x0], $0xffff  }
0x182: {  	v19 =	vor.u32 v1, v7;
	v7 =	vshll.u32 v8, $0x4;
	v20 =	vld.idx.msk [tilespmem:v5+s16+$0x0], $0xffff  }
0x183: {  	v21 =	vor.u32 v1, v7;
	v5 =	vshll.u32 v10, $0x4;
	v13 =	vld.idx.msk [tilespmem:v6+s16+$0x0], $0xffff  }
.Ltmp7:
0x184: {  	v5 =	vor.u32 v1, v5;
	v6 =	vshll.u32 v15, $0x4;
	v9 =	vld.idx.msk [tilespmem:v14+s16+$0x0], $0xffff;
	(pc) =	sbr.rel @p1 .LBB2_14-.Ltmp7, $4  }
0x185: {  	v8 =	vshll.u32 v16, $0x4;
	v7 =	vld.idx.msk [tilespmem:v12+s16+$0x0], $0xffff;
	v6 =	vor.u32 v1, v6  }
0x186: {  	v11 =	vor.u32 v1, v8;
	v8 =	vld.idx.msk [tilespmem:v17+s16+$0x0], $0xffff  }
0x187: {  	v10 =	vld.idx.msk [tilespmem:v19+s16+$0x0], $0xffff;
	[tilespmem:s26+$0xFFFFFF90] =	vst v18  }
0x188: {  	s28 =	sadd.s32 $0x400, s28;
	v12 =	vld.idx.msk [tilespmem:v21+s16+$0x0], $0xffff;
	[tilespmem:s26+$0xFFFFFFE0] =	vst v20  }
.LBB2_15:
0x189: {  	_ =	sdelay $0x1  }
0x18a: {  	s25 =	sadd.s32 @p0 $0x400, s26  }
0x18b: {  	[tilespmem:s26+$0xFFFFFFF0] =	vst @p0 v13;
	s24 =	smov.u32 @p0 s25  }
0x18c: {  	v5 =	vld.idx.msk [tilespmem:v5+s16+$0x0], $0xffff;
	[tilespmem:s24+$0x0] =	vst v9  }
0x18d: {  	v6 =	vld.idx.msk [tilespmem:v6+s16+$0x0], $0xffff;
	[tilespmem:s24+$0xFFFFFFA0] =	vst v7  }
0x18e: {  	v9 =	vld.idx.msk [tilespmem:v11+s16+$0x0], $0xffff;
	[tilespmem:s24+$0xFFFFFFB0] =	vst v8  }
0x18f: {  	[tilespmem:s24+$0xFFFFFFC0] =	vst v10  }
0x190: {  	[tilespmem:s24+$0xFFFFFFD0] =	vst v12  }
0x191: {  	[tilespmem:s24+$0xFFFFFFE0] =	vst v5  }
0x192: {  	[tilespmem:s24+$0xFFFFFFF0] =	vst v6  }
0x193: {  	s31 =	simm.s32 $0x6F0;
	[tilespmem:s24+$0xFFFFFF90] =	vst v9  }
0x194: {  	v5 =	vld [tilespmem:s31+$0x0]  }
0x195: {  	v6 =	vld [tilespmem:s31+$0xFFFFFFA0]  }
0x196: {  	v7 =	vld [tilespmem:s31+$0xFFFFFFB0]  }
0x197: {  	v8 =	vld [tilespmem:s31+$0xFFFFFFC0]  }
0x198: {  	v9 =	vld [tilespmem:s31+$0xFFFFFFD0]  }
0x199: {  	v5 =	vshll.u32 v5, $0x4  }
0x19a: {  	v6 =	vshll.u32 v6, $0x4;
	v5 =	vor.u32 v1, v5  }
0x19b: {  	v10 =	vld [tilespmem:s31+$0xFFFFFFE0];
	v7 =	vshll.u32 v7, $0x4;
	v6 =	vor.u32 v1, v6  }
0x19c: {  	v11 =	vld [tilespmem:s31+$0xFFFFFFF0];
	v12 =	vor.u32 v1, v7;
	v7 =	vshll.u32 v8, $0x4  }
0x19d: {  	v13 =	vld [tilespmem:s31+$0xFFFFFF90];
	v14 =	vor.u32 v1, v7;
	v7 =	vshll.u32 v9, $0x4  }
0x19e: {  	p1 =	por $0x1, $0x1;
	v15 =	vor.u32 v1, v7  }
.Ltmp8:
0x19f: {  	v9 =	vld.idx.msk [tilespmem:v5+s16+$0x0], $0xffff;
	(pc) =	sbr.rel @!p1 .LBB2_16-.Ltmp8, $4  }
0x1a0: {  	v7 =	vld.idx.msk [tilespmem:v6+s16+$0x0], $0xffff  }
0x1a1: {  	v8 =	vld.idx.msk [tilespmem:v12+s16+$0x0], $0xffff  }
0x1a2: {  	v5 =	vshll.u32 v10, $0x4;
	v6 =	vshll.u32 v11, $0x4;
	v11 =	vshll.u32 v13, $0x4;
	v10 =	vld.idx.msk [tilespmem:v14+s16+$0x0], $0xffff  }
0x1a3: {  	s25 =	simm.s32 $0xAF0;
	p0 =	por $0x0, $0x0;
	s24 =	simm.s32 $0x86F0;
	v5 =	vor.u32 v1, v5;
	v6 =	vor.u32 v1, v6;
	v11 =	vor.u32 v1, v11;
	v12 =	vld.idx.msk [tilespmem:v15+s16+$0x0], $0xffff  }
0x1a4: {  	v13 =	vld [tilespmem:s25+$0x0]  }
0x1a5: {  	v14 =	vld [tilespmem:s25+$0xFFFFFFA0]  }
0x1a6: {  	v17 =	vld [tilespmem:s25+$0xFFFFFFD0]  }
0x1a7: {  	v15 =	vld [tilespmem:s25+$0xFFFFFFB0]  }
0x1a8: {  	v16 =	vld [tilespmem:s25+$0xFFFFFFC0]  }
0x1a9: {  	v18 =	vld [tilespmem:s25+$0xFFFFFFE0];
	v13 =	vshll.u32 v13, $0x4  }
0x1aa: {  	v19 =	vld [tilespmem:s25+$0xFFFFFFF0];
	v14 =	vshll.u32 v14, $0x4;
	v20 =	vor.u32 v1, v13  }
0x1ab: {  	v21 =	vld [tilespmem:s25+$0xFFFFFF90];
	[tilespmem:s24+$0x0] =	vst v9;
	v9 =	vshll.u32 v17, $0x4;
	v14 =	vor.u32 v1, v14  }
0x1ac: {  	v11 =	vld.idx.msk [tilespmem:v11+s16+$0x0], $0xffff;
	v13 =	vshll.u32 v15, $0x4;
	v22 =	vor.u32 v1, v9  }
0x1ad: {  	v63 =	vld.idx.msk [tilespmem:v5+s16+$0x0], $0xffff;
	v15 =	vor.u32 v1, v13;
	v13 =	vshll.u32 v16, $0x4  }
0x1ae: {  	p3 =	por $0x1, $0x1;
	[tilespmem:s24+$0xFFFFFFA0] =	vst v7;
	v16 =	vor.u32 v1, v13;
	v13 =	vld.idx.msk [tilespmem:v6+s16+$0x0], $0xffff  }
.Ltmp9:
0x1af: {  	[tilespmem:s24+$0xFFFFFFB0] =	vst v8;
	v9 =	vld.idx.msk [tilespmem:v20+s16+$0x0], $0xffff;
	(pc) =	sbr.rel @!p3 .LBB2_18-.Ltmp9, $4  }
0x1b0: {  	[tilespmem:s24+$0xFFFFFFD0] =	vst v12;
	v12 =	vshll.u32 v21, $0x4;
	v7 =	vld.idx.msk [tilespmem:v14+s16+$0x0], $0xffff  }
0x1b1: {  	[tilespmem:s24+$0xFFFFFF90] =	vst v11;
	v11 =	vor.u32 v1, v12;
	v12 =	vld.idx.msk [tilespmem:v22+s16+$0x0], $0xffff  }
0x1b2: {  	s25 =	simm.s32 $0x80;
	[tilespmem:s24+$0xFFFFFFC0] =	vst v10;
	v5 =	vshll.u32 v18, $0x4;
	v6 =	vshll.u32 v19, $0x4;
	v8 =	vld.idx.msk [tilespmem:v15+s16+$0x0], $0xffff  }
0x1b3: {  	s28 =	simm.s32 $0xEF0;
	p2 =	por $0x1, $0x1;
	s26 =	simm.s32 $0x86F0;
	[tilespmem:s24+$0xFFFFFFE0] =	vst v63;
	v5 =	vor.u32 v1, v5;
	v6 =	vor.u32 v1, v6;
	v10 =	vld.idx.msk [tilespmem:v16+s16+$0x0], $0xffff  }
.LBB2_19:
0x1b4: {  	v14 =	vld [tilespmem:s28+$0x0];
	s25 =	sadd.s32 $0x80, s25;
	[tilespmem:s26+$0xFFFFFFF0] =	vst v13;
	s26 =	sadd.s32 $0x400, s26  }
0x1b5: {  	v13 =	vld [tilespmem:s28+$0xFFFFFFA0];
	p3 =	slt.u32 s25, $0x780;
	[tilespmem:s26+$0x0] =	vst v9  }
0x1b6: {  	v9 =	vld [tilespmem:s28+$0xFFFFFFB0];
	[tilespmem:s26+$0xFFFFFFA0] =	vst v7  }
0x1b7: {  	v7 =	vld [tilespmem:s28+$0xFFFFFFC0];
	[tilespmem:s26+$0xFFFFFFB0] =	vst v8  }
0x1b8: {  	v8 =	vld [tilespmem:s28+$0xFFFFFFD0];
	[tilespmem:s26+$0xFFFFFFC0] =	vst v10  }
0x1b9: {  	v10 =	vld [tilespmem:s28+$0xFFFFFFE0];
	v14 =	vshll.u32 v14, $0x4;
	[tilespmem:s26+$0xFFFFFFD0] =	vst v12  }
0x1ba: {  	v12 =	vshll.u32 v13, $0x4;
	v15 =	vld [tilespmem:s28+$0xFFFFFFF0];
	v14 =	vor.u32 v1, v14  }
0x1bb: {  	v16 =	vld [tilespmem:s28+$0xFFFFFF90];
	v12 =	vor.u32 v1, v12;
	v9 =	vshll.u32 v9, $0x4  }
0x1bc: {  	v17 =	vor.u32 v1, v9;
	v7 =	vshll.u32 v7, $0x4;
	v18 =	vld.idx.msk [tilespmem:v11+s16+$0x0], $0xffff  }
0x1bd: {  	v19 =	vor.u32 v1, v7;
	v7 =	vshll.u32 v8, $0x4;
	v20 =	vld.idx.msk [tilespmem:v5+s16+$0x0], $0xffff  }
0x1be: {  	v21 =	vor.u32 v1, v7;
	v5 =	vshll.u32 v10, $0x4;
	v13 =	vld.idx.msk [tilespmem:v6+s16+$0x0], $0xffff  }
.Ltmp10:
0x1bf: {  	v5 =	vor.u32 v1, v5;
	v6 =	vshll.u32 v15, $0x4;
	v9 =	vld.idx.msk [tilespmem:v14+s16+$0x0], $0xffff;
	(pc) =	sbr.rel @p3 .LBB2_19-.Ltmp10, $4  }
0x1c0: {  	v8 =	vshll.u32 v16, $0x4;
	v7 =	vld.idx.msk [tilespmem:v12+s16+$0x0], $0xffff;
	v6 =	vor.u32 v1, v6  }
0x1c1: {  	v11 =	vor.u32 v1, v8;
	v8 =	vld.idx.msk [tilespmem:v17+s16+$0x0], $0xffff  }
0x1c2: {  	v10 =	vld.idx.msk [tilespmem:v19+s16+$0x0], $0xffff;
	[tilespmem:s26+$0xFFFFFF90] =	vst v18  }
0x1c3: {  	s28 =	sadd.s32 $0x400, s28;
	v12 =	vld.idx.msk [tilespmem:v21+s16+$0x0], $0xffff;
	[tilespmem:s26+$0xFFFFFFE0] =	vst v20  }
.LBB2_20:
0x1c4: {  	_ =	sdelay $0x1  }
0x1c5: {  	s25 =	sadd.s32 @p2 $0x400, s26  }
0x1c6: {  	[tilespmem:s26+$0xFFFFFFF0] =	vst @p2 v13;
	s24 =	smov.u32 @p2 s25  }
0x1c7: {  	v5 =	vld.idx.msk [tilespmem:v5+s16+$0x0], $0xffff;
	[tilespmem:s24+$0x0] =	vst v9  }
0x1c8: {  	v6 =	vld.idx.msk [tilespmem:v6+s16+$0x0], $0xffff;
	[tilespmem:s24+$0xFFFFFFA0] =	vst v7  }
0x1c9: {  	v9 =	vld.idx.msk [tilespmem:v11+s16+$0x0], $0xffff;
	[tilespmem:s24+$0xFFFFFFB0] =	vst v8  }
0x1ca: {  	[tilespmem:s24+$0xFFFFFFC0] =	vst v10  }
0x1cb: {  	[tilespmem:s24+$0xFFFFFFD0] =	vst v12  }
0x1cc: {  	[tilespmem:s24+$0xFFFFFFE0] =	vst v5  }
0x1cd: {  	[tilespmem:s24+$0xFFFFFFF0] =	vst v6  }
0x1ce: {  	s31 =	simm.s32 $0x770;
	[tilespmem:s24+$0xFFFFFF90] =	vst v9  }
0x1cf: {  	v5 =	vld [tilespmem:s31+$0x0]  }
0x1d0: {  	v6 =	vld [tilespmem:s31+$0xFFFFFFA0]  }
0x1d1: {  	v7 =	vld [tilespmem:s31+$0xFFFFFFB0]  }
0x1d2: {  	v8 =	vld [tilespmem:s31+$0xFFFFFFC0]  }
0x1d3: {  	v9 =	vld [tilespmem:s31+$0xFFFFFFD0]  }
0x1d4: {  	v5 =	vshll.u32 v5, $0x4  }
0x1d5: {  	v6 =	vshll.u32 v6, $0x4;
	v5 =	vor.u32 v1, v5  }
0x1d6: {  	v10 =	vld [tilespmem:s31+$0xFFFFFFE0];
	v7 =	vshll.u32 v7, $0x4;
	v6 =	vor.u32 v1, v6  }
0x1d7: {  	v11 =	vld [tilespmem:s31+$0xFFFFFFF0];
	v12 =	vor.u32 v1, v7;
	v7 =	vshll.u32 v8, $0x4  }
0x1d8: {  	v13 =	vld [tilespmem:s31+$0xFFFFFF90];
	v14 =	vor.u32 v1, v7;
	v7 =	vshll.u32 v9, $0x4  }
0x1d9: {  	v15 =	vor.u32 v1, v7  }
.Ltmp11:
0x1da: {  	v9 =	vld.idx.msk [tilespmem:v5+s16+$0x0], $0xffff;
	(pc) =	sbr.rel @!p1 .LBB2_21-.Ltmp11, $4  }
0x1db: {  	v7 =	vld.idx.msk [tilespmem:v6+s16+$0x0], $0xffff  }
0x1dc: {  	v8 =	vld.idx.msk [tilespmem:v12+s16+$0x0], $0xffff  }
0x1dd: {  	v5 =	vshll.u32 v10, $0x4;
	v6 =	vshll.u32 v11, $0x4;
	v11 =	vshll.u32 v13, $0x4;
	v10 =	vld.idx.msk [tilespmem:v14+s16+$0x0], $0xffff  }
0x1de: {  	s25 =	simm.s32 $0xB70;
	s24 =	simm.s32 $0x8770;
	v5 =	vor.u32 v1, v5;
	v6 =	vor.u32 v1, v6;
	v11 =	vor.u32 v1, v11;
	v12 =	vld.idx.msk [tilespmem:v15+s16+$0x0], $0xffff  }
0x1df: {  	v13 =	vld [tilespmem:s25+$0x0]  }
0x1e0: {  	v14 =	vld [tilespmem:s25+$0xFFFFFFA0]  }
0x1e1: {  	v17 =	vld [tilespmem:s25+$0xFFFFFFD0]  }
0x1e2: {  	v15 =	vld [tilespmem:s25+$0xFFFFFFB0]  }
0x1e3: {  	v16 =	vld [tilespmem:s25+$0xFFFFFFC0]  }
0x1e4: {  	v18 =	vld [tilespmem:s25+$0xFFFFFFE0];
	v13 =	vshll.u32 v13, $0x4  }
0x1e5: {  	v19 =	vld [tilespmem:s25+$0xFFFFFFF0];
	v14 =	vshll.u32 v14, $0x4;
	v20 =	vor.u32 v1, v13  }
0x1e6: {  	v21 =	vld [tilespmem:s25+$0xFFFFFF90];
	[tilespmem:s24+$0x0] =	vst v9;
	v9 =	vshll.u32 v17, $0x4;
	v14 =	vor.u32 v1, v14  }
0x1e7: {  	v11 =	vld.idx.msk [tilespmem:v11+s16+$0x0], $0xffff;
	v13 =	vshll.u32 v15, $0x4;
	v22 =	vor.u32 v1, v9  }
0x1e8: {  	v63 =	vld.idx.msk [tilespmem:v5+s16+$0x0], $0xffff;
	v15 =	vor.u32 v1, v13;
	v13 =	vshll.u32 v16, $0x4  }
0x1e9: {  	p1 =	por $0x1, $0x1;
	[tilespmem:s24+$0xFFFFFFA0] =	vst v7;
	v16 =	vor.u32 v1, v13;
	v13 =	vld.idx.msk [tilespmem:v6+s16+$0x0], $0xffff  }
.Ltmp12:
0x1ea: {  	[tilespmem:s24+$0xFFFFFFB0] =	vst v8;
	v9 =	vld.idx.msk [tilespmem:v20+s16+$0x0], $0xffff;
	(pc) =	sbr.rel @!p1 .LBB2_23-.Ltmp12, $4  }
0x1eb: {  	[tilespmem:s24+$0xFFFFFFD0] =	vst v12;
	v12 =	vshll.u32 v21, $0x4;
	v7 =	vld.idx.msk [tilespmem:v14+s16+$0x0], $0xffff  }
0x1ec: {  	[tilespmem:s24+$0xFFFFFF90] =	vst v11;
	v11 =	vor.u32 v1, v12;
	v12 =	vld.idx.msk [tilespmem:v22+s16+$0x0], $0xffff  }
0x1ed: {  	s25 =	simm.s32 $0x80;
	[tilespmem:s24+$0xFFFFFFC0] =	vst v10;
	v5 =	vshll.u32 v18, $0x4;
	v6 =	vshll.u32 v19, $0x4;
	v8 =	vld.idx.msk [tilespmem:v15+s16+$0x0], $0xffff  }
0x1ee: {  	s28 =	simm.s32 $0xF70;
	p0 =	por $0x1, $0x1;
	s26 =	simm.s32 $0x8770;
	[tilespmem:s24+$0xFFFFFFE0] =	vst v63;
	v5 =	vor.u32 v1, v5;
	v6 =	vor.u32 v1, v6;
	v10 =	vld.idx.msk [tilespmem:v16+s16+$0x0], $0xffff  }
.LBB2_24:
0x1ef: {  	v14 =	vld [tilespmem:s28+$0x0];
	s25 =	sadd.s32 $0x80, s25;
	[tilespmem:s26+$0xFFFFFFF0] =	vst v13;
	s26 =	sadd.s32 $0x400, s26  }
0x1f0: {  	v13 =	vld [tilespmem:s28+$0xFFFFFFA0];
	p1 =	slt.u32 s25, $0x780;
	[tilespmem:s26+$0x0] =	vst v9  }
0x1f1: {  	v9 =	vld [tilespmem:s28+$0xFFFFFFB0];
	[tilespmem:s26+$0xFFFFFFA0] =	vst v7  }
0x1f2: {  	v7 =	vld [tilespmem:s28+$0xFFFFFFC0];
	[tilespmem:s26+$0xFFFFFFB0] =	vst v8  }
0x1f3: {  	v8 =	vld [tilespmem:s28+$0xFFFFFFD0];
	[tilespmem:s26+$0xFFFFFFC0] =	vst v10  }
0x1f4: {  	v10 =	vld [tilespmem:s28+$0xFFFFFFE0];
	v14 =	vshll.u32 v14, $0x4;
	[tilespmem:s26+$0xFFFFFFD0] =	vst v12  }
0x1f5: {  	v12 =	vshll.u32 v13, $0x4;
	v15 =	vld [tilespmem:s28+$0xFFFFFFF0];
	v14 =	vor.u32 v1, v14  }
0x1f6: {  	v16 =	vld [tilespmem:s28+$0xFFFFFF90];
	v12 =	vor.u32 v1, v12;
	v9 =	vshll.u32 v9, $0x4  }
0x1f7: {  	v17 =	vor.u32 v1, v9;
	v7 =	vshll.u32 v7, $0x4;
	v18 =	vld.idx.msk [tilespmem:v11+s16+$0x0], $0xffff  }
0x1f8: {  	v19 =	vor.u32 v1, v7;
	v7 =	vshll.u32 v8, $0x4;
	v20 =	vld.idx.msk [tilespmem:v5+s16+$0x0], $0xffff  }
0x1f9: {  	v21 =	vor.u32 v1, v7;
	v5 =	vshll.u32 v10, $0x4;
	v13 =	vld.idx.msk [tilespmem:v6+s16+$0x0], $0xffff  }
.Ltmp13:
0x1fa: {  	v5 =	vor.u32 v1, v5;
	v6 =	vshll.u32 v15, $0x4;
	v9 =	vld.idx.msk [tilespmem:v14+s16+$0x0], $0xffff;
	(pc) =	sbr.rel @p1 .LBB2_24-.Ltmp13, $4  }
0x1fb: {  	v8 =	vshll.u32 v16, $0x4;
	v7 =	vld.idx.msk [tilespmem:v12+s16+$0x0], $0xffff;
	v6 =	vor.u32 v1, v6  }
0x1fc: {  	v11 =	vor.u32 v1, v8;
	v8 =	vld.idx.msk [tilespmem:v17+s16+$0x0], $0xffff  }
0x1fd: {  	v10 =	vld.idx.msk [tilespmem:v19+s16+$0x0], $0xffff;
	[tilespmem:s26+$0xFFFFFF90] =	vst v18  }
0x1fe: {  	s28 =	sadd.s32 $0x400, s28;
	v12 =	vld.idx.msk [tilespmem:v21+s16+$0x0], $0xffff;
	[tilespmem:s26+$0xFFFFFFE0] =	vst v20  }
.LBB2_25:
0x1ff: {  	_ =	sdelay $0x1  }
0x200: {  	s25 =	sadd.s32 @p0 $0x400, s26  }
0x201: {  	[tilespmem:s26+$0xFFFFFFF0] =	vst @p0 v13;
	s24 =	smov.u32 @p0 s25  }
0x202: {  	v5 =	vld.idx.msk [tilespmem:v5+s16+$0x0], $0xffff;
	[tilespmem:s24+$0x0] =	vst v9  }
0x203: {  	v6 =	vld.idx.msk [tilespmem:v6+s16+$0x0], $0xffff;
	[tilespmem:s24+$0xFFFFFFA0] =	vst v7  }
0x204: {  	v9 =	vld.idx.msk [tilespmem:v11+s16+$0x0], $0xffff;
	[tilespmem:s24+$0xFFFFFFB0] =	vst v8  }
0x205: {  	[tilespmem:s24+$0xFFFFFFC0] =	vst v10  }
0x206: {  	[tilespmem:s24+$0xFFFFFFD0] =	vst v12  }
0x207: {  	[tilespmem:s24+$0xFFFFFFE0] =	vst v5  }
0x208: {  	[tilespmem:s24+$0xFFFFFFF0] =	vst v6  }
0x209: {  	s31 =	simm.s32 $0x7F0;
	[tilespmem:s24+$0xFFFFFF90] =	vst v9  }
0x20a: {  	v5 =	vld [tilespmem:s31+$0x0]  }
0x20b: {  	v6 =	vld [tilespmem:s31+$0xFFFFFFA0]  }
0x20c: {  	v7 =	vld [tilespmem:s31+$0xFFFFFFB0]  }
0x20d: {  	v8 =	vld [tilespmem:s31+$0xFFFFFFC0]  }
0x20e: {  	v9 =	vld [tilespmem:s31+$0xFFFFFFD0]  }
0x20f: {  	v5 =	vshll.u32 v5, $0x4  }
0x210: {  	v6 =	vshll.u32 v6, $0x4;
	v5 =	vor.u32 v1, v5  }
0x211: {  	v10 =	vld [tilespmem:s31+$0xFFFFFFE0];
	v7 =	vshll.u32 v7, $0x4;
	v6 =	vor.u32 v1, v6  }
0x212: {  	v11 =	vld [tilespmem:s31+$0xFFFFFFF0];
	v12 =	vor.u32 v1, v7;
	v7 =	vshll.u32 v8, $0x4  }
0x213: {  	v13 =	vld [tilespmem:s31+$0xFFFFFF90];
	v14 =	vor.u32 v1, v7;
	v7 =	vshll.u32 v9, $0x4  }
0x214: {  	p1 =	por $0x1, $0x1;
	v15 =	vor.u32 v1, v7  }
.Ltmp14:
0x215: {  	v9 =	vld.idx.msk [tilespmem:v5+s16+$0x0], $0xffff;
	(pc) =	sbr.rel @!p1 .LBB2_26-.Ltmp14, $4  }
0x216: {  	v7 =	vld.idx.msk [tilespmem:v6+s16+$0x0], $0xffff  }
0x217: {  	v8 =	vld.idx.msk [tilespmem:v12+s16+$0x0], $0xffff  }
0x218: {  	v5 =	vshll.u32 v10, $0x4;
	v6 =	vshll.u32 v11, $0x4;
	v11 =	vshll.u32 v13, $0x4;
	v10 =	vld.idx.msk [tilespmem:v14+s16+$0x0], $0xffff  }
0x219: {  	s25 =	simm.s32 $0xBF0;
	p0 =	por $0x0, $0x0;
	s24 =	simm.s32 $0x87F0;
	v5 =	vor.u32 v1, v5;
	v6 =	vor.u32 v1, v6;
	v11 =	vor.u32 v1, v11;
	v12 =	vld.idx.msk [tilespmem:v15+s16+$0x0], $0xffff  }
0x21a: {  	v13 =	vld [tilespmem:s25+$0x0]  }
0x21b: {  	v14 =	vld [tilespmem:s25+$0xFFFFFFA0]  }
0x21c: {  	v17 =	vld [tilespmem:s25+$0xFFFFFFD0]  }
0x21d: {  	v15 =	vld [tilespmem:s25+$0xFFFFFFB0]  }
0x21e: {  	v16 =	vld [tilespmem:s25+$0xFFFFFFC0]  }
0x21f: {  	v18 =	vld [tilespmem:s25+$0xFFFFFFE0];
	v13 =	vshll.u32 v13, $0x4  }
0x220: {  	v19 =	vld [tilespmem:s25+$0xFFFFFFF0];
	v14 =	vshll.u32 v14, $0x4;
	v20 =	vor.u32 v1, v13  }
0x221: {  	v21 =	vld [tilespmem:s25+$0xFFFFFF90];
	[tilespmem:s24+$0x0] =	vst v9;
	v9 =	vshll.u32 v17, $0x4;
	v14 =	vor.u32 v1, v14  }
0x222: {  	v11 =	vld.idx.msk [tilespmem:v11+s16+$0x0], $0xffff;
	v13 =	vshll.u32 v15, $0x4;
	v22 =	vor.u32 v1, v9  }
0x223: {  	v63 =	vld.idx.msk [tilespmem:v5+s16+$0x0], $0xffff;
	v15 =	vor.u32 v1, v13;
	v13 =	vshll.u32 v16, $0x4  }
0x224: {  	p3 =	por $0x1, $0x1;
	[tilespmem:s24+$0xFFFFFFA0] =	vst v7;
	v16 =	vor.u32 v1, v13;
	v13 =	vld.idx.msk [tilespmem:v6+s16+$0x0], $0xffff  }
.Ltmp15:
0x225: {  	[tilespmem:s24+$0xFFFFFFB0] =	vst v8;
	v9 =	vld.idx.msk [tilespmem:v20+s16+$0x0], $0xffff;
	(pc) =	sbr.rel @!p3 .LBB2_28-.Ltmp15, $4  }
0x226: {  	[tilespmem:s24+$0xFFFFFFD0] =	vst v12;
	v12 =	vshll.u32 v21, $0x4;
	v7 =	vld.idx.msk [tilespmem:v14+s16+$0x0], $0xffff  }
0x227: {  	[tilespmem:s24+$0xFFFFFF90] =	vst v11;
	v11 =	vor.u32 v1, v12;
	v12 =	vld.idx.msk [tilespmem:v22+s16+$0x0], $0xffff  }
0x228: {  	s25 =	simm.s32 $0x80;
	[tilespmem:s24+$0xFFFFFFC0] =	vst v10;
	v5 =	vshll.u32 v18, $0x4;
	v6 =	vshll.u32 v19, $0x4;
	v8 =	vld.idx.msk [tilespmem:v15+s16+$0x0], $0xffff  }
0x229: {  	s28 =	simm.s32 $0xFF0;
	p2 =	por $0x1, $0x1;
	s26 =	simm.s32 $0x87F0;
	[tilespmem:s24+$0xFFFFFFE0] =	vst v63;
	v5 =	vor.u32 v1, v5;
	v6 =	vor.u32 v1, v6;
	v10 =	vld.idx.msk [tilespmem:v16+s16+$0x0], $0xffff  }
.LBB2_29:
0x22a: {  	v14 =	vld [tilespmem:s28+$0x0];
	s25 =	sadd.s32 $0x80, s25;
	[tilespmem:s26+$0xFFFFFFF0] =	vst v13;
	s26 =	sadd.s32 $0x400, s26  }
0x22b: {  	v13 =	vld [tilespmem:s28+$0xFFFFFFA0];
	p3 =	slt.u32 s25, $0x780;
	[tilespmem:s26+$0x0] =	vst v9  }
0x22c: {  	v9 =	vld [tilespmem:s28+$0xFFFFFFB0];
	[tilespmem:s26+$0xFFFFFFA0] =	vst v7  }
0x22d: {  	v7 =	vld [tilespmem:s28+$0xFFFFFFC0];
	[tilespmem:s26+$0xFFFFFFB0] =	vst v8  }
0x22e: {  	v8 =	vld [tilespmem:s28+$0xFFFFFFD0];
	[tilespmem:s26+$0xFFFFFFC0] =	vst v10  }
0x22f: {  	v10 =	vld [tilespmem:s28+$0xFFFFFFE0];
	v14 =	vshll.u32 v14, $0x4;
	[tilespmem:s26+$0xFFFFFFD0] =	vst v12  }
0x230: {  	v12 =	vshll.u32 v13, $0x4;
	v15 =	vld [tilespmem:s28+$0xFFFFFFF0];
	v14 =	vor.u32 v1, v14  }
0x231: {  	v16 =	vld [tilespmem:s28+$0xFFFFFF90];
	v12 =	vor.u32 v1, v12;
	v9 =	vshll.u32 v9, $0x4  }
0x232: {  	v17 =	vor.u32 v1, v9;
	v7 =	vshll.u32 v7, $0x4;
	v18 =	vld.idx.msk [tilespmem:v11+s16+$0x0], $0xffff  }
0x233: {  	v19 =	vor.u32 v1, v7;
	v7 =	vshll.u32 v8, $0x4;
	v20 =	vld.idx.msk [tilespmem:v5+s16+$0x0], $0xffff  }
0x234: {  	v21 =	vor.u32 v1, v7;
	v5 =	vshll.u32 v10, $0x4;
	v13 =	vld.idx.msk [tilespmem:v6+s16+$0x0], $0xffff  }
.Ltmp16:
0x235: {  	v5 =	vor.u32 v1, v5;
	v6 =	vshll.u32 v15, $0x4;
	v9 =	vld.idx.msk [tilespmem:v14+s16+$0x0], $0xffff;
	(pc) =	sbr.rel @p3 .LBB2_29-.Ltmp16, $4  }
0x236: {  	v8 =	vshll.u32 v16, $0x4;
	v7 =	vld.idx.msk [tilespmem:v12+s16+$0x0], $0xffff;
	v6 =	vor.u32 v1, v6  }
0x237: {  	v11 =	vor.u32 v1, v8;
	v8 =	vld.idx.msk [tilespmem:v17+s16+$0x0], $0xffff  }
0x238: {  	v10 =	vld.idx.msk [tilespmem:v19+s16+$0x0], $0xffff;
	[tilespmem:s26+$0xFFFFFF90] =	vst v18  }
0x239: {  	s28 =	sadd.s32 $0x400, s28;
	v12 =	vld.idx.msk [tilespmem:v21+s16+$0x0], $0xffff;
	[tilespmem:s26+$0xFFFFFFE0] =	vst v20  }
.LBB2_30:
0x23a: {  	_ =	sdelay $0x1  }
0x23b: {  	s25 =	sadd.s32 @p2 $0x400, s26  }
0x23c: {  	[tilespmem:s26+$0xFFFFFFF0] =	vst @p2 v13;
	s24 =	smov.u32 @p2 s25  }
0x23d: {  	v5 =	vld.idx.msk [tilespmem:v5+s16+$0x0], $0xffff;
	[tilespmem:s24+$0x0] =	vst v9  }
0x23e: {  	v6 =	vld.idx.msk [tilespmem:v6+s16+$0x0], $0xffff;
	[tilespmem:s24+$0xFFFFFFA0] =	vst v7  }
0x23f: {  	v9 =	vld.idx.msk [tilespmem:v11+s16+$0x0], $0xffff;
	[tilespmem:s24+$0xFFFFFFB0] =	vst v8  }
0x240: {  	[tilespmem:s24+$0xFFFFFFC0] =	vst v10  }
0x241: {  	[tilespmem:s24+$0xFFFFFFD0] =	vst v12  }
0x242: {  	[tilespmem:s24+$0xFFFFFFE0] =	vst v5  }
0x243: {  	[tilespmem:s24+$0xFFFFFFF0] =	vst v6  }
0x244: {  	s31 =	simm.s32 $0x870;
	[tilespmem:s24+$0xFFFFFF90] =	vst v9  }
0x245: {  	v5 =	vld [tilespmem:s31+$0x0]  }
0x246: {  	v6 =	vld [tilespmem:s31+$0xFFFFFFA0]  }
0x247: {  	v7 =	vld [tilespmem:s31+$0xFFFFFFB0]  }
0x248: {  	v8 =	vld [tilespmem:s31+$0xFFFFFFC0]  }
0x249: {  	v9 =	vld [tilespmem:s31+$0xFFFFFFD0]  }
0x24a: {  	v5 =	vshll.u32 v5, $0x4  }
0x24b: {  	v6 =	vshll.u32 v6, $0x4;
	v5 =	vor.u32 v1, v5  }
0x24c: {  	v10 =	vld [tilespmem:s31+$0xFFFFFFE0];
	v7 =	vshll.u32 v7, $0x4;
	v6 =	vor.u32 v1, v6  }
0x24d: {  	v11 =	vld [tilespmem:s31+$0xFFFFFFF0];
	v12 =	vor.u32 v1, v7;
	v7 =	vshll.u32 v8, $0x4  }
0x24e: {  	v13 =	vld [tilespmem:s31+$0xFFFFFF90];
	v14 =	vor.u32 v1, v7;
	v7 =	vshll.u32 v9, $0x4  }
0x24f: {  	v15 =	vor.u32 v1, v7  }
.Ltmp17:
0x250: {  	v9 =	vld.idx.msk [tilespmem:v5+s16+$0x0], $0xffff;
	(pc) =	sbr.rel @!p1 .LBB2_31-.Ltmp17, $4  }
0x251: {  	v7 =	vld.idx.msk [tilespmem:v6+s16+$0x0], $0xffff  }
0x252: {  	v8 =	vld.idx.msk [tilespmem:v12+s16+$0x0], $0xffff  }
0x253: {  	v5 =	vshll.u32 v10, $0x4;
	v6 =	vshll.u32 v11, $0x4;
	v11 =	vshll.u32 v13, $0x4;
	v10 =	vld.idx.msk [tilespmem:v14+s16+$0x0], $0xffff  }
0x254: {  	s25 =	simm.s32 $0xC70;
	s24 =	simm.s32 $0x8870;
	v5 =	vor.u32 v1, v5;
	v6 =	vor.u32 v1, v6;
	v11 =	vor.u32 v1, v11;
	v12 =	vld.idx.msk [tilespmem:v15+s16+$0x0], $0xffff  }
0x255: {  	v13 =	vld [tilespmem:s25+$0x0]  }
0x256: {  	v14 =	vld [tilespmem:s25+$0xFFFFFFA0]  }
0x257: {  	v17 =	vld [tilespmem:s25+$0xFFFFFFD0]  }
0x258: {  	v15 =	vld [tilespmem:s25+$0xFFFFFFB0]  }
0x259: {  	v16 =	vld [tilespmem:s25+$0xFFFFFFC0]  }
0x25a: {  	v18 =	vld [tilespmem:s25+$0xFFFFFFE0];
	v13 =	vshll.u32 v13, $0x4  }
0x25b: {  	v19 =	vld [tilespmem:s25+$0xFFFFFFF0];
	v14 =	vshll.u32 v14, $0x4;
	v20 =	vor.u32 v1, v13  }
0x25c: {  	v21 =	vld [tilespmem:s25+$0xFFFFFF90];
	[tilespmem:s24+$0x0] =	vst v9;
	v9 =	vshll.u32 v17, $0x4;
	v14 =	vor.u32 v1, v14  }
0x25d: {  	v11 =	vld.idx.msk [tilespmem:v11+s16+$0x0], $0xffff;
	v13 =	vshll.u32 v15, $0x4;
	v22 =	vor.u32 v1, v9  }
0x25e: {  	v63 =	vld.idx.msk [tilespmem:v5+s16+$0x0], $0xffff;
	v15 =	vor.u32 v1, v13;
	v13 =	vshll.u32 v16, $0x4  }
0x25f: {  	p1 =	por $0x1, $0x1;
	[tilespmem:s24+$0xFFFFFFA0] =	vst v7;
	v16 =	vor.u32 v1, v13;
	v13 =	vld.idx.msk [tilespmem:v6+s16+$0x0], $0xffff  }
.Ltmp18:
0x260: {  	[tilespmem:s24+$0xFFFFFFB0] =	vst v8;
	v9 =	vld.idx.msk [tilespmem:v20+s16+$0x0], $0xffff;
	(pc) =	sbr.rel @!p1 .LBB2_33-.Ltmp18, $4  }
0x261: {  	[tilespmem:s24+$0xFFFFFFD0] =	vst v12;
	v12 =	vshll.u32 v21, $0x4;
	v7 =	vld.idx.msk [tilespmem:v14+s16+$0x0], $0xffff  }
0x262: {  	[tilespmem:s24+$0xFFFFFF90] =	vst v11;
	v11 =	vor.u32 v1, v12;
	v12 =	vld.idx.msk [tilespmem:v22+s16+$0x0], $0xffff  }
0x263: {  	s25 =	simm.s32 $0x80;
	[tilespmem:s24+$0xFFFFFFC0] =	vst v10;
	v5 =	vshll.u32 v18, $0x4;
	v6 =	vshll.u32 v19, $0x4;
	v8 =	vld.idx.msk [tilespmem:v15+s16+$0x0], $0xffff  }
0x264: {  	s28 =	simm.s32 $0x1070;
	p0 =	por $0x1, $0x1;
	s26 =	simm.s32 $0x8870;
	[tilespmem:s24+$0xFFFFFFE0] =	vst v63;
	v5 =	vor.u32 v1, v5;
	v6 =	vor.u32 v1, v6;
	v10 =	vld.idx.msk [tilespmem:v16+s16+$0x0], $0xffff  }
.LBB2_34:
0x265: {  	v14 =	vld [tilespmem:s28+$0x0];
	s25 =	sadd.s32 $0x80, s25;
	[tilespmem:s26+$0xFFFFFFF0] =	vst v13;
	s26 =	sadd.s32 $0x400, s26  }
0x266: {  	v13 =	vld [tilespmem:s28+$0xFFFFFFA0];
	p1 =	slt.u32 s25, $0x780;
	[tilespmem:s26+$0x0] =	vst v9  }
0x267: {  	v9 =	vld [tilespmem:s28+$0xFFFFFFB0];
	[tilespmem:s26+$0xFFFFFFA0] =	vst v7  }
0x268: {  	v7 =	vld [tilespmem:s28+$0xFFFFFFC0];
	[tilespmem:s26+$0xFFFFFFB0] =	vst v8  }
0x269: {  	v8 =	vld [tilespmem:s28+$0xFFFFFFD0];
	[tilespmem:s26+$0xFFFFFFC0] =	vst v10  }
0x26a: {  	v10 =	vld [tilespmem:s28+$0xFFFFFFE0];
	v14 =	vshll.u32 v14, $0x4;
	[tilespmem:s26+$0xFFFFFFD0] =	vst v12  }
0x26b: {  	v12 =	vshll.u32 v13, $0x4;
	v15 =	vld [tilespmem:s28+$0xFFFFFFF0];
	v14 =	vor.u32 v1, v14  }
0x26c: {  	v16 =	vld [tilespmem:s28+$0xFFFFFF90];
	v12 =	vor.u32 v1, v12;
	v9 =	vshll.u32 v9, $0x4  }
0x26d: {  	v17 =	vor.u32 v1, v9;
	v7 =	vshll.u32 v7, $0x4;
	v18 =	vld.idx.msk [tilespmem:v11+s16+$0x0], $0xffff  }
0x26e: {  	v19 =	vor.u32 v1, v7;
	v7 =	vshll.u32 v8, $0x4;
	v20 =	vld.idx.msk [tilespmem:v5+s16+$0x0], $0xffff  }
0x26f: {  	v21 =	vor.u32 v1, v7;
	v5 =	vshll.u32 v10, $0x4;
	v13 =	vld.idx.msk [tilespmem:v6+s16+$0x0], $0xffff  }
.Ltmp19:
0x270: {  	v5 =	vor.u32 v1, v5;
	v6 =	vshll.u32 v15, $0x4;
	v9 =	vld.idx.msk [tilespmem:v14+s16+$0x0], $0xffff;
	(pc) =	sbr.rel @p1 .LBB2_34-.Ltmp19, $4  }
0x271: {  	v8 =	vshll.u32 v16, $0x4;
	v7 =	vld.idx.msk [tilespmem:v12+s16+$0x0], $0xffff;
	v6 =	vor.u32 v1, v6  }
0x272: {  	v11 =	vor.u32 v1, v8;
	v8 =	vld.idx.msk [tilespmem:v17+s16+$0x0], $0xffff  }
0x273: {  	v10 =	vld.idx.msk [tilespmem:v19+s16+$0x0], $0xffff;
	[tilespmem:s26+$0xFFFFFF90] =	vst v18  }
0x274: {  	s28 =	sadd.s32 $0x400, s28;
	v12 =	vld.idx.msk [tilespmem:v21+s16+$0x0], $0xffff;
	[tilespmem:s26+$0xFFFFFFE0] =	vst v20  }
.LBB2_35:
0x275: {  	_ =	sdelay $0x1  }
0x276: {  	s25 =	sadd.s32 @p0 $0x400, s26  }
0x277: {  	[tilespmem:s26+$0xFFFFFFF0] =	vst @p0 v13;
	s24 =	smov.u32 @p0 s25  }
0x278: {  	v5 =	vld.idx.msk [tilespmem:v5+s16+$0x0], $0xffff;
	[tilespmem:s24+$0x0] =	vst v9  }
0x279: {  	v6 =	vld.idx.msk [tilespmem:v6+s16+$0x0], $0xffff;
	[tilespmem:s24+$0xFFFFFFA0] =	vst v7  }
0x27a: {  	v9 =	vld.idx.msk [tilespmem:v11+s16+$0x0], $0xffff;
	[tilespmem:s24+$0xFFFFFFB0] =	vst v8  }
0x27b: {  	[tilespmem:s24+$0xFFFFFFC0] =	vst v10  }
0x27c: {  	[tilespmem:s24+$0xFFFFFFD0] =	vst v12  }
0x27d: {  	[tilespmem:s24+$0xFFFFFFE0] =	vst v5  }
0x27e: {  	[tilespmem:s24+$0xFFFFFFF0] =	vst v6  }
0x27f: {  	[tilespmem:s24+$0xFFFFFF90] =	vst v9  }
0x280: {  	[hbm4b:s6+s3] =	stream.linear.scatter [tilespmem:s18], [sflag:$0x3], $0x4000, $0x38;
	[tilespmem:$0x10480] =	vst v63  }
0x281: {  	_ = 	snop  }
0x282: {  	[tilespmem:s13], [sflag:$0x1] =	stream.linear.gather [hbm4b:s7+s3], $0x4000, $0x38;
	[tilespmem:$0x10480] =	vst v63  }
0x283: {  	_ =	swait.ge [sflag:s19], $0x4000  }
0x284: {  	[sflag:s19] =	ssyncset.done $0x0  }
0x285: {  	s30 =	simm.s32 $0x44C0;
	[sflag:s19] =	ssyncadd.s32 $0xFFFFC000  }
0x286: {  	v5 =	vld [tilespmem:s30+$0x30]  }
0x287: {  	v8 =	vld [tilespmem:s30+$0xFFFFFFF0]  }
0x288: {  	v9 =	vld [tilespmem:s30+$0x0]  }
0x289: {  	v6 =	vld [tilespmem:s30+$0xFFFFFFD0]  }
0x28a: {  	v7 =	vld [tilespmem:s30+$0xFFFFFFE0]  }
0x28b: {  	v10 =	vld [tilespmem:s30+$0x10]  }
0x28c: {  	v11 =	vld [tilespmem:s30+$0x20];
	v8 =	vshll.u32 v8, $0x4  }
0x28d: {  	s31 =	simm.s32 $0x48C0;
	v12 =	vld [tilespmem:s30+$0xFFFFFFC0];
	v9 =	vshll.u32 v9, $0x4;
	v8 =	vor.u32 v1, v8  }
0x28e: {  	v15 =	vld [tilespmem:s31+$0xFFFFFFE0];
	v9 =	vor.u32 v1, v9  }
0x28f: {  	v16 =	vld [tilespmem:s31+$0xFFFFFFF0]  }
0x290: {  	v17 =	vld [tilespmem:s31+$0x0];
	v5 =	vshll.u32 v5, $0x4  }
0x291: {  	v18 =	vld [tilespmem:s31+$0x10];
	v6 =	vshll.u32 v6, $0x4;
	v5 =	vor.u32 v1, v5  }
0x292: {  	v7 =	vshll.u32 v7, $0x4;
	v6 =	vor.u32 v1, v6;
	v13 =	vld.idx.msk [tilespmem:v8+s16+$0x0], $0xffff  }
0x293: {  	v7 =	vor.u32 v1, v7;
	v14 =	vld.idx.msk [tilespmem:v9+s16+$0x0], $0xffff  }
0x294: {  	v8 =	vld [tilespmem:s31+$0x30]  }
0x295: {  	v12 =	vshll.u32 v12, $0x4;
	v9 =	vld [tilespmem:s31+$0xFFFFFFD0]  }
0x296: {  	v10 =	vshll.u32 v10, $0x4;
	v12 =	vor.u32 v1, v12;
	v5 =	vld.idx.msk [tilespmem:v5+s16+$0x0], $0xffff  }
0x297: {  	v11 =	vshll.u32 v11, $0x4;
	v10 =	vor.u32 v1, v10;
	v6 =	vld.idx.msk [tilespmem:v6+s16+$0x0], $0xffff  }
0x298: {  	v15 =	vshll.u32 v15, $0x4;
	v11 =	vor.u32 v1, v11;
	v7 =	vld.idx.msk [tilespmem:v7+s16+$0x0], $0xffff  }
0x299: {  	v19 =	vld [tilespmem:s31+$0x20];
	v15 =	vor.u32 v1, v15;
	v8 =	vshll.u32 v8, $0x4  }
0x29a: {  	s24 =	simm.s32 $0xC4C0;
	v20 =	vld [tilespmem:s31+$0xFFFFFFC0];
	v9 =	vshll.u32 v9, $0x4;
	v8 =	vor.u32 v1, v8  }
0x29b: {  	v16 =	vshll.u32 v16, $0x4;
	v21 =	vld.idx.msk [tilespmem:v12+s16+$0x0], $0xffff;
	[tilespmem:s24+$0x30] =	vst v5;
	v9 =	vor.u32 v1, v9  }
0x29c: {  	v12 =	vor.u32 v1, v16;
	v63 =	vld.idx.msk [tilespmem:v10+s16+$0x0], $0xffff;
	v5 =	vshll.u32 v17, $0x4;
	[tilespmem:s24+$0xFFFFFFD0] =	vst v6  }
0x29d: {  	v10 =	vld.idx.msk [tilespmem:v11+s16+$0x0], $0xffff;
	[tilespmem:s24+$0xFFFFFFE0] =	vst v7;
	v17 =	vor.u32 v1, v5  }
0x29e: {  	v11 =	vld.idx.msk [tilespmem:v15+s16+$0x0], $0xffff;
	[tilespmem:s24+$0xFFFFFFF0] =	vst v13  }
0x29f: {  	[tilespmem:s24+$0x0] =	vst v14;
	v8 =	vld.idx.msk [tilespmem:v8+s16+$0x0], $0xffff  }
0x2a0: {  	[tilespmem:s24+$0xFFFFFFC0] =	vst v21;
	v9 =	vld.idx.msk [tilespmem:v9+s16+$0x0], $0xffff  }
0x2a1: {  	v6 =	vshll.u32 v19, $0x4;
	v7 =	vshll.u32 v20, $0x4;
	v12 =	vld.idx.msk [tilespmem:v12+s16+$0x0], $0xffff;
	[tilespmem:s24+$0x10] =	vst v63;
	v5 =	vshll.u32 v18, $0x4  }
0x2a2: {  	s26 =	simm.s32 $0x4CC0;
	s25 =	simm.s32 $0x80;
	v6 =	vor.u32 v1, v6;
	v7 =	vor.u32 v1, v7;
	v5 =	vor.u32 v1, v5;
	v13 =	vld.idx.msk [tilespmem:v17+s16+$0x0], $0xffff  }
.LBB2_36:
0x2a3: {  	v14 =	vld [tilespmem:s26+$0x30];
	s25 =	sadd.s32 $0x80, s25;
	[tilespmem:s24+$0x20] =	vst v10;
	s24 =	sadd.s32 $0x400, s24  }
0x2a4: {  	v10 =	vld [tilespmem:s26+$0xFFFFFFD0];
	p0 =	slt.u32 s25, $0x780;
	[tilespmem:s24+$0x30] =	vst v8  }
0x2a5: {  	v8 =	vld [tilespmem:s26+$0xFFFFFFE0];
	[tilespmem:s24+$0xFFFFFFD0] =	vst v9  }
0x2a6: {  	v9 =	vld [tilespmem:s26+$0xFFFFFFF0];
	[tilespmem:s24+$0xFFFFFFE0] =	vst v11  }
0x2a7: {  	v11 =	vld [tilespmem:s26+$0x0];
	[tilespmem:s24+$0xFFFFFFF0] =	vst v12  }
0x2a8: {  	v12 =	vld [tilespmem:s26+$0x10];
	v14 =	vshll.u32 v14, $0x4;
	[tilespmem:s24+$0x0] =	vst v13  }
0x2a9: {  	v10 =	vshll.u32 v10, $0x4;
	v13 =	vld [tilespmem:s26+$0x20];
	v14 =	vor.u32 v1, v14  }
0x2aa: {  	v15 =	vld [tilespmem:s26+$0xFFFFFFC0];
	v16 =	vor.u32 v1, v10;
	v8 =	vshll.u32 v8, $0x4  }
0x2ab: {  	v17 =	vor.u32 v1, v8;
	v8 =	vshll.u32 v9, $0x4;
	v18 =	vld.idx.msk [tilespmem:v7+s16+$0x0], $0xffff  }
0x2ac: {  	v19 =	vor.u32 v1, v8;
	v7 =	vshll.u32 v11, $0x4;
	v20 =	vld.idx.msk [tilespmem:v5+s16+$0x0], $0xffff  }
0x2ad: {  	v21 =	vor.u32 v1, v7;
	v5 =	vshll.u32 v12, $0x4;
	v10 =	vld.idx.msk [tilespmem:v6+s16+$0x0], $0xffff  }
.Ltmp20:
0x2ae: {  	v5 =	vor.u32 v1, v5;
	v6 =	vshll.u32 v13, $0x4;
	v8 =	vld.idx.msk [tilespmem:v14+s16+$0x0], $0xffff;
	(pc) =	sbr.rel @p0 .LBB2_36-.Ltmp20, $4  }
0x2af: {  	v7 =	vshll.u32 v15, $0x4;
	v9 =	vld.idx.msk [tilespmem:v16+s16+$0x0], $0xffff;
	v6 =	vor.u32 v1, v6  }
0x2b0: {  	v7 =	vor.u32 v1, v7;
	v11 =	vld.idx.msk [tilespmem:v17+s16+$0x0], $0xffff  }
0x2b1: {  	v12 =	vld.idx.msk [tilespmem:v19+s16+$0x0], $0xffff;
	[tilespmem:s24+$0xFFFFFFC0] =	vst v18  }
0x2b2: {  	s26 =	sadd.s32 $0x400, s26;
	v13 =	vld.idx.msk [tilespmem:v21+s16+$0x0], $0xffff;
	[tilespmem:s24+$0x10] =	vst v20  }
0x2b3: {  	_ =	sdelay $0x2  }
0x2b4: {  	[tilespmem:s24+$0x20] =	vst v10;
	s30 =	sadd.s32 $0x400, s24  }
0x2b5: {  	v7 =	vld.idx.msk [tilespmem:v7+s16+$0x0], $0xffff;
	[tilespmem:s30+$0x30] =	vst v8  }
0x2b6: {  	v5 =	vld.idx.msk [tilespmem:v5+s16+$0x0], $0xffff;
	[tilespmem:s30+$0xFFFFFFD0] =	vst v9  }
0x2b7: {  	v6 =	vld.idx.msk [tilespmem:v6+s16+$0x0], $0xffff;
	[tilespmem:s30+$0xFFFFFFE0] =	vst v11  }
0x2b8: {  	[tilespmem:s30+$0xFFFFFFF0] =	vst v12  }
0x2b9: {  	[tilespmem:s30+$0x0] =	vst v13  }
0x2ba: {  	[tilespmem:s30+$0xFFFFFFC0] =	vst v7  }
0x2bb: {  	[tilespmem:s30+$0x10] =	vst v5  }
0x2bc: {  	s25 =	simm.s32 $0x4570;
	[tilespmem:s30+$0x20] =	vst v6  }
0x2bd: {  	v5 =	vld [tilespmem:s25+$0x0]  }
0x2be: {  	v8 =	vld [tilespmem:s25+$0xFFFFFFC0]  }
0x2bf: {  	v9 =	vld [tilespmem:s25+$0xFFFFFFD0]  }
0x2c0: {  	v6 =	vld [tilespmem:s25+$0xFFFFFFA0]  }
0x2c1: {  	v7 =	vld [tilespmem:s25+$0xFFFFFFB0]  }
0x2c2: {  	v10 =	vld [tilespmem:s25+$0xFFFFFFE0]  }
0x2c3: {  	v11 =	vld [tilespmem:s25+$0xFFFFFFF0];
	v8 =	vshll.u32 v8, $0x4  }
0x2c4: {  	s31 =	simm.s32 $0x4970;
	v12 =	vld [tilespmem:s25+$0xFFFFFF90];
	v9 =	vshll.u32 v9, $0x4;
	v8 =	vor.u32 v1, v8  }
0x2c5: {  	v15 =	vld [tilespmem:s31+$0xFFFFFFB0];
	v9 =	vor.u32 v1, v9  }
0x2c6: {  	v16 =	vld [tilespmem:s31+$0xFFFFFFC0]  }
0x2c7: {  	v17 =	vld [tilespmem:s31+$0xFFFFFFD0];
	v5 =	vshll.u32 v5, $0x4  }
0x2c8: {  	v18 =	vld [tilespmem:s31+$0xFFFFFFE0];
	v6 =	vshll.u32 v6, $0x4;
	v5 =	vor.u32 v1, v5  }
0x2c9: {  	v7 =	vshll.u32 v7, $0x4;
	v6 =	vor.u32 v1, v6;
	v13 =	vld.idx.msk [tilespmem:v8+s16+$0x0], $0xffff  }
0x2ca: {  	v7 =	vor.u32 v1, v7;
	v14 =	vld.idx.msk [tilespmem:v9+s16+$0x0], $0xffff  }
0x2cb: {  	v8 =	vld [tilespmem:s31+$0x0]  }
0x2cc: {  	v12 =	vshll.u32 v12, $0x4;
	v9 =	vld [tilespmem:s31+$0xFFFFFFA0]  }
0x2cd: {  	v10 =	vshll.u32 v10, $0x4;
	v12 =	vor.u32 v1, v12;
	v5 =	vld.idx.msk [tilespmem:v5+s16+$0x0], $0xffff  }
0x2ce: {  	v11 =	vshll.u32 v11, $0x4;
	v10 =	vor.u32 v1, v10;
	v6 =	vld.idx.msk [tilespmem:v6+s16+$0x0], $0xffff  }
0x2cf: {  	v15 =	vshll.u32 v15, $0x4;
	v11 =	vor.u32 v1, v11;
	v7 =	vld.idx.msk [tilespmem:v7+s16+$0x0], $0xffff  }
0x2d0: {  	v19 =	vld [tilespmem:s31+$0xFFFFFFF0];
	v15 =	vor.u32 v1, v15;
	v8 =	vshll.u32 v8, $0x4  }
0x2d1: {  	s24 =	simm.s32 $0xC570;
	v20 =	vld [tilespmem:s31+$0xFFFFFF90];
	v9 =	vshll.u32 v9, $0x4;
	v8 =	vor.u32 v1, v8  }
0x2d2: {  	v16 =	vshll.u32 v16, $0x4;
	v21 =	vld.idx.msk [tilespmem:v12+s16+$0x0], $0xffff;
	[tilespmem:s24+$0x0] =	vst v5;
	v9 =	vor.u32 v1, v9  }
0x2d3: {  	v12 =	vor.u32 v1, v16;
	v63 =	vld.idx.msk [tilespmem:v10+s16+$0x0], $0xffff;
	v5 =	vshll.u32 v17, $0x4;
	[tilespmem:s24+$0xFFFFFFA0] =	vst v6  }
0x2d4: {  	v10 =	vld.idx.msk [tilespmem:v11+s16+$0x0], $0xffff;
	[tilespmem:s24+$0xFFFFFFB0] =	vst v7;
	v17 =	vor.u32 v1, v5  }
0x2d5: {  	v11 =	vld.idx.msk [tilespmem:v15+s16+$0x0], $0xffff;
	[tilespmem:s24+$0xFFFFFFC0] =	vst v13  }
0x2d6: {  	[tilespmem:s24+$0xFFFFFFD0] =	vst v14;
	v8 =	vld.idx.msk [tilespmem:v8+s16+$0x0], $0xffff  }
0x2d7: {  	[tilespmem:s24+$0xFFFFFF90] =	vst v21;
	v9 =	vld.idx.msk [tilespmem:v9+s16+$0x0], $0xffff  }
0x2d8: {  	v6 =	vshll.u32 v19, $0x4;
	v7 =	vshll.u32 v20, $0x4;
	v12 =	vld.idx.msk [tilespmem:v12+s16+$0x0], $0xffff;
	[tilespmem:s24+$0xFFFFFFE0] =	vst v63;
	v5 =	vshll.u32 v18, $0x4  }
0x2d9: {  	s26 =	simm.s32 $0x4D70;
	s25 =	simm.s32 $0x80;
	v6 =	vor.u32 v1, v6;
	v7 =	vor.u32 v1, v7;
	v5 =	vor.u32 v1, v5;
	v13 =	vld.idx.msk [tilespmem:v17+s16+$0x0], $0xffff  }
.LBB2_38:
0x2da: {  	v14 =	vld [tilespmem:s26+$0x0];
	s25 =	sadd.s32 $0x80, s25;
	[tilespmem:s24+$0xFFFFFFF0] =	vst v10;
	s24 =	sadd.s32 $0x400, s24  }
0x2db: {  	v10 =	vld [tilespmem:s26+$0xFFFFFFA0];
	p0 =	slt.u32 s25, $0x780;
	[tilespmem:s24+$0x0] =	vst v8  }
0x2dc: {  	v8 =	vld [tilespmem:s26+$0xFFFFFFB0];
	[tilespmem:s24+$0xFFFFFFA0] =	vst v9  }
0x2dd: {  	v9 =	vld [tilespmem:s26+$0xFFFFFFC0];
	[tilespmem:s24+$0xFFFFFFB0] =	vst v11  }
0x2de: {  	v11 =	vld [tilespmem:s26+$0xFFFFFFD0];
	[tilespmem:s24+$0xFFFFFFC0] =	vst v12  }
0x2df: {  	v12 =	vld [tilespmem:s26+$0xFFFFFFE0];
	v14 =	vshll.u32 v14, $0x4;
	[tilespmem:s24+$0xFFFFFFD0] =	vst v13  }
0x2e0: {  	v10 =	vshll.u32 v10, $0x4;
	v13 =	vld [tilespmem:s26+$0xFFFFFFF0];
	v14 =	vor.u32 v1, v14  }
0x2e1: {  	v15 =	vld [tilespmem:s26+$0xFFFFFF90];
	v16 =	vor.u32 v1, v10;
	v8 =	vshll.u32 v8, $0x4  }
0x2e2: {  	v17 =	vor.u32 v1, v8;
	v8 =	vshll.u32 v9, $0x4;
	v18 =	vld.idx.msk [tilespmem:v7+s16+$0x0], $0xffff  }
0x2e3: {  	v19 =	vor.u32 v1, v8;
	v7 =	vshll.u32 v11, $0x4;
	v20 =	vld.idx.msk [tilespmem:v5+s16+$0x0], $0xffff  }
0x2e4: {  	v21 =	vor.u32 v1, v7;
	v5 =	vshll.u32 v12, $0x4;
	v10 =	vld.idx.msk [tilespmem:v6+s16+$0x0], $0xffff  }
.Ltmp21:
0x2e5: {  	v5 =	vor.u32 v1, v5;
	v6 =	vshll.u32 v13, $0x4;
	v8 =	vld.idx.msk [tilespmem:v14+s16+$0x0], $0xffff;
	(pc) =	sbr.rel @p0 .LBB2_38-.Ltmp21, $4  }
0x2e6: {  	v7 =	vshll.u32 v15, $0x4;
	v9 =	vld.idx.msk [tilespmem:v16+s16+$0x0], $0xffff;
	v6 =	vor.u32 v1, v6  }
0x2e7: {  	v7 =	vor.u32 v1, v7;
	v11 =	vld.idx.msk [tilespmem:v17+s16+$0x0], $0xffff  }
0x2e8: {  	v12 =	vld.idx.msk [tilespmem:v19+s16+$0x0], $0xffff;
	[tilespmem:s24+$0xFFFFFF90] =	vst v18  }
0x2e9: {  	s26 =	sadd.s32 $0x400, s26;
	v13 =	vld.idx.msk [tilespmem:v21+s16+$0x0], $0xffff;
	[tilespmem:s24+$0xFFFFFFE0] =	vst v20  }
0x2ea: {  	_ =	sdelay $0x2  }
0x2eb: {  	[tilespmem:s24+$0xFFFFFFF0] =	vst v10;
	s31 =	sadd.s32 $0x400, s24  }
0x2ec: {  	v7 =	vld.idx.msk [tilespmem:v7+s16+$0x0], $0xffff;
	[tilespmem:s31+$0x0] =	vst v8  }
0x2ed: {  	v5 =	vld.idx.msk [tilespmem:v5+s16+$0x0], $0xffff;
	[tilespmem:s31+$0xFFFFFFA0] =	vst v9  }
0x2ee: {  	v6 =	vld.idx.msk [tilespmem:v6+s16+$0x0], $0xffff;
	[tilespmem:s31+$0xFFFFFFB0] =	vst v11  }
0x2ef: {  	[tilespmem:s31+$0xFFFFFFC0] =	vst v12  }
0x2f0: {  	[tilespmem:s31+$0xFFFFFFD0] =	vst v13  }
0x2f1: {  	[tilespmem:s31+$0xFFFFFF90] =	vst v7  }
0x2f2: {  	[tilespmem:s31+$0xFFFFFFE0] =	vst v5  }
0x2f3: {  	s25 =	simm.s32 $0x45F0;
	[tilespmem:s31+$0xFFFFFFF0] =	vst v6  }
0x2f4: {  	v5 =	vld [tilespmem:s25+$0x0]  }
0x2f5: {  	v6 =	vld [tilespmem:s25+$0xFFFFFFA0]  }
0x2f6: {  	v7 =	vld [tilespmem:s25+$0xFFFFFFB0]  }
0x2f7: {  	v8 =	vld [tilespmem:s25+$0xFFFFFFC0]  }
0x2f8: {  	v9 =	vld [tilespmem:s25+$0xFFFFFFD0]  }
0x2f9: {  	v5 =	vshll.u32 v5, $0x4  }
0x2fa: {  	v6 =	vshll.u32 v6, $0x4;
	v5 =	vor.u32 v1, v5  }
0x2fb: {  	v10 =	vld [tilespmem:s25+$0xFFFFFFE0];
	v7 =	vshll.u32 v7, $0x4;
	v6 =	vor.u32 v1, v6  }
0x2fc: {  	v11 =	vld [tilespmem:s25+$0xFFFFFFF0];
	v12 =	vor.u32 v1, v7;
	v7 =	vshll.u32 v8, $0x4  }
0x2fd: {  	v13 =	vld [tilespmem:s25+$0xFFFFFF90];
	v14 =	vor.u32 v1, v7;
	v7 =	vshll.u32 v9, $0x4  }
0x2fe: {  	p1 =	por $0x1, $0x1;
	v15 =	vor.u32 v1, v7  }
.Ltmp22:
0x2ff: {  	v9 =	vld.idx.msk [tilespmem:v5+s16+$0x0], $0xffff;
	(pc) =	sbr.rel @!p1 .LBB2_40-.Ltmp22, $4  }
0x300: {  	v7 =	vld.idx.msk [tilespmem:v6+s16+$0x0], $0xffff  }
0x301: {  	v8 =	vld.idx.msk [tilespmem:v12+s16+$0x0], $0xffff  }
0x302: {  	v5 =	vshll.u32 v10, $0x4;
	v6 =	vshll.u32 v11, $0x4;
	v11 =	vshll.u32 v13, $0x4;
	v10 =	vld.idx.msk [tilespmem:v14+s16+$0x0], $0xffff  }
0x303: {  	s24 =	simm.s32 $0xC5F0;
	p0 =	por $0x0, $0x0;
	s25 =	simm.s32 $0x49F0;
	v5 =	vor.u32 v1, v5;
	v6 =	vor.u32 v1, v6;
	v11 =	vor.u32 v1, v11;
	v12 =	vld.idx.msk [tilespmem:v15+s16+$0x0], $0xffff  }
0x304: {  	v13 =	vld [tilespmem:s25+$0x0]  }
0x305: {  	v14 =	vld [tilespmem:s25+$0xFFFFFFA0]  }
0x306: {  	v17 =	vld [tilespmem:s25+$0xFFFFFFD0]  }
0x307: {  	v15 =	vld [tilespmem:s25+$0xFFFFFFB0]  }
0x308: {  	v16 =	vld [tilespmem:s25+$0xFFFFFFC0]  }
0x309: {  	v18 =	vld [tilespmem:s25+$0xFFFFFFE0];
	v13 =	vshll.u32 v13, $0x4  }
0x30a: {  	v19 =	vld [tilespmem:s25+$0xFFFFFFF0];
	v14 =	vshll.u32 v14, $0x4;
	v20 =	vor.u32 v1, v13  }
0x30b: {  	v21 =	vld [tilespmem:s25+$0xFFFFFF90];
	[tilespmem:s24+$0x0] =	vst v9;
	v9 =	vshll.u32 v17, $0x4;
	v14 =	vor.u32 v1, v14  }
0x30c: {  	v11 =	vld.idx.msk [tilespmem:v11+s16+$0x0], $0xffff;
	v13 =	vshll.u32 v15, $0x4;
	v22 =	vor.u32 v1, v9  }
0x30d: {  	v63 =	vld.idx.msk [tilespmem:v5+s16+$0x0], $0xffff;
	v15 =	vor.u32 v1, v13;
	v13 =	vshll.u32 v16, $0x4  }
0x30e: {  	p3 =	por $0x1, $0x1;
	[tilespmem:s24+$0xFFFFFFA0] =	vst v7;
	v16 =	vor.u32 v1, v13;
	v13 =	vld.idx.msk [tilespmem:v6+s16+$0x0], $0xffff  }
.Ltmp23:
0x30f: {  	[tilespmem:s24+$0xFFFFFFB0] =	vst v8;
	v9 =	vld.idx.msk [tilespmem:v20+s16+$0x0], $0xffff;
	(pc) =	sbr.rel @!p3 .LBB2_42-.Ltmp23, $4  }
0x310: {  	[tilespmem:s24+$0xFFFFFFD0] =	vst v12;
	v12 =	vshll.u32 v21, $0x4;
	v7 =	vld.idx.msk [tilespmem:v14+s16+$0x0], $0xffff  }
0x311: {  	[tilespmem:s24+$0xFFFFFF90] =	vst v11;
	v11 =	vor.u32 v1, v12;
	v12 =	vld.idx.msk [tilespmem:v22+s16+$0x0], $0xffff  }
0x312: {  	s25 =	simm.s32 $0x80;
	[tilespmem:s24+$0xFFFFFFC0] =	vst v10;
	v5 =	vshll.u32 v18, $0x4;
	v6 =	vshll.u32 v19, $0x4;
	v8 =	vld.idx.msk [tilespmem:v15+s16+$0x0], $0xffff  }
0x313: {  	s28 =	simm.s32 $0x4DF0;
	p2 =	por $0x1, $0x1;
	s26 =	simm.s32 $0xC5F0;
	[tilespmem:s24+$0xFFFFFFE0] =	vst v63;
	v5 =	vor.u32 v1, v5;
	v6 =	vor.u32 v1, v6;
	v10 =	vld.idx.msk [tilespmem:v16+s16+$0x0], $0xffff  }
.LBB2_43:
0x314: {  	v14 =	vld [tilespmem:s28+$0x0];
	s25 =	sadd.s32 $0x80, s25;
	[tilespmem:s26+$0xFFFFFFF0] =	vst v13;
	s26 =	sadd.s32 $0x400, s26  }
0x315: {  	v13 =	vld [tilespmem:s28+$0xFFFFFFA0];
	p3 =	slt.u32 s25, $0x780;
	[tilespmem:s26+$0x0] =	vst v9  }
0x316: {  	v9 =	vld [tilespmem:s28+$0xFFFFFFB0];
	[tilespmem:s26+$0xFFFFFFA0] =	vst v7  }
0x317: {  	v7 =	vld [tilespmem:s28+$0xFFFFFFC0];
	[tilespmem:s26+$0xFFFFFFB0] =	vst v8  }
0x318: {  	v8 =	vld [tilespmem:s28+$0xFFFFFFD0];
	[tilespmem:s26+$0xFFFFFFC0] =	vst v10  }
0x319: {  	v10 =	vld [tilespmem:s28+$0xFFFFFFE0];
	v14 =	vshll.u32 v14, $0x4;
	[tilespmem:s26+$0xFFFFFFD0] =	vst v12  }
0x31a: {  	v12 =	vshll.u32 v13, $0x4;
	v15 =	vld [tilespmem:s28+$0xFFFFFFF0];
	v14 =	vor.u32 v1, v14  }
0x31b: {  	v16 =	vld [tilespmem:s28+$0xFFFFFF90];
	v12 =	vor.u32 v1, v12;
	v9 =	vshll.u32 v9, $0x4  }
0x31c: {  	v17 =	vor.u32 v1, v9;
	v7 =	vshll.u32 v7, $0x4;
	v18 =	vld.idx.msk [tilespmem:v11+s16+$0x0], $0xffff  }
0x31d: {  	v19 =	vor.u32 v1, v7;
	v7 =	vshll.u32 v8, $0x4;
	v20 =	vld.idx.msk [tilespmem:v5+s16+$0x0], $0xffff  }
0x31e: {  	v21 =	vor.u32 v1, v7;
	v5 =	vshll.u32 v10, $0x4;
	v13 =	vld.idx.msk [tilespmem:v6+s16+$0x0], $0xffff  }
.Ltmp24:
0x31f: {  	v5 =	vor.u32 v1, v5;
	v6 =	vshll.u32 v15, $0x4;
	v9 =	vld.idx.msk [tilespmem:v14+s16+$0x0], $0xffff;
	(pc) =	sbr.rel @p3 .LBB2_43-.Ltmp24, $4  }
0x320: {  	v8 =	vshll.u32 v16, $0x4;
	v7 =	vld.idx.msk [tilespmem:v12+s16+$0x0], $0xffff;
	v6 =	vor.u32 v1, v6  }
0x321: {  	v11 =	vor.u32 v1, v8;
	v8 =	vld.idx.msk [tilespmem:v17+s16+$0x0], $0xffff  }
0x322: {  	v10 =	vld.idx.msk [tilespmem:v19+s16+$0x0], $0xffff;
	[tilespmem:s26+$0xFFFFFF90] =	vst v18  }
0x323: {  	s28 =	sadd.s32 $0x400, s28;
	v12 =	vld.idx.msk [tilespmem:v21+s16+$0x0], $0xffff;
	[tilespmem:s26+$0xFFFFFFE0] =	vst v20  }
.LBB2_44:
0x324: {  	_ =	sdelay $0x1  }
0x325: {  	s25 =	sadd.s32 @p2 $0x400, s26  }
0x326: {  	[tilespmem:s26+$0xFFFFFFF0] =	vst @p2 v13;
	s24 =	smov.u32 @p2 s25  }
0x327: {  	v5 =	vld.idx.msk [tilespmem:v5+s16+$0x0], $0xffff;
	[tilespmem:s24+$0x0] =	vst v9  }
0x328: {  	v6 =	vld.idx.msk [tilespmem:v6+s16+$0x0], $0xffff;
	[tilespmem:s24+$0xFFFFFFA0] =	vst v7  }
0x329: {  	v9 =	vld.idx.msk [tilespmem:v11+s16+$0x0], $0xffff;
	[tilespmem:s24+$0xFFFFFFB0] =	vst v8  }
0x32a: {  	[tilespmem:s24+$0xFFFFFFC0] =	vst v10  }
0x32b: {  	[tilespmem:s24+$0xFFFFFFD0] =	vst v12  }
0x32c: {  	[tilespmem:s24+$0xFFFFFFE0] =	vst v5  }
0x32d: {  	[tilespmem:s24+$0xFFFFFFF0] =	vst v6  }
0x32e: {  	s31 =	simm.s32 $0x4670;
	[tilespmem:s24+$0xFFFFFF90] =	vst v9  }
0x32f: {  	v5 =	vld [tilespmem:s31+$0x0]  }
0x330: {  	v6 =	vld [tilespmem:s31+$0xFFFFFFA0]  }
0x331: {  	v7 =	vld [tilespmem:s31+$0xFFFFFFB0]  }
0x332: {  	v8 =	vld [tilespmem:s31+$0xFFFFFFC0]  }
0x333: {  	v9 =	vld [tilespmem:s31+$0xFFFFFFD0]  }
0x334: {  	v5 =	vshll.u32 v5, $0x4  }
0x335: {  	v6 =	vshll.u32 v6, $0x4;
	v5 =	vor.u32 v1, v5  }
0x336: {  	v10 =	vld [tilespmem:s31+$0xFFFFFFE0];
	v7 =	vshll.u32 v7, $0x4;
	v6 =	vor.u32 v1, v6  }
0x337: {  	v11 =	vld [tilespmem:s31+$0xFFFFFFF0];
	v12 =	vor.u32 v1, v7;
	v7 =	vshll.u32 v8, $0x4  }
0x338: {  	v13 =	vld [tilespmem:s31+$0xFFFFFF90];
	v14 =	vor.u32 v1, v7;
	v7 =	vshll.u32 v9, $0x4  }
0x339: {  	v15 =	vor.u32 v1, v7  }
.Ltmp25:
0x33a: {  	v9 =	vld.idx.msk [tilespmem:v5+s16+$0x0], $0xffff;
	(pc) =	sbr.rel @!p1 .LBB2_45-.Ltmp25, $4  }
0x33b: {  	v7 =	vld.idx.msk [tilespmem:v6+s16+$0x0], $0xffff  }
0x33c: {  	v8 =	vld.idx.msk [tilespmem:v12+s16+$0x0], $0xffff  }
0x33d: {  	v5 =	vshll.u32 v10, $0x4;
	v6 =	vshll.u32 v11, $0x4;
	v11 =	vshll.u32 v13, $0x4;
	v10 =	vld.idx.msk [tilespmem:v14+s16+$0x0], $0xffff  }
0x33e: {  	s25 =	simm.s32 $0x4A70;
	s24 =	simm.s32 $0xC670;
	v5 =	vor.u32 v1, v5;
	v6 =	vor.u32 v1, v6;
	v11 =	vor.u32 v1, v11;
	v12 =	vld.idx.msk [tilespmem:v15+s16+$0x0], $0xffff  }
0x33f: {  	v13 =	vld [tilespmem:s25+$0x0]  }
0x340: {  	v14 =	vld [tilespmem:s25+$0xFFFFFFA0]  }
0x341: {  	v17 =	vld [tilespmem:s25+$0xFFFFFFD0]  }
0x342: {  	v15 =	vld [tilespmem:s25+$0xFFFFFFB0]  }
0x343: {  	v16 =	vld [tilespmem:s25+$0xFFFFFFC0]  }
0x344: {  	v18 =	vld [tilespmem:s25+$0xFFFFFFE0];
	v13 =	vshll.u32 v13, $0x4  }
0x345: {  	v19 =	vld [tilespmem:s25+$0xFFFFFFF0];
	v14 =	vshll.u32 v14, $0x4;
	v20 =	vor.u32 v1, v13  }
0x346: {  	v21 =	vld [tilespmem:s25+$0xFFFFFF90];
	[tilespmem:s24+$0x0] =	vst v9;
	v9 =	vshll.u32 v17, $0x4;
	v14 =	vor.u32 v1, v14  }
0x347: {  	v11 =	vld.idx.msk [tilespmem:v11+s16+$0x0], $0xffff;
	v13 =	vshll.u32 v15, $0x4;
	v22 =	vor.u32 v1, v9  }
0x348: {  	v63 =	vld.idx.msk [tilespmem:v5+s16+$0x0], $0xffff;
	v15 =	vor.u32 v1, v13;
	v13 =	vshll.u32 v16, $0x4  }
0x349: {  	p1 =	por $0x1, $0x1;
	[tilespmem:s24+$0xFFFFFFA0] =	vst v7;
	v16 =	vor.u32 v1, v13;
	v13 =	vld.idx.msk [tilespmem:v6+s16+$0x0], $0xffff  }
.Ltmp26:
0x34a: {  	[tilespmem:s24+$0xFFFFFFB0] =	vst v8;
	v9 =	vld.idx.msk [tilespmem:v20+s16+$0x0], $0xffff;
	(pc) =	sbr.rel @!p1 .LBB2_47-.Ltmp26, $4  }
0x34b: {  	[tilespmem:s24+$0xFFFFFFD0] =	vst v12;
	v12 =	vshll.u32 v21, $0x4;
	v7 =	vld.idx.msk [tilespmem:v14+s16+$0x0], $0xffff  }
0x34c: {  	[tilespmem:s24+$0xFFFFFF90] =	vst v11;
	v11 =	vor.u32 v1, v12;
	v12 =	vld.idx.msk [tilespmem:v22+s16+$0x0], $0xffff  }
0x34d: {  	s25 =	simm.s32 $0x80;
	[tilespmem:s24+$0xFFFFFFC0] =	vst v10;
	v5 =	vshll.u32 v18, $0x4;
	v6 =	vshll.u32 v19, $0x4;
	v8 =	vld.idx.msk [tilespmem:v15+s16+$0x0], $0xffff  }
0x34e: {  	s28 =	simm.s32 $0x4E70;
	p0 =	por $0x1, $0x1;
	s26 =	simm.s32 $0xC670;
	[tilespmem:s24+$0xFFFFFFE0] =	vst v63;
	v5 =	vor.u32 v1, v5;
	v6 =	vor.u32 v1, v6;
	v10 =	vld.idx.msk [tilespmem:v16+s16+$0x0], $0xffff  }
.LBB2_48:
0x34f: {  	v14 =	vld [tilespmem:s28+$0x0];
	s25 =	sadd.s32 $0x80, s25;
	[tilespmem:s26+$0xFFFFFFF0] =	vst v13;
	s26 =	sadd.s32 $0x400, s26  }
0x350: {  	v13 =	vld [tilespmem:s28+$0xFFFFFFA0];
	p1 =	slt.u32 s25, $0x780;
	[tilespmem:s26+$0x0] =	vst v9  }
0x351: {  	v9 =	vld [tilespmem:s28+$0xFFFFFFB0];
	[tilespmem:s26+$0xFFFFFFA0] =	vst v7  }
0x352: {  	v7 =	vld [tilespmem:s28+$0xFFFFFFC0];
	[tilespmem:s26+$0xFFFFFFB0] =	vst v8  }
0x353: {  	v8 =	vld [tilespmem:s28+$0xFFFFFFD0];
	[tilespmem:s26+$0xFFFFFFC0] =	vst v10  }
0x354: {  	v10 =	vld [tilespmem:s28+$0xFFFFFFE0];
	v14 =	vshll.u32 v14, $0x4;
	[tilespmem:s26+$0xFFFFFFD0] =	vst v12  }
0x355: {  	v12 =	vshll.u32 v13, $0x4;
	v15 =	vld [tilespmem:s28+$0xFFFFFFF0];
	v14 =	vor.u32 v1, v14  }
0x356: {  	v16 =	vld [tilespmem:s28+$0xFFFFFF90];
	v12 =	vor.u32 v1, v12;
	v9 =	vshll.u32 v9, $0x4  }
0x357: {  	v17 =	vor.u32 v1, v9;
	v7 =	vshll.u32 v7, $0x4;
	v18 =	vld.idx.msk [tilespmem:v11+s16+$0x0], $0xffff  }
0x358: {  	v19 =	vor.u32 v1, v7;
	v7 =	vshll.u32 v8, $0x4;
	v20 =	vld.idx.msk [tilespmem:v5+s16+$0x0], $0xffff  }
0x359: {  	v21 =	vor.u32 v1, v7;
	v5 =	vshll.u32 v10, $0x4;
	v13 =	vld.idx.msk [tilespmem:v6+s16+$0x0], $0xffff  }
.Ltmp27:
0x35a: {  	v5 =	vor.u32 v1, v5;
	v6 =	vshll.u32 v15, $0x4;
	v9 =	vld.idx.msk [tilespmem:v14+s16+$0x0], $0xffff;
	(pc) =	sbr.rel @p1 .LBB2_48-.Ltmp27, $4  }
0x35b: {  	v8 =	vshll.u32 v16, $0x4;
	v7 =	vld.idx.msk [tilespmem:v12+s16+$0x0], $0xffff;
	v6 =	vor.u32 v1, v6  }
0x35c: {  	v11 =	vor.u32 v1, v8;
	v8 =	vld.idx.msk [tilespmem:v17+s16+$0x0], $0xffff  }
0x35d: {  	v10 =	vld.idx.msk [tilespmem:v19+s16+$0x0], $0xffff;
	[tilespmem:s26+$0xFFFFFF90] =	vst v18  }
0x35e: {  	s28 =	sadd.s32 $0x400, s28;
	v12 =	vld.idx.msk [tilespmem:v21+s16+$0x0], $0xffff;
	[tilespmem:s26+$0xFFFFFFE0] =	vst v20  }
.LBB2_49:
0x35f: {  	_ =	sdelay $0x1  }
0x360: {  	s25 =	sadd.s32 @p0 $0x400, s26  }
0x361: {  	[tilespmem:s26+$0xFFFFFFF0] =	vst @p0 v13;
	s24 =	smov.u32 @p0 s25  }
0x362: {  	v5 =	vld.idx.msk [tilespmem:v5+s16+$0x0], $0xffff;
	[tilespmem:s24+$0x0] =	vst v9  }
0x363: {  	v6 =	vld.idx.msk [tilespmem:v6+s16+$0x0], $0xffff;
	[tilespmem:s24+$0xFFFFFFA0] =	vst v7  }
0x364: {  	v9 =	vld.idx.msk [tilespmem:v11+s16+$0x0], $0xffff;
	[tilespmem:s24+$0xFFFFFFB0] =	vst v8  }
0x365: {  	[tilespmem:s24+$0xFFFFFFC0] =	vst v10  }
0x366: {  	[tilespmem:s24+$0xFFFFFFD0] =	vst v12  }
0x367: {  	[tilespmem:s24+$0xFFFFFFE0] =	vst v5  }
0x368: {  	[tilespmem:s24+$0xFFFFFFF0] =	vst v6  }
0x369: {  	s31 =	simm.s32 $0x46F0;
	[tilespmem:s24+$0xFFFFFF90] =	vst v9  }
0x36a: {  	v5 =	vld [tilespmem:s31+$0x0]  }
0x36b: {  	v6 =	vld [tilespmem:s31+$0xFFFFFFA0]  }
0x36c: {  	v7 =	vld [tilespmem:s31+$0xFFFFFFB0]  }
0x36d: {  	v8 =	vld [tilespmem:s31+$0xFFFFFFC0]  }
0x36e: {  	v9 =	vld [tilespmem:s31+$0xFFFFFFD0]  }
0x36f: {  	v5 =	vshll.u32 v5, $0x4  }
0x370: {  	v6 =	vshll.u32 v6, $0x4;
	v5 =	vor.u32 v1, v5  }
0x371: {  	v10 =	vld [tilespmem:s31+$0xFFFFFFE0];
	v7 =	vshll.u32 v7, $0x4;
	v6 =	vor.u32 v1, v6  }
0x372: {  	v11 =	vld [tilespmem:s31+$0xFFFFFFF0];
	v12 =	vor.u32 v1, v7;
	v7 =	vshll.u32 v8, $0x4  }
0x373: {  	v13 =	vld [tilespmem:s31+$0xFFFFFF90];
	v14 =	vor.u32 v1, v7;
	v7 =	vshll.u32 v9, $0x4  }
0x374: {  	p1 =	por $0x1, $0x1;
	v15 =	vor.u32 v1, v7  }
.Ltmp28:
0x375: {  	v9 =	vld.idx.msk [tilespmem:v5+s16+$0x0], $0xffff;
	(pc) =	sbr.rel @!p1 .LBB2_50-.Ltmp28, $4  }
0x376: {  	v7 =	vld.idx.msk [tilespmem:v6+s16+$0x0], $0xffff  }
0x377: {  	v8 =	vld.idx.msk [tilespmem:v12+s16+$0x0], $0xffff  }
0x378: {  	v5 =	vshll.u32 v10, $0x4;
	v6 =	vshll.u32 v11, $0x4;
	v11 =	vshll.u32 v13, $0x4;
	v10 =	vld.idx.msk [tilespmem:v14+s16+$0x0], $0xffff  }
0x379: {  	s25 =	simm.s32 $0x4AF0;
	p0 =	por $0x0, $0x0;
	s24 =	simm.s32 $0xC6F0;
	v5 =	vor.u32 v1, v5;
	v6 =	vor.u32 v1, v6;
	v11 =	vor.u32 v1, v11;
	v12 =	vld.idx.msk [tilespmem:v15+s16+$0x0], $0xffff  }
0x37a: {  	v13 =	vld [tilespmem:s25+$0x0]  }
0x37b: {  	v14 =	vld [tilespmem:s25+$0xFFFFFFA0]  }
0x37c: {  	v17 =	vld [tilespmem:s25+$0xFFFFFFD0]  }
0x37d: {  	v15 =	vld [tilespmem:s25+$0xFFFFFFB0]  }
0x37e: {  	v16 =	vld [tilespmem:s25+$0xFFFFFFC0]  }
0x37f: {  	v18 =	vld [tilespmem:s25+$0xFFFFFFE0];
	v13 =	vshll.u32 v13, $0x4  }
0x380: {  	v19 =	vld [tilespmem:s25+$0xFFFFFFF0];
	v14 =	vshll.u32 v14, $0x4;
	v20 =	vor.u32 v1, v13  }
0x381: {  	v21 =	vld [tilespmem:s25+$0xFFFFFF90];
	[tilespmem:s24+$0x0] =	vst v9;
	v9 =	vshll.u32 v17, $0x4;
	v14 =	vor.u32 v1, v14  }
0x382: {  	v11 =	vld.idx.msk [tilespmem:v11+s16+$0x0], $0xffff;
	v13 =	vshll.u32 v15, $0x4;
	v22 =	vor.u32 v1, v9  }
0x383: {  	v63 =	vld.idx.msk [tilespmem:v5+s16+$0x0], $0xffff;
	v15 =	vor.u32 v1, v13;
	v13 =	vshll.u32 v16, $0x4  }
0x384: {  	p3 =	por $0x1, $0x1;
	[tilespmem:s24+$0xFFFFFFA0] =	vst v7;
	v16 =	vor.u32 v1, v13;
	v13 =	vld.idx.msk [tilespmem:v6+s16+$0x0], $0xffff  }
.Ltmp29:
0x385: {  	[tilespmem:s24+$0xFFFFFFB0] =	vst v8;
	v9 =	vld.idx.msk [tilespmem:v20+s16+$0x0], $0xffff;
	(pc) =	sbr.rel @!p3 .LBB2_52-.Ltmp29, $4  }
0x386: {  	[tilespmem:s24+$0xFFFFFFD0] =	vst v12;
	v12 =	vshll.u32 v21, $0x4;
	v7 =	vld.idx.msk [tilespmem:v14+s16+$0x0], $0xffff  }
0x387: {  	[tilespmem:s24+$0xFFFFFF90] =	vst v11;
	v11 =	vor.u32 v1, v12;
	v12 =	vld.idx.msk [tilespmem:v22+s16+$0x0], $0xffff  }
0x388: {  	s25 =	simm.s32 $0x80;
	[tilespmem:s24+$0xFFFFFFC0] =	vst v10;
	v5 =	vshll.u32 v18, $0x4;
	v6 =	vshll.u32 v19, $0x4;
	v8 =	vld.idx.msk [tilespmem:v15+s16+$0x0], $0xffff  }
0x389: {  	s28 =	simm.s32 $0x4EF0;
	p2 =	por $0x1, $0x1;
	s26 =	simm.s32 $0xC6F0;
	[tilespmem:s24+$0xFFFFFFE0] =	vst v63;
	v5 =	vor.u32 v1, v5;
	v6 =	vor.u32 v1, v6;
	v10 =	vld.idx.msk [tilespmem:v16+s16+$0x0], $0xffff  }
.LBB2_53:
0x38a: {  	v14 =	vld [tilespmem:s28+$0x0];
	s25 =	sadd.s32 $0x80, s25;
	[tilespmem:s26+$0xFFFFFFF0] =	vst v13;
	s26 =	sadd.s32 $0x400, s26  }
0x38b: {  	v13 =	vld [tilespmem:s28+$0xFFFFFFA0];
	p3 =	slt.u32 s25, $0x780;
	[tilespmem:s26+$0x0] =	vst v9  }
0x38c: {  	v9 =	vld [tilespmem:s28+$0xFFFFFFB0];
	[tilespmem:s26+$0xFFFFFFA0] =	vst v7  }
0x38d: {  	v7 =	vld [tilespmem:s28+$0xFFFFFFC0];
	[tilespmem:s26+$0xFFFFFFB0] =	vst v8  }
0x38e: {  	v8 =	vld [tilespmem:s28+$0xFFFFFFD0];
	[tilespmem:s26+$0xFFFFFFC0] =	vst v10  }
0x38f: {  	v10 =	vld [tilespmem:s28+$0xFFFFFFE0];
	v14 =	vshll.u32 v14, $0x4;
	[tilespmem:s26+$0xFFFFFFD0] =	vst v12  }
0x390: {  	v12 =	vshll.u32 v13, $0x4;
	v15 =	vld [tilespmem:s28+$0xFFFFFFF0];
	v14 =	vor.u32 v1, v14  }
0x391: {  	v16 =	vld [tilespmem:s28+$0xFFFFFF90];
	v12 =	vor.u32 v1, v12;
	v9 =	vshll.u32 v9, $0x4  }
0x392: {  	v17 =	vor.u32 v1, v9;
	v7 =	vshll.u32 v7, $0x4;
	v18 =	vld.idx.msk [tilespmem:v11+s16+$0x0], $0xffff  }
0x393: {  	v19 =	vor.u32 v1, v7;
	v7 =	vshll.u32 v8, $0x4;
	v20 =	vld.idx.msk [tilespmem:v5+s16+$0x0], $0xffff  }
0x394: {  	v21 =	vor.u32 v1, v7;
	v5 =	vshll.u32 v10, $0x4;
	v13 =	vld.idx.msk [tilespmem:v6+s16+$0x0], $0xffff  }
.Ltmp30:
0x395: {  	v5 =	vor.u32 v1, v5;
	v6 =	vshll.u32 v15, $0x4;
	v9 =	vld.idx.msk [tilespmem:v14+s16+$0x0], $0xffff;
	(pc) =	sbr.rel @p3 .LBB2_53-.Ltmp30, $4  }
0x396: {  	v8 =	vshll.u32 v16, $0x4;
	v7 =	vld.idx.msk [tilespmem:v12+s16+$0x0], $0xffff;
	v6 =	vor.u32 v1, v6  }
0x397: {  	v11 =	vor.u32 v1, v8;
	v8 =	vld.idx.msk [tilespmem:v17+s16+$0x0], $0xffff  }
0x398: {  	v10 =	vld.idx.msk [tilespmem:v19+s16+$0x0], $0xffff;
	[tilespmem:s26+$0xFFFFFF90] =	vst v18  }
0x399: {  	s28 =	sadd.s32 $0x400, s28;
	v12 =	vld.idx.msk [tilespmem:v21+s16+$0x0], $0xffff;
	[tilespmem:s26+$0xFFFFFFE0] =	vst v20  }
.LBB2_54:
0x39a: {  	_ =	sdelay $0x1  }
0x39b: {  	s25 =	sadd.s32 @p2 $0x400, s26  }
0x39c: {  	[tilespmem:s26+$0xFFFFFFF0] =	vst @p2 v13;
	s24 =	smov.u32 @p2 s25  }
0x39d: {  	v5 =	vld.idx.msk [tilespmem:v5+s16+$0x0], $0xffff;
	[tilespmem:s24+$0x0] =	vst v9  }
0x39e: {  	v6 =	vld.idx.msk [tilespmem:v6+s16+$0x0], $0xffff;
	[tilespmem:s24+$0xFFFFFFA0] =	vst v7  }
0x39f: {  	v9 =	vld.idx.msk [tilespmem:v11+s16+$0x0], $0xffff;
	[tilespmem:s24+$0xFFFFFFB0] =	vst v8  }
0x3a0: {  	[tilespmem:s24+$0xFFFFFFC0] =	vst v10  }
0x3a1: {  	[tilespmem:s24+$0xFFFFFFD0] =	vst v12  }
0x3a2: {  	[tilespmem:s24+$0xFFFFFFE0] =	vst v5  }
0x3a3: {  	[tilespmem:s24+$0xFFFFFFF0] =	vst v6  }
0x3a4: {  	s31 =	simm.s32 $0x4770;
	[tilespmem:s24+$0xFFFFFF90] =	vst v9  }
0x3a5: {  	v5 =	vld [tilespmem:s31+$0x0]  }
0x3a6: {  	v6 =	vld [tilespmem:s31+$0xFFFFFFA0]  }
0x3a7: {  	v7 =	vld [tilespmem:s31+$0xFFFFFFB0]  }
0x3a8: {  	v8 =	vld [tilespmem:s31+$0xFFFFFFC0]  }
0x3a9: {  	v9 =	vld [tilespmem:s31+$0xFFFFFFD0]  }
0x3aa: {  	v5 =	vshll.u32 v5, $0x4  }
0x3ab: {  	v6 =	vshll.u32 v6, $0x4;
	v5 =	vor.u32 v1, v5  }
0x3ac: {  	v10 =	vld [tilespmem:s31+$0xFFFFFFE0];
	v7 =	vshll.u32 v7, $0x4;
	v6 =	vor.u32 v1, v6  }
0x3ad: {  	v11 =	vld [tilespmem:s31+$0xFFFFFFF0];
	v12 =	vor.u32 v1, v7;
	v7 =	vshll.u32 v8, $0x4  }
0x3ae: {  	v13 =	vld [tilespmem:s31+$0xFFFFFF90];
	v14 =	vor.u32 v1, v7;
	v7 =	vshll.u32 v9, $0x4  }
0x3af: {  	v15 =	vor.u32 v1, v7  }
.Ltmp31:
0x3b0: {  	v9 =	vld.idx.msk [tilespmem:v5+s16+$0x0], $0xffff;
	(pc) =	sbr.rel @!p1 .LBB2_55-.Ltmp31, $4  }
0x3b1: {  	v7 =	vld.idx.msk [tilespmem:v6+s16+$0x0], $0xffff  }
0x3b2: {  	v8 =	vld.idx.msk [tilespmem:v12+s16+$0x0], $0xffff  }
0x3b3: {  	v5 =	vshll.u32 v10, $0x4;
	v6 =	vshll.u32 v11, $0x4;
	v11 =	vshll.u32 v13, $0x4;
	v10 =	vld.idx.msk [tilespmem:v14+s16+$0x0], $0xffff  }
0x3b4: {  	s25 =	simm.s32 $0x4B70;
	s24 =	simm.s32 $0xC770;
	v5 =	vor.u32 v1, v5;
	v6 =	vor.u32 v1, v6;
	v11 =	vor.u32 v1, v11;
	v12 =	vld.idx.msk [tilespmem:v15+s16+$0x0], $0xffff  }
0x3b5: {  	v13 =	vld [tilespmem:s25+$0x0]  }
0x3b6: {  	v14 =	vld [tilespmem:s25+$0xFFFFFFA0]  }
0x3b7: {  	v17 =	vld [tilespmem:s25+$0xFFFFFFD0]  }
0x3b8: {  	v15 =	vld [tilespmem:s25+$0xFFFFFFB0]  }
0x3b9: {  	v16 =	vld [tilespmem:s25+$0xFFFFFFC0]  }
0x3ba: {  	v18 =	vld [tilespmem:s25+$0xFFFFFFE0];
	v13 =	vshll.u32 v13, $0x4  }
0x3bb: {  	v19 =	vld [tilespmem:s25+$0xFFFFFFF0];
	v14 =	vshll.u32 v14, $0x4;
	v20 =	vor.u32 v1, v13  }
0x3bc: {  	v21 =	vld [tilespmem:s25+$0xFFFFFF90];
	[tilespmem:s24+$0x0] =	vst v9;
	v9 =	vshll.u32 v17, $0x4;
	v14 =	vor.u32 v1, v14  }
0x3bd: {  	v11 =	vld.idx.msk [tilespmem:v11+s16+$0x0], $0xffff;
	v13 =	vshll.u32 v15, $0x4;
	v22 =	vor.u32 v1, v9  }
0x3be: {  	v63 =	vld.idx.msk [tilespmem:v5+s16+$0x0], $0xffff;
	v15 =	vor.u32 v1, v13;
	v13 =	vshll.u32 v16, $0x4  }
0x3bf: {  	p1 =	por $0x1, $0x1;
	[tilespmem:s24+$0xFFFFFFA0] =	vst v7;
	v16 =	vor.u32 v1, v13;
	v13 =	vld.idx.msk [tilespmem:v6+s16+$0x0], $0xffff  }
.Ltmp32:
0x3c0: {  	[tilespmem:s24+$0xFFFFFFB0] =	vst v8;
	v9 =	vld.idx.msk [tilespmem:v20+s16+$0x0], $0xffff;
	(pc) =	sbr.rel @!p1 .LBB2_57-.Ltmp32, $4  }
0x3c1: {  	[tilespmem:s24+$0xFFFFFFD0] =	vst v12;
	v12 =	vshll.u32 v21, $0x4;
	v7 =	vld.idx.msk [tilespmem:v14+s16+$0x0], $0xffff  }
0x3c2: {  	[tilespmem:s24+$0xFFFFFF90] =	vst v11;
	v11 =	vor.u32 v1, v12;
	v12 =	vld.idx.msk [tilespmem:v22+s16+$0x0], $0xffff  }
0x3c3: {  	s25 =	simm.s32 $0x80;
	[tilespmem:s24+$0xFFFFFFC0] =	vst v10;
	v5 =	vshll.u32 v18, $0x4;
	v6 =	vshll.u32 v19, $0x4;
	v8 =	vld.idx.msk [tilespmem:v15+s16+$0x0], $0xffff  }
0x3c4: {  	s28 =	simm.s32 $0x4F70;
	p0 =	por $0x1, $0x1;
	s26 =	simm.s32 $0xC770;
	[tilespmem:s24+$0xFFFFFFE0] =	vst v63;
	v5 =	vor.u32 v1, v5;
	v6 =	vor.u32 v1, v6;
	v10 =	vld.idx.msk [tilespmem:v16+s16+$0x0], $0xffff  }
.LBB2_58:
0x3c5: {  	v14 =	vld [tilespmem:s28+$0x0];
	s25 =	sadd.s32 $0x80, s25;
	[tilespmem:s26+$0xFFFFFFF0] =	vst v13;
	s26 =	sadd.s32 $0x400, s26  }
0x3c6: {  	v13 =	vld [tilespmem:s28+$0xFFFFFFA0];
	p1 =	slt.u32 s25, $0x780;
	[tilespmem:s26+$0x0] =	vst v9  }
0x3c7: {  	v9 =	vld [tilespmem:s28+$0xFFFFFFB0];
	[tilespmem:s26+$0xFFFFFFA0] =	vst v7  }
0x3c8: {  	v7 =	vld [tilespmem:s28+$0xFFFFFFC0];
	[tilespmem:s26+$0xFFFFFFB0] =	vst v8  }
0x3c9: {  	v8 =	vld [tilespmem:s28+$0xFFFFFFD0];
	[tilespmem:s26+$0xFFFFFFC0] =	vst v10  }
0x3ca: {  	v10 =	vld [tilespmem:s28+$0xFFFFFFE0];
	v14 =	vshll.u32 v14, $0x4;
	[tilespmem:s26+$0xFFFFFFD0] =	vst v12  }
0x3cb: {  	v12 =	vshll.u32 v13, $0x4;
	v15 =	vld [tilespmem:s28+$0xFFFFFFF0];
	v14 =	vor.u32 v1, v14  }
0x3cc: {  	v16 =	vld [tilespmem:s28+$0xFFFFFF90];
	v12 =	vor.u32 v1, v12;
	v9 =	vshll.u32 v9, $0x4  }
0x3cd: {  	v17 =	vor.u32 v1, v9;
	v7 =	vshll.u32 v7, $0x4;
	v18 =	vld.idx.msk [tilespmem:v11+s16+$0x0], $0xffff  }
0x3ce: {  	v19 =	vor.u32 v1, v7;
	v7 =	vshll.u32 v8, $0x4;
	v20 =	vld.idx.msk [tilespmem:v5+s16+$0x0], $0xffff  }
0x3cf: {  	v21 =	vor.u32 v1, v7;
	v5 =	vshll.u32 v10, $0x4;
	v13 =	vld.idx.msk [tilespmem:v6+s16+$0x0], $0xffff  }
.Ltmp33:
0x3d0: {  	v5 =	vor.u32 v1, v5;
	v6 =	vshll.u32 v15, $0x4;
	v9 =	vld.idx.msk [tilespmem:v14+s16+$0x0], $0xffff;
	(pc) =	sbr.rel @p1 .LBB2_58-.Ltmp33, $4  }
0x3d1: {  	v8 =	vshll.u32 v16, $0x4;
	v7 =	vld.idx.msk [tilespmem:v12+s16+$0x0], $0xffff;
	v6 =	vor.u32 v1, v6  }
0x3d2: {  	v11 =	vor.u32 v1, v8;
	v8 =	vld.idx.msk [tilespmem:v17+s16+$0x0], $0xffff  }
0x3d3: {  	v10 =	vld.idx.msk [tilespmem:v19+s16+$0x0], $0xffff;
	[tilespmem:s26+$0xFFFFFF90] =	vst v18  }
0x3d4: {  	s28 =	sadd.s32 $0x400, s28;
	v12 =	vld.idx.msk [tilespmem:v21+s16+$0x0], $0xffff;
	[tilespmem:s26+$0xFFFFFFE0] =	vst v20  }
.LBB2_59:
0x3d5: {  	_ =	sdelay $0x1  }
0x3d6: {  	s25 =	sadd.s32 @p0 $0x400, s26  }
0x3d7: {  	[tilespmem:s26+$0xFFFFFFF0] =	vst @p0 v13;
	s24 =	smov.u32 @p0 s25  }
0x3d8: {  	v5 =	vld.idx.msk [tilespmem:v5+s16+$0x0], $0xffff;
	[tilespmem:s24+$0x0] =	vst v9  }
0x3d9: {  	v6 =	vld.idx.msk [tilespmem:v6+s16+$0x0], $0xffff;
	[tilespmem:s24+$0xFFFFFFA0] =	vst v7  }
0x3da: {  	v9 =	vld.idx.msk [tilespmem:v11+s16+$0x0], $0xffff;
	[tilespmem:s24+$0xFFFFFFB0] =	vst v8  }
0x3db: {  	[tilespmem:s24+$0xFFFFFFC0] =	vst v10  }
0x3dc: {  	[tilespmem:s24+$0xFFFFFFD0] =	vst v12  }
0x3dd: {  	[tilespmem:s24+$0xFFFFFFE0] =	vst v5  }
0x3de: {  	[tilespmem:s24+$0xFFFFFFF0] =	vst v6  }
0x3df: {  	s31 =	simm.s32 $0x47F0;
	[tilespmem:s24+$0xFFFFFF90] =	vst v9  }
0x3e0: {  	v5 =	vld [tilespmem:s31+$0x0]  }
0x3e1: {  	v6 =	vld [tilespmem:s31+$0xFFFFFFA0]  }
0x3e2: {  	v7 =	vld [tilespmem:s31+$0xFFFFFFB0]  }
0x3e3: {  	v8 =	vld [tilespmem:s31+$0xFFFFFFC0]  }
0x3e4: {  	v9 =	vld [tilespmem:s31+$0xFFFFFFD0]  }
0x3e5: {  	v5 =	vshll.u32 v5, $0x4  }
0x3e6: {  	v6 =	vshll.u32 v6, $0x4;
	v5 =	vor.u32 v1, v5  }
0x3e7: {  	v10 =	vld [tilespmem:s31+$0xFFFFFFE0];
	v7 =	vshll.u32 v7, $0x4;
	v6 =	vor.u32 v1, v6  }
0x3e8: {  	v11 =	vld [tilespmem:s31+$0xFFFFFFF0];
	v12 =	vor.u32 v1, v7;
	v7 =	vshll.u32 v8, $0x4  }
0x3e9: {  	v13 =	vld [tilespmem:s31+$0xFFFFFF90];
	v14 =	vor.u32 v1, v7;
	v7 =	vshll.u32 v9, $0x4  }
0x3ea: {  	p1 =	por $0x1, $0x1;
	v15 =	vor.u32 v1, v7  }
.Ltmp34:
0x3eb: {  	v9 =	vld.idx.msk [tilespmem:v5+s16+$0x0], $0xffff;
	(pc) =	sbr.rel @!p1 .LBB2_60-.Ltmp34, $4  }
0x3ec: {  	v7 =	vld.idx.msk [tilespmem:v6+s16+$0x0], $0xffff  }
0x3ed: {  	v8 =	vld.idx.msk [tilespmem:v12+s16+$0x0], $0xffff  }
0x3ee: {  	v5 =	vshll.u32 v10, $0x4;
	v6 =	vshll.u32 v11, $0x4;
	v11 =	vshll.u32 v13, $0x4;
	v10 =	vld.idx.msk [tilespmem:v14+s16+$0x0], $0xffff  }
0x3ef: {  	s25 =	simm.s32 $0x4BF0;
	p0 =	por $0x0, $0x0;
	s24 =	simm.s32 $0xC7F0;
	v5 =	vor.u32 v1, v5;
	v6 =	vor.u32 v1, v6;
	v11 =	vor.u32 v1, v11;
	v12 =	vld.idx.msk [tilespmem:v15+s16+$0x0], $0xffff  }
0x3f0: {  	v13 =	vld [tilespmem:s25+$0x0]  }
0x3f1: {  	v14 =	vld [tilespmem:s25+$0xFFFFFFA0]  }
0x3f2: {  	v17 =	vld [tilespmem:s25+$0xFFFFFFD0]  }
0x3f3: {  	v15 =	vld [tilespmem:s25+$0xFFFFFFB0]  }
0x3f4: {  	v16 =	vld [tilespmem:s25+$0xFFFFFFC0]  }
0x3f5: {  	v18 =	vld [tilespmem:s25+$0xFFFFFFE0];
	v13 =	vshll.u32 v13, $0x4  }
0x3f6: {  	v19 =	vld [tilespmem:s25+$0xFFFFFFF0];
	v14 =	vshll.u32 v14, $0x4;
	v20 =	vor.u32 v1, v13  }
0x3f7: {  	v21 =	vld [tilespmem:s25+$0xFFFFFF90];
	[tilespmem:s24+$0x0] =	vst v9;
	v9 =	vshll.u32 v17, $0x4;
	v14 =	vor.u32 v1, v14  }
0x3f8: {  	v11 =	vld.idx.msk [tilespmem:v11+s16+$0x0], $0xffff;
	v13 =	vshll.u32 v15, $0x4;
	v22 =	vor.u32 v1, v9  }
0x3f9: {  	v63 =	vld.idx.msk [tilespmem:v5+s16+$0x0], $0xffff;
	v15 =	vor.u32 v1, v13;
	v13 =	vshll.u32 v16, $0x4  }
0x3fa: {  	p3 =	por $0x1, $0x1;
	[tilespmem:s24+$0xFFFFFFA0] =	vst v7;
	v16 =	vor.u32 v1, v13;
	v13 =	vld.idx.msk [tilespmem:v6+s16+$0x0], $0xffff  }
.Ltmp35:
0x3fb: {  	[tilespmem:s24+$0xFFFFFFB0] =	vst v8;
	v9 =	vld.idx.msk [tilespmem:v20+s16+$0x0], $0xffff;
	(pc) =	sbr.rel @!p3 .LBB2_62-.Ltmp35, $4  }
0x3fc: {  	[tilespmem:s24+$0xFFFFFFD0] =	vst v12;
	v12 =	vshll.u32 v21, $0x4;
	v7 =	vld.idx.msk [tilespmem:v14+s16+$0x0], $0xffff  }
0x3fd: {  	[tilespmem:s24+$0xFFFFFF90] =	vst v11;
	v11 =	vor.u32 v1, v12;
	v12 =	vld.idx.msk [tilespmem:v22+s16+$0x0], $0xffff  }
0x3fe: {  	s25 =	simm.s32 $0x80;
	[tilespmem:s24+$0xFFFFFFC0] =	vst v10;
	v5 =	vshll.u32 v18, $0x4;
	v6 =	vshll.u32 v19, $0x4;
	v8 =	vld.idx.msk [tilespmem:v15+s16+$0x0], $0xffff  }
0x3ff: {  	s28 =	simm.s32 $0x4FF0;
	p2 =	por $0x1, $0x1;
	s26 =	simm.s32 $0xC7F0;
	[tilespmem:s24+$0xFFFFFFE0] =	vst v63;
	v5 =	vor.u32 v1, v5;
	v6 =	vor.u32 v1, v6;
	v10 =	vld.idx.msk [tilespmem:v16+s16+$0x0], $0xffff  }
.LBB2_63:
0x400: {  	v14 =	vld [tilespmem:s28+$0x0];
	s25 =	sadd.s32 $0x80, s25;
	[tilespmem:s26+$0xFFFFFFF0] =	vst v13;
	s26 =	sadd.s32 $0x400, s26  }
0x401: {  	v13 =	vld [tilespmem:s28+$0xFFFFFFA0];
	p3 =	slt.u32 s25, $0x780;
	[tilespmem:s26+$0x0] =	vst v9  }
0x402: {  	v9 =	vld [tilespmem:s28+$0xFFFFFFB0];
	[tilespmem:s26+$0xFFFFFFA0] =	vst v7  }
0x403: {  	v7 =	vld [tilespmem:s28+$0xFFFFFFC0];
	[tilespmem:s26+$0xFFFFFFB0] =	vst v8  }
0x404: {  	v8 =	vld [tilespmem:s28+$0xFFFFFFD0];
	[tilespmem:s26+$0xFFFFFFC0] =	vst v10  }
0x405: {  	v10 =	vld [tilespmem:s28+$0xFFFFFFE0];
	v14 =	vshll.u32 v14, $0x4;
	[tilespmem:s26+$0xFFFFFFD0] =	vst v12  }
0x406: {  	v12 =	vshll.u32 v13, $0x4;
	v15 =	vld [tilespmem:s28+$0xFFFFFFF0];
	v14 =	vor.u32 v1, v14  }
0x407: {  	v16 =	vld [tilespmem:s28+$0xFFFFFF90];
	v12 =	vor.u32 v1, v12;
	v9 =	vshll.u32 v9, $0x4  }
0x408: {  	v17 =	vor.u32 v1, v9;
	v7 =	vshll.u32 v7, $0x4;
	v18 =	vld.idx.msk [tilespmem:v11+s16+$0x0], $0xffff  }
0x409: {  	v19 =	vor.u32 v1, v7;
	v7 =	vshll.u32 v8, $0x4;
	v20 =	vld.idx.msk [tilespmem:v5+s16+$0x0], $0xffff  }
0x40a: {  	v21 =	vor.u32 v1, v7;
	v5 =	vshll.u32 v10, $0x4;
	v13 =	vld.idx.msk [tilespmem:v6+s16+$0x0], $0xffff  }
.Ltmp36:
0x40b: {  	v5 =	vor.u32 v1, v5;
	v6 =	vshll.u32 v15, $0x4;
	v9 =	vld.idx.msk [tilespmem:v14+s16+$0x0], $0xffff;
	(pc) =	sbr.rel @p3 .LBB2_63-.Ltmp36, $4  }
0x40c: {  	v8 =	vshll.u32 v16, $0x4;
	v7 =	vld.idx.msk [tilespmem:v12+s16+$0x0], $0xffff;
	v6 =	vor.u32 v1, v6  }
0x40d: {  	v11 =	vor.u32 v1, v8;
	v8 =	vld.idx.msk [tilespmem:v17+s16+$0x0], $0xffff  }
0x40e: {  	v10 =	vld.idx.msk [tilespmem:v19+s16+$0x0], $0xffff;
	[tilespmem:s26+$0xFFFFFF90] =	vst v18  }
0x40f: {  	s28 =	sadd.s32 $0x400, s28;
	v12 =	vld.idx.msk [tilespmem:v21+s16+$0x0], $0xffff;
	[tilespmem:s26+$0xFFFFFFE0] =	vst v20  }
.LBB2_64:
0x410: {  	_ =	sdelay $0x1  }
0x411: {  	s25 =	sadd.s32 @p2 $0x400, s26  }
0x412: {  	[tilespmem:s26+$0xFFFFFFF0] =	vst @p2 v13;
	s24 =	smov.u32 @p2 s25  }
0x413: {  	v5 =	vld.idx.msk [tilespmem:v5+s16+$0x0], $0xffff;
	[tilespmem:s24+$0x0] =	vst v9  }
0x414: {  	v6 =	vld.idx.msk [tilespmem:v6+s16+$0x0], $0xffff;
	[tilespmem:s24+$0xFFFFFFA0] =	vst v7  }
0x415: {  	v9 =	vld.idx.msk [tilespmem:v11+s16+$0x0], $0xffff;
	[tilespmem:s24+$0xFFFFFFB0] =	vst v8  }
0x416: {  	[tilespmem:s24+$0xFFFFFFC0] =	vst v10  }
0x417: {  	[tilespmem:s24+$0xFFFFFFD0] =	vst v12  }
0x418: {  	[tilespmem:s24+$0xFFFFFFE0] =	vst v5  }
0x419: {  	[tilespmem:s24+$0xFFFFFFF0] =	vst v6  }
0x41a: {  	s31 =	simm.s32 $0x4870;
	[tilespmem:s24+$0xFFFFFF90] =	vst v9  }
0x41b: {  	v5 =	vld [tilespmem:s31+$0x0]  }
0x41c: {  	v6 =	vld [tilespmem:s31+$0xFFFFFFA0]  }
0x41d: {  	v7 =	vld [tilespmem:s31+$0xFFFFFFB0]  }
0x41e: {  	v8 =	vld [tilespmem:s31+$0xFFFFFFC0]  }
0x41f: {  	v9 =	vld [tilespmem:s31+$0xFFFFFFD0]  }
0x420: {  	v5 =	vshll.u32 v5, $0x4  }
0x421: {  	v6 =	vshll.u32 v6, $0x4;
	v5 =	vor.u32 v1, v5  }
0x422: {  	v10 =	vld [tilespmem:s31+$0xFFFFFFE0];
	v7 =	vshll.u32 v7, $0x4;
	v6 =	vor.u32 v1, v6  }
0x423: {  	v11 =	vld [tilespmem:s31+$0xFFFFFFF0];
	v12 =	vor.u32 v1, v7;
	v7 =	vshll.u32 v8, $0x4  }
0x424: {  	v13 =	vld [tilespmem:s31+$0xFFFFFF90];
	v14 =	vor.u32 v1, v7;
	v7 =	vshll.u32 v9, $0x4  }
0x425: {  	v15 =	vor.u32 v1, v7  }
.Ltmp37:
0x426: {  	v9 =	vld.idx.msk [tilespmem:v5+s16+$0x0], $0xffff;
	(pc) =	sbr.rel @!p1 .LBB2_65-.Ltmp37, $4  }
0x427: {  	v7 =	vld.idx.msk [tilespmem:v6+s16+$0x0], $0xffff  }
0x428: {  	v8 =	vld.idx.msk [tilespmem:v12+s16+$0x0], $0xffff  }
0x429: {  	v5 =	vshll.u32 v10, $0x4;
	v6 =	vshll.u32 v11, $0x4;
	v11 =	vshll.u32 v13, $0x4;
	v10 =	vld.idx.msk [tilespmem:v14+s16+$0x0], $0xffff  }
0x42a: {  	s25 =	simm.s32 $0x4C70;
	s24 =	simm.s32 $0xC870;
	v5 =	vor.u32 v1, v5;
	v6 =	vor.u32 v1, v6;
	v11 =	vor.u32 v1, v11;
	v12 =	vld.idx.msk [tilespmem:v15+s16+$0x0], $0xffff  }
0x42b: {  	v13 =	vld [tilespmem:s25+$0x0]  }
0x42c: {  	v14 =	vld [tilespmem:s25+$0xFFFFFFA0]  }
0x42d: {  	v17 =	vld [tilespmem:s25+$0xFFFFFFD0]  }
0x42e: {  	v15 =	vld [tilespmem:s25+$0xFFFFFFB0]  }
0x42f: {  	v16 =	vld [tilespmem:s25+$0xFFFFFFC0]  }
0x430: {  	v18 =	vld [tilespmem:s25+$0xFFFFFFE0];
	v13 =	vshll.u32 v13, $0x4  }
0x431: {  	v19 =	vld [tilespmem:s25+$0xFFFFFFF0];
	v14 =	vshll.u32 v14, $0x4;
	v20 =	vor.u32 v1, v13  }
0x432: {  	v21 =	vld [tilespmem:s25+$0xFFFFFF90];
	[tilespmem:s24+$0x0] =	vst v9;
	v9 =	vshll.u32 v17, $0x4;
	v14 =	vor.u32 v1, v14  }
0x433: {  	v11 =	vld.idx.msk [tilespmem:v11+s16+$0x0], $0xffff;
	v13 =	vshll.u32 v15, $0x4;
	v22 =	vor.u32 v1, v9  }
0x434: {  	v63 =	vld.idx.msk [tilespmem:v5+s16+$0x0], $0xffff;
	v15 =	vor.u32 v1, v13;
	v13 =	vshll.u32 v16, $0x4  }
0x435: {  	p1 =	por $0x1, $0x1;
	[tilespmem:s24+$0xFFFFFFA0] =	vst v7;
	v16 =	vor.u32 v1, v13;
	v13 =	vld.idx.msk [tilespmem:v6+s16+$0x0], $0xffff  }
.Ltmp38:
0x436: {  	[tilespmem:s24+$0xFFFFFFB0] =	vst v8;
	v9 =	vld.idx.msk [tilespmem:v20+s16+$0x0], $0xffff;
	(pc) =	sbr.rel @!p1 .LBB2_67-.Ltmp38, $4  }
0x437: {  	[tilespmem:s24+$0xFFFFFFD0] =	vst v12;
	v12 =	vshll.u32 v21, $0x4;
	v7 =	vld.idx.msk [tilespmem:v14+s16+$0x0], $0xffff  }
0x438: {  	[tilespmem:s24+$0xFFFFFF90] =	vst v11;
	v11 =	vor.u32 v1, v12;
	v12 =	vld.idx.msk [tilespmem:v22+s16+$0x0], $0xffff  }
0x439: {  	s25 =	simm.s32 $0x80;
	[tilespmem:s24+$0xFFFFFFC0] =	vst v10;
	v5 =	vshll.u32 v18, $0x4;
	v6 =	vshll.u32 v19, $0x4;
	v8 =	vld.idx.msk [tilespmem:v15+s16+$0x0], $0xffff  }
0x43a: {  	s28 =	simm.s32 $0x5070;
	p0 =	por $0x1, $0x1;
	s26 =	simm.s32 $0xC870;
	[tilespmem:s24+$0xFFFFFFE0] =	vst v63;
	v5 =	vor.u32 v1, v5;
	v6 =	vor.u32 v1, v6;
	v10 =	vld.idx.msk [tilespmem:v16+s16+$0x0], $0xffff  }
.LBB2_68:
0x43b: {  	v14 =	vld [tilespmem:s28+$0x0];
	s25 =	sadd.s32 $0x80, s25;
	[tilespmem:s26+$0xFFFFFFF0] =	vst v13;
	s26 =	sadd.s32 $0x400, s26  }
0x43c: {  	v13 =	vld [tilespmem:s28+$0xFFFFFFA0];
	p1 =	slt.u32 s25, $0x780;
	[tilespmem:s26+$0x0] =	vst v9  }
0x43d: {  	v9 =	vld [tilespmem:s28+$0xFFFFFFB0];
	[tilespmem:s26+$0xFFFFFFA0] =	vst v7  }
0x43e: {  	v7 =	vld [tilespmem:s28+$0xFFFFFFC0];
	[tilespmem:s26+$0xFFFFFFB0] =	vst v8  }
0x43f: {  	v8 =	vld [tilespmem:s28+$0xFFFFFFD0];
	[tilespmem:s26+$0xFFFFFFC0] =	vst v10  }
0x440: {  	v10 =	vld [tilespmem:s28+$0xFFFFFFE0];
	v14 =	vshll.u32 v14, $0x4;
	[tilespmem:s26+$0xFFFFFFD0] =	vst v12  }
0x441: {  	v12 =	vshll.u32 v13, $0x4;
	v15 =	vld [tilespmem:s28+$0xFFFFFFF0];
	v14 =	vor.u32 v1, v14  }
0x442: {  	v16 =	vld [tilespmem:s28+$0xFFFFFF90];
	v12 =	vor.u32 v1, v12;
	v9 =	vshll.u32 v9, $0x4  }
0x443: {  	v17 =	vor.u32 v1, v9;
	v7 =	vshll.u32 v7, $0x4;
	v18 =	vld.idx.msk [tilespmem:v11+s16+$0x0], $0xffff  }
0x444: {  	v19 =	vor.u32 v1, v7;
	v7 =	vshll.u32 v8, $0x4;
	v20 =	vld.idx.msk [tilespmem:v5+s16+$0x0], $0xffff  }
0x445: {  	v21 =	vor.u32 v1, v7;
	v5 =	vshll.u32 v10, $0x4;
	v13 =	vld.idx.msk [tilespmem:v6+s16+$0x0], $0xffff  }
.Ltmp39:
0x446: {  	v5 =	vor.u32 v1, v5;
	v6 =	vshll.u32 v15, $0x4;
	v9 =	vld.idx.msk [tilespmem:v14+s16+$0x0], $0xffff;
	(pc) =	sbr.rel @p1 .LBB2_68-.Ltmp39, $4  }
0x447: {  	v8 =	vshll.u32 v16, $0x4;
	v7 =	vld.idx.msk [tilespmem:v12+s16+$0x0], $0xffff;
	v6 =	vor.u32 v1, v6  }
0x448: {  	v11 =	vor.u32 v1, v8;
	v8 =	vld.idx.msk [tilespmem:v17+s16+$0x0], $0xffff  }
0x449: {  	v10 =	vld.idx.msk [tilespmem:v19+s16+$0x0], $0xffff;
	[tilespmem:s26+$0xFFFFFF90] =	vst v18  }
0x44a: {  	s28 =	sadd.s32 $0x400, s28;
	v12 =	vld.idx.msk [tilespmem:v21+s16+$0x0], $0xffff;
	[tilespmem:s26+$0xFFFFFFE0] =	vst v20  }
.LBB2_69:
0x44b: {  	_ =	sdelay $0x1  }
0x44c: {  	s25 =	sadd.s32 @p0 $0x400, s26  }
0x44d: {  	[tilespmem:s26+$0xFFFFFFF0] =	vst @p0 v13;
	s24 =	smov.u32 @p0 s25  }
0x44e: {  	v5 =	vld.idx.msk [tilespmem:v5+s16+$0x0], $0xffff;
	[tilespmem:s24+$0x0] =	vst v9  }
0x44f: {  	v6 =	vld.idx.msk [tilespmem:v6+s16+$0x0], $0xffff;
	[tilespmem:s24+$0xFFFFFFA0] =	vst v7  }
0x450: {  	v9 =	vld.idx.msk [tilespmem:v11+s16+$0x0], $0xffff;
	[tilespmem:s24+$0xFFFFFFB0] =	vst v8  }
0x451: {  	[tilespmem:s24+$0xFFFFFFC0] =	vst v10  }
0x452: {  	[tilespmem:s24+$0xFFFFFFD0] =	vst v12  }
0x453: {  	[tilespmem:s24+$0xFFFFFFE0] =	vst v5  }
0x454: {  	[tilespmem:s24+$0xFFFFFFF0] =	vst v6  }
0x455: {  	[tilespmem:s24+$0xFFFFFF90] =	vst v9  }
0x456: {  	[hbm4b:s8+s3] =	stream.linear.scatter [tilespmem:s20], [sflag:$0x4], $0x4000, $0x38;
	[tilespmem:$0x10480] =	vst v63  }
0x457: {  	_ = 	snop  }
0x458: {  	[tilespmem:s14], [sflag:$0x2] =	stream.linear.gather [hbm4b:s9+s3], $0x4000, $0x38;
	[tilespmem:$0x10480] =	vst v63  }
0x459: {  	_ =	swait.ge [sflag:s17], $0x4000  }
0x45a: {  	[sflag:s17] =	ssyncset.done $0x0  }
0x45b: {  	[sflag:s17] =	ssyncadd.s32 $0xFFFFC000  }
0x45c: {  	_ =	swait.ge [sflag:s21], $0x4000  }
0x45d: {  	[sflag:s21] =	ssyncset.done $0x0  }
0x45e: {  	s30 =	simm.s32 $0x4C0;
	[sflag:s21] =	ssyncadd.s32 $0xFFFFC000  }
0x45f: {  	v5 =	vld [tilespmem:s30+$0x30]  }
0x460: {  	v8 =	vld [tilespmem:s30+$0xFFFFFFF0]  }
0x461: {  	v9 =	vld [tilespmem:s30+$0x0]  }
0x462: {  	v6 =	vld [tilespmem:s30+$0xFFFFFFD0]  }
0x463: {  	v7 =	vld [tilespmem:s30+$0xFFFFFFE0]  }
0x464: {  	v10 =	vld [tilespmem:s30+$0x10]  }
0x465: {  	v11 =	vld [tilespmem:s30+$0x20];
	v8 =	vshll.u32 v8, $0x4  }
0x466: {  	s31 =	simm.s32 $0x8C0;
	v12 =	vld [tilespmem:s30+$0xFFFFFFC0];
	v9 =	vshll.u32 v9, $0x4;
	v8 =	vor.u32 v1, v8  }
0x467: {  	v15 =	vld [tilespmem:s31+$0xFFFFFFE0];
	v9 =	vor.u32 v1, v9  }
0x468: {  	v16 =	vld [tilespmem:s31+$0xFFFFFFF0]  }
0x469: {  	v17 =	vld [tilespmem:s31+$0x0];
	v5 =	vshll.u32 v5, $0x4  }
0x46a: {  	v18 =	vld [tilespmem:s31+$0x10];
	v6 =	vshll.u32 v6, $0x4;
	v5 =	vor.u32 v1, v5  }
0x46b: {  	v7 =	vshll.u32 v7, $0x4;
	v6 =	vor.u32 v1, v6;
	v13 =	vld.idx.msk [tilespmem:v8+s16+$0x0], $0xffff  }
0x46c: {  	v7 =	vor.u32 v1, v7;
	v14 =	vld.idx.msk [tilespmem:v9+s16+$0x0], $0xffff  }
0x46d: {  	v8 =	vld [tilespmem:s31+$0x30]  }
0x46e: {  	v12 =	vshll.u32 v12, $0x4;
	v9 =	vld [tilespmem:s31+$0xFFFFFFD0]  }
0x46f: {  	v10 =	vshll.u32 v10, $0x4;
	v12 =	vor.u32 v1, v12;
	v5 =	vld.idx.msk [tilespmem:v5+s16+$0x0], $0xffff  }
0x470: {  	v11 =	vshll.u32 v11, $0x4;
	v10 =	vor.u32 v1, v10;
	v6 =	vld.idx.msk [tilespmem:v6+s16+$0x0], $0xffff  }
0x471: {  	v15 =	vshll.u32 v15, $0x4;
	v11 =	vor.u32 v1, v11;
	v7 =	vld.idx.msk [tilespmem:v7+s16+$0x0], $0xffff  }
0x472: {  	v19 =	vld [tilespmem:s31+$0x20];
	v15 =	vor.u32 v1, v15;
	v8 =	vshll.u32 v8, $0x4  }
0x473: {  	s24 =	simm.s32 $0x84C0;
	v20 =	vld [tilespmem:s31+$0xFFFFFFC0];
	v9 =	vshll.u32 v9, $0x4;
	v8 =	vor.u32 v1, v8  }
0x474: {  	v16 =	vshll.u32 v16, $0x4;
	v21 =	vld.idx.msk [tilespmem:v12+s16+$0x0], $0xffff;
	[tilespmem:s24+$0x30] =	vst v5;
	v9 =	vor.u32 v1, v9  }
0x475: {  	v12 =	vor.u32 v1, v16;
	v63 =	vld.idx.msk [tilespmem:v10+s16+$0x0], $0xffff;
	v5 =	vshll.u32 v17, $0x4;
	[tilespmem:s24+$0xFFFFFFD0] =	vst v6  }
0x476: {  	v10 =	vld.idx.msk [tilespmem:v11+s16+$0x0], $0xffff;
	[tilespmem:s24+$0xFFFFFFE0] =	vst v7;
	v17 =	vor.u32 v1, v5  }
0x477: {  	v11 =	vld.idx.msk [tilespmem:v15+s16+$0x0], $0xffff;
	[tilespmem:s24+$0xFFFFFFF0] =	vst v13  }
0x478: {  	[tilespmem:s24+$0x0] =	vst v14;
	v8 =	vld.idx.msk [tilespmem:v8+s16+$0x0], $0xffff  }
0x479: {  	[tilespmem:s24+$0xFFFFFFC0] =	vst v21;
	v9 =	vld.idx.msk [tilespmem:v9+s16+$0x0], $0xffff  }
0x47a: {  	v6 =	vshll.u32 v19, $0x4;
	v7 =	vshll.u32 v20, $0x4;
	v12 =	vld.idx.msk [tilespmem:v12+s16+$0x0], $0xffff;
	[tilespmem:s24+$0x10] =	vst v63;
	v5 =	vshll.u32 v18, $0x4  }
0x47b: {  	s26 =	simm.s32 $0xCC0;
	s25 =	simm.s32 $0x80;
	v6 =	vor.u32 v1, v6;
	v7 =	vor.u32 v1, v7;
	v5 =	vor.u32 v1, v5;
	v13 =	vld.idx.msk [tilespmem:v17+s16+$0x0], $0xffff  }
.LBB2_70:
0x47c: {  	v14 =	vld [tilespmem:s26+$0x30];
	s25 =	sadd.s32 $0x80, s25;
	[tilespmem:s24+$0x20] =	vst v10;
	s24 =	sadd.s32 $0x400, s24  }
0x47d: {  	v10 =	vld [tilespmem:s26+$0xFFFFFFD0];
	p0 =	slt.u32 s25, $0x780;
	[tilespmem:s24+$0x30] =	vst v8  }
0x47e: {  	v8 =	vld [tilespmem:s26+$0xFFFFFFE0];
	[tilespmem:s24+$0xFFFFFFD0] =	vst v9  }
0x47f: {  	v9 =	vld [tilespmem:s26+$0xFFFFFFF0];
	[tilespmem:s24+$0xFFFFFFE0] =	vst v11  }
0x480: {  	v11 =	vld [tilespmem:s26+$0x0];
	[tilespmem:s24+$0xFFFFFFF0] =	vst v12  }
0x481: {  	v12 =	vld [tilespmem:s26+$0x10];
	v14 =	vshll.u32 v14, $0x4;
	[tilespmem:s24+$0x0] =	vst v13  }
0x482: {  	v10 =	vshll.u32 v10, $0x4;
	v13 =	vld [tilespmem:s26+$0x20];
	v14 =	vor.u32 v1, v14  }
0x483: {  	v15 =	vld [tilespmem:s26+$0xFFFFFFC0];
	v16 =	vor.u32 v1, v10;
	v8 =	vshll.u32 v8, $0x4  }
0x484: {  	v17 =	vor.u32 v1, v8;
	v8 =	vshll.u32 v9, $0x4;
	v18 =	vld.idx.msk [tilespmem:v7+s16+$0x0], $0xffff  }
0x485: {  	v19 =	vor.u32 v1, v8;
	v7 =	vshll.u32 v11, $0x4;
	v20 =	vld.idx.msk [tilespmem:v5+s16+$0x0], $0xffff  }
0x486: {  	v21 =	vor.u32 v1, v7;
	v5 =	vshll.u32 v12, $0x4;
	v10 =	vld.idx.msk [tilespmem:v6+s16+$0x0], $0xffff  }
.Ltmp40:
0x487: {  	v5 =	vor.u32 v1, v5;
	v6 =	vshll.u32 v13, $0x4;
	v8 =	vld.idx.msk [tilespmem:v14+s16+$0x0], $0xffff;
	(pc) =	sbr.rel @p0 .LBB2_70-.Ltmp40, $4  }
0x488: {  	v7 =	vshll.u32 v15, $0x4;
	v9 =	vld.idx.msk [tilespmem:v16+s16+$0x0], $0xffff;
	v6 =	vor.u32 v1, v6  }
0x489: {  	v7 =	vor.u32 v1, v7;
	v11 =	vld.idx.msk [tilespmem:v17+s16+$0x0], $0xffff  }
0x48a: {  	v12 =	vld.idx.msk [tilespmem:v19+s16+$0x0], $0xffff;
	[tilespmem:s24+$0xFFFFFFC0] =	vst v18  }
0x48b: {  	s26 =	sadd.s32 $0x400, s26;
	v13 =	vld.idx.msk [tilespmem:v21+s16+$0x0], $0xffff;
	[tilespmem:s24+$0x10] =	vst v20  }
0x48c: {  	_ =	sdelay $0x2  }
0x48d: {  	[tilespmem:s24+$0x20] =	vst v10;
	s30 =	sadd.s32 $0x400, s24  }
0x48e: {  	v7 =	vld.idx.msk [tilespmem:v7+s16+$0x0], $0xffff;
	[tilespmem:s30+$0x30] =	vst v8  }
0x48f: {  	v5 =	vld.idx.msk [tilespmem:v5+s16+$0x0], $0xffff;
	[tilespmem:s30+$0xFFFFFFD0] =	vst v9  }
0x490: {  	v6 =	vld.idx.msk [tilespmem:v6+s16+$0x0], $0xffff;
	[tilespmem:s30+$0xFFFFFFE0] =	vst v11  }
0x491: {  	[tilespmem:s30+$0xFFFFFFF0] =	vst v12  }
0x492: {  	[tilespmem:s30+$0x0] =	vst v13  }
0x493: {  	[tilespmem:s30+$0xFFFFFFC0] =	vst v7  }
0x494: {  	[tilespmem:s30+$0x10] =	vst v5  }
0x495: {  	s25 =	simm.s32 $0x570;
	[tilespmem:s30+$0x20] =	vst v6  }
0x496: {  	v5 =	vld [tilespmem:s25+$0x0]  }
0x497: {  	v8 =	vld [tilespmem:s25+$0xFFFFFFC0]  }
0x498: {  	v9 =	vld [tilespmem:s25+$0xFFFFFFD0]  }
0x499: {  	v6 =	vld [tilespmem:s25+$0xFFFFFFA0]  }
0x49a: {  	v7 =	vld [tilespmem:s25+$0xFFFFFFB0]  }
0x49b: {  	v10 =	vld [tilespmem:s25+$0xFFFFFFE0]  }
0x49c: {  	v11 =	vld [tilespmem:s25+$0xFFFFFFF0];
	v8 =	vshll.u32 v8, $0x4  }
0x49d: {  	s31 =	simm.s32 $0x970;
	v12 =	vld [tilespmem:s25+$0xFFFFFF90];
	v9 =	vshll.u32 v9, $0x4;
	v8 =	vor.u32 v1, v8  }
0x49e: {  	v15 =	vld [tilespmem:s31+$0xFFFFFFB0];
	v9 =	vor.u32 v1, v9  }
0x49f: {  	v16 =	vld [tilespmem:s31+$0xFFFFFFC0]  }
0x4a0: {  	v17 =	vld [tilespmem:s31+$0xFFFFFFD0];
	v5 =	vshll.u32 v5, $0x4  }
0x4a1: {  	v18 =	vld [tilespmem:s31+$0xFFFFFFE0];
	v6 =	vshll.u32 v6, $0x4;
	v5 =	vor.u32 v1, v5  }
0x4a2: {  	v7 =	vshll.u32 v7, $0x4;
	v6 =	vor.u32 v1, v6;
	v13 =	vld.idx.msk [tilespmem:v8+s16+$0x0], $0xffff  }
0x4a3: {  	v7 =	vor.u32 v1, v7;
	v14 =	vld.idx.msk [tilespmem:v9+s16+$0x0], $0xffff  }
0x4a4: {  	v8 =	vld [tilespmem:s31+$0x0]  }
0x4a5: {  	v12 =	vshll.u32 v12, $0x4;
	v9 =	vld [tilespmem:s31+$0xFFFFFFA0]  }
0x4a6: {  	v10 =	vshll.u32 v10, $0x4;
	v12 =	vor.u32 v1, v12;
	v5 =	vld.idx.msk [tilespmem:v5+s16+$0x0], $0xffff  }
0x4a7: {  	v11 =	vshll.u32 v11, $0x4;
	v10 =	vor.u32 v1, v10;
	v6 =	vld.idx.msk [tilespmem:v6+s16+$0x0], $0xffff  }
0x4a8: {  	v15 =	vshll.u32 v15, $0x4;
	v11 =	vor.u32 v1, v11;
	v7 =	vld.idx.msk [tilespmem:v7+s16+$0x0], $0xffff  }
0x4a9: {  	v19 =	vld [tilespmem:s31+$0xFFFFFFF0];
	v15 =	vor.u32 v1, v15;
	v8 =	vshll.u32 v8, $0x4  }
0x4aa: {  	s24 =	simm.s32 $0x8570;
	v20 =	vld [tilespmem:s31+$0xFFFFFF90];
	v9 =	vshll.u32 v9, $0x4;
	v8 =	vor.u32 v1, v8  }
0x4ab: {  	v16 =	vshll.u32 v16, $0x4;
	v21 =	vld.idx.msk [tilespmem:v12+s16+$0x0], $0xffff;
	[tilespmem:s24+$0x0] =	vst v5;
	v9 =	vor.u32 v1, v9  }
0x4ac: {  	v12 =	vor.u32 v1, v16;
	v63 =	vld.idx.msk [tilespmem:v10+s16+$0x0], $0xffff;
	v5 =	vshll.u32 v17, $0x4;
	[tilespmem:s24+$0xFFFFFFA0] =	vst v6  }
0x4ad: {  	v10 =	vld.idx.msk [tilespmem:v11+s16+$0x0], $0xffff;
	[tilespmem:s24+$0xFFFFFFB0] =	vst v7;
	v17 =	vor.u32 v1, v5  }
0x4ae: {  	v11 =	vld.idx.msk [tilespmem:v15+s16+$0x0], $0xffff;
	[tilespmem:s24+$0xFFFFFFC0] =	vst v13  }
0x4af: {  	[tilespmem:s24+$0xFFFFFFD0] =	vst v14;
	v8 =	vld.idx.msk [tilespmem:v8+s16+$0x0], $0xffff  }
0x4b0: {  	[tilespmem:s24+$0xFFFFFF90] =	vst v21;
	v9 =	vld.idx.msk [tilespmem:v9+s16+$0x0], $0xffff  }
0x4b1: {  	v6 =	vshll.u32 v19, $0x4;
	v7 =	vshll.u32 v20, $0x4;
	v12 =	vld.idx.msk [tilespmem:v12+s16+$0x0], $0xffff;
	[tilespmem:s24+$0xFFFFFFE0] =	vst v63;
	v5 =	vshll.u32 v18, $0x4  }
0x4b2: {  	s26 =	simm.s32 $0xD70;
	s25 =	simm.s32 $0x80;
	v6 =	vor.u32 v1, v6;
	v7 =	vor.u32 v1, v7;
	v5 =	vor.u32 v1, v5;
	v13 =	vld.idx.msk [tilespmem:v17+s16+$0x0], $0xffff  }
.LBB2_72:
0x4b3: {  	v14 =	vld [tilespmem:s26+$0x0];
	s25 =	sadd.s32 $0x80, s25;
	[tilespmem:s24+$0xFFFFFFF0] =	vst v10;
	s24 =	sadd.s32 $0x400, s24  }
0x4b4: {  	v10 =	vld [tilespmem:s26+$0xFFFFFFA0];
	p0 =	slt.u32 s25, $0x780;
	[tilespmem:s24+$0x0] =	vst v8  }
0x4b5: {  	v8 =	vld [tilespmem:s26+$0xFFFFFFB0];
	[tilespmem:s24+$0xFFFFFFA0] =	vst v9  }
0x4b6: {  	v9 =	vld [tilespmem:s26+$0xFFFFFFC0];
	[tilespmem:s24+$0xFFFFFFB0] =	vst v11  }
0x4b7: {  	v11 =	vld [tilespmem:s26+$0xFFFFFFD0];
	[tilespmem:s24+$0xFFFFFFC0] =	vst v12  }
0x4b8: {  	v12 =	vld [tilespmem:s26+$0xFFFFFFE0];
	v14 =	vshll.u32 v14, $0x4;
	[tilespmem:s24+$0xFFFFFFD0] =	vst v13  }
0x4b9: {  	v10 =	vshll.u32 v10, $0x4;
	v13 =	vld [tilespmem:s26+$0xFFFFFFF0];
	v14 =	vor.u32 v1, v14  }
0x4ba: {  	v15 =	vld [tilespmem:s26+$0xFFFFFF90];
	v16 =	vor.u32 v1, v10;
	v8 =	vshll.u32 v8, $0x4  }
0x4bb: {  	v17 =	vor.u32 v1, v8;
	v8 =	vshll.u32 v9, $0x4;
	v18 =	vld.idx.msk [tilespmem:v7+s16+$0x0], $0xffff  }
0x4bc: {  	v19 =	vor.u32 v1, v8;
	v7 =	vshll.u32 v11, $0x4;
	v20 =	vld.idx.msk [tilespmem:v5+s16+$0x0], $0xffff  }
0x4bd: {  	v21 =	vor.u32 v1, v7;
	v5 =	vshll.u32 v12, $0x4;
	v10 =	vld.idx.msk [tilespmem:v6+s16+$0x0], $0xffff  }
.Ltmp41:
0x4be: {  	v5 =	vor.u32 v1, v5;
	v6 =	vshll.u32 v13, $0x4;
	v8 =	vld.idx.msk [tilespmem:v14+s16+$0x0], $0xffff;
	(pc) =	sbr.rel @p0 .LBB2_72-.Ltmp41, $4  }
0x4bf: {  	v7 =	vshll.u32 v15, $0x4;
	v9 =	vld.idx.msk [tilespmem:v16+s16+$0x0], $0xffff;
	v6 =	vor.u32 v1, v6  }
0x4c0: {  	v7 =	vor.u32 v1, v7;
	v11 =	vld.idx.msk [tilespmem:v17+s16+$0x0], $0xffff  }
0x4c1: {  	v12 =	vld.idx.msk [tilespmem:v19+s16+$0x0], $0xffff;
	[tilespmem:s24+$0xFFFFFF90] =	vst v18  }
0x4c2: {  	s26 =	sadd.s32 $0x400, s26;
	v13 =	vld.idx.msk [tilespmem:v21+s16+$0x0], $0xffff;
	[tilespmem:s24+$0xFFFFFFE0] =	vst v20  }
0x4c3: {  	_ =	sdelay $0x2  }
0x4c4: {  	[tilespmem:s24+$0xFFFFFFF0] =	vst v10;
	s31 =	sadd.s32 $0x400, s24  }
0x4c5: {  	v7 =	vld.idx.msk [tilespmem:v7+s16+$0x0], $0xffff;
	[tilespmem:s31+$0x0] =	vst v8  }
0x4c6: {  	v5 =	vld.idx.msk [tilespmem:v5+s16+$0x0], $0xffff;
	[tilespmem:s31+$0xFFFFFFA0] =	vst v9  }
0x4c7: {  	v6 =	vld.idx.msk [tilespmem:v6+s16+$0x0], $0xffff;
	[tilespmem:s31+$0xFFFFFFB0] =	vst v11  }
0x4c8: {  	[tilespmem:s31+$0xFFFFFFC0] =	vst v12  }
0x4c9: {  	[tilespmem:s31+$0xFFFFFFD0] =	vst v13  }
0x4ca: {  	[tilespmem:s31+$0xFFFFFF90] =	vst v7  }
0x4cb: {  	[tilespmem:s31+$0xFFFFFFE0] =	vst v5  }
0x4cc: {  	s25 =	simm.s32 $0x5F0;
	[tilespmem:s31+$0xFFFFFFF0] =	vst v6  }
0x4cd: {  	v5 =	vld [tilespmem:s25+$0x0]  }
0x4ce: {  	v6 =	vld [tilespmem:s25+$0xFFFFFFA0]  }
0x4cf: {  	v7 =	vld [tilespmem:s25+$0xFFFFFFB0]  }
0x4d0: {  	v8 =	vld [tilespmem:s25+$0xFFFFFFC0]  }
0x4d1: {  	v9 =	vld [tilespmem:s25+$0xFFFFFFD0]  }
0x4d2: {  	v5 =	vshll.u32 v5, $0x4  }
0x4d3: {  	v6 =	vshll.u32 v6, $0x4;
	v5 =	vor.u32 v1, v5  }
0x4d4: {  	v10 =	vld [tilespmem:s25+$0xFFFFFFE0];
	v7 =	vshll.u32 v7, $0x4;
	v6 =	vor.u32 v1, v6  }
0x4d5: {  	v11 =	vld [tilespmem:s25+$0xFFFFFFF0];
	v12 =	vor.u32 v1, v7;
	v7 =	vshll.u32 v8, $0x4  }
0x4d6: {  	v13 =	vld [tilespmem:s25+$0xFFFFFF90];
	v14 =	vor.u32 v1, v7;
	v7 =	vshll.u32 v9, $0x4  }
0x4d7: {  	p1 =	por $0x1, $0x1;
	v15 =	vor.u32 v1, v7  }
.Ltmp42:
0x4d8: {  	v9 =	vld.idx.msk [tilespmem:v5+s16+$0x0], $0xffff;
	(pc) =	sbr.rel @!p1 .LBB2_74-.Ltmp42, $4  }
0x4d9: {  	v7 =	vld.idx.msk [tilespmem:v6+s16+$0x0], $0xffff  }
0x4da: {  	v8 =	vld.idx.msk [tilespmem:v12+s16+$0x0], $0xffff  }
0x4db: {  	v5 =	vshll.u32 v10, $0x4;
	v6 =	vshll.u32 v11, $0x4;
	v11 =	vshll.u32 v13, $0x4;
	v10 =	vld.idx.msk [tilespmem:v14+s16+$0x0], $0xffff  }
0x4dc: {  	s24 =	simm.s32 $0x85F0;
	p0 =	por $0x0, $0x0;
	s25 =	simm.s32 $0x9F0;
	v5 =	vor.u32 v1, v5;
	v6 =	vor.u32 v1, v6;
	v11 =	vor.u32 v1, v11;
	v12 =	vld.idx.msk [tilespmem:v15+s16+$0x0], $0xffff  }
0x4dd: {  	v13 =	vld [tilespmem:s25+$0x0]  }
0x4de: {  	v14 =	vld [tilespmem:s25+$0xFFFFFFA0]  }
0x4df: {  	v17 =	vld [tilespmem:s25+$0xFFFFFFD0]  }
0x4e0: {  	v15 =	vld [tilespmem:s25+$0xFFFFFFB0]  }
0x4e1: {  	v16 =	vld [tilespmem:s25+$0xFFFFFFC0]  }
0x4e2: {  	v18 =	vld [tilespmem:s25+$0xFFFFFFE0];
	v13 =	vshll.u32 v13, $0x4  }
0x4e3: {  	v19 =	vld [tilespmem:s25+$0xFFFFFFF0];
	v14 =	vshll.u32 v14, $0x4;
	v20 =	vor.u32 v1, v13  }
0x4e4: {  	v21 =	vld [tilespmem:s25+$0xFFFFFF90];
	[tilespmem:s24+$0x0] =	vst v9;
	v9 =	vshll.u32 v17, $0x4;
	v14 =	vor.u32 v1, v14  }
0x4e5: {  	v11 =	vld.idx.msk [tilespmem:v11+s16+$0x0], $0xffff;
	v13 =	vshll.u32 v15, $0x4;
	v22 =	vor.u32 v1, v9  }
0x4e6: {  	v63 =	vld.idx.msk [tilespmem:v5+s16+$0x0], $0xffff;
	v15 =	vor.u32 v1, v13;
	v13 =	vshll.u32 v16, $0x4  }
0x4e7: {  	p3 =	por $0x1, $0x1;
	[tilespmem:s24+$0xFFFFFFA0] =	vst v7;
	v16 =	vor.u32 v1, v13;
	v13 =	vld.idx.msk [tilespmem:v6+s16+$0x0], $0xffff  }
.Ltmp43:
0x4e8: {  	[tilespmem:s24+$0xFFFFFFB0] =	vst v8;
	v9 =	vld.idx.msk [tilespmem:v20+s16+$0x0], $0xffff;
	(pc) =	sbr.rel @!p3 .LBB2_76-.Ltmp43, $4  }
0x4e9: {  	[tilespmem:s24+$0xFFFFFFD0] =	vst v12;
	v12 =	vshll.u32 v21, $0x4;
	v7 =	vld.idx.msk [tilespmem:v14+s16+$0x0], $0xffff  }
0x4ea: {  	[tilespmem:s24+$0xFFFFFF90] =	vst v11;
	v11 =	vor.u32 v1, v12;
	v12 =	vld.idx.msk [tilespmem:v22+s16+$0x0], $0xffff  }
0x4eb: {  	s25 =	simm.s32 $0x80;
	[tilespmem:s24+$0xFFFFFFC0] =	vst v10;
	v5 =	vshll.u32 v18, $0x4;
	v6 =	vshll.u32 v19, $0x4;
	v8 =	vld.idx.msk [tilespmem:v15+s16+$0x0], $0xffff  }
0x4ec: {  	s28 =	simm.s32 $0xDF0;
	p2 =	por $0x1, $0x1;
	s26 =	simm.s32 $0x85F0;
	[tilespmem:s24+$0xFFFFFFE0] =	vst v63;
	v5 =	vor.u32 v1, v5;
	v6 =	vor.u32 v1, v6;
	v10 =	vld.idx.msk [tilespmem:v16+s16+$0x0], $0xffff  }
.LBB2_77:
0x4ed: {  	v14 =	vld [tilespmem:s28+$0x0];
	s25 =	sadd.s32 $0x80, s25;
	[tilespmem:s26+$0xFFFFFFF0] =	vst v13;
	s26 =	sadd.s32 $0x400, s26  }
0x4ee: {  	v13 =	vld [tilespmem:s28+$0xFFFFFFA0];
	p3 =	slt.u32 s25, $0x780;
	[tilespmem:s26+$0x0] =	vst v9  }
0x4ef: {  	v9 =	vld [tilespmem:s28+$0xFFFFFFB0];
	[tilespmem:s26+$0xFFFFFFA0] =	vst v7  }
0x4f0: {  	v7 =	vld [tilespmem:s28+$0xFFFFFFC0];
	[tilespmem:s26+$0xFFFFFFB0] =	vst v8  }
0x4f1: {  	v8 =	vld [tilespmem:s28+$0xFFFFFFD0];
	[tilespmem:s26+$0xFFFFFFC0] =	vst v10  }
0x4f2: {  	v10 =	vld [tilespmem:s28+$0xFFFFFFE0];
	v14 =	vshll.u32 v14, $0x4;
	[tilespmem:s26+$0xFFFFFFD0] =	vst v12  }
0x4f3: {  	v12 =	vshll.u32 v13, $0x4;
	v15 =	vld [tilespmem:s28+$0xFFFFFFF0];
	v14 =	vor.u32 v1, v14  }
0x4f4: {  	v16 =	vld [tilespmem:s28+$0xFFFFFF90];
	v12 =	vor.u32 v1, v12;
	v9 =	vshll.u32 v9, $0x4  }
0x4f5: {  	v17 =	vor.u32 v1, v9;
	v7 =	vshll.u32 v7, $0x4;
	v18 =	vld.idx.msk [tilespmem:v11+s16+$0x0], $0xffff  }
0x4f6: {  	v19 =	vor.u32 v1, v7;
	v7 =	vshll.u32 v8, $0x4;
	v20 =	vld.idx.msk [tilespmem:v5+s16+$0x0], $0xffff  }
0x4f7: {  	v21 =	vor.u32 v1, v7;
	v5 =	vshll.u32 v10, $0x4;
	v13 =	vld.idx.msk [tilespmem:v6+s16+$0x0], $0xffff  }
.Ltmp44:
0x4f8: {  	v5 =	vor.u32 v1, v5;
	v6 =	vshll.u32 v15, $0x4;
	v9 =	vld.idx.msk [tilespmem:v14+s16+$0x0], $0xffff;
	(pc) =	sbr.rel @p3 .LBB2_77-.Ltmp44, $4  }
0x4f9: {  	v8 =	vshll.u32 v16, $0x4;
	v7 =	vld.idx.msk [tilespmem:v12+s16+$0x0], $0xffff;
	v6 =	vor.u32 v1, v6  }
0x4fa: {  	v11 =	vor.u32 v1, v8;
	v8 =	vld.idx.msk [tilespmem:v17+s16+$0x0], $0xffff  }
0x4fb: {  	v10 =	vld.idx.msk [tilespmem:v19+s16+$0x0], $0xffff;
	[tilespmem:s26+$0xFFFFFF90] =	vst v18  }
0x4fc: {  	s28 =	sadd.s32 $0x400, s28;
	v12 =	vld.idx.msk [tilespmem:v21+s16+$0x0], $0xffff;
	[tilespmem:s26+$0xFFFFFFE0] =	vst v20  }
.LBB2_78:
0x4fd: {  	_ =	sdelay $0x1  }
0x4fe: {  	s25 =	sadd.s32 @p2 $0x400, s26  }
0x4ff: {  	[tilespmem:s26+$0xFFFFFFF0] =	vst @p2 v13;
	s24 =	smov.u32 @p2 s25  }
0x500: {  	v5 =	vld.idx.msk [tilespmem:v5+s16+$0x0], $0xffff;
	[tilespmem:s24+$0x0] =	vst v9  }
0x501: {  	v6 =	vld.idx.msk [tilespmem:v6+s16+$0x0], $0xffff;
	[tilespmem:s24+$0xFFFFFFA0] =	vst v7  }
0x502: {  	v9 =	vld.idx.msk [tilespmem:v11+s16+$0x0], $0xffff;
	[tilespmem:s24+$0xFFFFFFB0] =	vst v8  }
0x503: {  	[tilespmem:s24+$0xFFFFFFC0] =	vst v10  }
0x504: {  	[tilespmem:s24+$0xFFFFFFD0] =	vst v12  }
0x505: {  	[tilespmem:s24+$0xFFFFFFE0] =	vst v5  }
0x506: {  	[tilespmem:s24+$0xFFFFFFF0] =	vst v6  }
0x507: {  	s31 =	simm.s32 $0x670;
	[tilespmem:s24+$0xFFFFFF90] =	vst v9  }
0x508: {  	v5 =	vld [tilespmem:s31+$0x0]  }
0x509: {  	v6 =	vld [tilespmem:s31+$0xFFFFFFA0]  }
0x50a: {  	v7 =	vld [tilespmem:s31+$0xFFFFFFB0]  }
0x50b: {  	v8 =	vld [tilespmem:s31+$0xFFFFFFC0]  }
0x50c: {  	v9 =	vld [tilespmem:s31+$0xFFFFFFD0]  }
0x50d: {  	v5 =	vshll.u32 v5, $0x4  }
0x50e: {  	v6 =	vshll.u32 v6, $0x4;
	v5 =	vor.u32 v1, v5  }
0x50f: {  	v10 =	vld [tilespmem:s31+$0xFFFFFFE0];
	v7 =	vshll.u32 v7, $0x4;
	v6 =	vor.u32 v1, v6  }
0x510: {  	v11 =	vld [tilespmem:s31+$0xFFFFFFF0];
	v12 =	vor.u32 v1, v7;
	v7 =	vshll.u32 v8, $0x4  }
0x511: {  	v13 =	vld [tilespmem:s31+$0xFFFFFF90];
	v14 =	vor.u32 v1, v7;
	v7 =	vshll.u32 v9, $0x4  }
0x512: {  	v15 =	vor.u32 v1, v7  }
.Ltmp45:
0x513: {  	v9 =	vld.idx.msk [tilespmem:v5+s16+$0x0], $0xffff;
	(pc) =	sbr.rel @!p1 .LBB2_79-.Ltmp45, $4  }
0x514: {  	v7 =	vld.idx.msk [tilespmem:v6+s16+$0x0], $0xffff  }
0x515: {  	v8 =	vld.idx.msk [tilespmem:v12+s16+$0x0], $0xffff  }
0x516: {  	v5 =	vshll.u32 v10, $0x4;
	v6 =	vshll.u32 v11, $0x4;
	v11 =	vshll.u32 v13, $0x4;
	v10 =	vld.idx.msk [tilespmem:v14+s16+$0x0], $0xffff  }
0x517: {  	s25 =	simm.s32 $0xA70;
	s24 =	simm.s32 $0x8670;
	v5 =	vor.u32 v1, v5;
	v6 =	vor.u32 v1, v6;
	v11 =	vor.u32 v1, v11;
	v12 =	vld.idx.msk [tilespmem:v15+s16+$0x0], $0xffff  }
0x518: {  	v13 =	vld [tilespmem:s25+$0x0]  }
0x519: {  	v14 =	vld [tilespmem:s25+$0xFFFFFFA0]  }
0x51a: {  	v17 =	vld [tilespmem:s25+$0xFFFFFFD0]  }
0x51b: {  	v15 =	vld [tilespmem:s25+$0xFFFFFFB0]  }
0x51c: {  	v16 =	vld [tilespmem:s25+$0xFFFFFFC0]  }
0x51d: {  	v18 =	vld [tilespmem:s25+$0xFFFFFFE0];
	v13 =	vshll.u32 v13, $0x4  }
0x51e: {  	v19 =	vld [tilespmem:s25+$0xFFFFFFF0];
	v14 =	vshll.u32 v14, $0x4;
	v20 =	vor.u32 v1, v13  }
0x51f: {  	v21 =	vld [tilespmem:s25+$0xFFFFFF90];
	[tilespmem:s24+$0x0] =	vst v9;
	v9 =	vshll.u32 v17, $0x4;
	v14 =	vor.u32 v1, v14  }
0x520: {  	v11 =	vld.idx.msk [tilespmem:v11+s16+$0x0], $0xffff;
	v13 =	vshll.u32 v15, $0x4;
	v22 =	vor.u32 v1, v9  }
0x521: {  	v63 =	vld.idx.msk [tilespmem:v5+s16+$0x0], $0xffff;
	v15 =	vor.u32 v1, v13;
	v13 =	vshll.u32 v16, $0x4  }
0x522: {  	p1 =	por $0x1, $0x1;
	[tilespmem:s24+$0xFFFFFFA0] =	vst v7;
	v16 =	vor.u32 v1, v13;
	v13 =	vld.idx.msk [tilespmem:v6+s16+$0x0], $0xffff  }
.Ltmp46:
0x523: {  	[tilespmem:s24+$0xFFFFFFB0] =	vst v8;
	v9 =	vld.idx.msk [tilespmem:v20+s16+$0x0], $0xffff;
	(pc) =	sbr.rel @!p1 .LBB2_81-.Ltmp46, $4  }
0x524: {  	[tilespmem:s24+$0xFFFFFFD0] =	vst v12;
	v12 =	vshll.u32 v21, $0x4;
	v7 =	vld.idx.msk [tilespmem:v14+s16+$0x0], $0xffff  }
0x525: {  	[tilespmem:s24+$0xFFFFFF90] =	vst v11;
	v11 =	vor.u32 v1, v12;
	v12 =	vld.idx.msk [tilespmem:v22+s16+$0x0], $0xffff  }
0x526: {  	s25 =	simm.s32 $0x80;
	[tilespmem:s24+$0xFFFFFFC0] =	vst v10;
	v5 =	vshll.u32 v18, $0x4;
	v6 =	vshll.u32 v19, $0x4;
	v8 =	vld.idx.msk [tilespmem:v15+s16+$0x0], $0xffff  }
0x527: {  	s28 =	simm.s32 $0xE70;
	p0 =	por $0x1, $0x1;
	s26 =	simm.s32 $0x8670;
	[tilespmem:s24+$0xFFFFFFE0] =	vst v63;
	v5 =	vor.u32 v1, v5;
	v6 =	vor.u32 v1, v6;
	v10 =	vld.idx.msk [tilespmem:v16+s16+$0x0], $0xffff  }
.LBB2_82:
0x528: {  	v14 =	vld [tilespmem:s28+$0x0];
	s25 =	sadd.s32 $0x80, s25;
	[tilespmem:s26+$0xFFFFFFF0] =	vst v13;
	s26 =	sadd.s32 $0x400, s26  }
0x529: {  	v13 =	vld [tilespmem:s28+$0xFFFFFFA0];
	p1 =	slt.u32 s25, $0x780;
	[tilespmem:s26+$0x0] =	vst v9  }
0x52a: {  	v9 =	vld [tilespmem:s28+$0xFFFFFFB0];
	[tilespmem:s26+$0xFFFFFFA0] =	vst v7  }
0x52b: {  	v7 =	vld [tilespmem:s28+$0xFFFFFFC0];
	[tilespmem:s26+$0xFFFFFFB0] =	vst v8  }
0x52c: {  	v8 =	vld [tilespmem:s28+$0xFFFFFFD0];
	[tilespmem:s26+$0xFFFFFFC0] =	vst v10  }
0x52d: {  	v10 =	vld [tilespmem:s28+$0xFFFFFFE0];
	v14 =	vshll.u32 v14, $0x4;
	[tilespmem:s26+$0xFFFFFFD0] =	vst v12  }
0x52e: {  	v12 =	vshll.u32 v13, $0x4;
	v15 =	vld [tilespmem:s28+$0xFFFFFFF0];
	v14 =	vor.u32 v1, v14  }
0x52f: {  	v16 =	vld [tilespmem:s28+$0xFFFFFF90];
	v12 =	vor.u32 v1, v12;
	v9 =	vshll.u32 v9, $0x4  }
0x530: {  	v17 =	vor.u32 v1, v9;
	v7 =	vshll.u32 v7, $0x4;
	v18 =	vld.idx.msk [tilespmem:v11+s16+$0x0], $0xffff  }
0x531: {  	v19 =	vor.u32 v1, v7;
	v7 =	vshll.u32 v8, $0x4;
	v20 =	vld.idx.msk [tilespmem:v5+s16+$0x0], $0xffff  }
0x532: {  	v21 =	vor.u32 v1, v7;
	v5 =	vshll.u32 v10, $0x4;
	v13 =	vld.idx.msk [tilespmem:v6+s16+$0x0], $0xffff  }
.Ltmp47:
0x533: {  	v5 =	vor.u32 v1, v5;
	v6 =	vshll.u32 v15, $0x4;
	v9 =	vld.idx.msk [tilespmem:v14+s16+$0x0], $0xffff;
	(pc) =	sbr.rel @p1 .LBB2_82-.Ltmp47, $4  }
0x534: {  	v8 =	vshll.u32 v16, $0x4;
	v7 =	vld.idx.msk [tilespmem:v12+s16+$0x0], $0xffff;
	v6 =	vor.u32 v1, v6  }
0x535: {  	v11 =	vor.u32 v1, v8;
	v8 =	vld.idx.msk [tilespmem:v17+s16+$0x0], $0xffff  }
0x536: {  	v10 =	vld.idx.msk [tilespmem:v19+s16+$0x0], $0xffff;
	[tilespmem:s26+$0xFFFFFF90] =	vst v18  }
0x537: {  	s28 =	sadd.s32 $0x400, s28;
	v12 =	vld.idx.msk [tilespmem:v21+s16+$0x0], $0xffff;
	[tilespmem:s26+$0xFFFFFFE0] =	vst v20  }
.LBB2_83:
0x538: {  	_ =	sdelay $0x1  }
0x539: {  	s25 =	sadd.s32 @p0 $0x400, s26  }
0x53a: {  	[tilespmem:s26+$0xFFFFFFF0] =	vst @p0 v13;
	s24 =	smov.u32 @p0 s25  }
0x53b: {  	v5 =	vld.idx.msk [tilespmem:v5+s16+$0x0], $0xffff;
	[tilespmem:s24+$0x0] =	vst v9  }
0x53c: {  	v6 =	vld.idx.msk [tilespmem:v6+s16+$0x0], $0xffff;
	[tilespmem:s24+$0xFFFFFFA0] =	vst v7  }
0x53d: {  	v9 =	vld.idx.msk [tilespmem:v11+s16+$0x0], $0xffff;
	[tilespmem:s24+$0xFFFFFFB0] =	vst v8  }
0x53e: {  	[tilespmem:s24+$0xFFFFFFC0] =	vst v10  }
0x53f: {  	[tilespmem:s24+$0xFFFFFFD0] =	vst v12  }
0x540: {  	[tilespmem:s24+$0xFFFFFFE0] =	vst v5  }
0x541: {  	[tilespmem:s24+$0xFFFFFFF0] =	vst v6  }
0x542: {  	s31 =	simm.s32 $0x6F0;
	[tilespmem:s24+$0xFFFFFF90] =	vst v9  }
0x543: {  	v5 =	vld [tilespmem:s31+$0x0]  }
0x544: {  	v6 =	vld [tilespmem:s31+$0xFFFFFFA0]  }
0x545: {  	v7 =	vld [tilespmem:s31+$0xFFFFFFB0]  }
0x546: {  	v8 =	vld [tilespmem:s31+$0xFFFFFFC0]  }
0x547: {  	v9 =	vld [tilespmem:s31+$0xFFFFFFD0]  }
0x548: {  	v5 =	vshll.u32 v5, $0x4  }
0x549: {  	v6 =	vshll.u32 v6, $0x4;
	v5 =	vor.u32 v1, v5  }
0x54a: {  	v10 =	vld [tilespmem:s31+$0xFFFFFFE0];
	v7 =	vshll.u32 v7, $0x4;
	v6 =	vor.u32 v1, v6  }
0x54b: {  	v11 =	vld [tilespmem:s31+$0xFFFFFFF0];
	v12 =	vor.u32 v1, v7;
	v7 =	vshll.u32 v8, $0x4  }
0x54c: {  	v13 =	vld [tilespmem:s31+$0xFFFFFF90];
	v14 =	vor.u32 v1, v7;
	v7 =	vshll.u32 v9, $0x4  }
0x54d: {  	p1 =	por $0x1, $0x1;
	v15 =	vor.u32 v1, v7  }
.Ltmp48:
0x54e: {  	v9 =	vld.idx.msk [tilespmem:v5+s16+$0x0], $0xffff;
	(pc) =	sbr.rel @!p1 .LBB2_84-.Ltmp48, $4  }
0x54f: {  	v7 =	vld.idx.msk [tilespmem:v6+s16+$0x0], $0xffff  }
0x550: {  	v8 =	vld.idx.msk [tilespmem:v12+s16+$0x0], $0xffff  }
0x551: {  	v5 =	vshll.u32 v10, $0x4;
	v6 =	vshll.u32 v11, $0x4;
	v11 =	vshll.u32 v13, $0x4;
	v10 =	vld.idx.msk [tilespmem:v14+s16+$0x0], $0xffff  }
0x552: {  	s25 =	simm.s32 $0xAF0;
	p0 =	por $0x0, $0x0;
	s24 =	simm.s32 $0x86F0;
	v5 =	vor.u32 v1, v5;
	v6 =	vor.u32 v1, v6;
	v11 =	vor.u32 v1, v11;
	v12 =	vld.idx.msk [tilespmem:v15+s16+$0x0], $0xffff  }
0x553: {  	v13 =	vld [tilespmem:s25+$0x0]  }
0x554: {  	v14 =	vld [tilespmem:s25+$0xFFFFFFA0]  }
0x555: {  	v17 =	vld [tilespmem:s25+$0xFFFFFFD0]  }
0x556: {  	v15 =	vld [tilespmem:s25+$0xFFFFFFB0]  }
0x557: {  	v16 =	vld [tilespmem:s25+$0xFFFFFFC0]  }
0x558: {  	v18 =	vld [tilespmem:s25+$0xFFFFFFE0];
	v13 =	vshll.u32 v13, $0x4  }
0x559: {  	v19 =	vld [tilespmem:s25+$0xFFFFFFF0];
	v14 =	vshll.u32 v14, $0x4;
	v20 =	vor.u32 v1, v13  }
0x55a: {  	v21 =	vld [tilespmem:s25+$0xFFFFFF90];
	[tilespmem:s24+$0x0] =	vst v9;
	v9 =	vshll.u32 v17, $0x4;
	v14 =	vor.u32 v1, v14  }
0x55b: {  	v11 =	vld.idx.msk [tilespmem:v11+s16+$0x0], $0xffff;
	v13 =	vshll.u32 v15, $0x4;
	v22 =	vor.u32 v1, v9  }
0x55c: {  	v63 =	vld.idx.msk [tilespmem:v5+s16+$0x0], $0xffff;
	v15 =	vor.u32 v1, v13;
	v13 =	vshll.u32 v16, $0x4  }
0x55d: {  	p3 =	por $0x1, $0x1;
	[tilespmem:s24+$0xFFFFFFA0] =	vst v7;
	v16 =	vor.u32 v1, v13;
	v13 =	vld.idx.msk [tilespmem:v6+s16+$0x0], $0xffff  }
.Ltmp49:
0x55e: {  	[tilespmem:s24+$0xFFFFFFB0] =	vst v8;
	v9 =	vld.idx.msk [tilespmem:v20+s16+$0x0], $0xffff;
	(pc) =	sbr.rel @!p3 .LBB2_86-.Ltmp49, $4  }
0x55f: {  	[tilespmem:s24+$0xFFFFFFD0] =	vst v12;
	v12 =	vshll.u32 v21, $0x4;
	v7 =	vld.idx.msk [tilespmem:v14+s16+$0x0], $0xffff  }
0x560: {  	[tilespmem:s24+$0xFFFFFF90] =	vst v11;
	v11 =	vor.u32 v1, v12;
	v12 =	vld.idx.msk [tilespmem:v22+s16+$0x0], $0xffff  }
0x561: {  	s25 =	simm.s32 $0x80;
	[tilespmem:s24+$0xFFFFFFC0] =	vst v10;
	v5 =	vshll.u32 v18, $0x4;
	v6 =	vshll.u32 v19, $0x4;
	v8 =	vld.idx.msk [tilespmem:v15+s16+$0x0], $0xffff  }
0x562: {  	s28 =	simm.s32 $0xEF0;
	p2 =	por $0x1, $0x1;
	s26 =	simm.s32 $0x86F0;
	[tilespmem:s24+$0xFFFFFFE0] =	vst v63;
	v5 =	vor.u32 v1, v5;
	v6 =	vor.u32 v1, v6;
	v10 =	vld.idx.msk [tilespmem:v16+s16+$0x0], $0xffff  }
.LBB2_87:
0x563: {  	v14 =	vld [tilespmem:s28+$0x0];
	s25 =	sadd.s32 $0x80, s25;
	[tilespmem:s26+$0xFFFFFFF0] =	vst v13;
	s26 =	sadd.s32 $0x400, s26  }
0x564: {  	v13 =	vld [tilespmem:s28+$0xFFFFFFA0];
	p3 =	slt.u32 s25, $0x780;
	[tilespmem:s26+$0x0] =	vst v9  }
0x565: {  	v9 =	vld [tilespmem:s28+$0xFFFFFFB0];
	[tilespmem:s26+$0xFFFFFFA0] =	vst v7  }
0x566: {  	v7 =	vld [tilespmem:s28+$0xFFFFFFC0];
	[tilespmem:s26+$0xFFFFFFB0] =	vst v8  }
0x567: {  	v8 =	vld [tilespmem:s28+$0xFFFFFFD0];
	[tilespmem:s26+$0xFFFFFFC0] =	vst v10  }
0x568: {  	v10 =	vld [tilespmem:s28+$0xFFFFFFE0];
	v14 =	vshll.u32 v14, $0x4;
	[tilespmem:s26+$0xFFFFFFD0] =	vst v12  }
0x569: {  	v12 =	vshll.u32 v13, $0x4;
	v15 =	vld [tilespmem:s28+$0xFFFFFFF0];
	v14 =	vor.u32 v1, v14  }
0x56a: {  	v16 =	vld [tilespmem:s28+$0xFFFFFF90];
	v12 =	vor.u32 v1, v12;
	v9 =	vshll.u32 v9, $0x4  }
0x56b: {  	v17 =	vor.u32 v1, v9;
	v7 =	vshll.u32 v7, $0x4;
	v18 =	vld.idx.msk [tilespmem:v11+s16+$0x0], $0xffff  }
0x56c: {  	v19 =	vor.u32 v1, v7;
	v7 =	vshll.u32 v8, $0x4;
	v20 =	vld.idx.msk [tilespmem:v5+s16+$0x0], $0xffff  }
0x56d: {  	v21 =	vor.u32 v1, v7;
	v5 =	vshll.u32 v10, $0x4;
	v13 =	vld.idx.msk [tilespmem:v6+s16+$0x0], $0xffff  }
.Ltmp50:
0x56e: {  	v5 =	vor.u32 v1, v5;
	v6 =	vshll.u32 v15, $0x4;
	v9 =	vld.idx.msk [tilespmem:v14+s16+$0x0], $0xffff;
	(pc) =	sbr.rel @p3 .LBB2_87-.Ltmp50, $4  }
0x56f: {  	v8 =	vshll.u32 v16, $0x4;
	v7 =	vld.idx.msk [tilespmem:v12+s16+$0x0], $0xffff;
	v6 =	vor.u32 v1, v6  }
0x570: {  	v11 =	vor.u32 v1, v8;
	v8 =	vld.idx.msk [tilespmem:v17+s16+$0x0], $0xffff  }
0x571: {  	v10 =	vld.idx.msk [tilespmem:v19+s16+$0x0], $0xffff;
	[tilespmem:s26+$0xFFFFFF90] =	vst v18  }
0x572: {  	s28 =	sadd.s32 $0x400, s28;
	v12 =	vld.idx.msk [tilespmem:v21+s16+$0x0], $0xffff;
	[tilespmem:s26+$0xFFFFFFE0] =	vst v20  }
.LBB2_88:
0x573: {  	_ =	sdelay $0x1  }
0x574: {  	s25 =	sadd.s32 @p2 $0x400, s26  }
0x575: {  	[tilespmem:s26+$0xFFFFFFF0] =	vst @p2 v13;
	s24 =	smov.u32 @p2 s25  }
0x576: {  	v5 =	vld.idx.msk [tilespmem:v5+s16+$0x0], $0xffff;
	[tilespmem:s24+$0x0] =	vst v9  }
0x577: {  	v6 =	vld.idx.msk [tilespmem:v6+s16+$0x0], $0xffff;
	[tilespmem:s24+$0xFFFFFFA0] =	vst v7  }
0x578: {  	v9 =	vld.idx.msk [tilespmem:v11+s16+$0x0], $0xffff;
	[tilespmem:s24+$0xFFFFFFB0] =	vst v8  }
0x579: {  	[tilespmem:s24+$0xFFFFFFC0] =	vst v10  }
0x57a: {  	[tilespmem:s24+$0xFFFFFFD0] =	vst v12  }
0x57b: {  	[tilespmem:s24+$0xFFFFFFE0] =	vst v5  }
0x57c: {  	[tilespmem:s24+$0xFFFFFFF0] =	vst v6  }
0x57d: {  	s31 =	simm.s32 $0x770;
	[tilespmem:s24+$0xFFFFFF90] =	vst v9  }
0x57e: {  	v5 =	vld [tilespmem:s31+$0x0]  }
0x57f: {  	v6 =	vld [tilespmem:s31+$0xFFFFFFA0]  }
0x580: {  	v7 =	vld [tilespmem:s31+$0xFFFFFFB0]  }
0x581: {  	v8 =	vld [tilespmem:s31+$0xFFFFFFC0]  }
0x582: {  	v9 =	vld [tilespmem:s31+$0xFFFFFFD0]  }
0x583: {  	v5 =	vshll.u32 v5, $0x4  }
0x584: {  	v6 =	vshll.u32 v6, $0x4;
	v5 =	vor.u32 v1, v5  }
0x585: {  	v10 =	vld [tilespmem:s31+$0xFFFFFFE0];
	v7 =	vshll.u32 v7, $0x4;
	v6 =	vor.u32 v1, v6  }
0x586: {  	v11 =	vld [tilespmem:s31+$0xFFFFFFF0];
	v12 =	vor.u32 v1, v7;
	v7 =	vshll.u32 v8, $0x4  }
0x587: {  	v13 =	vld [tilespmem:s31+$0xFFFFFF90];
	v14 =	vor.u32 v1, v7;
	v7 =	vshll.u32 v9, $0x4  }
0x588: {  	v15 =	vor.u32 v1, v7  }
.Ltmp51:
0x589: {  	v9 =	vld.idx.msk [tilespmem:v5+s16+$0x0], $0xffff;
	(pc) =	sbr.rel @!p1 .LBB2_89-.Ltmp51, $4  }
0x58a: {  	v7 =	vld.idx.msk [tilespmem:v6+s16+$0x0], $0xffff  }
0x58b: {  	v8 =	vld.idx.msk [tilespmem:v12+s16+$0x0], $0xffff  }
0x58c: {  	v5 =	vshll.u32 v10, $0x4;
	v6 =	vshll.u32 v11, $0x4;
	v11 =	vshll.u32 v13, $0x4;
	v10 =	vld.idx.msk [tilespmem:v14+s16+$0x0], $0xffff  }
0x58d: {  	s25 =	simm.s32 $0xB70;
	s24 =	simm.s32 $0x8770;
	v5 =	vor.u32 v1, v5;
	v6 =	vor.u32 v1, v6;
	v11 =	vor.u32 v1, v11;
	v12 =	vld.idx.msk [tilespmem:v15+s16+$0x0], $0xffff  }
0x58e: {  	v13 =	vld [tilespmem:s25+$0x0]  }
0x58f: {  	v14 =	vld [tilespmem:s25+$0xFFFFFFA0]  }
0x590: {  	v17 =	vld [tilespmem:s25+$0xFFFFFFD0]  }
0x591: {  	v15 =	vld [tilespmem:s25+$0xFFFFFFB0]  }
0x592: {  	v16 =	vld [tilespmem:s25+$0xFFFFFFC0]  }
0x593: {  	v18 =	vld [tilespmem:s25+$0xFFFFFFE0];
	v13 =	vshll.u32 v13, $0x4  }
0x594: {  	v19 =	vld [tilespmem:s25+$0xFFFFFFF0];
	v14 =	vshll.u32 v14, $0x4;
	v20 =	vor.u32 v1, v13  }
0x595: {  	v21 =	vld [tilespmem:s25+$0xFFFFFF90];
	[tilespmem:s24+$0x0] =	vst v9;
	v9 =	vshll.u32 v17, $0x4;
	v14 =	vor.u32 v1, v14  }
0x596: {  	v11 =	vld.idx.msk [tilespmem:v11+s16+$0x0], $0xffff;
	v13 =	vshll.u32 v15, $0x4;
	v22 =	vor.u32 v1, v9  }
0x597: {  	v63 =	vld.idx.msk [tilespmem:v5+s16+$0x0], $0xffff;
	v15 =	vor.u32 v1, v13;
	v13 =	vshll.u32 v16, $0x4  }
0x598: {  	p1 =	por $0x1, $0x1;
	[tilespmem:s24+$0xFFFFFFA0] =	vst v7;
	v16 =	vor.u32 v1, v13;
	v13 =	vld.idx.msk [tilespmem:v6+s16+$0x0], $0xffff  }
.Ltmp52:
0x599: {  	[tilespmem:s24+$0xFFFFFFB0] =	vst v8;
	v9 =	vld.idx.msk [tilespmem:v20+s16+$0x0], $0xffff;
	(pc) =	sbr.rel @!p1 .LBB2_91-.Ltmp52, $4  }
0x59a: {  	[tilespmem:s24+$0xFFFFFFD0] =	vst v12;
	v12 =	vshll.u32 v21, $0x4;
	v7 =	vld.idx.msk [tilespmem:v14+s16+$0x0], $0xffff  }
0x59b: {  	[tilespmem:s24+$0xFFFFFF90] =	vst v11;
	v11 =	vor.u32 v1, v12;
	v12 =	vld.idx.msk [tilespmem:v22+s16+$0x0], $0xffff  }
0x59c: {  	s25 =	simm.s32 $0x80;
	[tilespmem:s24+$0xFFFFFFC0] =	vst v10;
	v5 =	vshll.u32 v18, $0x4;
	v6 =	vshll.u32 v19, $0x4;
	v8 =	vld.idx.msk [tilespmem:v15+s16+$0x0], $0xffff  }
0x59d: {  	s28 =	simm.s32 $0xF70;
	p0 =	por $0x1, $0x1;
	s26 =	simm.s32 $0x8770;
	[tilespmem:s24+$0xFFFFFFE0] =	vst v63;
	v5 =	vor.u32 v1, v5;
	v6 =	vor.u32 v1, v6;
	v10 =	vld.idx.msk [tilespmem:v16+s16+$0x0], $0xffff  }
.LBB2_92:
0x59e: {  	v14 =	vld [tilespmem:s28+$0x0];
	s25 =	sadd.s32 $0x80, s25;
	[tilespmem:s26+$0xFFFFFFF0] =	vst v13;
	s26 =	sadd.s32 $0x400, s26  }
0x59f: {  	v13 =	vld [tilespmem:s28+$0xFFFFFFA0];
	p1 =	slt.u32 s25, $0x780;
	[tilespmem:s26+$0x0] =	vst v9  }
0x5a0: {  	v9 =	vld [tilespmem:s28+$0xFFFFFFB0];
	[tilespmem:s26+$0xFFFFFFA0] =	vst v7  }
0x5a1: {  	v7 =	vld [tilespmem:s28+$0xFFFFFFC0];
	[tilespmem:s26+$0xFFFFFFB0] =	vst v8  }
0x5a2: {  	v8 =	vld [tilespmem:s28+$0xFFFFFFD0];
	[tilespmem:s26+$0xFFFFFFC0] =	vst v10  }
0x5a3: {  	v10 =	vld [tilespmem:s28+$0xFFFFFFE0];
	v14 =	vshll.u32 v14, $0x4;
	[tilespmem:s26+$0xFFFFFFD0] =	vst v12  }
0x5a4: {  	v12 =	vshll.u32 v13, $0x4;
	v15 =	vld [tilespmem:s28+$0xFFFFFFF0];
	v14 =	vor.u32 v1, v14  }
0x5a5: {  	v16 =	vld [tilespmem:s28+$0xFFFFFF90];
	v12 =	vor.u32 v1, v12;
	v9 =	vshll.u32 v9, $0x4  }
0x5a6: {  	v17 =	vor.u32 v1, v9;
	v7 =	vshll.u32 v7, $0x4;
	v18 =	vld.idx.msk [tilespmem:v11+s16+$0x0], $0xffff  }
0x5a7: {  	v19 =	vor.u32 v1, v7;
	v7 =	vshll.u32 v8, $0x4;
	v20 =	vld.idx.msk [tilespmem:v5+s16+$0x0], $0xffff  }
0x5a8: {  	v21 =	vor.u32 v1, v7;
	v5 =	vshll.u32 v10, $0x4;
	v13 =	vld.idx.msk [tilespmem:v6+s16+$0x0], $0xffff  }
.Ltmp53:
0x5a9: {  	v5 =	vor.u32 v1, v5;
	v6 =	vshll.u32 v15, $0x4;
	v9 =	vld.idx.msk [tilespmem:v14+s16+$0x0], $0xffff;
	(pc) =	sbr.rel @p1 .LBB2_92-.Ltmp53, $4  }
0x5aa: {  	v8 =	vshll.u32 v16, $0x4;
	v7 =	vld.idx.msk [tilespmem:v12+s16+$0x0], $0xffff;
	v6 =	vor.u32 v1, v6  }
0x5ab: {  	v11 =	vor.u32 v1, v8;
	v8 =	vld.idx.msk [tilespmem:v17+s16+$0x0], $0xffff  }
0x5ac: {  	v10 =	vld.idx.msk [tilespmem:v19+s16+$0x0], $0xffff;
	[tilespmem:s26+$0xFFFFFF90] =	vst v18  }
0x5ad: {  	s28 =	sadd.s32 $0x400, s28;
	v12 =	vld.idx.msk [tilespmem:v21+s16+$0x0], $0xffff;
	[tilespmem:s26+$0xFFFFFFE0] =	vst v20  }
.LBB2_93:
0x5ae: {  	_ =	sdelay $0x1  }
0x5af: {  	s25 =	sadd.s32 @p0 $0x400, s26  }
0x5b0: {  	[tilespmem:s26+$0xFFFFFFF0] =	vst @p0 v13;
	s24 =	smov.u32 @p0 s25  }
0x5b1: {  	v5 =	vld.idx.msk [tilespmem:v5+s16+$0x0], $0xffff;
	[tilespmem:s24+$0x0] =	vst v9  }
0x5b2: {  	v6 =	vld.idx.msk [tilespmem:v6+s16+$0x0], $0xffff;
	[tilespmem:s24+$0xFFFFFFA0] =	vst v7  }
0x5b3: {  	v9 =	vld.idx.msk [tilespmem:v11+s16+$0x0], $0xffff;
	[tilespmem:s24+$0xFFFFFFB0] =	vst v8  }
0x5b4: {  	[tilespmem:s24+$0xFFFFFFC0] =	vst v10  }
0x5b5: {  	[tilespmem:s24+$0xFFFFFFD0] =	vst v12  }
0x5b6: {  	[tilespmem:s24+$0xFFFFFFE0] =	vst v5  }
0x5b7: {  	[tilespmem:s24+$0xFFFFFFF0] =	vst v6  }
0x5b8: {  	s31 =	simm.s32 $0x7F0;
	[tilespmem:s24+$0xFFFFFF90] =	vst v9  }
0x5b9: {  	v5 =	vld [tilespmem:s31+$0x0]  }
0x5ba: {  	v6 =	vld [tilespmem:s31+$0xFFFFFFA0]  }
0x5bb: {  	v7 =	vld [tilespmem:s31+$0xFFFFFFB0]  }
0x5bc: {  	v8 =	vld [tilespmem:s31+$0xFFFFFFC0]  }
0x5bd: {  	v9 =	vld [tilespmem:s31+$0xFFFFFFD0]  }
0x5be: {  	v5 =	vshll.u32 v5, $0x4  }
0x5bf: {  	v6 =	vshll.u32 v6, $0x4;
	v5 =	vor.u32 v1, v5  }
0x5c0: {  	v10 =	vld [tilespmem:s31+$0xFFFFFFE0];
	v7 =	vshll.u32 v7, $0x4;
	v6 =	vor.u32 v1, v6  }
0x5c1: {  	v11 =	vld [tilespmem:s31+$0xFFFFFFF0];
	v12 =	vor.u32 v1, v7;
	v7 =	vshll.u32 v8, $0x4  }
0x5c2: {  	v13 =	vld [tilespmem:s31+$0xFFFFFF90];
	v14 =	vor.u32 v1, v7;
	v7 =	vshll.u32 v9, $0x4  }
0x5c3: {  	p1 =	por $0x1, $0x1;
	v15 =	vor.u32 v1, v7  }
.Ltmp54:
0x5c4: {  	v9 =	vld.idx.msk [tilespmem:v5+s16+$0x0], $0xffff;
	(pc) =	sbr.rel @!p1 .LBB2_94-.Ltmp54, $4  }
0x5c5: {  	v7 =	vld.idx.msk [tilespmem:v6+s16+$0x0], $0xffff  }
0x5c6: {  	v8 =	vld.idx.msk [tilespmem:v12+s16+$0x0], $0xffff  }
0x5c7: {  	v5 =	vshll.u32 v10, $0x4;
	v6 =	vshll.u32 v11, $0x4;
	v11 =	vshll.u32 v13, $0x4;
	v10 =	vld.idx.msk [tilespmem:v14+s16+$0x0], $0xffff  }
0x5c8: {  	s25 =	simm.s32 $0xBF0;
	p0 =	por $0x0, $0x0;
	s24 =	simm.s32 $0x87F0;
	v5 =	vor.u32 v1, v5;
	v6 =	vor.u32 v1, v6;
	v11 =	vor.u32 v1, v11;
	v12 =	vld.idx.msk [tilespmem:v15+s16+$0x0], $0xffff  }
0x5c9: {  	v13 =	vld [tilespmem:s25+$0x0]  }
0x5ca: {  	v14 =	vld [tilespmem:s25+$0xFFFFFFA0]  }
0x5cb: {  	v17 =	vld [tilespmem:s25+$0xFFFFFFD0]  }
0x5cc: {  	v15 =	vld [tilespmem:s25+$0xFFFFFFB0]  }
0x5cd: {  	v16 =	vld [tilespmem:s25+$0xFFFFFFC0]  }
0x5ce: {  	v18 =	vld [tilespmem:s25+$0xFFFFFFE0];
	v13 =	vshll.u32 v13, $0x4  }
0x5cf: {  	v19 =	vld [tilespmem:s25+$0xFFFFFFF0];
	v14 =	vshll.u32 v14, $0x4;
	v20 =	vor.u32 v1, v13  }
0x5d0: {  	v21 =	vld [tilespmem:s25+$0xFFFFFF90];
	[tilespmem:s24+$0x0] =	vst v9;
	v9 =	vshll.u32 v17, $0x4;
	v14 =	vor.u32 v1, v14  }
0x5d1: {  	v11 =	vld.idx.msk [tilespmem:v11+s16+$0x0], $0xffff;
	v13 =	vshll.u32 v15, $0x4;
	v22 =	vor.u32 v1, v9  }
0x5d2: {  	v63 =	vld.idx.msk [tilespmem:v5+s16+$0x0], $0xffff;
	v15 =	vor.u32 v1, v13;
	v13 =	vshll.u32 v16, $0x4  }
0x5d3: {  	p3 =	por $0x1, $0x1;
	[tilespmem:s24+$0xFFFFFFA0] =	vst v7;
	v16 =	vor.u32 v1, v13;
	v13 =	vld.idx.msk [tilespmem:v6+s16+$0x0], $0xffff  }
.Ltmp55:
0x5d4: {  	[tilespmem:s24+$0xFFFFFFB0] =	vst v8;
	v9 =	vld.idx.msk [tilespmem:v20+s16+$0x0], $0xffff;
	(pc) =	sbr.rel @!p3 .LBB2_96-.Ltmp55, $4  }
0x5d5: {  	[tilespmem:s24+$0xFFFFFFD0] =	vst v12;
	v12 =	vshll.u32 v21, $0x4;
	v7 =	vld.idx.msk [tilespmem:v14+s16+$0x0], $0xffff  }
0x5d6: {  	[tilespmem:s24+$0xFFFFFF90] =	vst v11;
	v11 =	vor.u32 v1, v12;
	v12 =	vld.idx.msk [tilespmem:v22+s16+$0x0], $0xffff  }
0x5d7: {  	s25 =	simm.s32 $0x80;
	[tilespmem:s24+$0xFFFFFFC0] =	vst v10;
	v5 =	vshll.u32 v18, $0x4;
	v6 =	vshll.u32 v19, $0x4;
	v8 =	vld.idx.msk [tilespmem:v15+s16+$0x0], $0xffff  }
0x5d8: {  	s28 =	simm.s32 $0xFF0;
	p2 =	por $0x1, $0x1;
	s26 =	simm.s32 $0x87F0;
	[tilespmem:s24+$0xFFFFFFE0] =	vst v63;
	v5 =	vor.u32 v1, v5;
	v6 =	vor.u32 v1, v6;
	v10 =	vld.idx.msk [tilespmem:v16+s16+$0x0], $0xffff  }
.LBB2_97:
0x5d9: {  	v14 =	vld [tilespmem:s28+$0x0];
	s25 =	sadd.s32 $0x80, s25;
	[tilespmem:s26+$0xFFFFFFF0] =	vst v13;
	s26 =	sadd.s32 $0x400, s26  }
0x5da: {  	v13 =	vld [tilespmem:s28+$0xFFFFFFA0];
	p3 =	slt.u32 s25, $0x780;
	[tilespmem:s26+$0x0] =	vst v9  }
0x5db: {  	v9 =	vld [tilespmem:s28+$0xFFFFFFB0];
	[tilespmem:s26+$0xFFFFFFA0] =	vst v7  }
0x5dc: {  	v7 =	vld [tilespmem:s28+$0xFFFFFFC0];
	[tilespmem:s26+$0xFFFFFFB0] =	vst v8  }
0x5dd: {  	v8 =	vld [tilespmem:s28+$0xFFFFFFD0];
	[tilespmem:s26+$0xFFFFFFC0] =	vst v10  }
0x5de: {  	v10 =	vld [tilespmem:s28+$0xFFFFFFE0];
	v14 =	vshll.u32 v14, $0x4;
	[tilespmem:s26+$0xFFFFFFD0] =	vst v12  }
0x5df: {  	v12 =	vshll.u32 v13, $0x4;
	v15 =	vld [tilespmem:s28+$0xFFFFFFF0];
	v14 =	vor.u32 v1, v14  }
0x5e0: {  	v16 =	vld [tilespmem:s28+$0xFFFFFF90];
	v12 =	vor.u32 v1, v12;
	v9 =	vshll.u32 v9, $0x4  }
0x5e1: {  	v17 =	vor.u32 v1, v9;
	v7 =	vshll.u32 v7, $0x4;
	v18 =	vld.idx.msk [tilespmem:v11+s16+$0x0], $0xffff  }
0x5e2: {  	v19 =	vor.u32 v1, v7;
	v7 =	vshll.u32 v8, $0x4;
	v20 =	vld.idx.msk [tilespmem:v5+s16+$0x0], $0xffff  }
0x5e3: {  	v21 =	vor.u32 v1, v7;
	v5 =	vshll.u32 v10, $0x4;
	v13 =	vld.idx.msk [tilespmem:v6+s16+$0x0], $0xffff  }
.Ltmp56:
0x5e4: {  	v5 =	vor.u32 v1, v5;
	v6 =	vshll.u32 v15, $0x4;
	v9 =	vld.idx.msk [tilespmem:v14+s16+$0x0], $0xffff;
	(pc) =	sbr.rel @p3 .LBB2_97-.Ltmp56, $4  }
0x5e5: {  	v8 =	vshll.u32 v16, $0x4;
	v7 =	vld.idx.msk [tilespmem:v12+s16+$0x0], $0xffff;
	v6 =	vor.u32 v1, v6  }
0x5e6: {  	v11 =	vor.u32 v1, v8;
	v8 =	vld.idx.msk [tilespmem:v17+s16+$0x0], $0xffff  }
0x5e7: {  	v10 =	vld.idx.msk [tilespmem:v19+s16+$0x0], $0xffff;
	[tilespmem:s26+$0xFFFFFF90] =	vst v18  }
0x5e8: {  	s28 =	sadd.s32 $0x400, s28;
	v12 =	vld.idx.msk [tilespmem:v21+s16+$0x0], $0xffff;
	[tilespmem:s26+$0xFFFFFFE0] =	vst v20  }
.LBB2_98:
0x5e9: {  	_ =	sdelay $0x1  }
0x5ea: {  	s25 =	sadd.s32 @p2 $0x400, s26  }
0x5eb: {  	[tilespmem:s26+$0xFFFFFFF0] =	vst @p2 v13;
	s24 =	smov.u32 @p2 s25  }
0x5ec: {  	v5 =	vld.idx.msk [tilespmem:v5+s16+$0x0], $0xffff;
	[tilespmem:s24+$0x0] =	vst v9  }
0x5ed: {  	v6 =	vld.idx.msk [tilespmem:v6+s16+$0x0], $0xffff;
	[tilespmem:s24+$0xFFFFFFA0] =	vst v7  }
0x5ee: {  	v9 =	vld.idx.msk [tilespmem:v11+s16+$0x0], $0xffff;
	[tilespmem:s24+$0xFFFFFFB0] =	vst v8  }
0x5ef: {  	[tilespmem:s24+$0xFFFFFFC0] =	vst v10  }
0x5f0: {  	[tilespmem:s24+$0xFFFFFFD0] =	vst v12  }
0x5f1: {  	[tilespmem:s24+$0xFFFFFFE0] =	vst v5  }
0x5f2: {  	[tilespmem:s24+$0xFFFFFFF0] =	vst v6  }
0x5f3: {  	s31 =	simm.s32 $0x870;
	[tilespmem:s24+$0xFFFFFF90] =	vst v9  }
0x5f4: {  	v5 =	vld [tilespmem:s31+$0x0]  }
0x5f5: {  	v6 =	vld [tilespmem:s31+$0xFFFFFFA0]  }
0x5f6: {  	v7 =	vld [tilespmem:s31+$0xFFFFFFB0]  }
0x5f7: {  	v8 =	vld [tilespmem:s31+$0xFFFFFFC0]  }
0x5f8: {  	v9 =	vld [tilespmem:s31+$0xFFFFFFD0]  }
0x5f9: {  	v5 =	vshll.u32 v5, $0x4  }
0x5fa: {  	v6 =	vshll.u32 v6, $0x4;
	v5 =	vor.u32 v1, v5  }
0x5fb: {  	v10 =	vld [tilespmem:s31+$0xFFFFFFE0];
	v7 =	vshll.u32 v7, $0x4;
	v6 =	vor.u32 v1, v6  }
0x5fc: {  	v11 =	vld [tilespmem:s31+$0xFFFFFFF0];
	v12 =	vor.u32 v1, v7;
	v7 =	vshll.u32 v8, $0x4  }
0x5fd: {  	v13 =	vld [tilespmem:s31+$0xFFFFFF90];
	v14 =	vor.u32 v1, v7;
	v7 =	vshll.u32 v9, $0x4  }
0x5fe: {  	v15 =	vor.u32 v1, v7  }
.Ltmp57:
0x5ff: {  	v9 =	vld.idx.msk [tilespmem:v5+s16+$0x0], $0xffff;
	(pc) =	sbr.rel @!p1 .LBB2_99-.Ltmp57, $4  }
0x600: {  	v7 =	vld.idx.msk [tilespmem:v6+s16+$0x0], $0xffff  }
0x601: {  	v8 =	vld.idx.msk [tilespmem:v12+s16+$0x0], $0xffff  }
0x602: {  	v5 =	vshll.u32 v10, $0x4;
	v6 =	vshll.u32 v11, $0x4;
	v11 =	vshll.u32 v13, $0x4;
	v10 =	vld.idx.msk [tilespmem:v14+s16+$0x0], $0xffff  }
0x603: {  	s25 =	simm.s32 $0xC70;
	s24 =	simm.s32 $0x8870;
	v5 =	vor.u32 v1, v5;
	v6 =	vor.u32 v1, v6;
	v11 =	vor.u32 v1, v11;
	v12 =	vld.idx.msk [tilespmem:v15+s16+$0x0], $0xffff  }
0x604: {  	v13 =	vld [tilespmem:s25+$0x0]  }
0x605: {  	v14 =	vld [tilespmem:s25+$0xFFFFFFA0]  }
0x606: {  	v17 =	vld [tilespmem:s25+$0xFFFFFFD0]  }
0x607: {  	v15 =	vld [tilespmem:s25+$0xFFFFFFB0]  }
0x608: {  	v16 =	vld [tilespmem:s25+$0xFFFFFFC0]  }
0x609: {  	v18 =	vld [tilespmem:s25+$0xFFFFFFE0];
	v13 =	vshll.u32 v13, $0x4  }
0x60a: {  	v19 =	vld [tilespmem:s25+$0xFFFFFFF0];
	v14 =	vshll.u32 v14, $0x4;
	v20 =	vor.u32 v1, v13  }
0x60b: {  	v21 =	vld [tilespmem:s25+$0xFFFFFF90];
	[tilespmem:s24+$0x0] =	vst v9;
	v9 =	vshll.u32 v17, $0x4;
	v14 =	vor.u32 v1, v14  }
0x60c: {  	v11 =	vld.idx.msk [tilespmem:v11+s16+$0x0], $0xffff;
	v13 =	vshll.u32 v15, $0x4;
	v22 =	vor.u32 v1, v9  }
0x60d: {  	v63 =	vld.idx.msk [tilespmem:v5+s16+$0x0], $0xffff;
	v15 =	vor.u32 v1, v13;
	v13 =	vshll.u32 v16, $0x4  }
0x60e: {  	p1 =	por $0x1, $0x1;
	[tilespmem:s24+$0xFFFFFFA0] =	vst v7;
	v16 =	vor.u32 v1, v13;
	v13 =	vld.idx.msk [tilespmem:v6+s16+$0x0], $0xffff  }
.Ltmp58:
0x60f: {  	[tilespmem:s24+$0xFFFFFFB0] =	vst v8;
	v9 =	vld.idx.msk [tilespmem:v20+s16+$0x0], $0xffff;
	(pc) =	sbr.rel @!p1 .LBB2_101-.Ltmp58, $4  }
0x610: {  	[tilespmem:s24+$0xFFFFFFD0] =	vst v12;
	v12 =	vshll.u32 v21, $0x4;
	v7 =	vld.idx.msk [tilespmem:v14+s16+$0x0], $0xffff  }
0x611: {  	[tilespmem:s24+$0xFFFFFF90] =	vst v11;
	v11 =	vor.u32 v1, v12;
	v12 =	vld.idx.msk [tilespmem:v22+s16+$0x0], $0xffff  }
0x612: {  	s25 =	simm.s32 $0x80;
	[tilespmem:s24+$0xFFFFFFC0] =	vst v10;
	v5 =	vshll.u32 v18, $0x4;
	v6 =	vshll.u32 v19, $0x4;
	v8 =	vld.idx.msk [tilespmem:v15+s16+$0x0], $0xffff  }
0x613: {  	s28 =	simm.s32 $0x1070;
	p0 =	por $0x1, $0x1;
	s26 =	simm.s32 $0x8870;
	[tilespmem:s24+$0xFFFFFFE0] =	vst v63;
	v5 =	vor.u32 v1, v5;
	v6 =	vor.u32 v1, v6;
	v10 =	vld.idx.msk [tilespmem:v16+s16+$0x0], $0xffff  }
.LBB2_102:
0x614: {  	v14 =	vld [tilespmem:s28+$0x0];
	s25 =	sadd.s32 $0x80, s25;
	[tilespmem:s26+$0xFFFFFFF0] =	vst v13;
	s26 =	sadd.s32 $0x400, s26  }
0x615: {  	v13 =	vld [tilespmem:s28+$0xFFFFFFA0];
	p1 =	slt.u32 s25, $0x780;
	[tilespmem:s26+$0x0] =	vst v9  }
0x616: {  	v9 =	vld [tilespmem:s28+$0xFFFFFFB0];
	[tilespmem:s26+$0xFFFFFFA0] =	vst v7  }
0x617: {  	v7 =	vld [tilespmem:s28+$0xFFFFFFC0];
	[tilespmem:s26+$0xFFFFFFB0] =	vst v8  }
0x618: {  	v8 =	vld [tilespmem:s28+$0xFFFFFFD0];
	[tilespmem:s26+$0xFFFFFFC0] =	vst v10  }
0x619: {  	v10 =	vld [tilespmem:s28+$0xFFFFFFE0];
	v14 =	vshll.u32 v14, $0x4;
	[tilespmem:s26+$0xFFFFFFD0] =	vst v12  }
0x61a: {  	v12 =	vshll.u32 v13, $0x4;
	v15 =	vld [tilespmem:s28+$0xFFFFFFF0];
	v14 =	vor.u32 v1, v14  }
0x61b: {  	v16 =	vld [tilespmem:s28+$0xFFFFFF90];
	v12 =	vor.u32 v1, v12;
	v9 =	vshll.u32 v9, $0x4  }
0x61c: {  	v17 =	vor.u32 v1, v9;
	v7 =	vshll.u32 v7, $0x4;
	v18 =	vld.idx.msk [tilespmem:v11+s16+$0x0], $0xffff  }
0x61d: {  	v19 =	vor.u32 v1, v7;
	v7 =	vshll.u32 v8, $0x4;
	v20 =	vld.idx.msk [tilespmem:v5+s16+$0x0], $0xffff  }
0x61e: {  	v21 =	vor.u32 v1, v7;
	v5 =	vshll.u32 v10, $0x4;
	v13 =	vld.idx.msk [tilespmem:v6+s16+$0x0], $0xffff  }
.Ltmp59:
0x61f: {  	v5 =	vor.u32 v1, v5;
	v6 =	vshll.u32 v15, $0x4;
	v9 =	vld.idx.msk [tilespmem:v14+s16+$0x0], $0xffff;
	(pc) =	sbr.rel @p1 .LBB2_102-.Ltmp59, $4  }
0x620: {  	v8 =	vshll.u32 v16, $0x4;
	v7 =	vld.idx.msk [tilespmem:v12+s16+$0x0], $0xffff;
	v6 =	vor.u32 v1, v6  }
0x621: {  	v11 =	vor.u32 v1, v8;
	v8 =	vld.idx.msk [tilespmem:v17+s16+$0x0], $0xffff  }
0x622: {  	v10 =	vld.idx.msk [tilespmem:v19+s16+$0x0], $0xffff;
	[tilespmem:s26+$0xFFFFFF90] =	vst v18  }
0x623: {  	s28 =	sadd.s32 $0x400, s28;
	v12 =	vld.idx.msk [tilespmem:v21+s16+$0x0], $0xffff;
	[tilespmem:s26+$0xFFFFFFE0] =	vst v20  }
.LBB2_103:
0x624: {  	_ =	sdelay $0x1  }
0x625: {  	s25 =	sadd.s32 @p0 $0x400, s26  }
0x626: {  	[tilespmem:s26+$0xFFFFFFF0] =	vst @p0 v13;
	s24 =	smov.u32 @p0 s25  }
0x627: {  	v5 =	vld.idx.msk [tilespmem:v5+s16+$0x0], $0xffff;
	[tilespmem:s24+$0x0] =	vst v9  }
0x628: {  	v6 =	vld.idx.msk [tilespmem:v6+s16+$0x0], $0xffff;
	[tilespmem:s24+$0xFFFFFFA0] =	vst v7  }
0x629: {  	v9 =	vld.idx.msk [tilespmem:v11+s16+$0x0], $0xffff;
	[tilespmem:s24+$0xFFFFFFB0] =	vst v8  }
0x62a: {  	[tilespmem:s24+$0xFFFFFFC0] =	vst v10  }
0x62b: {  	[tilespmem:s24+$0xFFFFFFD0] =	vst v12  }
0x62c: {  	[tilespmem:s24+$0xFFFFFFE0] =	vst v5  }
0x62d: {  	[tilespmem:s24+$0xFFFFFFF0] =	vst v6  }
0x62e: {  	[tilespmem:s24+$0xFFFFFF90] =	vst v9  }
0x62f: {  	[hbm4b:s10+s3] =	stream.linear.scatter [tilespmem:s18], [sflag:$0x3], $0x4000, $0x38;
	[tilespmem:$0x10480] =	vst v63  }
0x630: {  	_ =	swait.ge [sflag:s19], $0x4000  }
0x631: {  	[sflag:s19] =	ssyncset.done $0x0  }
0x632: {  	[sflag:s19] =	ssyncadd.s32 $0xFFFFC000  }
0x633: {  	_ =	swait.ge [sflag:s22], $0x4000  }
0x634: {  	[sflag:s22] =	ssyncset.done $0x0  }
0x635: {  	s30 =	simm.s32 $0x44C0;
	[sflag:s22] =	ssyncadd.s32 $0xFFFFC000  }
0x636: {  	v5 =	vld [tilespmem:s30+$0x30]  }
0x637: {  	v8 =	vld [tilespmem:s30+$0xFFFFFFF0]  }
0x638: {  	v9 =	vld [tilespmem:s30+$0x0]  }
0x639: {  	v6 =	vld [tilespmem:s30+$0xFFFFFFD0]  }
0x63a: {  	v7 =	vld [tilespmem:s30+$0xFFFFFFE0]  }
0x63b: {  	v10 =	vld [tilespmem:s30+$0x10]  }
0x63c: {  	v11 =	vld [tilespmem:s30+$0x20];
	v8 =	vshll.u32 v8, $0x4  }
0x63d: {  	s31 =	simm.s32 $0x48C0;
	v12 =	vld [tilespmem:s30+$0xFFFFFFC0];
	v9 =	vshll.u32 v9, $0x4;
	v8 =	vor.u32 v1, v8  }
0x63e: {  	v15 =	vld [tilespmem:s31+$0xFFFFFFE0];
	v9 =	vor.u32 v1, v9  }
0x63f: {  	v16 =	vld [tilespmem:s31+$0xFFFFFFF0]  }
0x640: {  	v17 =	vld [tilespmem:s31+$0x0];
	v5 =	vshll.u32 v5, $0x4  }
0x641: {  	v18 =	vld [tilespmem:s31+$0x10];
	v6 =	vshll.u32 v6, $0x4;
	v5 =	vor.u32 v1, v5  }
0x642: {  	v7 =	vshll.u32 v7, $0x4;
	v6 =	vor.u32 v1, v6;
	v13 =	vld.idx.msk [tilespmem:v8+s16+$0x0], $0xffff  }
0x643: {  	v7 =	vor.u32 v1, v7;
	v14 =	vld.idx.msk [tilespmem:v9+s16+$0x0], $0xffff  }
0x644: {  	v8 =	vld [tilespmem:s31+$0x30]  }
0x645: {  	v12 =	vshll.u32 v12, $0x4;
	v9 =	vld [tilespmem:s31+$0xFFFFFFD0]  }
0x646: {  	v10 =	vshll.u32 v10, $0x4;
	v12 =	vor.u32 v1, v12;
	v5 =	vld.idx.msk [tilespmem:v5+s16+$0x0], $0xffff  }
0x647: {  	v11 =	vshll.u32 v11, $0x4;
	v10 =	vor.u32 v1, v10;
	v6 =	vld.idx.msk [tilespmem:v6+s16+$0x0], $0xffff  }
0x648: {  	v15 =	vshll.u32 v15, $0x4;
	v11 =	vor.u32 v1, v11;
	v7 =	vld.idx.msk [tilespmem:v7+s16+$0x0], $0xffff  }
0x649: {  	v19 =	vld [tilespmem:s31+$0x20];
	v15 =	vor.u32 v1, v15;
	v8 =	vshll.u32 v8, $0x4  }
0x64a: {  	s24 =	simm.s32 $0xC4C0;
	v20 =	vld [tilespmem:s31+$0xFFFFFFC0];
	v9 =	vshll.u32 v9, $0x4;
	v8 =	vor.u32 v1, v8  }
0x64b: {  	v16 =	vshll.u32 v16, $0x4;
	v21 =	vld.idx.msk [tilespmem:v12+s16+$0x0], $0xffff;
	[tilespmem:s24+$0x30] =	vst v5;
	v9 =	vor.u32 v1, v9  }
0x64c: {  	v12 =	vor.u32 v1, v16;
	v63 =	vld.idx.msk [tilespmem:v10+s16+$0x0], $0xffff;
	v5 =	vshll.u32 v17, $0x4;
	[tilespmem:s24+$0xFFFFFFD0] =	vst v6  }
0x64d: {  	v10 =	vld.idx.msk [tilespmem:v11+s16+$0x0], $0xffff;
	[tilespmem:s24+$0xFFFFFFE0] =	vst v7;
	v17 =	vor.u32 v1, v5  }
0x64e: {  	v11 =	vld.idx.msk [tilespmem:v15+s16+$0x0], $0xffff;
	[tilespmem:s24+$0xFFFFFFF0] =	vst v13  }
0x64f: {  	[tilespmem:s24+$0x0] =	vst v14;
	v8 =	vld.idx.msk [tilespmem:v8+s16+$0x0], $0xffff  }
0x650: {  	[tilespmem:s24+$0xFFFFFFC0] =	vst v21;
	v9 =	vld.idx.msk [tilespmem:v9+s16+$0x0], $0xffff  }
0x651: {  	v6 =	vshll.u32 v19, $0x4;
	v7 =	vshll.u32 v20, $0x4;
	v12 =	vld.idx.msk [tilespmem:v12+s16+$0x0], $0xffff;
	[tilespmem:s24+$0x10] =	vst v63;
	v5 =	vshll.u32 v18, $0x4  }
0x652: {  	s26 =	simm.s32 $0x4CC0;
	s25 =	simm.s32 $0x80;
	v6 =	vor.u32 v1, v6;
	v7 =	vor.u32 v1, v7;
	v5 =	vor.u32 v1, v5;
	v13 =	vld.idx.msk [tilespmem:v17+s16+$0x0], $0xffff  }
.LBB2_104:
0x653: {  	v14 =	vld [tilespmem:s26+$0x30];
	s25 =	sadd.s32 $0x80, s25;
	[tilespmem:s24+$0x20] =	vst v10;
	s24 =	sadd.s32 $0x400, s24  }
0x654: {  	v10 =	vld [tilespmem:s26+$0xFFFFFFD0];
	p0 =	slt.u32 s25, $0x780;
	[tilespmem:s24+$0x30] =	vst v8  }
0x655: {  	v8 =	vld [tilespmem:s26+$0xFFFFFFE0];
	[tilespmem:s24+$0xFFFFFFD0] =	vst v9  }
0x656: {  	v9 =	vld [tilespmem:s26+$0xFFFFFFF0];
	[tilespmem:s24+$0xFFFFFFE0] =	vst v11  }
0x657: {  	v11 =	vld [tilespmem:s26+$0x0];
	[tilespmem:s24+$0xFFFFFFF0] =	vst v12  }
0x658: {  	v12 =	vld [tilespmem:s26+$0x10];
	v14 =	vshll.u32 v14, $0x4;
	[tilespmem:s24+$0x0] =	vst v13  }
0x659: {  	v10 =	vshll.u32 v10, $0x4;
	v13 =	vld [tilespmem:s26+$0x20];
	v14 =	vor.u32 v1, v14  }
0x65a: {  	v15 =	vld [tilespmem:s26+$0xFFFFFFC0];
	v16 =	vor.u32 v1, v10;
	v8 =	vshll.u32 v8, $0x4  }
0x65b: {  	v17 =	vor.u32 v1, v8;
	v8 =	vshll.u32 v9, $0x4;
	v18 =	vld.idx.msk [tilespmem:v7+s16+$0x0], $0xffff  }
0x65c: {  	v19 =	vor.u32 v1, v8;
	v7 =	vshll.u32 v11, $0x4;
	v20 =	vld.idx.msk [tilespmem:v5+s16+$0x0], $0xffff  }
0x65d: {  	v21 =	vor.u32 v1, v7;
	v5 =	vshll.u32 v12, $0x4;
	v10 =	vld.idx.msk [tilespmem:v6+s16+$0x0], $0xffff  }
.Ltmp60:
0x65e: {  	v5 =	vor.u32 v1, v5;
	v6 =	vshll.u32 v13, $0x4;
	v8 =	vld.idx.msk [tilespmem:v14+s16+$0x0], $0xffff;
	(pc) =	sbr.rel @p0 .LBB2_104-.Ltmp60, $4  }
0x65f: {  	v7 =	vshll.u32 v15, $0x4;
	v9 =	vld.idx.msk [tilespmem:v16+s16+$0x0], $0xffff;
	v6 =	vor.u32 v1, v6  }
0x660: {  	v7 =	vor.u32 v1, v7;
	v11 =	vld.idx.msk [tilespmem:v17+s16+$0x0], $0xffff  }
0x661: {  	v12 =	vld.idx.msk [tilespmem:v19+s16+$0x0], $0xffff;
	[tilespmem:s24+$0xFFFFFFC0] =	vst v18  }
0x662: {  	s26 =	sadd.s32 $0x400, s26;
	v13 =	vld.idx.msk [tilespmem:v21+s16+$0x0], $0xffff;
	[tilespmem:s24+$0x10] =	vst v20  }
0x663: {  	_ =	sdelay $0x2  }
0x664: {  	[tilespmem:s24+$0x20] =	vst v10;
	s30 =	sadd.s32 $0x400, s24  }
0x665: {  	v7 =	vld.idx.msk [tilespmem:v7+s16+$0x0], $0xffff;
	[tilespmem:s30+$0x30] =	vst v8  }
0x666: {  	v5 =	vld.idx.msk [tilespmem:v5+s16+$0x0], $0xffff;
	[tilespmem:s30+$0xFFFFFFD0] =	vst v9  }
0x667: {  	v6 =	vld.idx.msk [tilespmem:v6+s16+$0x0], $0xffff;
	[tilespmem:s30+$0xFFFFFFE0] =	vst v11  }
0x668: {  	[tilespmem:s30+$0xFFFFFFF0] =	vst v12  }
0x669: {  	[tilespmem:s30+$0x0] =	vst v13  }
0x66a: {  	[tilespmem:s30+$0xFFFFFFC0] =	vst v7  }
0x66b: {  	[tilespmem:s30+$0x10] =	vst v5  }
0x66c: {  	s25 =	simm.s32 $0x4570;
	[tilespmem:s30+$0x20] =	vst v6  }
0x66d: {  	v5 =	vld [tilespmem:s25+$0x0]  }
0x66e: {  	v8 =	vld [tilespmem:s25+$0xFFFFFFC0]  }
0x66f: {  	v9 =	vld [tilespmem:s25+$0xFFFFFFD0]  }
0x670: {  	v6 =	vld [tilespmem:s25+$0xFFFFFFA0]  }
0x671: {  	v7 =	vld [tilespmem:s25+$0xFFFFFFB0]  }
0x672: {  	v10 =	vld [tilespmem:s25+$0xFFFFFFE0]  }
0x673: {  	v11 =	vld [tilespmem:s25+$0xFFFFFFF0];
	v8 =	vshll.u32 v8, $0x4  }
0x674: {  	s31 =	simm.s32 $0x4970;
	v12 =	vld [tilespmem:s25+$0xFFFFFF90];
	v9 =	vshll.u32 v9, $0x4;
	v8 =	vor.u32 v1, v8  }
0x675: {  	v15 =	vld [tilespmem:s31+$0xFFFFFFB0];
	v9 =	vor.u32 v1, v9  }
0x676: {  	v16 =	vld [tilespmem:s31+$0xFFFFFFC0]  }
0x677: {  	v17 =	vld [tilespmem:s31+$0xFFFFFFD0];
	v5 =	vshll.u32 v5, $0x4  }
0x678: {  	v18 =	vld [tilespmem:s31+$0xFFFFFFE0];
	v6 =	vshll.u32 v6, $0x4;
	v5 =	vor.u32 v1, v5  }
0x679: {  	v7 =	vshll.u32 v7, $0x4;
	v6 =	vor.u32 v1, v6;
	v13 =	vld.idx.msk [tilespmem:v8+s16+$0x0], $0xffff  }
0x67a: {  	v7 =	vor.u32 v1, v7;
	v14 =	vld.idx.msk [tilespmem:v9+s16+$0x0], $0xffff  }
0x67b: {  	v8 =	vld [tilespmem:s31+$0x0]  }
0x67c: {  	v12 =	vshll.u32 v12, $0x4;
	v9 =	vld [tilespmem:s31+$0xFFFFFFA0]  }
0x67d: {  	v10 =	vshll.u32 v10, $0x4;
	v12 =	vor.u32 v1, v12;
	v5 =	vld.idx.msk [tilespmem:v5+s16+$0x0], $0xffff  }
0x67e: {  	v11 =	vshll.u32 v11, $0x4;
	v10 =	vor.u32 v1, v10;
	v6 =	vld.idx.msk [tilespmem:v6+s16+$0x0], $0xffff  }
0x67f: {  	v15 =	vshll.u32 v15, $0x4;
	v11 =	vor.u32 v1, v11;
	v7 =	vld.idx.msk [tilespmem:v7+s16+$0x0], $0xffff  }
0x680: {  	v19 =	vld [tilespmem:s31+$0xFFFFFFF0];
	v15 =	vor.u32 v1, v15;
	v8 =	vshll.u32 v8, $0x4  }
0x681: {  	s24 =	simm.s32 $0xC570;
	v20 =	vld [tilespmem:s31+$0xFFFFFF90];
	v9 =	vshll.u32 v9, $0x4;
	v8 =	vor.u32 v1, v8  }
0x682: {  	v16 =	vshll.u32 v16, $0x4;
	v21 =	vld.idx.msk [tilespmem:v12+s16+$0x0], $0xffff;
	[tilespmem:s24+$0x0] =	vst v5;
	v9 =	vor.u32 v1, v9  }
0x683: {  	v12 =	vor.u32 v1, v16;
	v63 =	vld.idx.msk [tilespmem:v10+s16+$0x0], $0xffff;
	v5 =	vshll.u32 v17, $0x4;
	[tilespmem:s24+$0xFFFFFFA0] =	vst v6  }
0x684: {  	v10 =	vld.idx.msk [tilespmem:v11+s16+$0x0], $0xffff;
	[tilespmem:s24+$0xFFFFFFB0] =	vst v7;
	v17 =	vor.u32 v1, v5  }
0x685: {  	v11 =	vld.idx.msk [tilespmem:v15+s16+$0x0], $0xffff;
	[tilespmem:s24+$0xFFFFFFC0] =	vst v13  }
0x686: {  	[tilespmem:s24+$0xFFFFFFD0] =	vst v14;
	v8 =	vld.idx.msk [tilespmem:v8+s16+$0x0], $0xffff  }
0x687: {  	[tilespmem:s24+$0xFFFFFF90] =	vst v21;
	v9 =	vld.idx.msk [tilespmem:v9+s16+$0x0], $0xffff  }
0x688: {  	v6 =	vshll.u32 v19, $0x4;
	v7 =	vshll.u32 v20, $0x4;
	v12 =	vld.idx.msk [tilespmem:v12+s16+$0x0], $0xffff;
	[tilespmem:s24+$0xFFFFFFE0] =	vst v63;
	v5 =	vshll.u32 v18, $0x4  }
0x689: {  	s26 =	simm.s32 $0x4D70;
	s25 =	simm.s32 $0x80;
	v6 =	vor.u32 v1, v6;
	v7 =	vor.u32 v1, v7;
	v5 =	vor.u32 v1, v5;
	v13 =	vld.idx.msk [tilespmem:v17+s16+$0x0], $0xffff  }
.LBB2_106:
0x68a: {  	v14 =	vld [tilespmem:s26+$0x0];
	s25 =	sadd.s32 $0x80, s25;
	[tilespmem:s24+$0xFFFFFFF0] =	vst v10;
	s24 =	sadd.s32 $0x400, s24  }
0x68b: {  	v10 =	vld [tilespmem:s26+$0xFFFFFFA0];
	p0 =	slt.u32 s25, $0x780;
	[tilespmem:s24+$0x0] =	vst v8  }
0x68c: {  	v8 =	vld [tilespmem:s26+$0xFFFFFFB0];
	[tilespmem:s24+$0xFFFFFFA0] =	vst v9  }
0x68d: {  	v9 =	vld [tilespmem:s26+$0xFFFFFFC0];
	[tilespmem:s24+$0xFFFFFFB0] =	vst v11  }
0x68e: {  	v11 =	vld [tilespmem:s26+$0xFFFFFFD0];
	[tilespmem:s24+$0xFFFFFFC0] =	vst v12  }
0x68f: {  	v12 =	vld [tilespmem:s26+$0xFFFFFFE0];
	v14 =	vshll.u32 v14, $0x4;
	[tilespmem:s24+$0xFFFFFFD0] =	vst v13  }
0x690: {  	v10 =	vshll.u32 v10, $0x4;
	v13 =	vld [tilespmem:s26+$0xFFFFFFF0];
	v14 =	vor.u32 v1, v14  }
0x691: {  	v15 =	vld [tilespmem:s26+$0xFFFFFF90];
	v16 =	vor.u32 v1, v10;
	v8 =	vshll.u32 v8, $0x4  }
0x692: {  	v17 =	vor.u32 v1, v8;
	v8 =	vshll.u32 v9, $0x4;
	v18 =	vld.idx.msk [tilespmem:v7+s16+$0x0], $0xffff  }
0x693: {  	v19 =	vor.u32 v1, v8;
	v7 =	vshll.u32 v11, $0x4;
	v20 =	vld.idx.msk [tilespmem:v5+s16+$0x0], $0xffff  }
0x694: {  	v21 =	vor.u32 v1, v7;
	v5 =	vshll.u32 v12, $0x4;
	v10 =	vld.idx.msk [tilespmem:v6+s16+$0x0], $0xffff  }
.Ltmp61:
0x695: {  	v5 =	vor.u32 v1, v5;
	v6 =	vshll.u32 v13, $0x4;
	v8 =	vld.idx.msk [tilespmem:v14+s16+$0x0], $0xffff;
	(pc) =	sbr.rel @p0 .LBB2_106-.Ltmp61, $4  }
0x696: {  	v7 =	vshll.u32 v15, $0x4;
	v9 =	vld.idx.msk [tilespmem:v16+s16+$0x0], $0xffff;
	v6 =	vor.u32 v1, v6  }
0x697: {  	v7 =	vor.u32 v1, v7;
	v11 =	vld.idx.msk [tilespmem:v17+s16+$0x0], $0xffff  }
0x698: {  	v12 =	vld.idx.msk [tilespmem:v19+s16+$0x0], $0xffff;
	[tilespmem:s24+$0xFFFFFF90] =	vst v18  }
0x699: {  	s26 =	sadd.s32 $0x400, s26;
	v13 =	vld.idx.msk [tilespmem:v21+s16+$0x0], $0xffff;
	[tilespmem:s24+$0xFFFFFFE0] =	vst v20  }
0x69a: {  	_ =	sdelay $0x2  }
0x69b: {  	[tilespmem:s24+$0xFFFFFFF0] =	vst v10;
	s31 =	sadd.s32 $0x400, s24  }
0x69c: {  	v7 =	vld.idx.msk [tilespmem:v7+s16+$0x0], $0xffff;
	[tilespmem:s31+$0x0] =	vst v8  }
0x69d: {  	v5 =	vld.idx.msk [tilespmem:v5+s16+$0x0], $0xffff;
	[tilespmem:s31+$0xFFFFFFA0] =	vst v9  }
0x69e: {  	v6 =	vld.idx.msk [tilespmem:v6+s16+$0x0], $0xffff;
	[tilespmem:s31+$0xFFFFFFB0] =	vst v11  }
0x69f: {  	[tilespmem:s31+$0xFFFFFFC0] =	vst v12  }
0x6a0: {  	[tilespmem:s31+$0xFFFFFFD0] =	vst v13  }
0x6a1: {  	[tilespmem:s31+$0xFFFFFF90] =	vst v7  }
0x6a2: {  	[tilespmem:s31+$0xFFFFFFE0] =	vst v5  }
0x6a3: {  	s25 =	simm.s32 $0x45F0;
	[tilespmem:s31+$0xFFFFFFF0] =	vst v6  }
0x6a4: {  	v5 =	vld [tilespmem:s25+$0x0]  }
0x6a5: {  	v6 =	vld [tilespmem:s25+$0xFFFFFFA0]  }
0x6a6: {  	v7 =	vld [tilespmem:s25+$0xFFFFFFB0]  }
0x6a7: {  	v8 =	vld [tilespmem:s25+$0xFFFFFFC0]  }
0x6a8: {  	v9 =	vld [tilespmem:s25+$0xFFFFFFD0]  }
0x6a9: {  	v5 =	vshll.u32 v5, $0x4  }
0x6aa: {  	v6 =	vshll.u32 v6, $0x4;
	v5 =	vor.u32 v1, v5  }
0x6ab: {  	v10 =	vld [tilespmem:s25+$0xFFFFFFE0];
	v7 =	vshll.u32 v7, $0x4;
	v6 =	vor.u32 v1, v6  }
0x6ac: {  	v11 =	vld [tilespmem:s25+$0xFFFFFFF0];
	v12 =	vor.u32 v1, v7;
	v7 =	vshll.u32 v8, $0x4  }
0x6ad: {  	v13 =	vld [tilespmem:s25+$0xFFFFFF90];
	v14 =	vor.u32 v1, v7;
	v7 =	vshll.u32 v9, $0x4  }
0x6ae: {  	p1 =	por $0x1, $0x1;
	v15 =	vor.u32 v1, v7  }
.Ltmp62:
0x6af: {  	v9 =	vld.idx.msk [tilespmem:v5+s16+$0x0], $0xffff;
	(pc) =	sbr.rel @!p1 .LBB2_108-.Ltmp62, $4  }
0x6b0: {  	v7 =	vld.idx.msk [tilespmem:v6+s16+$0x0], $0xffff  }
0x6b1: {  	v8 =	vld.idx.msk [tilespmem:v12+s16+$0x0], $0xffff  }
0x6b2: {  	v5 =	vshll.u32 v10, $0x4;
	v6 =	vshll.u32 v11, $0x4;
	v11 =	vshll.u32 v13, $0x4;
	v10 =	vld.idx.msk [tilespmem:v14+s16+$0x0], $0xffff  }
0x6b3: {  	s24 =	simm.s32 $0xC5F0;
	p0 =	por $0x0, $0x0;
	s25 =	simm.s32 $0x49F0;
	v5 =	vor.u32 v1, v5;
	v6 =	vor.u32 v1, v6;
	v11 =	vor.u32 v1, v11;
	v12 =	vld.idx.msk [tilespmem:v15+s16+$0x0], $0xffff  }
0x6b4: {  	v13 =	vld [tilespmem:s25+$0x0]  }
0x6b5: {  	v14 =	vld [tilespmem:s25+$0xFFFFFFA0]  }
0x6b6: {  	v17 =	vld [tilespmem:s25+$0xFFFFFFD0]  }
0x6b7: {  	v15 =	vld [tilespmem:s25+$0xFFFFFFB0]  }
0x6b8: {  	v16 =	vld [tilespmem:s25+$0xFFFFFFC0]  }
0x6b9: {  	v18 =	vld [tilespmem:s25+$0xFFFFFFE0];
	v13 =	vshll.u32 v13, $0x4  }
0x6ba: {  	v19 =	vld [tilespmem:s25+$0xFFFFFFF0];
	v14 =	vshll.u32 v14, $0x4;
	v20 =	vor.u32 v1, v13  }
0x6bb: {  	v21 =	vld [tilespmem:s25+$0xFFFFFF90];
	[tilespmem:s24+$0x0] =	vst v9;
	v9 =	vshll.u32 v17, $0x4;
	v14 =	vor.u32 v1, v14  }
0x6bc: {  	v11 =	vld.idx.msk [tilespmem:v11+s16+$0x0], $0xffff;
	v13 =	vshll.u32 v15, $0x4;
	v22 =	vor.u32 v1, v9  }
0x6bd: {  	v63 =	vld.idx.msk [tilespmem:v5+s16+$0x0], $0xffff;
	v15 =	vor.u32 v1, v13;
	v13 =	vshll.u32 v16, $0x4  }
0x6be: {  	p3 =	por $0x1, $0x1;
	[tilespmem:s24+$0xFFFFFFA0] =	vst v7;
	v16 =	vor.u32 v1, v13;
	v13 =	vld.idx.msk [tilespmem:v6+s16+$0x0], $0xffff  }
.Ltmp63:
0x6bf: {  	[tilespmem:s24+$0xFFFFFFB0] =	vst v8;
	v9 =	vld.idx.msk [tilespmem:v20+s16+$0x0], $0xffff;
	(pc) =	sbr.rel @!p3 .LBB2_110-.Ltmp63, $4  }
0x6c0: {  	[tilespmem:s24+$0xFFFFFFD0] =	vst v12;
	v12 =	vshll.u32 v21, $0x4;
	v7 =	vld.idx.msk [tilespmem:v14+s16+$0x0], $0xffff  }
0x6c1: {  	[tilespmem:s24+$0xFFFFFF90] =	vst v11;
	v11 =	vor.u32 v1, v12;
	v12 =	vld.idx.msk [tilespmem:v22+s16+$0x0], $0xffff  }
0x6c2: {  	s25 =	simm.s32 $0x80;
	[tilespmem:s24+$0xFFFFFFC0] =	vst v10;
	v5 =	vshll.u32 v18, $0x4;
	v6 =	vshll.u32 v19, $0x4;
	v8 =	vld.idx.msk [tilespmem:v15+s16+$0x0], $0xffff  }
0x6c3: {  	s28 =	simm.s32 $0x4DF0;
	p2 =	por $0x1, $0x1;
	s26 =	simm.s32 $0xC5F0;
	[tilespmem:s24+$0xFFFFFFE0] =	vst v63;
	v5 =	vor.u32 v1, v5;
	v6 =	vor.u32 v1, v6;
	v10 =	vld.idx.msk [tilespmem:v16+s16+$0x0], $0xffff  }
.LBB2_111:
0x6c4: {  	v14 =	vld [tilespmem:s28+$0x0];
	s25 =	sadd.s32 $0x80, s25;
	[tilespmem:s26+$0xFFFFFFF0] =	vst v13;
	s26 =	sadd.s32 $0x400, s26  }
0x6c5: {  	v13 =	vld [tilespmem:s28+$0xFFFFFFA0];
	p3 =	slt.u32 s25, $0x780;
	[tilespmem:s26+$0x0] =	vst v9  }
0x6c6: {  	v9 =	vld [tilespmem:s28+$0xFFFFFFB0];
	[tilespmem:s26+$0xFFFFFFA0] =	vst v7  }
0x6c7: {  	v7 =	vld [tilespmem:s28+$0xFFFFFFC0];
	[tilespmem:s26+$0xFFFFFFB0] =	vst v8  }
0x6c8: {  	v8 =	vld [tilespmem:s28+$0xFFFFFFD0];
	[tilespmem:s26+$0xFFFFFFC0] =	vst v10  }
0x6c9: {  	v10 =	vld [tilespmem:s28+$0xFFFFFFE0];
	v14 =	vshll.u32 v14, $0x4;
	[tilespmem:s26+$0xFFFFFFD0] =	vst v12  }
0x6ca: {  	v12 =	vshll.u32 v13, $0x4;
	v15 =	vld [tilespmem:s28+$0xFFFFFFF0];
	v14 =	vor.u32 v1, v14  }
0x6cb: {  	v16 =	vld [tilespmem:s28+$0xFFFFFF90];
	v12 =	vor.u32 v1, v12;
	v9 =	vshll.u32 v9, $0x4  }
0x6cc: {  	v17 =	vor.u32 v1, v9;
	v7 =	vshll.u32 v7, $0x4;
	v18 =	vld.idx.msk [tilespmem:v11+s16+$0x0], $0xffff  }
0x6cd: {  	v19 =	vor.u32 v1, v7;
	v7 =	vshll.u32 v8, $0x4;
	v20 =	vld.idx.msk [tilespmem:v5+s16+$0x0], $0xffff  }
0x6ce: {  	v21 =	vor.u32 v1, v7;
	v5 =	vshll.u32 v10, $0x4;
	v13 =	vld.idx.msk [tilespmem:v6+s16+$0x0], $0xffff  }
.Ltmp64:
0x6cf: {  	v5 =	vor.u32 v1, v5;
	v6 =	vshll.u32 v15, $0x4;
	v9 =	vld.idx.msk [tilespmem:v14+s16+$0x0], $0xffff;
	(pc) =	sbr.rel @p3 .LBB2_111-.Ltmp64, $4  }
0x6d0: {  	v8 =	vshll.u32 v16, $0x4;
	v7 =	vld.idx.msk [tilespmem:v12+s16+$0x0], $0xffff;
	v6 =	vor.u32 v1, v6  }
0x6d1: {  	v11 =	vor.u32 v1, v8;
	v8 =	vld.idx.msk [tilespmem:v17+s16+$0x0], $0xffff  }
0x6d2: {  	v10 =	vld.idx.msk [tilespmem:v19+s16+$0x0], $0xffff;
	[tilespmem:s26+$0xFFFFFF90] =	vst v18  }
0x6d3: {  	s28 =	sadd.s32 $0x400, s28;
	v12 =	vld.idx.msk [tilespmem:v21+s16+$0x0], $0xffff;
	[tilespmem:s26+$0xFFFFFFE0] =	vst v20  }
.LBB2_112:
0x6d4: {  	_ =	sdelay $0x1  }
0x6d5: {  	s25 =	sadd.s32 @p2 $0x400, s26  }
0x6d6: {  	[tilespmem:s26+$0xFFFFFFF0] =	vst @p2 v13;
	s24 =	smov.u32 @p2 s25  }
0x6d7: {  	v5 =	vld.idx.msk [tilespmem:v5+s16+$0x0], $0xffff;
	[tilespmem:s24+$0x0] =	vst v9  }
0x6d8: {  	v6 =	vld.idx.msk [tilespmem:v6+s16+$0x0], $0xffff;
	[tilespmem:s24+$0xFFFFFFA0] =	vst v7  }
0x6d9: {  	v9 =	vld.idx.msk [tilespmem:v11+s16+$0x0], $0xffff;
	[tilespmem:s24+$0xFFFFFFB0] =	vst v8  }
0x6da: {  	[tilespmem:s24+$0xFFFFFFC0] =	vst v10  }
0x6db: {  	[tilespmem:s24+$0xFFFFFFD0] =	vst v12  }
0x6dc: {  	[tilespmem:s24+$0xFFFFFFE0] =	vst v5  }
0x6dd: {  	[tilespmem:s24+$0xFFFFFFF0] =	vst v6  }
0x6de: {  	s31 =	simm.s32 $0x4670;
	[tilespmem:s24+$0xFFFFFF90] =	vst v9  }
0x6df: {  	v5 =	vld [tilespmem:s31+$0x0]  }
0x6e0: {  	v6 =	vld [tilespmem:s31+$0xFFFFFFA0]  }
0x6e1: {  	v7 =	vld [tilespmem:s31+$0xFFFFFFB0]  }
0x6e2: {  	v8 =	vld [tilespmem:s31+$0xFFFFFFC0]  }
0x6e3: {  	v9 =	vld [tilespmem:s31+$0xFFFFFFD0]  }
0x6e4: {  	v5 =	vshll.u32 v5, $0x4  }
0x6e5: {  	v6 =	vshll.u32 v6, $0x4;
	v5 =	vor.u32 v1, v5  }
0x6e6: {  	v10 =	vld [tilespmem:s31+$0xFFFFFFE0];
	v7 =	vshll.u32 v7, $0x4;
	v6 =	vor.u32 v1, v6  }
0x6e7: {  	v11 =	vld [tilespmem:s31+$0xFFFFFFF0];
	v12 =	vor.u32 v1, v7;
	v7 =	vshll.u32 v8, $0x4  }
0x6e8: {  	v13 =	vld [tilespmem:s31+$0xFFFFFF90];
	v14 =	vor.u32 v1, v7;
	v7 =	vshll.u32 v9, $0x4  }
0x6e9: {  	v15 =	vor.u32 v1, v7  }
.Ltmp65:
0x6ea: {  	v9 =	vld.idx.msk [tilespmem:v5+s16+$0x0], $0xffff;
	(pc) =	sbr.rel @!p1 .LBB2_113-.Ltmp65, $4  }
0x6eb: {  	v7 =	vld.idx.msk [tilespmem:v6+s16+$0x0], $0xffff  }
0x6ec: {  	v8 =	vld.idx.msk [tilespmem:v12+s16+$0x0], $0xffff  }
0x6ed: {  	v5 =	vshll.u32 v10, $0x4;
	v6 =	vshll.u32 v11, $0x4;
	v11 =	vshll.u32 v13, $0x4;
	v10 =	vld.idx.msk [tilespmem:v14+s16+$0x0], $0xffff  }
0x6ee: {  	s25 =	simm.s32 $0x4A70;
	s24 =	simm.s32 $0xC670;
	v5 =	vor.u32 v1, v5;
	v6 =	vor.u32 v1, v6;
	v11 =	vor.u32 v1, v11;
	v12 =	vld.idx.msk [tilespmem:v15+s16+$0x0], $0xffff  }
0x6ef: {  	v13 =	vld [tilespmem:s25+$0x0]  }
0x6f0: {  	v14 =	vld [tilespmem:s25+$0xFFFFFFA0]  }
0x6f1: {  	v17 =	vld [tilespmem:s25+$0xFFFFFFD0]  }
0x6f2: {  	v15 =	vld [tilespmem:s25+$0xFFFFFFB0]  }
0x6f3: {  	v16 =	vld [tilespmem:s25+$0xFFFFFFC0]  }
0x6f4: {  	v18 =	vld [tilespmem:s25+$0xFFFFFFE0];
	v13 =	vshll.u32 v13, $0x4  }
0x6f5: {  	v19 =	vld [tilespmem:s25+$0xFFFFFFF0];
	v14 =	vshll.u32 v14, $0x4;
	v20 =	vor.u32 v1, v13  }
0x6f6: {  	v21 =	vld [tilespmem:s25+$0xFFFFFF90];
	[tilespmem:s24+$0x0] =	vst v9;
	v9 =	vshll.u32 v17, $0x4;
	v14 =	vor.u32 v1, v14  }
0x6f7: {  	v11 =	vld.idx.msk [tilespmem:v11+s16+$0x0], $0xffff;
	v13 =	vshll.u32 v15, $0x4;
	v22 =	vor.u32 v1, v9  }
0x6f8: {  	v63 =	vld.idx.msk [tilespmem:v5+s16+$0x0], $0xffff;
	v15 =	vor.u32 v1, v13;
	v13 =	vshll.u32 v16, $0x4  }
0x6f9: {  	p1 =	por $0x1, $0x1;
	[tilespmem:s24+$0xFFFFFFA0] =	vst v7;
	v16 =	vor.u32 v1, v13;
	v13 =	vld.idx.msk [tilespmem:v6+s16+$0x0], $0xffff  }
.Ltmp66:
0x6fa: {  	[tilespmem:s24+$0xFFFFFFB0] =	vst v8;
	v9 =	vld.idx.msk [tilespmem:v20+s16+$0x0], $0xffff;
	(pc) =	sbr.rel @!p1 .LBB2_115-.Ltmp66, $4  }
0x6fb: {  	[tilespmem:s24+$0xFFFFFFD0] =	vst v12;
	v12 =	vshll.u32 v21, $0x4;
	v7 =	vld.idx.msk [tilespmem:v14+s16+$0x0], $0xffff  }
0x6fc: {  	[tilespmem:s24+$0xFFFFFF90] =	vst v11;
	v11 =	vor.u32 v1, v12;
	v12 =	vld.idx.msk [tilespmem:v22+s16+$0x0], $0xffff  }
0x6fd: {  	s25 =	simm.s32 $0x80;
	[tilespmem:s24+$0xFFFFFFC0] =	vst v10;
	v5 =	vshll.u32 v18, $0x4;
	v6 =	vshll.u32 v19, $0x4;
	v8 =	vld.idx.msk [tilespmem:v15+s16+$0x0], $0xffff  }
0x6fe: {  	s28 =	simm.s32 $0x4E70;
	p0 =	por $0x1, $0x1;
	s26 =	simm.s32 $0xC670;
	[tilespmem:s24+$0xFFFFFFE0] =	vst v63;
	v5 =	vor.u32 v1, v5;
	v6 =	vor.u32 v1, v6;
	v10 =	vld.idx.msk [tilespmem:v16+s16+$0x0], $0xffff  }
.LBB2_116:
0x6ff: {  	v14 =	vld [tilespmem:s28+$0x0];
	s25 =	sadd.s32 $0x80, s25;
	[tilespmem:s26+$0xFFFFFFF0] =	vst v13;
	s26 =	sadd.s32 $0x400, s26  }
0x700: {  	v13 =	vld [tilespmem:s28+$0xFFFFFFA0];
	p1 =	slt.u32 s25, $0x780;
	[tilespmem:s26+$0x0] =	vst v9  }
0x701: {  	v9 =	vld [tilespmem:s28+$0xFFFFFFB0];
	[tilespmem:s26+$0xFFFFFFA0] =	vst v7  }
0x702: {  	v7 =	vld [tilespmem:s28+$0xFFFFFFC0];
	[tilespmem:s26+$0xFFFFFFB0] =	vst v8  }
0x703: {  	v8 =	vld [tilespmem:s28+$0xFFFFFFD0];
	[tilespmem:s26+$0xFFFFFFC0] =	vst v10  }
0x704: {  	v10 =	vld [tilespmem:s28+$0xFFFFFFE0];
	v14 =	vshll.u32 v14, $0x4;
	[tilespmem:s26+$0xFFFFFFD0] =	vst v12  }
0x705: {  	v12 =	vshll.u32 v13, $0x4;
	v15 =	vld [tilespmem:s28+$0xFFFFFFF0];
	v14 =	vor.u32 v1, v14  }
0x706: {  	v16 =	vld [tilespmem:s28+$0xFFFFFF90];
	v12 =	vor.u32 v1, v12;
	v9 =	vshll.u32 v9, $0x4  }
0x707: {  	v17 =	vor.u32 v1, v9;
	v7 =	vshll.u32 v7, $0x4;
	v18 =	vld.idx.msk [tilespmem:v11+s16+$0x0], $0xffff  }
0x708: {  	v19 =	vor.u32 v1, v7;
	v7 =	vshll.u32 v8, $0x4;
	v20 =	vld.idx.msk [tilespmem:v5+s16+$0x0], $0xffff  }
0x709: {  	v21 =	vor.u32 v1, v7;
	v5 =	vshll.u32 v10, $0x4;
	v13 =	vld.idx.msk [tilespmem:v6+s16+$0x0], $0xffff  }
.Ltmp67:
0x70a: {  	v5 =	vor.u32 v1, v5;
	v6 =	vshll.u32 v15, $0x4;
	v9 =	vld.idx.msk [tilespmem:v14+s16+$0x0], $0xffff;
	(pc) =	sbr.rel @p1 .LBB2_116-.Ltmp67, $4  }
0x70b: {  	v8 =	vshll.u32 v16, $0x4;
	v7 =	vld.idx.msk [tilespmem:v12+s16+$0x0], $0xffff;
	v6 =	vor.u32 v1, v6  }
0x70c: {  	v11 =	vor.u32 v1, v8;
	v8 =	vld.idx.msk [tilespmem:v17+s16+$0x0], $0xffff  }
0x70d: {  	v10 =	vld.idx.msk [tilespmem:v19+s16+$0x0], $0xffff;
	[tilespmem:s26+$0xFFFFFF90] =	vst v18  }
0x70e: {  	s28 =	sadd.s32 $0x400, s28;
	v12 =	vld.idx.msk [tilespmem:v21+s16+$0x0], $0xffff;
	[tilespmem:s26+$0xFFFFFFE0] =	vst v20  }
.LBB2_117:
0x70f: {  	_ =	sdelay $0x1  }
0x710: {  	s25 =	sadd.s32 @p0 $0x400, s26  }
0x711: {  	[tilespmem:s26+$0xFFFFFFF0] =	vst @p0 v13;
	s24 =	smov.u32 @p0 s25  }
0x712: {  	v5 =	vld.idx.msk [tilespmem:v5+s16+$0x0], $0xffff;
	[tilespmem:s24+$0x0] =	vst v9  }
0x713: {  	v6 =	vld.idx.msk [tilespmem:v6+s16+$0x0], $0xffff;
	[tilespmem:s24+$0xFFFFFFA0] =	vst v7  }
0x714: {  	v9 =	vld.idx.msk [tilespmem:v11+s16+$0x0], $0xffff;
	[tilespmem:s24+$0xFFFFFFB0] =	vst v8  }
0x715: {  	[tilespmem:s24+$0xFFFFFFC0] =	vst v10  }
0x716: {  	[tilespmem:s24+$0xFFFFFFD0] =	vst v12  }
0x717: {  	[tilespmem:s24+$0xFFFFFFE0] =	vst v5  }
0x718: {  	[tilespmem:s24+$0xFFFFFFF0] =	vst v6  }
0x719: {  	s31 =	simm.s32 $0x46F0;
	[tilespmem:s24+$0xFFFFFF90] =	vst v9  }
0x71a: {  	v5 =	vld [tilespmem:s31+$0x0]  }
0x71b: {  	v6 =	vld [tilespmem:s31+$0xFFFFFFA0]  }
0x71c: {  	v7 =	vld [tilespmem:s31+$0xFFFFFFB0]  }
0x71d: {  	v8 =	vld [tilespmem:s31+$0xFFFFFFC0]  }
0x71e: {  	v9 =	vld [tilespmem:s31+$0xFFFFFFD0]  }
0x71f: {  	v5 =	vshll.u32 v5, $0x4  }
0x720: {  	v6 =	vshll.u32 v6, $0x4;
	v5 =	vor.u32 v1, v5  }
0x721: {  	v10 =	vld [tilespmem:s31+$0xFFFFFFE0];
	v7 =	vshll.u32 v7, $0x4;
	v6 =	vor.u32 v1, v6  }
0x722: {  	v11 =	vld [tilespmem:s31+$0xFFFFFFF0];
	v12 =	vor.u32 v1, v7;
	v7 =	vshll.u32 v8, $0x4  }
0x723: {  	v13 =	vld [tilespmem:s31+$0xFFFFFF90];
	v14 =	vor.u32 v1, v7;
	v7 =	vshll.u32 v9, $0x4  }
0x724: {  	p1 =	por $0x1, $0x1;
	v15 =	vor.u32 v1, v7  }
.Ltmp68:
0x725: {  	v9 =	vld.idx.msk [tilespmem:v5+s16+$0x0], $0xffff;
	(pc) =	sbr.rel @!p1 .LBB2_118-.Ltmp68, $4  }
0x726: {  	v7 =	vld.idx.msk [tilespmem:v6+s16+$0x0], $0xffff  }
0x727: {  	v8 =	vld.idx.msk [tilespmem:v12+s16+$0x0], $0xffff  }
0x728: {  	v5 =	vshll.u32 v10, $0x4;
	v6 =	vshll.u32 v11, $0x4;
	v11 =	vshll.u32 v13, $0x4;
	v10 =	vld.idx.msk [tilespmem:v14+s16+$0x0], $0xffff  }
0x729: {  	s25 =	simm.s32 $0x4AF0;
	p0 =	por $0x0, $0x0;
	s24 =	simm.s32 $0xC6F0;
	v5 =	vor.u32 v1, v5;
	v6 =	vor.u32 v1, v6;
	v11 =	vor.u32 v1, v11;
	v12 =	vld.idx.msk [tilespmem:v15+s16+$0x0], $0xffff  }
0x72a: {  	v13 =	vld [tilespmem:s25+$0x0]  }
0x72b: {  	v14 =	vld [tilespmem:s25+$0xFFFFFFA0]  }
0x72c: {  	v17 =	vld [tilespmem:s25+$0xFFFFFFD0]  }
0x72d: {  	v15 =	vld [tilespmem:s25+$0xFFFFFFB0]  }
0x72e: {  	v16 =	vld [tilespmem:s25+$0xFFFFFFC0]  }
0x72f: {  	v18 =	vld [tilespmem:s25+$0xFFFFFFE0];
	v13 =	vshll.u32 v13, $0x4  }
0x730: {  	v19 =	vld [tilespmem:s25+$0xFFFFFFF0];
	v14 =	vshll.u32 v14, $0x4;
	v20 =	vor.u32 v1, v13  }
0x731: {  	v21 =	vld [tilespmem:s25+$0xFFFFFF90];
	[tilespmem:s24+$0x0] =	vst v9;
	v9 =	vshll.u32 v17, $0x4;
	v14 =	vor.u32 v1, v14  }
0x732: {  	v11 =	vld.idx.msk [tilespmem:v11+s16+$0x0], $0xffff;
	v13 =	vshll.u32 v15, $0x4;
	v22 =	vor.u32 v1, v9  }
0x733: {  	v63 =	vld.idx.msk [tilespmem:v5+s16+$0x0], $0xffff;
	v15 =	vor.u32 v1, v13;
	v13 =	vshll.u32 v16, $0x4  }
0x734: {  	p3 =	por $0x1, $0x1;
	[tilespmem:s24+$0xFFFFFFA0] =	vst v7;
	v16 =	vor.u32 v1, v13;
	v13 =	vld.idx.msk [tilespmem:v6+s16+$0x0], $0xffff  }
.Ltmp69:
0x735: {  	[tilespmem:s24+$0xFFFFFFB0] =	vst v8;
	v9 =	vld.idx.msk [tilespmem:v20+s16+$0x0], $0xffff;
	(pc) =	sbr.rel @!p3 .LBB2_120-.Ltmp69, $4  }
0x736: {  	[tilespmem:s24+$0xFFFFFFD0] =	vst v12;
	v12 =	vshll.u32 v21, $0x4;
	v7 =	vld.idx.msk [tilespmem:v14+s16+$0x0], $0xffff  }
0x737: {  	[tilespmem:s24+$0xFFFFFF90] =	vst v11;
	v11 =	vor.u32 v1, v12;
	v12 =	vld.idx.msk [tilespmem:v22+s16+$0x0], $0xffff  }
0x738: {  	s25 =	simm.s32 $0x80;
	[tilespmem:s24+$0xFFFFFFC0] =	vst v10;
	v5 =	vshll.u32 v18, $0x4;
	v6 =	vshll.u32 v19, $0x4;
	v8 =	vld.idx.msk [tilespmem:v15+s16+$0x0], $0xffff  }
0x739: {  	s28 =	simm.s32 $0x4EF0;
	p2 =	por $0x1, $0x1;
	s26 =	simm.s32 $0xC6F0;
	[tilespmem:s24+$0xFFFFFFE0] =	vst v63;
	v5 =	vor.u32 v1, v5;
	v6 =	vor.u32 v1, v6;
	v10 =	vld.idx.msk [tilespmem:v16+s16+$0x0], $0xffff  }
.LBB2_121:
0x73a: {  	v14 =	vld [tilespmem:s28+$0x0];
	s25 =	sadd.s32 $0x80, s25;
	[tilespmem:s26+$0xFFFFFFF0] =	vst v13;
	s26 =	sadd.s32 $0x400, s26  }
0x73b: {  	v13 =	vld [tilespmem:s28+$0xFFFFFFA0];
	p3 =	slt.u32 s25, $0x780;
	[tilespmem:s26+$0x0] =	vst v9  }
0x73c: {  	v9 =	vld [tilespmem:s28+$0xFFFFFFB0];
	[tilespmem:s26+$0xFFFFFFA0] =	vst v7  }
0x73d: {  	v7 =	vld [tilespmem:s28+$0xFFFFFFC0];
	[tilespmem:s26+$0xFFFFFFB0] =	vst v8  }
0x73e: {  	v8 =	vld [tilespmem:s28+$0xFFFFFFD0];
	[tilespmem:s26+$0xFFFFFFC0] =	vst v10  }
0x73f: {  	v10 =	vld [tilespmem:s28+$0xFFFFFFE0];
	v14 =	vshll.u32 v14, $0x4;
	[tilespmem:s26+$0xFFFFFFD0] =	vst v12  }
0x740: {  	v12 =	vshll.u32 v13, $0x4;
	v15 =	vld [tilespmem:s28+$0xFFFFFFF0];
	v14 =	vor.u32 v1, v14  }
0x741: {  	v16 =	vld [tilespmem:s28+$0xFFFFFF90];
	v12 =	vor.u32 v1, v12;
	v9 =	vshll.u32 v9, $0x4  }
0x742: {  	v17 =	vor.u32 v1, v9;
	v7 =	vshll.u32 v7, $0x4;
	v18 =	vld.idx.msk [tilespmem:v11+s16+$0x0], $0xffff  }
0x743: {  	v19 =	vor.u32 v1, v7;
	v7 =	vshll.u32 v8, $0x4;
	v20 =	vld.idx.msk [tilespmem:v5+s16+$0x0], $0xffff  }
0x744: {  	v21 =	vor.u32 v1, v7;
	v5 =	vshll.u32 v10, $0x4;
	v13 =	vld.idx.msk [tilespmem:v6+s16+$0x0], $0xffff  }
.Ltmp70:
0x745: {  	v5 =	vor.u32 v1, v5;
	v6 =	vshll.u32 v15, $0x4;
	v9 =	vld.idx.msk [tilespmem:v14+s16+$0x0], $0xffff;
	(pc) =	sbr.rel @p3 .LBB2_121-.Ltmp70, $4  }
0x746: {  	v8 =	vshll.u32 v16, $0x4;
	v7 =	vld.idx.msk [tilespmem:v12+s16+$0x0], $0xffff;
	v6 =	vor.u32 v1, v6  }
0x747: {  	v11 =	vor.u32 v1, v8;
	v8 =	vld.idx.msk [tilespmem:v17+s16+$0x0], $0xffff  }
0x748: {  	v10 =	vld.idx.msk [tilespmem:v19+s16+$0x0], $0xffff;
	[tilespmem:s26+$0xFFFFFF90] =	vst v18  }
0x749: {  	s28 =	sadd.s32 $0x400, s28;
	v12 =	vld.idx.msk [tilespmem:v21+s16+$0x0], $0xffff;
	[tilespmem:s26+$0xFFFFFFE0] =	vst v20  }
.LBB2_122:
0x74a: {  	_ =	sdelay $0x1  }
0x74b: {  	s25 =	sadd.s32 @p2 $0x400, s26  }
0x74c: {  	[tilespmem:s26+$0xFFFFFFF0] =	vst @p2 v13;
	s24 =	smov.u32 @p2 s25  }
0x74d: {  	v5 =	vld.idx.msk [tilespmem:v5+s16+$0x0], $0xffff;
	[tilespmem:s24+$0x0] =	vst v9  }
0x74e: {  	v6 =	vld.idx.msk [tilespmem:v6+s16+$0x0], $0xffff;
	[tilespmem:s24+$0xFFFFFFA0] =	vst v7  }
0x74f: {  	v9 =	vld.idx.msk [tilespmem:v11+s16+$0x0], $0xffff;
	[tilespmem:s24+$0xFFFFFFB0] =	vst v8  }
0x750: {  	[tilespmem:s24+$0xFFFFFFC0] =	vst v10  }
0x751: {  	[tilespmem:s24+$0xFFFFFFD0] =	vst v12  }
0x752: {  	[tilespmem:s24+$0xFFFFFFE0] =	vst v5  }
0x753: {  	[tilespmem:s24+$0xFFFFFFF0] =	vst v6  }
0x754: {  	s31 =	simm.s32 $0x4770;
	[tilespmem:s24+$0xFFFFFF90] =	vst v9  }
0x755: {  	v5 =	vld [tilespmem:s31+$0x0]  }
0x756: {  	v6 =	vld [tilespmem:s31+$0xFFFFFFA0]  }
0x757: {  	v7 =	vld [tilespmem:s31+$0xFFFFFFB0]  }
0x758: {  	v8 =	vld [tilespmem:s31+$0xFFFFFFC0]  }
0x759: {  	v9 =	vld [tilespmem:s31+$0xFFFFFFD0]  }
0x75a: {  	v5 =	vshll.u32 v5, $0x4  }
0x75b: {  	v6 =	vshll.u32 v6, $0x4;
	v5 =	vor.u32 v1, v5  }
0x75c: {  	v10 =	vld [tilespmem:s31+$0xFFFFFFE0];
	v7 =	vshll.u32 v7, $0x4;
	v6 =	vor.u32 v1, v6  }
0x75d: {  	v11 =	vld [tilespmem:s31+$0xFFFFFFF0];
	v12 =	vor.u32 v1, v7;
	v7 =	vshll.u32 v8, $0x4  }
0x75e: {  	v13 =	vld [tilespmem:s31+$0xFFFFFF90];
	v14 =	vor.u32 v1, v7;
	v7 =	vshll.u32 v9, $0x4  }
0x75f: {  	v15 =	vor.u32 v1, v7  }
.Ltmp71:
0x760: {  	v9 =	vld.idx.msk [tilespmem:v5+s16+$0x0], $0xffff;
	(pc) =	sbr.rel @!p1 .LBB2_123-.Ltmp71, $4  }
0x761: {  	v7 =	vld.idx.msk [tilespmem:v6+s16+$0x0], $0xffff  }
0x762: {  	v8 =	vld.idx.msk [tilespmem:v12+s16+$0x0], $0xffff  }
0x763: {  	v5 =	vshll.u32 v10, $0x4;
	v6 =	vshll.u32 v11, $0x4;
	v11 =	vshll.u32 v13, $0x4;
	v10 =	vld.idx.msk [tilespmem:v14+s16+$0x0], $0xffff  }
0x764: {  	s25 =	simm.s32 $0x4B70;
	s24 =	simm.s32 $0xC770;
	v5 =	vor.u32 v1, v5;
	v6 =	vor.u32 v1, v6;
	v11 =	vor.u32 v1, v11;
	v12 =	vld.idx.msk [tilespmem:v15+s16+$0x0], $0xffff  }
0x765: {  	v13 =	vld [tilespmem:s25+$0x0]  }
0x766: {  	v14 =	vld [tilespmem:s25+$0xFFFFFFA0]  }
0x767: {  	v17 =	vld [tilespmem:s25+$0xFFFFFFD0]  }
0x768: {  	v15 =	vld [tilespmem:s25+$0xFFFFFFB0]  }
0x769: {  	v16 =	vld [tilespmem:s25+$0xFFFFFFC0]  }
0x76a: {  	v18 =	vld [tilespmem:s25+$0xFFFFFFE0];
	v13 =	vshll.u32 v13, $0x4  }
0x76b: {  	v19 =	vld [tilespmem:s25+$0xFFFFFFF0];
	v14 =	vshll.u32 v14, $0x4;
	v20 =	vor.u32 v1, v13  }
0x76c: {  	v21 =	vld [tilespmem:s25+$0xFFFFFF90];
	[tilespmem:s24+$0x0] =	vst v9;
	v9 =	vshll.u32 v17, $0x4;
	v14 =	vor.u32 v1, v14  }
0x76d: {  	v11 =	vld.idx.msk [tilespmem:v11+s16+$0x0], $0xffff;
	v13 =	vshll.u32 v15, $0x4;
	v22 =	vor.u32 v1, v9  }
0x76e: {  	v63 =	vld.idx.msk [tilespmem:v5+s16+$0x0], $0xffff;
	v15 =	vor.u32 v1, v13;
	v13 =	vshll.u32 v16, $0x4  }
0x76f: {  	p1 =	por $0x1, $0x1;
	[tilespmem:s24+$0xFFFFFFA0] =	vst v7;
	v16 =	vor.u32 v1, v13;
	v13 =	vld.idx.msk [tilespmem:v6+s16+$0x0], $0xffff  }
.Ltmp72:
0x770: {  	[tilespmem:s24+$0xFFFFFFB0] =	vst v8;
	v9 =	vld.idx.msk [tilespmem:v20+s16+$0x0], $0xffff;
	(pc) =	sbr.rel @!p1 .LBB2_125-.Ltmp72, $4  }
0x771: {  	[tilespmem:s24+$0xFFFFFFD0] =	vst v12;
	v12 =	vshll.u32 v21, $0x4;
	v7 =	vld.idx.msk [tilespmem:v14+s16+$0x0], $0xffff  }
0x772: {  	[tilespmem:s24+$0xFFFFFF90] =	vst v11;
	v11 =	vor.u32 v1, v12;
	v12 =	vld.idx.msk [tilespmem:v22+s16+$0x0], $0xffff  }
0x773: {  	s25 =	simm.s32 $0x80;
	[tilespmem:s24+$0xFFFFFFC0] =	vst v10;
	v5 =	vshll.u32 v18, $0x4;
	v6 =	vshll.u32 v19, $0x4;
	v8 =	vld.idx.msk [tilespmem:v15+s16+$0x0], $0xffff  }
0x774: {  	s28 =	simm.s32 $0x4F70;
	p0 =	por $0x1, $0x1;
	s26 =	simm.s32 $0xC770;
	[tilespmem:s24+$0xFFFFFFE0] =	vst v63;
	v5 =	vor.u32 v1, v5;
	v6 =	vor.u32 v1, v6;
	v10 =	vld.idx.msk [tilespmem:v16+s16+$0x0], $0xffff  }
.LBB2_126:
0x775: {  	v14 =	vld [tilespmem:s28+$0x0];
	s25 =	sadd.s32 $0x80, s25;
	[tilespmem:s26+$0xFFFFFFF0] =	vst v13;
	s26 =	sadd.s32 $0x400, s26  }
0x776: {  	v13 =	vld [tilespmem:s28+$0xFFFFFFA0];
	p1 =	slt.u32 s25, $0x780;
	[tilespmem:s26+$0x0] =	vst v9  }
0x777: {  	v9 =	vld [tilespmem:s28+$0xFFFFFFB0];
	[tilespmem:s26+$0xFFFFFFA0] =	vst v7  }
0x778: {  	v7 =	vld [tilespmem:s28+$0xFFFFFFC0];
	[tilespmem:s26+$0xFFFFFFB0] =	vst v8  }
0x779: {  	v8 =	vld [tilespmem:s28+$0xFFFFFFD0];
	[tilespmem:s26+$0xFFFFFFC0] =	vst v10  }
0x77a: {  	v10 =	vld [tilespmem:s28+$0xFFFFFFE0];
	v14 =	vshll.u32 v14, $0x4;
	[tilespmem:s26+$0xFFFFFFD0] =	vst v12  }
0x77b: {  	v12 =	vshll.u32 v13, $0x4;
	v15 =	vld [tilespmem:s28+$0xFFFFFFF0];
	v14 =	vor.u32 v1, v14  }
0x77c: {  	v16 =	vld [tilespmem:s28+$0xFFFFFF90];
	v12 =	vor.u32 v1, v12;
	v9 =	vshll.u32 v9, $0x4  }
0x77d: {  	v17 =	vor.u32 v1, v9;
	v7 =	vshll.u32 v7, $0x4;
	v18 =	vld.idx.msk [tilespmem:v11+s16+$0x0], $0xffff  }
0x77e: {  	v19 =	vor.u32 v1, v7;
	v7 =	vshll.u32 v8, $0x4;
	v20 =	vld.idx.msk [tilespmem:v5+s16+$0x0], $0xffff  }
0x77f: {  	v21 =	vor.u32 v1, v7;
	v5 =	vshll.u32 v10, $0x4;
	v13 =	vld.idx.msk [tilespmem:v6+s16+$0x0], $0xffff  }
.Ltmp73:
0x780: {  	v5 =	vor.u32 v1, v5;
	v6 =	vshll.u32 v15, $0x4;
	v9 =	vld.idx.msk [tilespmem:v14+s16+$0x0], $0xffff;
	(pc) =	sbr.rel @p1 .LBB2_126-.Ltmp73, $4  }
0x781: {  	v8 =	vshll.u32 v16, $0x4;
	v7 =	vld.idx.msk [tilespmem:v12+s16+$0x0], $0xffff;
	v6 =	vor.u32 v1, v6  }
0x782: {  	v11 =	vor.u32 v1, v8;
	v8 =	vld.idx.msk [tilespmem:v17+s16+$0x0], $0xffff  }
0x783: {  	v10 =	vld.idx.msk [tilespmem:v19+s16+$0x0], $0xffff;
	[tilespmem:s26+$0xFFFFFF90] =	vst v18  }
0x784: {  	s28 =	sadd.s32 $0x400, s28;
	v12 =	vld.idx.msk [tilespmem:v21+s16+$0x0], $0xffff;
	[tilespmem:s26+$0xFFFFFFE0] =	vst v20  }
.LBB2_127:
0x785: {  	_ =	sdelay $0x1  }
0x786: {  	s25 =	sadd.s32 @p0 $0x400, s26  }
0x787: {  	[tilespmem:s26+$0xFFFFFFF0] =	vst @p0 v13;
	s24 =	smov.u32 @p0 s25  }
0x788: {  	v5 =	vld.idx.msk [tilespmem:v5+s16+$0x0], $0xffff;
	[tilespmem:s24+$0x0] =	vst v9  }
0x789: {  	v6 =	vld.idx.msk [tilespmem:v6+s16+$0x0], $0xffff;
	[tilespmem:s24+$0xFFFFFFA0] =	vst v7  }
0x78a: {  	v9 =	vld.idx.msk [tilespmem:v11+s16+$0x0], $0xffff;
	[tilespmem:s24+$0xFFFFFFB0] =	vst v8  }
0x78b: {  	[tilespmem:s24+$0xFFFFFFC0] =	vst v10  }
0x78c: {  	[tilespmem:s24+$0xFFFFFFD0] =	vst v12  }
0x78d: {  	[tilespmem:s24+$0xFFFFFFE0] =	vst v5  }
0x78e: {  	[tilespmem:s24+$0xFFFFFFF0] =	vst v6  }
0x78f: {  	s31 =	simm.s32 $0x47F0;
	[tilespmem:s24+$0xFFFFFF90] =	vst v9  }
0x790: {  	v5 =	vld [tilespmem:s31+$0x0]  }
0x791: {  	v6 =	vld [tilespmem:s31+$0xFFFFFFA0]  }
0x792: {  	v7 =	vld [tilespmem:s31+$0xFFFFFFB0]  }
0x793: {  	v8 =	vld [tilespmem:s31+$0xFFFFFFC0]  }
0x794: {  	v9 =	vld [tilespmem:s31+$0xFFFFFFD0]  }
0x795: {  	v5 =	vshll.u32 v5, $0x4  }
0x796: {  	v6 =	vshll.u32 v6, $0x4;
	v5 =	vor.u32 v1, v5  }
0x797: {  	v10 =	vld [tilespmem:s31+$0xFFFFFFE0];
	v7 =	vshll.u32 v7, $0x4;
	v6 =	vor.u32 v1, v6  }
0x798: {  	v11 =	vld [tilespmem:s31+$0xFFFFFFF0];
	v12 =	vor.u32 v1, v7;
	v7 =	vshll.u32 v8, $0x4  }
0x799: {  	v13 =	vld [tilespmem:s31+$0xFFFFFF90];
	v14 =	vor.u32 v1, v7;
	v7 =	vshll.u32 v9, $0x4  }
0x79a: {  	p1 =	por $0x1, $0x1;
	v15 =	vor.u32 v1, v7  }
.Ltmp74:
0x79b: {  	v9 =	vld.idx.msk [tilespmem:v5+s16+$0x0], $0xffff;
	(pc) =	sbr.rel @!p1 .LBB2_128-.Ltmp74, $4  }
0x79c: {  	v7 =	vld.idx.msk [tilespmem:v6+s16+$0x0], $0xffff  }
0x79d: {  	v8 =	vld.idx.msk [tilespmem:v12+s16+$0x0], $0xffff  }
0x79e: {  	v5 =	vshll.u32 v10, $0x4;
	v6 =	vshll.u32 v11, $0x4;
	v11 =	vshll.u32 v13, $0x4;
	v10 =	vld.idx.msk [tilespmem:v14+s16+$0x0], $0xffff  }
0x79f: {  	s25 =	simm.s32 $0x4BF0;
	p0 =	por $0x0, $0x0;
	s24 =	simm.s32 $0xC7F0;
	v5 =	vor.u32 v1, v5;
	v6 =	vor.u32 v1, v6;
	v11 =	vor.u32 v1, v11;
	v12 =	vld.idx.msk [tilespmem:v15+s16+$0x0], $0xffff  }
0x7a0: {  	v13 =	vld [tilespmem:s25+$0x0]  }
0x7a1: {  	v14 =	vld [tilespmem:s25+$0xFFFFFFA0]  }
0x7a2: {  	v17 =	vld [tilespmem:s25+$0xFFFFFFD0]  }
0x7a3: {  	v15 =	vld [tilespmem:s25+$0xFFFFFFB0]  }
0x7a4: {  	v16 =	vld [tilespmem:s25+$0xFFFFFFC0]  }
0x7a5: {  	v18 =	vld [tilespmem:s25+$0xFFFFFFE0];
	v13 =	vshll.u32 v13, $0x4  }
0x7a6: {  	v19 =	vld [tilespmem:s25+$0xFFFFFFF0];
	v14 =	vshll.u32 v14, $0x4;
	v20 =	vor.u32 v1, v13  }
0x7a7: {  	v21 =	vld [tilespmem:s25+$0xFFFFFF90];
	[tilespmem:s24+$0x0] =	vst v9;
	v9 =	vshll.u32 v17, $0x4;
	v14 =	vor.u32 v1, v14  }
0x7a8: {  	v11 =	vld.idx.msk [tilespmem:v11+s16+$0x0], $0xffff;
	v13 =	vshll.u32 v15, $0x4;
	v22 =	vor.u32 v1, v9  }
0x7a9: {  	v63 =	vld.idx.msk [tilespmem:v5+s16+$0x0], $0xffff;
	v15 =	vor.u32 v1, v13;
	v13 =	vshll.u32 v16, $0x4  }
0x7aa: {  	p3 =	por $0x1, $0x1;
	[tilespmem:s24+$0xFFFFFFA0] =	vst v7;
	v16 =	vor.u32 v1, v13;
	v13 =	vld.idx.msk [tilespmem:v6+s16+$0x0], $0xffff  }
.Ltmp75:
0x7ab: {  	[tilespmem:s24+$0xFFFFFFB0] =	vst v8;
	v9 =	vld.idx.msk [tilespmem:v20+s16+$0x0], $0xffff;
	(pc) =	sbr.rel @!p3 .LBB2_130-.Ltmp75, $4  }
0x7ac: {  	[tilespmem:s24+$0xFFFFFFD0] =	vst v12;
	v12 =	vshll.u32 v21, $0x4;
	v7 =	vld.idx.msk [tilespmem:v14+s16+$0x0], $0xffff  }
0x7ad: {  	[tilespmem:s24+$0xFFFFFF90] =	vst v11;
	v11 =	vor.u32 v1, v12;
	v12 =	vld.idx.msk [tilespmem:v22+s16+$0x0], $0xffff  }
0x7ae: {  	s25 =	simm.s32 $0x80;
	[tilespmem:s24+$0xFFFFFFC0] =	vst v10;
	v5 =	vshll.u32 v18, $0x4;
	v6 =	vshll.u32 v19, $0x4;
	v8 =	vld.idx.msk [tilespmem:v15+s16+$0x0], $0xffff  }
0x7af: {  	s28 =	simm.s32 $0x4FF0;
	p2 =	por $0x1, $0x1;
	s26 =	simm.s32 $0xC7F0;
	[tilespmem:s24+$0xFFFFFFE0] =	vst v63;
	v5 =	vor.u32 v1, v5;
	v6 =	vor.u32 v1, v6;
	v10 =	vld.idx.msk [tilespmem:v16+s16+$0x0], $0xffff  }
.LBB2_131:
0x7b0: {  	v14 =	vld [tilespmem:s28+$0x0];
	s25 =	sadd.s32 $0x80, s25;
	[tilespmem:s26+$0xFFFFFFF0] =	vst v13;
	s26 =	sadd.s32 $0x400, s26  }
0x7b1: {  	v13 =	vld [tilespmem:s28+$0xFFFFFFA0];
	p3 =	slt.u32 s25, $0x780;
	[tilespmem:s26+$0x0] =	vst v9  }
0x7b2: {  	v9 =	vld [tilespmem:s28+$0xFFFFFFB0];
	[tilespmem:s26+$0xFFFFFFA0] =	vst v7  }
0x7b3: {  	v7 =	vld [tilespmem:s28+$0xFFFFFFC0];
	[tilespmem:s26+$0xFFFFFFB0] =	vst v8  }
0x7b4: {  	v8 =	vld [tilespmem:s28+$0xFFFFFFD0];
	[tilespmem:s26+$0xFFFFFFC0] =	vst v10  }
0x7b5: {  	v10 =	vld [tilespmem:s28+$0xFFFFFFE0];
	v14 =	vshll.u32 v14, $0x4;
	[tilespmem:s26+$0xFFFFFFD0] =	vst v12  }
0x7b6: {  	v12 =	vshll.u32 v13, $0x4;
	v15 =	vld [tilespmem:s28+$0xFFFFFFF0];
	v14 =	vor.u32 v1, v14  }
0x7b7: {  	v16 =	vld [tilespmem:s28+$0xFFFFFF90];
	v12 =	vor.u32 v1, v12;
	v9 =	vshll.u32 v9, $0x4  }
0x7b8: {  	v17 =	vor.u32 v1, v9;
	v7 =	vshll.u32 v7, $0x4;
	v18 =	vld.idx.msk [tilespmem:v11+s16+$0x0], $0xffff  }
0x7b9: {  	v19 =	vor.u32 v1, v7;
	v7 =	vshll.u32 v8, $0x4;
	v20 =	vld.idx.msk [tilespmem:v5+s16+$0x0], $0xffff  }
0x7ba: {  	v21 =	vor.u32 v1, v7;
	v5 =	vshll.u32 v10, $0x4;
	v13 =	vld.idx.msk [tilespmem:v6+s16+$0x0], $0xffff  }
.Ltmp76:
0x7bb: {  	v5 =	vor.u32 v1, v5;
	v6 =	vshll.u32 v15, $0x4;
	v9 =	vld.idx.msk [tilespmem:v14+s16+$0x0], $0xffff;
	(pc) =	sbr.rel @p3 .LBB2_131-.Ltmp76, $4  }
0x7bc: {  	v8 =	vshll.u32 v16, $0x4;
	v7 =	vld.idx.msk [tilespmem:v12+s16+$0x0], $0xffff;
	v6 =	vor.u32 v1, v6  }
0x7bd: {  	v11 =	vor.u32 v1, v8;
	v8 =	vld.idx.msk [tilespmem:v17+s16+$0x0], $0xffff  }
0x7be: {  	v10 =	vld.idx.msk [tilespmem:v19+s16+$0x0], $0xffff;
	[tilespmem:s26+$0xFFFFFF90] =	vst v18  }
0x7bf: {  	s28 =	sadd.s32 $0x400, s28;
	v12 =	vld.idx.msk [tilespmem:v21+s16+$0x0], $0xffff;
	[tilespmem:s26+$0xFFFFFFE0] =	vst v20  }
.LBB2_132:
0x7c0: {  	_ =	sdelay $0x1  }
0x7c1: {  	s25 =	sadd.s32 @p2 $0x400, s26  }
0x7c2: {  	[tilespmem:s26+$0xFFFFFFF0] =	vst @p2 v13;
	s24 =	smov.u32 @p2 s25  }
0x7c3: {  	v5 =	vld.idx.msk [tilespmem:v5+s16+$0x0], $0xffff;
	[tilespmem:s24+$0x0] =	vst v9  }
0x7c4: {  	v6 =	vld.idx.msk [tilespmem:v6+s16+$0x0], $0xffff;
	[tilespmem:s24+$0xFFFFFFA0] =	vst v7  }
0x7c5: {  	v9 =	vld.idx.msk [tilespmem:v11+s16+$0x0], $0xffff;
	[tilespmem:s24+$0xFFFFFFB0] =	vst v8  }
0x7c6: {  	[tilespmem:s24+$0xFFFFFFC0] =	vst v10  }
0x7c7: {  	[tilespmem:s24+$0xFFFFFFD0] =	vst v12  }
0x7c8: {  	[tilespmem:s24+$0xFFFFFFE0] =	vst v5  }
0x7c9: {  	[tilespmem:s24+$0xFFFFFFF0] =	vst v6  }
0x7ca: {  	s31 =	simm.s32 $0x4870;
	[tilespmem:s24+$0xFFFFFF90] =	vst v9  }
0x7cb: {  	v5 =	vld [tilespmem:s31+$0x0]  }
0x7cc: {  	v6 =	vld [tilespmem:s31+$0xFFFFFFA0]  }
0x7cd: {  	v7 =	vld [tilespmem:s31+$0xFFFFFFB0]  }
0x7ce: {  	v8 =	vld [tilespmem:s31+$0xFFFFFFC0]  }
0x7cf: {  	v9 =	vld [tilespmem:s31+$0xFFFFFFD0]  }
0x7d0: {  	v5 =	vshll.u32 v5, $0x4  }
0x7d1: {  	v6 =	vshll.u32 v6, $0x4;
	v5 =	vor.u32 v1, v5  }
0x7d2: {  	v10 =	vld [tilespmem:s31+$0xFFFFFFE0];
	v7 =	vshll.u32 v7, $0x4;
	v6 =	vor.u32 v1, v6  }
0x7d3: {  	v11 =	vld [tilespmem:s31+$0xFFFFFFF0];
	v12 =	vor.u32 v1, v7;
	v7 =	vshll.u32 v8, $0x4  }
0x7d4: {  	v13 =	vld [tilespmem:s31+$0xFFFFFF90];
	v14 =	vor.u32 v1, v7;
	v7 =	vshll.u32 v9, $0x4  }
0x7d5: {  	v15 =	vor.u32 v1, v7  }
.Ltmp77:
0x7d6: {  	v9 =	vld.idx.msk [tilespmem:v5+s16+$0x0], $0xffff;
	(pc) =	sbr.rel @!p1 .LBB2_133-.Ltmp77, $4  }
0x7d7: {  	v7 =	vld.idx.msk [tilespmem:v6+s16+$0x0], $0xffff  }
0x7d8: {  	v8 =	vld.idx.msk [tilespmem:v12+s16+$0x0], $0xffff  }
0x7d9: {  	v5 =	vshll.u32 v10, $0x4;
	v6 =	vshll.u32 v11, $0x4;
	v11 =	vshll.u32 v13, $0x4;
	v10 =	vld.idx.msk [tilespmem:v14+s16+$0x0], $0xffff  }
0x7da: {  	s25 =	simm.s32 $0x4C70;
	s24 =	simm.s32 $0xC870;
	v5 =	vor.u32 v1, v5;
	v6 =	vor.u32 v1, v6;
	v11 =	vor.u32 v1, v11;
	v12 =	vld.idx.msk [tilespmem:v15+s16+$0x0], $0xffff  }
0x7db: {  	v13 =	vld [tilespmem:s25+$0x0]  }
0x7dc: {  	v14 =	vld [tilespmem:s25+$0xFFFFFFA0]  }
0x7dd: {  	v17 =	vld [tilespmem:s25+$0xFFFFFFD0]  }
0x7de: {  	v15 =	vld [tilespmem:s25+$0xFFFFFFB0]  }
0x7df: {  	v16 =	vld [tilespmem:s25+$0xFFFFFFC0]  }
0x7e0: {  	v18 =	vld [tilespmem:s25+$0xFFFFFFE0];
	v13 =	vshll.u32 v13, $0x4  }
0x7e1: {  	v19 =	vld [tilespmem:s25+$0xFFFFFFF0];
	v14 =	vshll.u32 v14, $0x4;
	v20 =	vor.u32 v1, v13  }
0x7e2: {  	v21 =	vld [tilespmem:s25+$0xFFFFFF90];
	[tilespmem:s24+$0x0] =	vst v9;
	v9 =	vshll.u32 v17, $0x4;
	v14 =	vor.u32 v1, v14  }
0x7e3: {  	v11 =	vld.idx.msk [tilespmem:v11+s16+$0x0], $0xffff;
	v13 =	vshll.u32 v15, $0x4;
	v22 =	vor.u32 v1, v9  }
0x7e4: {  	v63 =	vld.idx.msk [tilespmem:v5+s16+$0x0], $0xffff;
	v15 =	vor.u32 v1, v13;
	v13 =	vshll.u32 v16, $0x4  }
0x7e5: {  	p1 =	por $0x1, $0x1;
	[tilespmem:s24+$0xFFFFFFA0] =	vst v7;
	v16 =	vor.u32 v1, v13;
	v13 =	vld.idx.msk [tilespmem:v6+s16+$0x0], $0xffff  }
.Ltmp78:
0x7e6: {  	[tilespmem:s24+$0xFFFFFFB0] =	vst v8;
	v9 =	vld.idx.msk [tilespmem:v20+s16+$0x0], $0xffff;
	(pc) =	sbr.rel @!p1 .LBB2_135-.Ltmp78, $4  }
0x7e7: {  	[tilespmem:s24+$0xFFFFFFD0] =	vst v12;
	v12 =	vshll.u32 v21, $0x4;
	v7 =	vld.idx.msk [tilespmem:v14+s16+$0x0], $0xffff  }
0x7e8: {  	[tilespmem:s24+$0xFFFFFF90] =	vst v11;
	v11 =	vor.u32 v1, v12;
	v12 =	vld.idx.msk [tilespmem:v22+s16+$0x0], $0xffff  }
0x7e9: {  	s25 =	simm.s32 $0x80;
	[tilespmem:s24+$0xFFFFFFC0] =	vst v10;
	v5 =	vshll.u32 v18, $0x4;
	v6 =	vshll.u32 v19, $0x4;
	v8 =	vld.idx.msk [tilespmem:v15+s16+$0x0], $0xffff  }
0x7ea: {  	s28 =	simm.s32 $0x5070;
	p0 =	por $0x1, $0x1;
	s26 =	simm.s32 $0xC870;
	[tilespmem:s24+$0xFFFFFFE0] =	vst v63;
	v5 =	vor.u32 v1, v5;
	v6 =	vor.u32 v1, v6;
	v10 =	vld.idx.msk [tilespmem:v16+s16+$0x0], $0xffff  }
.LBB2_136:
0x7eb: {  	v14 =	vld [tilespmem:s28+$0x0];
	s25 =	sadd.s32 $0x80, s25;
	[tilespmem:s26+$0xFFFFFFF0] =	vst v13;
	s26 =	sadd.s32 $0x400, s26  }
0x7ec: {  	v13 =	vld [tilespmem:s28+$0xFFFFFFA0];
	p1 =	slt.u32 s25, $0x780;
	[tilespmem:s26+$0x0] =	vst v9  }
0x7ed: {  	v9 =	vld [tilespmem:s28+$0xFFFFFFB0];
	[tilespmem:s26+$0xFFFFFFA0] =	vst v7  }
0x7ee: {  	v7 =	vld [tilespmem:s28+$0xFFFFFFC0];
	[tilespmem:s26+$0xFFFFFFB0] =	vst v8  }
0x7ef: {  	v8 =	vld [tilespmem:s28+$0xFFFFFFD0];
	[tilespmem:s26+$0xFFFFFFC0] =	vst v10  }
0x7f0: {  	v10 =	vld [tilespmem:s28+$0xFFFFFFE0];
	v14 =	vshll.u32 v14, $0x4;
	[tilespmem:s26+$0xFFFFFFD0] =	vst v12  }
0x7f1: {  	v12 =	vshll.u32 v13, $0x4;
	v15 =	vld [tilespmem:s28+$0xFFFFFFF0];
	v14 =	vor.u32 v1, v14  }
0x7f2: {  	v16 =	vld [tilespmem:s28+$0xFFFFFF90];
	v12 =	vor.u32 v1, v12;
	v9 =	vshll.u32 v9, $0x4  }
0x7f3: {  	v17 =	vor.u32 v1, v9;
	v7 =	vshll.u32 v7, $0x4;
	v18 =	vld.idx.msk [tilespmem:v11+s16+$0x0], $0xffff  }
0x7f4: {  	v19 =	vor.u32 v1, v7;
	v7 =	vshll.u32 v8, $0x4;
	v20 =	vld.idx.msk [tilespmem:v5+s16+$0x0], $0xffff  }
0x7f5: {  	v21 =	vor.u32 v1, v7;
	v5 =	vshll.u32 v10, $0x4;
	v13 =	vld.idx.msk [tilespmem:v6+s16+$0x0], $0xffff  }
.Ltmp79:
0x7f6: {  	v5 =	vor.u32 v1, v5;
	v6 =	vshll.u32 v15, $0x4;
	v9 =	vld.idx.msk [tilespmem:v14+s16+$0x0], $0xffff;
	(pc) =	sbr.rel @p1 .LBB2_136-.Ltmp79, $4  }
0x7f7: {  	v8 =	vshll.u32 v16, $0x4;
	v7 =	vld.idx.msk [tilespmem:v12+s16+$0x0], $0xffff;
	v6 =	vor.u32 v1, v6  }
0x7f8: {  	v11 =	vor.u32 v1, v8;
	v8 =	vld.idx.msk [tilespmem:v17+s16+$0x0], $0xffff  }
0x7f9: {  	v10 =	vld.idx.msk [tilespmem:v19+s16+$0x0], $0xffff;
	[tilespmem:s26+$0xFFFFFF90] =	vst v18  }
0x7fa: {  	s28 =	sadd.s32 $0x400, s28;
	v12 =	vld.idx.msk [tilespmem:v21+s16+$0x0], $0xffff;
	[tilespmem:s26+$0xFFFFFFE0] =	vst v20  }
.LBB2_137:
0x7fb: {  	_ =	sdelay $0x1  }
0x7fc: {  	s25 =	sadd.s32 @p0 $0x400, s26  }
0x7fd: {  	[tilespmem:s26+$0xFFFFFFF0] =	vst @p0 v13;
	s24 =	smov.u32 @p0 s25  }
0x7fe: {  	v63 =	vld.idx.msk [tilespmem:v11+s16+$0x0], $0xffff;
	[tilespmem:s24+$0x0] =	vst v9  }
0x7ff: {  	v5 =	vld.idx.msk [tilespmem:v5+s16+$0x0], $0xffff;
	[tilespmem:s24+$0xFFFFFFA0] =	vst v7  }
0x800: {  	v6 =	vld.idx.msk [tilespmem:v6+s16+$0x0], $0xffff;
	[tilespmem:s24+$0xFFFFFFB0] =	vst v8  }
0x801: {  	[tilespmem:s24+$0xFFFFFFC0] =	vst v10  }
0x802: {  	[tilespmem:s24+$0xFFFFFFD0] =	vst v12  }
0x803: {  	[tilespmem:s24+$0xFFFFFF90] =	vst v63  }
0x804: {  	[tilespmem:s24+$0xFFFFFFE0] =	vst v5  }
0x805: {  	s23 =	sadd.s32 $0x1, s23;
	[tilespmem:s24+$0xFFFFFFF0] =	vst v6  }
0x806: {  	[hbm4b:s11+s3] =	stream.linear.scatter [tilespmem:s20], [sflag:$0x4], $0x4000, $0x38;
	[tilespmem:$0x10480] =	vst v63  }
0x807: {  	p0 =	sne.s32 s23, s12;
	_ =	swait.ge [sflag:s21], $0x4000  }
.Ltmp80:
0x808: {  	[sflag:s21] =	ssyncset.done $0x0;
	(pc) =	sbr.rel @p0 .LBB2_1-.Ltmp80, $4  }
.Ltmp81:
0x809: {  	[sflag:s21] =	ssyncadd.s32 $0xFFFFC000;
	(pc) =	sbr.rel @!p0 .LBB2_138-.Ltmp81, $4  }
0x80a: {  	_ =	swait.ge [sflag:s22], $0x4000  }
0x80b: {  	[sflag:s22] =	ssyncset.done $0x0  }
0x80c: {  	[sflag:s22] =	ssyncadd.s32 $0xFFFFC000  }
0x80d: {  	_ = 	snop  }
.LBB2_6:
.Ltmp82:
0x80e: {  	(pc) =	sbr.rel .LBB2_10-.Ltmp82, $2  }
0x80f: {  	_ =	sdelay $0x2  }
0x810: {  	s26 =	simm.s32 $0x85F0;
	p2 =	por $0x0, $0x0  }
.LBB2_11:
.Ltmp83:
0x811: {  	(pc) =	sbr.rel .LBB2_15-.Ltmp83, $2  }
0x812: {  	_ =	sdelay $0x2  }
0x813: {  	s26 =	simm.s32 $0x8670  }
.LBB2_16:
.Ltmp84:
0x814: {  	(pc) =	sbr.rel .LBB2_20-.Ltmp84, $2  }
0x815: {  	_ =	sdelay $0x2  }
0x816: {  	s26 =	simm.s32 $0x86F0;
	p2 =	por $0x0, $0x0  }
.LBB2_21:
.Ltmp85:
0x817: {  	(pc) =	sbr.rel .LBB2_25-.Ltmp85, $2  }
0x818: {  	_ =	sdelay $0x2  }
0x819: {  	s26 =	simm.s32 $0x8770  }
.LBB2_26:
.Ltmp86:
0x81a: {  	(pc) =	sbr.rel .LBB2_30-.Ltmp86, $2  }
0x81b: {  	_ =	sdelay $0x2  }
0x81c: {  	s26 =	simm.s32 $0x87F0;
	p2 =	por $0x0, $0x0  }
.LBB2_31:
.Ltmp87:
0x81d: {  	(pc) =	sbr.rel .LBB2_35-.Ltmp87, $2  }
0x81e: {  	_ =	sdelay $0x2  }
0x81f: {  	s26 =	simm.s32 $0x8870  }
.LBB2_40:
.Ltmp88:
0x820: {  	(pc) =	sbr.rel .LBB2_44-.Ltmp88, $2  }
0x821: {  	_ =	sdelay $0x2  }
0x822: {  	s26 =	simm.s32 $0xC5F0;
	p2 =	por $0x0, $0x0  }
.LBB2_45:
.Ltmp89:
0x823: {  	(pc) =	sbr.rel .LBB2_49-.Ltmp89, $2  }
0x824: {  	_ =	sdelay $0x2  }
0x825: {  	s26 =	simm.s32 $0xC670  }
.LBB2_50:
.Ltmp90:
0x826: {  	(pc) =	sbr.rel .LBB2_54-.Ltmp90, $2  }
0x827: {  	_ =	sdelay $0x2  }
0x828: {  	s26 =	simm.s32 $0xC6F0;
	p2 =	por $0x0, $0x0  }
.LBB2_55:
.Ltmp91:
0x829: {  	(pc) =	sbr.rel .LBB2_59-.Ltmp91, $2  }
0x82a: {  	_ =	sdelay $0x2  }
0x82b: {  	s26 =	simm.s32 $0xC770  }
.LBB2_60:
.Ltmp92:
0x82c: {  	(pc) =	sbr.rel .LBB2_64-.Ltmp92, $2  }
0x82d: {  	_ =	sdelay $0x2  }
0x82e: {  	s26 =	simm.s32 $0xC7F0;
	p2 =	por $0x0, $0x0  }
.LBB2_65:
.Ltmp93:
0x82f: {  	(pc) =	sbr.rel .LBB2_69-.Ltmp93, $2  }
0x830: {  	_ =	sdelay $0x2  }
0x831: {  	s26 =	simm.s32 $0xC870  }
.LBB2_74:
.Ltmp94:
0x832: {  	(pc) =	sbr.rel .LBB2_78-.Ltmp94, $2  }
0x833: {  	_ =	sdelay $0x2  }
0x834: {  	s26 =	simm.s32 $0x85F0;
	p2 =	por $0x0, $0x0  }
.LBB2_79:
.Ltmp95:
0x835: {  	(pc) =	sbr.rel .LBB2_83-.Ltmp95, $2  }
0x836: {  	_ =	sdelay $0x2  }
0x837: {  	s26 =	simm.s32 $0x8670  }
.LBB2_84:
.Ltmp96:
0x838: {  	(pc) =	sbr.rel .LBB2_88-.Ltmp96, $2  }
0x839: {  	_ =	sdelay $0x2  }
0x83a: {  	s26 =	simm.s32 $0x86F0;
	p2 =	por $0x0, $0x0  }
.LBB2_89:
.Ltmp97:
0x83b: {  	(pc) =	sbr.rel .LBB2_93-.Ltmp97, $2  }
0x83c: {  	_ =	sdelay $0x2  }
0x83d: {  	s26 =	simm.s32 $0x8770  }
.LBB2_94:
.Ltmp98:
0x83e: {  	(pc) =	sbr.rel .LBB2_98-.Ltmp98, $2  }
0x83f: {  	_ =	sdelay $0x2  }
0x840: {  	s26 =	simm.s32 $0x87F0;
	p2 =	por $0x0, $0x0  }
.LBB2_99:
.Ltmp99:
0x841: {  	(pc) =	sbr.rel .LBB2_103-.Ltmp99, $2  }
0x842: {  	_ =	sdelay $0x2  }
0x843: {  	s26 =	simm.s32 $0x8870  }
.LBB2_108:
.Ltmp100:
0x844: {  	(pc) =	sbr.rel .LBB2_112-.Ltmp100, $2  }
0x845: {  	_ =	sdelay $0x2  }
0x846: {  	s26 =	simm.s32 $0xC5F0;
	p2 =	por $0x0, $0x0  }
.LBB2_113:
.Ltmp101:
0x847: {  	(pc) =	sbr.rel .LBB2_117-.Ltmp101, $2  }
0x848: {  	_ =	sdelay $0x2  }
0x849: {  	s26 =	simm.s32 $0xC670  }
.LBB2_118:
.Ltmp102:
0x84a: {  	(pc) =	sbr.rel .LBB2_122-.Ltmp102, $2  }
0x84b: {  	_ =	sdelay $0x2  }
0x84c: {  	s26 =	simm.s32 $0xC6F0;
	p2 =	por $0x0, $0x0  }
.LBB2_123:
.Ltmp103:
0x84d: {  	(pc) =	sbr.rel .LBB2_127-.Ltmp103, $2  }
0x84e: {  	_ =	sdelay $0x2  }
0x84f: {  	s26 =	simm.s32 $0xC770  }
.LBB2_128:
.Ltmp104:
0x850: {  	(pc) =	sbr.rel .LBB2_132-.Ltmp104, $2  }
0x851: {  	_ =	sdelay $0x2  }
0x852: {  	s26 =	simm.s32 $0xC7F0;
	p2 =	por $0x0, $0x0  }
.LBB2_133:
.Ltmp105:
0x853: {  	(pc) =	sbr.rel .LBB2_137-.Ltmp105, $2  }
0x854: {  	_ =	sdelay $0x2  }
0x855: {  	s26 =	simm.s32 $0xC870  }
.LBB2_8:
.Ltmp106:
0x856: {  	(pc) =	sbr.rel .LBB2_10-.Ltmp106, $2  }
0x857: {  	_ =	sdelay $0x2  }
0x858: {  	s26 =	simm.s32 $0x85F0  }
.LBB2_13:
.Ltmp107:
0x859: {  	(pc) =	sbr.rel .LBB2_15-.Ltmp107, $2  }
0x85a: {  	_ =	sdelay $0x2  }
0x85b: {  	s26 =	simm.s32 $0x8670  }
.LBB2_18:
.Ltmp108:
0x85c: {  	(pc) =	sbr.rel .LBB2_20-.Ltmp108, $2  }
0x85d: {  	_ =	sdelay $0x2  }
0x85e: {  	s26 =	simm.s32 $0x86F0  }
.LBB2_23:
.Ltmp109:
0x85f: {  	(pc) =	sbr.rel .LBB2_25-.Ltmp109, $2  }
0x860: {  	_ =	sdelay $0x2  }
0x861: {  	s26 =	simm.s32 $0x8770  }
.LBB2_28:
.Ltmp110:
0x862: {  	(pc) =	sbr.rel .LBB2_30-.Ltmp110, $2  }
0x863: {  	_ =	sdelay $0x2  }
0x864: {  	s26 =	simm.s32 $0x87F0  }
.LBB2_33:
.Ltmp111:
0x865: {  	(pc) =	sbr.rel .LBB2_35-.Ltmp111, $2  }
0x866: {  	_ =	sdelay $0x2  }
0x867: {  	s26 =	simm.s32 $0x8870  }
.LBB2_42:
.Ltmp112:
0x868: {  	(pc) =	sbr.rel .LBB2_44-.Ltmp112, $2  }
0x869: {  	_ =	sdelay $0x2  }
0x86a: {  	s26 =	simm.s32 $0xC5F0  }
.LBB2_47:
.Ltmp113:
0x86b: {  	(pc) =	sbr.rel .LBB2_49-.Ltmp113, $2  }
0x86c: {  	_ =	sdelay $0x2  }
0x86d: {  	s26 =	simm.s32 $0xC670  }
.LBB2_52:
.Ltmp114:
0x86e: {  	(pc) =	sbr.rel .LBB2_54-.Ltmp114, $2  }
0x86f: {  	_ =	sdelay $0x2  }
0x870: {  	s26 =	simm.s32 $0xC6F0  }
.LBB2_57:
.Ltmp115:
0x871: {  	(pc) =	sbr.rel .LBB2_59-.Ltmp115, $2  }
0x872: {  	_ =	sdelay $0x2  }
0x873: {  	s26 =	simm.s32 $0xC770  }
.LBB2_62:
.Ltmp116:
0x874: {  	(pc) =	sbr.rel .LBB2_64-.Ltmp116, $2  }
0x875: {  	_ =	sdelay $0x2  }
0x876: {  	s26 =	simm.s32 $0xC7F0  }
.LBB2_67:
.Ltmp117:
0x877: {  	(pc) =	sbr.rel .LBB2_69-.Ltmp117, $2  }
0x878: {  	_ =	sdelay $0x2  }
0x879: {  	s26 =	simm.s32 $0xC870  }
.LBB2_76:
.Ltmp118:
0x87a: {  	(pc) =	sbr.rel .LBB2_78-.Ltmp118, $2  }
0x87b: {  	_ =	sdelay $0x2  }
0x87c: {  	s26 =	simm.s32 $0x85F0  }
.LBB2_81:
.Ltmp119:
0x87d: {  	(pc) =	sbr.rel .LBB2_83-.Ltmp119, $2  }
0x87e: {  	_ =	sdelay $0x2  }
0x87f: {  	s26 =	simm.s32 $0x8670  }
.LBB2_86:
.Ltmp120:
0x880: {  	(pc) =	sbr.rel .LBB2_88-.Ltmp120, $2  }
0x881: {  	_ =	sdelay $0x2  }
0x882: {  	s26 =	simm.s32 $0x86F0  }
.LBB2_91:
.Ltmp121:
0x883: {  	(pc) =	sbr.rel .LBB2_93-.Ltmp121, $2  }
0x884: {  	_ =	sdelay $0x2  }
0x885: {  	s26 =	simm.s32 $0x8770  }
.LBB2_96:
.Ltmp122:
0x886: {  	(pc) =	sbr.rel .LBB2_98-.Ltmp122, $2  }
0x887: {  	_ =	sdelay $0x2  }
0x888: {  	s26 =	simm.s32 $0x87F0  }
.LBB2_101:
.Ltmp123:
0x889: {  	(pc) =	sbr.rel .LBB2_103-.Ltmp123, $2  }
0x88a: {  	_ =	sdelay $0x2  }
0x88b: {  	s26 =	simm.s32 $0x8870  }
.LBB2_110:
.Ltmp124:
0x88c: {  	(pc) =	sbr.rel .LBB2_112-.Ltmp124, $2  }
0x88d: {  	_ =	sdelay $0x2  }
0x88e: {  	s26 =	simm.s32 $0xC5F0  }
.LBB2_115:
.Ltmp125:
0x88f: {  	(pc) =	sbr.rel .LBB2_117-.Ltmp125, $2  }
0x890: {  	_ =	sdelay $0x2  }
0x891: {  	s26 =	simm.s32 $0xC670  }
.LBB2_120:
.Ltmp126:
0x892: {  	(pc) =	sbr.rel .LBB2_122-.Ltmp126, $2  }
0x893: {  	_ =	sdelay $0x2  }
0x894: {  	s26 =	simm.s32 $0xC6F0  }
.LBB2_125:
.Ltmp127:
0x895: {  	(pc) =	sbr.rel .LBB2_127-.Ltmp127, $2  }
0x896: {  	_ =	sdelay $0x2  }
0x897: {  	s26 =	simm.s32 $0xC770  }
.LBB2_130:
.Ltmp128:
0x898: {  	(pc) =	sbr.rel .LBB2_132-.Ltmp128, $2  }
0x899: {  	_ =	sdelay $0x2  }
0x89a: {  	s26 =	simm.s32 $0xC7F0  }
.LBB2_135:
.Ltmp129:
0x89b: {  	(pc) =	sbr.rel .LBB2_137-.Ltmp129, $2  }
0x89c: {  	_ =	sdelay $0x2  }
0x89d: {  	s26 =	simm.s32 $0xC870  }
.LBB2_138:
0x89e: {  	_ =	sfence.sel $0x180000  }
0x89f: {  	[bflag:$0x0] =	sbarrier.arrive $0xFFFF  }
0x8a0: {  	p0 =	sne.s32 s1, $0x0;
	_ =	strace $0x90000047  }
0x8a1: {  	s0 =	sadd.s32 @!p0 $0x100000, s0;
	[bflag:$0x2] =	sbarrier.arrive $0xFFFF  }
0x8a2: {  	[sflag:s0] =	ssyncadd.tile.s32 @!p0 $0x1;
	_ =	shalt  }
.Lfunc_end2:
_tile_overlayer_lowered:
.L_overlay_start_2:
0x8a3: {  	(tag) =	ssettag $0x2  }
0x8a4: {  	s0 =	rddreg [dreg:$0x0];
	s2 =	stileid.u32  }
0x8a5: {  	s1 =	rddreg [dreg:$0x1];
	p0 =	sne.s32 s2, $0x0  }
0x8a6: {  	s3 =	rddreg [dreg:$0x2];
	[bflag:$0x3] =	sbarrier.arrive $0xFFFF;
	s2 =	simm.s32 @!p0 $0x1C05  }
0x8a7: {  	[timem:s3], [sflag:s2] =	dma.local @!p0 [hbm:s0], s1  }
0x8a8: {  	s0 =	simm.s32 @!p0 $0x5  }
0x8a9: {  	_ =	swait.ge @!p0 [sflag:s0], s1  }
0x8aa: {  	s1 =	ssub.s32 @!p0 $0x0, s1;
	[sflag:s0] =	ssyncset.done @!p0 $0x0  }
0x8ab: {  	[sflag:s0] =	ssyncadd.s32 @!p0 s1  }
0x8ac: {  	[bflag:$0x3] =	sbarrier.arrive $0xFFFF  }
0x8ad: {  	_ =	shalt  }

</sc_bundles>
